<compile_context>
chip_gen: v7x
topology: tpu7x:2x2x1
jax: 0.10.2.dev20260603
libtpu: 0.0.44.dev20260713+nightly
codegen_flags: <defaults>
</compile_context>

<pallas_src>
import functools

import jax
import jax.numpy as jnp
from jax import lax
from jax.experimental import pallas as pl
from jax.experimental.pallas import tpu as pltpu
from jax.experimental.pallas import tpu_sc as plsc

EPS = 1e-5

_NC = 2
_NS = 16
_NW = _NC * _NS

_PW = 128
_K = 5
_RPG = 4


@functools.cache
def _make_sc_gather(b, l, dim):
    rec_w = dim * _RPG
    assert b == _NW * _PW
    assert l % _K == 0

    mesh = plsc.VectorSubcoreMesh(core_axis_name="c", subcore_axis_name="s")

    @functools.partial(
        pl.kernel,
        mesh=mesh,
        compiler_params=pltpu.CompilerParams(needs_layout_passes=False),
        out_type=jax.ShapeDtypeStruct((l, dim, b), jnp.float32),
        scratch_types=[
            pltpu.VMEM((l, _PW), jnp.int32),
            pltpu.VMEM((_K * _PW, rec_w), jnp.float32),
            pltpu.VMEM((2, dim, _PW), jnp.float32),
            pltpu.SemaphoreType.DMA,
            pltpu.SemaphoreType.DMA,
        ],
    )
    def gather_kernel(idx_hbm, table_hbm, e_hbm, gidx_v, recs_v,
                      panel_v, sem, sem_p):
        wid = lax.axis_index("s") * _NC + lax.axis_index("c")
        b0 = wid * _PW
        pltpu.sync_copy(idx_hbm.at[:, pl.ds(b0, _PW)], gidx_v)
        lanes = lax.iota(jnp.int32, 16)

        def fire(i, slot):
            pltpu.async_copy(table_hbm.at[gidx_v.at[i]],
                             recs_v.at[pl.ds(slot * _PW, _PW)], sem)

        for j in range(_K):
            fire(j, j)

        def step(i, carry):
            slot = i % _K
            pltpu.make_async_copy(
                table_hbm.at[gidx_v.at[0]],
                recs_v.at[pl.ds(slot * _PW, _PW)], sem).wait()
            pslot = jnp.bitwise_and(i, 1)

            @pl.when(i >= 2)
            def _():
                pltpu.make_async_copy(
                    panel_v.at[pslot],
                    e_hbm.at[0, :, pl.ds(b0, _PW)], sem_p).wait()

            base_r = slot * _PW
            for g in range(_PW // 16):
                rows = base_r + g * 16 + lanes
                for c in range(dim):
                    vals = plsc.load_gather(
                        recs_v, [rows, jnp.full((16,), c, jnp.int32)])
                    panel_v[pslot, c, pl.ds(g * 16, 16)] = vals
            pltpu.async_copy(panel_v.at[pslot],
                             e_hbm.at[i, :, pl.ds(b0, _PW)], sem_p)

            @pl.when(i + _K < l)
            def _():
                fire(i + _K, slot)

            return carry

        lax.fori_loop(0, l, step, 0)
        for _ in range(2):
            pltpu.make_async_copy(panel_v.at[0],
                                  e_hbm.at[0, :, pl.ds(b0, _PW)],
                                  sem_p).wait()

    return gather_kernel


@functools.cache
def _make_tc_dist(b, l, dim):
    nb = 512

    def body(e_ref, out_ref):
        e = e_ref[...]
        s = e[0:1]
        o = e[1:]
        sq = jnp.sum((o - s) ** 2, axis=1)
        un = jnp.sum(s * s, axis=1)
        vn = jnp.sum(o * o, axis=1)
        alpha = jnp.clip(1.0 - un, EPS, 1.0)
        beta = jnp.clip(1.0 - vn, EPS, 1.0)
        x = 1.0 + 2.0 * sq / (alpha * beta)
        x = jnp.maximum(x, 1.0 + EPS)
        out_ref[...] = jnp.log(x + jnp.sqrt((x - 1.0) * (x + 1.0)))

    return pl.pallas_call(
        body,
        grid=(b // nb,),
        in_specs=[pl.BlockSpec((l, dim, nb), lambda i: (0, 0, i))],
        out_specs=pl.BlockSpec((l - 1, nb), lambda i: (0, i)),
        out_shape=jax.ShapeDtypeStruct((l - 1, b), jnp.float32),
    )


def kernel(inputs, table):
    b, l = inputs.shape
    n, dim = table.shape
    idx_t = jnp.transpose(inputs).astype(jnp.int32)
    table2 = jnp.pad(table, ((0, 0), (0, _RPG * dim - dim)))
    e_t = _make_sc_gather(b, l, dim)(idx_t, table2)
    dist_t = _make_tc_dist(b, l, dim)(e_t)
    e = jnp.transpose(e_t, (2, 0, 1))
    dist = jnp.transpose(dist_t)
    return dist, e

# --- scband reference (transcript-rebuilt; emitter-appended) ---
"""Pipeline reference for scband-model-58918361366766 (READ-ONLY COPY).

The authoritative reference and input builder live on the scoring server;
editing this copy changes nothing except your own understanding.
"""

import jax, jax.numpy as jnp
import numpy as np

N = 1000000
DIM = 32
B = 4096
L = 50
EPS = 1e-5


def poincare_distance(u, v):
    # Poincare ball distance, returns [..., 1] (keepdims) to mirror squeeze(-1) in forward
    sq = jnp.sum((u - v) ** 2, axis=-1, keepdims=True)
    un = jnp.sum(u ** 2, axis=-1, keepdims=True)
    vn = jnp.sum(v ** 2, axis=-1, keepdims=True)
    alpha = jnp.clip(1.0 - un, EPS, 1.0)
    beta = jnp.clip(1.0 - vn, EPS, 1.0)
    x = 1.0 + 2.0 * sq / (alpha * beta)
    x = jnp.clip(x, 1.0 + EPS, None)
    return jnp.arccosh(x)


def setup_inputs(seed: int = 0):
    key = jax.random.key(seed)
    k1, k2 = jax.random.split(key)
    inputs = jax.random.randint(k1, (B, L), 0, N)
    # Poincare-style init: small uniform so all points are well inside the unit ball
    table = (jax.random.uniform(k2, (N, DIM), dtype=jnp.float32) - 0.5) * 2e-3
    return {"inputs": inputs, "table": table}


def reference(inputs, table):
    e = jnp.take(table, inputs, axis=0)            # [B, L, DIM] embedding gather
    o = e[:, 1:, :]                                # narrow(1, 1, L-1)
    s = jnp.broadcast_to(e[:, 0:1, :], o.shape)    # narrow(1, 0, 1).expand_as(o)
    dist = poincare_distance(s, o)                 # [B, L-1, 1]
    return (jnp.squeeze(dist, -1), e)

if __name__ == "__main__":
    import jax
    _d = setup_inputs()
    print(jax.jit(kernel)(*tuple(_d.values())))

</pallas_src>

<mosaic_0001>
#map = affine_map<(d0, d1) -> (0, 0)>
#map1 = affine_map<(d0, d1) -> (0, 0, 0)>
module attributes {stable_mosaic.version = 14 : i64} {
  func.func @gather_kernel(%arg0: i32, %arg1: i32, %arg2: memref<50x4096xi32, #tpu.memory_space<hbm>>, %arg3: memref<1000000x128xf32, #tpu.memory_space<hbm>>, %arg4: memref<50x32x4096xf32, #tpu.memory_space<hbm>>, %arg5: memref<50x128xi32, #tpu.memory_space<vmem>>, %arg6: memref<640x128xf32, #tpu.memory_space<vmem>>, %arg7: memref<2x32x128xf32, #tpu.memory_space<vmem>>, %arg8: memref<!tpu.dma_semaphore, #tpu.memory_space<semaphore_mem>>, %arg9: memref<!tpu.dma_semaphore, #tpu.memory_space<semaphore_mem>>) attributes {dimension_semantics = [#tpu.dimension_semantics<core_parallel>, #tpu.dimension_semantics<subcore_parallel>], iteration_bounds = array<i64: 2, 16>, scalar_prefetch = 0 : i64, scratch_operands = 5 : i64, tpu.core_type = #tpu.core_type<sc_vector_subcore>, window_params = [{transform_indices = #map}, {transform_indices = #map}, {transform_indices = #map1}]} {
    %mul3A = arith.constant 2 : i32
    %mul3A_0 = arith.muli %arg1, %mul3A : i32
    %add3A = arith.addi %mul3A_0, %arg0 : i32
    %mul3A_1 = arith.constant 128 : i32
    %mul3A_2 = arith.muli %add3A, %mul3A_1 : i32
    "tpu.region"() ({
      %run_scoped3A = tpu.sem_alloc : memref<!tpu.dma_semaphore, #tpu.memory_space<semaphore_mem>>
      %dma_start3A_88 = arith.constant 0 : i32
      %dma_start3A_89 = tpu.memref_slice %arg2[%dma_start3A_88, %mul3A_2] : memref<50x4096xi32, #tpu.memory_space<hbm>> -> memref<50x128xi32, #tpu.memory_space<hbm>>
      %dma_start3A_90 = arith.constant 0 : i32
      %dma_start3A_91 = tpu.memref_slice %arg2[%dma_start3A_90, %mul3A_2] : memref<50x4096xi32, #tpu.memory_space<hbm>> -> memref<50x128xi32, #tpu.memory_space<hbm>>
      tpu.enqueue_dma source(%dma_start3A_91 : memref<50x128xi32, #tpu.memory_space<hbm>>) target(%arg5 : memref<50x128xi32, #tpu.memory_space<vmem>>) target_semaphore(%run_scoped3A : memref<!tpu.dma_semaphore, #tpu.memory_space<semaphore_mem>>)
      %dma_wait3A_92 = arith.constant 0 : i32
      %dma_wait3A_93 = tpu.memref_slice %arg2[%dma_wait3A_92, %mul3A_2] : memref<50x4096xi32, #tpu.memory_space<hbm>> -> memref<50x128xi32, #tpu.memory_space<hbm>>
      %dma_wait3A_94 = arith.constant 0 : i32
      %dma_wait3A_95 = tpu.memref_slice %arg2[%dma_wait3A_94, %mul3A_2] : memref<50x4096xi32, #tpu.memory_space<hbm>> -> memref<50x128xi32, #tpu.memory_space<hbm>>
      tpu.wait_dma2 semaphore(%run_scoped3A : memref<!tpu.dma_semaphore, #tpu.memory_space<semaphore_mem>>) src(%dma_wait3A_95 : memref<50x128xi32, #tpu.memory_space<hbm>>) dst(%arg5 : memref<50x128xi32, #tpu.memory_space<vmem>>)
      tpu.yield
    }) : () -> ()
    %iota3A = tpu.iota {dimensions = array<i32: 0>} : vector<16xi32>
    %dma_start3A = arith.constant 0 : i32
    %dma_start3A_3 = arith.constant 0 : i32
    %dma_start3A_4 = arith.constant 0 : i32
    %dma_start3A_5 = tpu.memref_slice %arg6[%dma_start3A_3, %dma_start3A_4] : memref<640x128xf32, #tpu.memory_space<vmem>> -> memref<128x128xf32, #tpu.memory_space<vmem>>
    %dma_start3A_6 = arith.constant 0 : i32
    %dma_start3A_7 = tpu.memref_slice %arg5[%dma_start3A, %dma_start3A_6] : memref<50x128xi32, #tpu.memory_space<vmem>> -> memref<1x128xi32, #tpu.memory_space<vmem>>
    %dma_start3A_8 = tpu.memref_squeeze %dma_start3A_7 : memref<1x128xi32, #tpu.memory_space<vmem>> -> memref<128xi32, #tpu.memory_space<vmem>>
    %dma_start3A_9 = arith.constant 0 : i32
    %dma_start3A_10 = arith.constant 0 : i32
    %dma_start3A_11 = tpu.memref_slice %arg3[%dma_start3A_9, %dma_start3A_10] : memref<1000000x128xf32, #tpu.memory_space<hbm>> -> memref<1000000x128xf32, #tpu.memory_space<hbm>>
    tpu.enqueue_indirect_dma source(%dma_start3A_11 : memref<1000000x128xf32, #tpu.memory_space<hbm>>) target(%dma_start3A_5 : memref<128x128xf32, #tpu.memory_space<vmem>>) offsets(%dma_start3A_8 : memref<128xi32, #tpu.memory_space<vmem>>) semaphore(%arg8 : memref<!tpu.dma_semaphore, #tpu.memory_space<semaphore_mem>>)
    %dma_start3A_12 = arith.constant 1 : i32
    %dma_start3A_13 = arith.constant 128 : i32
    %dma_start3A_14 = arith.constant 0 : i32
    %dma_start3A_15 = tpu.memref_slice %arg6[%dma_start3A_13, %dma_start3A_14] : memref<640x128xf32, #tpu.memory_space<vmem>> -> memref<128x128xf32, #tpu.memory_space<vmem>>
    %dma_start3A_16 = arith.constant 0 : i32
    %dma_start3A_17 = tpu.memref_slice %arg5[%dma_start3A_12, %dma_start3A_16] : memref<50x128xi32, #tpu.memory_space<vmem>> -> memref<1x128xi32, #tpu.memory_space<vmem>>
    %dma_start3A_18 = tpu.memref_squeeze %dma_start3A_17 : memref<1x128xi32, #tpu.memory_space<vmem>> -> memref<128xi32, #tpu.memory_space<vmem>>
    %dma_start3A_19 = arith.constant 0 : i32
    %dma_start3A_20 = arith.constant 0 : i32
    %dma_start3A_21 = tpu.memref_slice %arg3[%dma_start3A_19, %dma_start3A_20] : memref<1000000x128xf32, #tpu.memory_space<hbm>> -> memref<1000000x128xf32, #tpu.memory_space<hbm>>
    tpu.enqueue_indirect_dma source(%dma_start3A_21 : memref<1000000x128xf32, #tpu.memory_space<hbm>>) target(%dma_start3A_15 : memref<128x128xf32, #tpu.memory_space<vmem>>) offsets(%dma_start3A_18 : memref<128xi32, #tpu.memory_space<vmem>>) semaphore(%arg8 : memref<!tpu.dma_semaphore, #tpu.memory_space<semaphore_mem>>)
    %dma_start3A_22 = arith.constant 2 : i32
    %dma_start3A_23 = arith.constant 256 : i32
    %dma_start3A_24 = arith.constant 0 : i32
    %dma_start3A_25 = tpu.memref_slice %arg6[%dma_start3A_23, %dma_start3A_24] : memref<640x128xf32, #tpu.memory_space<vmem>> -> memref<128x128xf32, #tpu.memory_space<vmem>>
    %dma_start3A_26 = arith.constant 0 : i32
    %dma_start3A_27 = tpu.memref_slice %arg5[%dma_start3A_22, %dma_start3A_26] : memref<50x128xi32, #tpu.memory_space<vmem>> -> memref<1x128xi32, #tpu.memory_space<vmem>>
    %dma_start3A_28 = tpu.memref_squeeze %dma_start3A_27 : memref<1x128xi32, #tpu.memory_space<vmem>> -> memref<128xi32, #tpu.memory_space<vmem>>
    %dma_start3A_29 = arith.constant 0 : i32
    %dma_start3A_30 = arith.constant 0 : i32
    %dma_start3A_31 = tpu.memref_slice %arg3[%dma_start3A_29, %dma_start3A_30] : memref<1000000x128xf32, #tpu.memory_space<hbm>> -> memref<1000000x128xf32, #tpu.memory_space<hbm>>
    tpu.enqueue_indirect_dma source(%dma_start3A_31 : memref<1000000x128xf32, #tpu.memory_space<hbm>>) target(%dma_start3A_25 : memref<128x128xf32, #tpu.memory_space<vmem>>) offsets(%dma_start3A_28 : memref<128xi32, #tpu.memory_space<vmem>>) semaphore(%arg8 : memref<!tpu.dma_semaphore, #tpu.memory_space<semaphore_mem>>)
    %dma_start3A_32 = arith.constant 3 : i32
    %dma_start3A_33 = arith.constant 384 : i32
    %dma_start3A_34 = arith.constant 0 : i32
    %dma_start3A_35 = tpu.memref_slice %arg6[%dma_start3A_33, %dma_start3A_34] : memref<640x128xf32, #tpu.memory_space<vmem>> -> memref<128x128xf32, #tpu.memory_space<vmem>>
    %dma_start3A_36 = arith.constant 0 : i32
    %dma_start3A_37 = tpu.memref_slice %arg5[%dma_start3A_32, %dma_start3A_36] : memref<50x128xi32, #tpu.memory_space<vmem>> -> memref<1x128xi32, #tpu.memory_space<vmem>>
    %dma_start3A_38 = tpu.memref_squeeze %dma_start3A_37 : memref<1x128xi32, #tpu.memory_space<vmem>> -> memref<128xi32, #tpu.memory_space<vmem>>
    %dma_start3A_39 = arith.constant 0 : i32
    %dma_start3A_40 = arith.constant 0 : i32
    %dma_start3A_41 = tpu.memref_slice %arg3[%dma_start3A_39, %dma_start3A_40] : memref<1000000x128xf32, #tpu.memory_space<hbm>> -> memref<1000000x128xf32, #tpu.memory_space<hbm>>
    tpu.enqueue_indirect_dma source(%dma_start3A_41 : memref<1000000x128xf32, #tpu.memory_space<hbm>>) target(%dma_start3A_35 : memref<128x128xf32, #tpu.memory_space<vmem>>) offsets(%dma_start3A_38 : memref<128xi32, #tpu.memory_space<vmem>>) semaphore(%arg8 : memref<!tpu.dma_semaphore, #tpu.memory_space<semaphore_mem>>)
    %dma_start3A_42 = arith.constant 4 : i32
    %dma_start3A_43 = arith.constant 512 : i32
    %dma_start3A_44 = arith.constant 0 : i32
    %dma_start3A_45 = tpu.memref_slice %arg6[%dma_start3A_43, %dma_start3A_44] : memref<640x128xf32, #tpu.memory_space<vmem>> -> memref<128x128xf32, #tpu.memory_space<vmem>>
    %dma_start3A_46 = arith.constant 0 : i32
    %dma_start3A_47 = tpu.memref_slice %arg5[%dma_start3A_42, %dma_start3A_46] : memref<50x128xi32, #tpu.memory_space<vmem>> -> memref<1x128xi32, #tpu.memory_space<vmem>>
    %dma_start3A_48 = tpu.memref_squeeze %dma_start3A_47 : memref<1x128xi32, #tpu.memory_space<vmem>> -> memref<128xi32, #tpu.memory_space<vmem>>
    %dma_start3A_49 = arith.constant 0 : i32
    %dma_start3A_50 = arith.constant 0 : i32
    %dma_start3A_51 = tpu.memref_slice %arg3[%dma_start3A_49, %dma_start3A_50] : memref<1000000x128xf32, #tpu.memory_space<hbm>> -> memref<1000000x128xf32, #tpu.memory_space<hbm>>
    tpu.enqueue_indirect_dma source(%dma_start3A_51 : memref<1000000x128xf32, #tpu.memory_space<hbm>>) target(%dma_start3A_45 : memref<128x128xf32, #tpu.memory_space<vmem>>) offsets(%dma_start3A_48 : memref<128xi32, #tpu.memory_space<vmem>>) semaphore(%arg8 : memref<!tpu.dma_semaphore, #tpu.memory_space<semaphore_mem>>)
    %scan3A = arith.constant 0 : i32
    %scan3A_52 = arith.constant 0 : i32
    %scan3A_53 = arith.constant 50 : i32
    %scan3A_54 = arith.addi %scan3A_52, %scan3A_53 : i32
    %scan3A_55 = arith.constant 1 : i32
    scf.for %scan3A_88 = %scan3A_52 to %scan3A_54 step %scan3A_55  : i32 {
      %jit3A = arith.constant 5 : i32
      %eq3A = arith.constant 0 : i32
      %eq3A_89 = arith.cmpi eq, %jit3A, %eq3A : i32
      %jit3A_90 = arith.constant 1 : i32
      %select_n3A = arith.select %eq3A_89, %jit3A_90, %jit3A : i32
      %rem3A = arith.remsi %scan3A_88, %select_n3A : i32
      %ne3A = arith.constant 0 : i32
      %ne3A_91 = arith.cmpi ne, %rem3A, %ne3A : i32
      %lt3A = arith.constant 0 : i32
      %lt3A_92 = arith.cmpi slt, %rem3A, %lt3A : i32
      %lt3A_93 = arith.constant 0 : i32
      %lt3A_94 = arith.cmpi slt, %select_n3A, %lt3A_93 : i32
      %ne3A_95 = arith.xori %lt3A_92, %lt3A_94 : i1
      %and3A = arith.andi %ne3A_95, %ne3A_91 : i1
      %add3A_96 = arith.addi %rem3A, %select_n3A : i32
      %select_n3A_97 = arith.select %and3A, %add3A_96, %rem3A : i32
      %mul3A_98 = arith.constant 128 : i32
      %mul3A_99 = arith.muli %select_n3A_97, %mul3A_98 : i32
      %dma_wait3A_100 = arith.constant 0 : i32
      %dma_wait3A_101 = arith.constant 0 : i32
      %dma_wait3A_102 = tpu.memref_slice %arg6[%mul3A_99, %dma_wait3A_101] : memref<640x128xf32, #tpu.memory_space<vmem>> -> memref<128x128xf32, #tpu.memory_space<vmem>>
      %dma_wait3A_103 = arith.constant 0 : i32
      %dma_wait3A_104 = tpu.memref_slice %arg5[%dma_wait3A_100, %dma_wait3A_103] : memref<50x128xi32, #tpu.memory_space<vmem>> -> memref<1x128xi32, #tpu.memory_space<vmem>>
      %dma_wait3A_105 = tpu.memref_squeeze %dma_wait3A_104 : memref<1x128xi32, #tpu.memory_space<vmem>> -> memref<128xi32, #tpu.memory_space<vmem>>
      %dma_wait3A_106 = arith.constant 0 : i32
      %dma_wait3A_107 = arith.constant 0 : i32
      %dma_wait3A_108 = tpu.memref_slice %arg3[%dma_wait3A_106, %dma_wait3A_107] : memref<1000000x128xf32, #tpu.memory_space<hbm>> -> memref<1000000x128xf32, #tpu.memory_space<hbm>>
      tpu.wait_indirect_dma semaphore(%arg8 : memref<!tpu.dma_semaphore, #tpu.memory_space<semaphore_mem>>) src(%dma_wait3A_108 : memref<1000000x128xf32, #tpu.memory_space<hbm>>) dst(%dma_wait3A_102 : memref<128x128xf32, #tpu.memory_space<vmem>>)
      %and3A_109 = arith.constant 1 : i32
      %and3A_110 = arith.andi %scan3A_88, %and3A_109 : i32
      %ge3A = arith.constant 2 : i32
      %ge3A_111 = arith.cmpi sge, %scan3A_88, %ge3A : i32
      %convert_element_type3A = arith.extui %ge3A_111 : i1 to i32
      %cond3A = arith.constant 0 : i32
      %cond3A_112 = arith.cmpi ne, %convert_element_type3A, %cond3A : i32
      scf.if %cond3A_112 {
        %dma_wait3A_2213 = arith.constant 0 : i32
        %dma_wait3A_2214 = arith.constant 0 : i32
        %dma_wait3A_2215 = arith.constant 0 : i32
        %dma_wait3A_2216 = tpu.memref_slice %arg7[%and3A_110, %dma_wait3A_2214, %dma_wait3A_2215] : memref<2x32x128xf32, #tpu.memory_space<vmem>> -> memref<1x32x128xf32, #tpu.memory_space<vmem>>
        %dma_wait3A_2217 = tpu.memref_squeeze %dma_wait3A_2216 : memref<1x32x128xf32, #tpu.memory_space<vmem>> -> memref<32x128xf32, #tpu.memory_space<vmem>>
        %dma_wait3A_2218 = arith.constant 0 : i32
        %dma_wait3A_2219 = tpu.memref_slice %arg4[%dma_wait3A_2213, %dma_wait3A_2218, %mul3A_2] : memref<50x32x4096xf32, #tpu.memory_space<hbm>> -> memref<1x32x128xf32, #tpu.memory_space<hbm>>
        %dma_wait3A_2220 = tpu.memref_squeeze %dma_wait3A_2219 : memref<1x32x128xf32, #tpu.memory_space<hbm>> -> memref<32x128xf32, #tpu.memory_space<hbm>>
        %dma_wait3A_2221 = arith.constant 0 : i32
        %dma_wait3A_2222 = tpu.memref_slice %arg4[%dma_wait3A_2213, %dma_wait3A_2221, %mul3A_2] : memref<50x32x4096xf32, #tpu.memory_space<hbm>> -> memref<1x32x128xf32, #tpu.memory_space<hbm>>
        %dma_wait3A_2223 = tpu.memref_squeeze %dma_wait3A_2222 : memref<1x32x128xf32, #tpu.memory_space<hbm>> -> memref<32x128xf32, #tpu.memory_space<hbm>>
        %dma_wait3A_2224 = arith.constant 0 : i32
        %dma_wait3A_2225 = arith.constant 0 : i32
        %dma_wait3A_2226 = tpu.memref_slice %arg7[%and3A_110, %dma_wait3A_2224, %dma_wait3A_2225] : memref<2x32x128xf32, #tpu.memory_space<vmem>> -> memref<1x32x128xf32, #tpu.memory_space<vmem>>
        %dma_wait3A_2227 = tpu.memref_squeeze %dma_wait3A_2226 : memref<1x32x128xf32, #tpu.memory_space<vmem>> -> memref<32x128xf32, #tpu.memory_space<vmem>>
        tpu.wait_dma2 semaphore(%arg9 : memref<!tpu.dma_semaphore, #tpu.memory_space<semaphore_mem>>) src(%dma_wait3A_2227 : memref<32x128xf32, #tpu.memory_space<vmem>>) dst(%dma_wait3A_2223 : memref<32x128xf32, #tpu.memory_space<hbm>>)
      } else {
      }
      %mul3A_113 = arith.constant 128 : i32
      %mul3A_114 = arith.muli %select_n3A_97, %mul3A_113 : i32
      %add3A_115 = arith.constant 0 : i32
      %add3A_116 = arith.addi %mul3A_114, %add3A_115 : i32
      %add3A_117 = vector.broadcast %add3A_116 : i32 to vector<16xi32>
      %add3A_118 = arith.addi %add3A_117, %iota3A : vector<16xi32>
      %broadcast_in_dim3A = arith.constant 0 : i32
      %broadcast_in_dim3A_119 = vector.broadcast %broadcast_in_dim3A : i32 to vector<16xi32>
      %gather3A = tpu.vector_load_idx %arg6[%add3A_118, %broadcast_in_dim3A_119] : memref<640x128xf32, #tpu.memory_space<vmem>>[vector<16xi32>, vector<16xi32>], vector<16xf32>,
      %swap3A = arith.constant 0 : i32
      %swap3A_120 = arith.index_cast %and3A_110 : i32 to index
      %swap3A_121 = arith.index_cast %swap3A : i32 to index
      %swap3A_122 = arith.constant 0 : index
      %swap3A_123 = tpu.vector_load %arg7[%swap3A_120, %swap3A_121, %swap3A_122] {strides = array<i32>} : memref<2x32x128xf32, #tpu.memory_space<vmem>>, vector<16xf32>,
      tpu.vector_store %arg7[%swap3A_120, %swap3A_121, %swap3A_122], %gather3A {strides = array<i32>} : memref<2x32x128xf32, #tpu.memory_space<vmem>>, vector<16xf32>,
      %broadcast_in_dim3A_124 = arith.constant 1 : i32
      %broadcast_in_dim3A_125 = vector.broadcast %broadcast_in_dim3A_124 : i32 to vector<16xi32>
      %gather3A_126 = tpu.vector_load_idx %arg6[%add3A_118, %broadcast_in_dim3A_125] : memref<640x128xf32, #tpu.memory_space<vmem>>[vector<16xi32>, vector<16xi32>], vector<16xf32>,
      %swap3A_127 = arith.constant 1 : i32
      %swap3A_128 = arith.index_cast %and3A_110 : i32 to index
      %swap3A_129 = arith.index_cast %swap3A_127 : i32 to index
      %swap3A_130 = arith.constant 0 : index
      %swap3A_131 = tpu.vector_load %arg7[%swap3A_128, %swap3A_129, %swap3A_130] {strides = array<i32>} : memref<2x32x128xf32, #tpu.memory_space<vmem>>, vector<16xf32>,
      tpu.vector_store %arg7[%swap3A_128, %swap3A_129, %swap3A_130], %gather3A_126 {strides = array<i32>} : memref<2x32x128xf32, #tpu.memory_space<vmem>>, vector<16xf32>,
      %broadcast_in_dim3A_132 = arith.constant 2 : i32
      %broadcast_in_dim3A_133 = vector.broadcast %broadcast_in_dim3A_132 : i32 to vector<16xi32>
      %gather3A_134 = tpu.vector_load_idx %arg6[%add3A_118, %broadcast_in_dim3A_133] : memref<640x128xf32, #tpu.memory_space<vmem>>[vector<16xi32>, vector<16xi32>], vector<16xf32>,
      %swap3A_135 = arith.constant 2 : i32
      %swap3A_136 = arith.index_cast %and3A_110 : i32 to index
      %swap3A_137 = arith.index_cast %swap3A_135 : i32 to index
      %swap3A_138 = arith.constant 0 : index
      %swap3A_139 = tpu.vector_load %arg7[%swap3A_136, %swap3A_137, %swap3A_138] {strides = array<i32>} : memref<2x32x128xf32, #tpu.memory_space<vmem>>, vector<16xf32>,
      tpu.vector_store %arg7[%swap3A_136, %swap3A_137, %swap3A_138], %gather3A_134 {strides = array<i32>} : memref<2x32x128xf32, #tpu.memory_space<vmem>>, vector<16xf32>,
      %broadcast_in_dim3A_140 = arith.constant 3 : i32
      %broadcast_in_dim3A_141 = vector.broadcast %broadcast_in_dim3A_140 : i32 to vector<16xi32>
      %gather3A_142 = tpu.vector_load_idx %arg6[%add3A_118, %broadcast_in_dim3A_141] : memref<640x128xf32, #tpu.memory_space<vmem>>[vector<16xi32>, vector<16xi32>], vector<16xf32>,
      %swap3A_143 = arith.constant 3 : i32
      %swap3A_144 = arith.index_cast %and3A_110 : i32 to index
      %swap3A_145 = arith.index_cast %swap3A_143 : i32 to index
      %swap3A_146 = arith.constant 0 : index
      %swap3A_147 = tpu.vector_load %arg7[%swap3A_144, %swap3A_145, %swap3A_146] {strides = array<i32>} : memref<2x32x128xf32, #tpu.memory_space<vmem>>, vector<16xf32>,
      tpu.vector_store %arg7[%swap3A_144, %swap3A_145, %swap3A_146], %gather3A_142 {strides = array<i32>} : memref<2x32x128xf32, #tpu.memory_space<vmem>>, vector<16xf32>,
      %broadcast_in_dim3A_148 = arith.constant 4 : i32
      %broadcast_in_dim3A_149 = vector.broadcast %broadcast_in_dim3A_148 : i32 to vector<16xi32>
      %gather3A_150 = tpu.vector_load_idx %arg6[%add3A_118, %broadcast_in_dim3A_149] : memref<640x128xf32, #tpu.memory_space<vmem>>[vector<16xi32>, vector<16xi32>], vector<16xf32>,
      %swap3A_151 = arith.constant 4 : i32
      %swap3A_152 = arith.index_cast %and3A_110 : i32 to index
      %swap3A_153 = arith.index_cast %swap3A_151 : i32 to index
      %swap3A_154 = arith.constant 0 : index
      %swap3A_155 = tpu.vector_load %arg7[%swap3A_152, %swap3A_153, %swap3A_154] {strides = array<i32>} : memref<2x32x128xf32, #tpu.memory_space<vmem>>, vector<16xf32>,
      tpu.vector_store %arg7[%swap3A_152, %swap3A_153, %swap3A_154], %gather3A_150 {strides = array<i32>} : memref<2x32x128xf32, #tpu.memory_space<vmem>>, vector<16xf32>,
      %broadcast_in_dim3A_156 = arith.constant 5 : i32
      %broadcast_in_dim3A_157 = vector.broadcast %broadcast_in_dim3A_156 : i32 to vector<16xi32>
      %gather3A_158 = tpu.vector_load_idx %arg6[%add3A_118, %broadcast_in_dim3A_157] : memref<640x128xf32, #tpu.memory_space<vmem>>[vector<16xi32>, vector<16xi32>], vector<16xf32>,
      %swap3A_159 = arith.constant 5 : i32
      %swap3A_160 = arith.index_cast %and3A_110 : i32 to index
      %swap3A_161 = arith.index_cast %swap3A_159 : i32 to index
      %swap3A_162 = arith.constant 0 : index
      %swap3A_163 = tpu.vector_load %arg7[%swap3A_160, %swap3A_161, %swap3A_162] {strides = array<i32>} : memref<2x32x128xf32, #tpu.memory_space<vmem>>, vector<16xf32>,
      tpu.vector_store %arg7[%swap3A_160, %swap3A_161, %swap3A_162], %gather3A_158 {strides = array<i32>} : memref<2x32x128xf32, #tpu.memory_space<vmem>>, vector<16xf32>,
      %broadcast_in_dim3A_164 = arith.constant 6 : i32
      %broadcast_in_dim3A_165 = vector.broadcast %broadcast_in_dim3A_164 : i32 to vector<16xi32>
      %gather3A_166 = tpu.vector_load_idx %arg6[%add3A_118, %broadcast_in_dim3A_165] : memref<640x128xf32, #tpu.memory_space<vmem>>[vector<16xi32>, vector<16xi32>], vector<16xf32>,
      %swap3A_167 = arith.constant 6 : i32
      %swap3A_168 = arith.index_cast %and3A_110 : i32 to index
      %swap3A_169 = arith.index_cast %swap3A_167 : i32 to index
      %swap3A_170 = arith.constant 0 : index
      %swap3A_171 = tpu.vector_load %arg7[%swap3A_168, %swap3A_169, %swap3A_170] {strides = array<i32>} : memref<2x32x128xf32, #tpu.memory_space<vmem>>, vector<16xf32>,
      tpu.vector_store %arg7[%swap3A_168, %swap3A_169, %swap3A_170], %gather3A_166 {strides = array<i32>} : memref<2x32x128xf32, #tpu.memory_space<vmem>>, vector<16xf32>,
      %broadcast_in_dim3A_172 = arith.constant 7 : i32
      %broadcast_in_dim3A_173 = vector.broadcast %broadcast_in_dim3A_172 : i32 to vector<16xi32>
      %gather3A_174 = tpu.vector_load_idx %arg6[%add3A_118, %broadcast_in_dim3A_173] : memref<640x128xf32, #tpu.memory_space<vmem>>[vector<16xi32>, vector<16xi32>], vector<16xf32>,
      %swap3A_175 = arith.constant 7 : i32
      %swap3A_176 = arith.index_cast %and3A_110 : i32 to index
      %swap3A_177 = arith.index_cast %swap3A_175 : i32 to index
      %swap3A_178 = arith.constant 0 : index
      %swap3A_179 = tpu.vector_load %arg7[%swap3A_176, %swap3A_177, %swap3A_178] {strides = array<i32>} : memref<2x32x128xf32, #tpu.memory_space<vmem>>, vector<16xf32>,
      tpu.vector_store %arg7[%swap3A_176, %swap3A_177, %swap3A_178], %gather3A_174 {strides = array<i32>} : memref<2x32x128xf32, #tpu.memory_space<vmem>>, vector<16xf32>,
      %broadcast_in_dim3A_180 = arith.constant 8 : i32
      %broadcast_in_dim3A_181 = vector.broadcast %broadcast_in_dim3A_180 : i32 to vector<16xi32>
      %gather3A_182 = tpu.vector_load_idx %arg6[%add3A_118, %broadcast_in_dim3A_181] : memref<640x128xf32, #tpu.memory_space<vmem>>[vector<16xi32>, vector<16xi32>], vector<16xf32>,
      %swap3A_183 = arith.constant 8 : i32
      %swap3A_184 = arith.index_cast %and3A_110 : i32 to index
      %swap3A_185 = arith.index_cast %swap3A_183 : i32 to index
      %swap3A_186 = arith.constant 0 : index
      %swap3A_187 = tpu.vector_load %arg7[%swap3A_184, %swap3A_185, %swap3A_186] {strides = array<i32>} : memref<2x32x128xf32, #tpu.memory_space<vmem>>, vector<16xf32>,
      tpu.vector_store %arg7[%swap3A_184, %swap3A_185, %swap3A_186], %gather3A_182 {strides = array<i32>} : memref<2x32x128xf32, #tpu.memory_space<vmem>>, vector<16xf32>,
      %broadcast_in_dim3A_188 = arith.constant 9 : i32
      %broadcast_in_dim3A_189 = vector.broadcast %broadcast_in_dim3A_188 : i32 to vector<16xi32>
      %gather3A_190 = tpu.vector_load_idx %arg6[%add3A_118, %broadcast_in_dim3A_189] : memref<640x128xf32, #tpu.memory_space<vmem>>[vector<16xi32>, vector<16xi32>], vector<16xf32>,
      %swap3A_191 = arith.constant 9 : i32
      %swap3A_192 = arith.index_cast %and3A_110 : i32 to index
      %swap3A_193 = arith.index_cast %swap3A_191 : i32 to index
      %swap3A_194 = arith.constant 0 : index
      %swap3A_195 = tpu.vector_load %arg7[%swap3A_192, %swap3A_193, %swap3A_194] {strides = array<i32>} : memref<2x32x128xf32, #tpu.memory_space<vmem>>, vector<16xf32>,
      tpu.vector_store %arg7[%swap3A_192, %swap3A_193, %swap3A_194], %gather3A_190 {strides = array<i32>} : memref<2x32x128xf32, #tpu.memory_space<vmem>>, vector<16xf32>,
      %broadcast_in_dim3A_196 = arith.constant 10 : i32
      %broadcast_in_dim3A_197 = vector.broadcast %broadcast_in_dim3A_196 : i32 to vector<16xi32>
      %gather3A_198 = tpu.vector_load_idx %arg6[%add3A_118, %broadcast_in_dim3A_197] : memref<640x128xf32, #tpu.memory_space<vmem>>[vector<16xi32>, vector<16xi32>], vector<16xf32>,
      %swap3A_199 = arith.constant 10 : i32
      %swap3A_200 = arith.index_cast %and3A_110 : i32 to index
      %swap3A_201 = arith.index_cast %swap3A_199 : i32 to index
      %swap3A_202 = arith.constant 0 : index
      %swap3A_203 = tpu.vector_load %arg7[%swap3A_200, %swap3A_201, %swap3A_202] {strides = array<i32>} : memref<2x32x128xf32, #tpu.memory_space<vmem>>, vector<16xf32>,
      tpu.vector_store %arg7[%swap3A_200, %swap3A_201, %swap3A_202], %gather3A_198 {strides = array<i32>} : memref<2x32x128xf32, #tpu.memory_space<vmem>>, vector<16xf32>,
      %broadcast_in_dim3A_204 = arith.constant 11 : i32
      %broadcast_in_dim3A_205 = vector.broadcast %broadcast_in_dim3A_204 : i32 to vector<16xi32>
      %gather3A_206 = tpu.vector_load_idx %arg6[%add3A_118, %broadcast_in_dim3A_205] : memref<640x128xf32, #tpu.memory_space<vmem>>[vector<16xi32>, vector<16xi32>], vector<16xf32>,
      %swap3A_207 = arith.constant 11 : i32
      %swap3A_208 = arith.index_cast %and3A_110 : i32 to index
      %swap3A_209 = arith.index_cast %swap3A_207 : i32 to index
      %swap3A_210 = arith.constant 0 : index
      %swap3A_211 = tpu.vector_load %arg7[%swap3A_208, %swap3A_209, %swap3A_210] {strides = array<i32>} : memref<2x32x128xf32, #tpu.memory_space<vmem>>, vector<16xf32>,
      tpu.vector_store %arg7[%swap3A_208, %swap3A_209, %swap3A_210], %gather3A_206 {strides = array<i32>} : memref<2x32x128xf32, #tpu.memory_space<vmem>>, vector<16xf32>,
      %broadcast_in_dim3A_212 = arith.constant 12 : i32
      %broadcast_in_dim3A_213 = vector.broadcast %broadcast_in_dim3A_212 : i32 to vector<16xi32>
      %gather3A_214 = tpu.vector_load_idx %arg6[%add3A_118, %broadcast_in_dim3A_213] : memref<640x128xf32, #tpu.memory_space<vmem>>[vector<16xi32>, vector<16xi32>], vector<16xf32>,
      %swap3A_215 = arith.constant 12 : i32
      %swap3A_216 = arith.index_cast %and3A_110 : i32 to index
      %swap3A_217 = arith.index_cast %swap3A_215 : i32 to index
      %swap3A_218 = arith.constant 0 : index
      %swap3A_219 = tpu.vector_load %arg7[%swap3A_216, %swap3A_217, %swap3A_218] {strides = array<i32>} : memref<2x32x128xf32, #tpu.memory_space<vmem>>, vector<16xf32>,
      tpu.vector_store %arg7[%swap3A_216, %swap3A_217, %swap3A_218], %gather3A_214 {strides = array<i32>} : memref<2x32x128xf32, #tpu.memory_space<vmem>>, vector<16xf32>,
      %broadcast_in_dim3A_220 = arith.constant 13 : i32
      %broadcast_in_dim3A_221 = vector.broadcast %broadcast_in_dim3A_220 : i32 to vector<16xi32>
      %gather3A_222 = tpu.vector_load_idx %arg6[%add3A_118, %broadcast_in_dim3A_221] : memref<640x128xf32, #tpu.memory_space<vmem>>[vector<16xi32>, vector<16xi32>], vector<16xf32>,
      %swap3A_223 = arith.constant 13 : i32
      %swap3A_224 = arith.index_cast %and3A_110 : i32 to index
      %swap3A_225 = arith.index_cast %swap3A_223 : i32 to index
      %swap3A_226 = arith.constant 0 : index
      %swap3A_227 = tpu.vector_load %arg7[%swap3A_224, %swap3A_225, %swap3A_226] {strides = array<i32>} : memref<2x32x128xf32, #tpu.memory_space<vmem>>, vector<16xf32>,
      tpu.vector_store %arg7[%swap3A_224, %swap3A_225, %swap3A_226], %gather3A_222 {strides = array<i32>} : memref<2x32x128xf32, #tpu.memory_space<vmem>>, vector<16xf32>,
      %broadcast_in_dim3A_228 = arith.constant 14 : i32
      %broadcast_in_dim3A_229 = vector.broadcast %broadcast_in_dim3A_228 : i32 to vector<16xi32>
      %gather3A_230 = tpu.vector_load_idx %arg6[%add3A_118, %broadcast_in_dim3A_229] : memref<640x128xf32, #tpu.memory_space<vmem>>[vector<16xi32>, vector<16xi32>], vector<16xf32>,
      %swap3A_231 = arith.constant 14 : i32
      %swap3A_232 = arith.index_cast %and3A_110 : i32 to index
      %swap3A_233 = arith.index_cast %swap3A_231 : i32 to index
      %swap3A_234 = arith.constant 0 : index
      %swap3A_235 = tpu.vector_load %arg7[%swap3A_232, %swap3A_233, %swap3A_234] {strides = array<i32>} : memref<2x32x128xf32, #tpu.memory_space<vmem>>, vector<16xf32>,
      tpu.vector_store %arg7[%swap3A_232, %swap3A_233, %swap3A_234], %gather3A_230 {strides = array<i32>} : memref<2x32x128xf32, #tpu.memory_space<vmem>>, vector<16xf32>,
      %broadcast_in_dim3A_236 = arith.constant 15 : i32
      %broadcast_in_dim3A_237 = vector.broadcast %broadcast_in_dim3A_236 : i32 to vector<16xi32>
      %gather3A_238 = tpu.vector_load_idx %arg6[%add3A_118, %broadcast_in_dim3A_237] : memref<640x128xf32, #tpu.memory_space<vmem>>[vector<16xi32>, vector<16xi32>], vector<16xf32>,
      %swap3A_239 = arith.constant 15 : i32
      %swap3A_240 = arith.index_cast %and3A_110 : i32 to index
      %swap3A_241 = arith.index_cast %swap3A_239 : i32 to index
      %swap3A_242 = arith.constant 0 : index
      %swap3A_243 = tpu.vector_load %arg7[%swap3A_240, %swap3A_241, %swap3A_242] {strides = array<i32>} : memref<2x32x128xf32, #tpu.memory_space<vmem>>, vector<16xf32>,
      tpu.vector_store %arg7[%swap3A_240, %swap3A_241, %swap3A_242], %gather3A_238 {strides = array<i32>} : memref<2x32x128xf32, #tpu.memory_space<vmem>>, vector<16xf32>,
      %broadcast_in_dim3A_244 = arith.constant 16 : i32
      %broadcast_in_dim3A_245 = vector.broadcast %broadcast_in_dim3A_244 : i32 to vector<16xi32>
      %gather3A_246 = tpu.vector_load_idx %arg6[%add3A_118, %broadcast_in_dim3A_245] : memref<640x128xf32, #tpu.memory_space<vmem>>[vector<16xi32>, vector<16xi32>], vector<16xf32>,
      %swap3A_247 = arith.constant 16 : i32
      %swap3A_248 = arith.index_cast %and3A_110 : i32 to index
      %swap3A_249 = arith.index_cast %swap3A_247 : i32 to index
      %swap3A_250 = arith.constant 0 : index
      %swap3A_251 = tpu.vector_load %arg7[%swap3A_248, %swap3A_249, %swap3A_250] {strides = array<i32>} : memref<2x32x128xf32, #tpu.memory_space<vmem>>, vector<16xf32>,
      tpu.vector_store %arg7[%swap3A_248, %swap3A_249, %swap3A_250], %gather3A_246 {strides = array<i32>} : memref<2x32x128xf32, #tpu.memory_space<vmem>>, vector<16xf32>,
      %broadcast_in_dim3A_252 = arith.constant 17 : i32
      %broadcast_in_dim3A_253 = vector.broadcast %broadcast_in_dim3A_252 : i32 to vector<16xi32>
      %gather3A_254 = tpu.vector_load_idx %arg6[%add3A_118, %broadcast_in_dim3A_253] : memref<640x128xf32, #tpu.memory_space<vmem>>[vector<16xi32>, vector<16xi32>], vector<16xf32>,
      %swap3A_255 = arith.constant 17 : i32
      %swap3A_256 = arith.index_cast %and3A_110 : i32 to index
      %swap3A_257 = arith.index_cast %swap3A_255 : i32 to index
      %swap3A_258 = arith.constant 0 : index
      %swap3A_259 = tpu.vector_load %arg7[%swap3A_256, %swap3A_257, %swap3A_258] {strides = array<i32>} : memref<2x32x128xf32, #tpu.memory_space<vmem>>, vector<16xf32>,
      tpu.vector_store %arg7[%swap3A_256, %swap3A_257, %swap3A_258], %gather3A_254 {strides = array<i32>} : memref<2x32x128xf32, #tpu.memory_space<vmem>>, vector<16xf32>,
      %broadcast_in_dim3A_260 = arith.constant 18 : i32
      %broadcast_in_dim3A_261 = vector.broadcast %broadcast_in_dim3A_260 : i32 to vector<16xi32>
      %gather3A_262 = tpu.vector_load_idx %arg6[%add3A_118, %broadcast_in_dim3A_261] : memref<640x128xf32, #tpu.memory_space<vmem>>[vector<16xi32>, vector<16xi32>], vector<16xf32>,
      %swap3A_263 = arith.constant 18 : i32
      %swap3A_264 = arith.index_cast %and3A_110 : i32 to index
      %swap3A_265 = arith.index_cast %swap3A_263 : i32 to index
      %swap3A_266 = arith.constant 0 : index
      %swap3A_267 = tpu.vector_load %arg7[%swap3A_264, %swap3A_265, %swap3A_266] {strides = array<i32>} : memref<2x32x128xf32, #tpu.memory_space<vmem>>, vector<16xf32>,
      tpu.vector_store %arg7[%swap3A_264, %swap3A_265, %swap3A_266], %gather3A_262 {strides = array<i32>} : memref<2x32x128xf32, #tpu.memory_space<vmem>>, vector<16xf32>,
      %broadcast_in_dim3A_268 = arith.constant 19 : i32
      %broadcast_in_dim3A_269 = vector.broadcast %broadcast_in_dim3A_268 : i32 to vector<16xi32>
      %gather3A_270 = tpu.vector_load_idx %arg6[%add3A_118, %broadcast_in_dim3A_269] : memref<640x128xf32, #tpu.memory_space<vmem>>[vector<16xi32>, vector<16xi32>], vector<16xf32>,
      %swap3A_271 = arith.constant 19 : i32
      %swap3A_272 = arith.index_cast %and3A_110 : i32 to index
      %swap3A_273 = arith.index_cast %swap3A_271 : i32 to index
      %swap3A_274 = arith.constant 0 : index
      %swap3A_275 = tpu.vector_load %arg7[%swap3A_272, %swap3A_273, %swap3A_274] {strides = array<i32>} : memref<2x32x128xf32, #tpu.memory_space<vmem>>, vector<16xf32>,
      tpu.vector_store %arg7[%swap3A_272, %swap3A_273, %swap3A_274], %gather3A_270 {strides = array<i32>} : memref<2x32x128xf32, #tpu.memory_space<vmem>>, vector<16xf32>,
      %broadcast_in_dim3A_276 = arith.constant 20 : i32
      %broadcast_in_dim3A_277 = vector.broadcast %broadcast_in_dim3A_276 : i32 to vector<16xi32>
      %gather3A_278 = tpu.vector_load_idx %arg6[%add3A_118, %broadcast_in_dim3A_277] : memref<640x128xf32, #tpu.memory_space<vmem>>[vector<16xi32>, vector<16xi32>], vector<16xf32>,
      %swap3A_279 = arith.constant 20 : i32
      %swap3A_280 = arith.index_cast %and3A_110 : i32 to index
      %swap3A_281 = arith.index_cast %swap3A_279 : i32 to index
      %swap3A_282 = arith.constant 0 : index
      %swap3A_283 = tpu.vector_load %arg7[%swap3A_280, %swap3A_281, %swap3A_282] {strides = array<i32>} : memref<2x32x128xf32, #tpu.memory_space<vmem>>, vector<16xf32>,
      tpu.vector_store %arg7[%swap3A_280, %swap3A_281, %swap3A_282], %gather3A_278 {strides = array<i32>} : memref<2x32x128xf32, #tpu.memory_space<vmem>>, vector<16xf32>,
      %broadcast_in_dim3A_284 = arith.constant 21 : i32
      %broadcast_in_dim3A_285 = vector.broadcast %broadcast_in_dim3A_284 : i32 to vector<16xi32>
      %gather3A_286 = tpu.vector_load_idx %arg6[%add3A_118, %broadcast_in_dim3A_285] : memref<640x128xf32, #tpu.memory_space<vmem>>[vector<16xi32>, vector<16xi32>], vector<16xf32>,
      %swap3A_287 = arith.constant 21 : i32
      %swap3A_288 = arith.index_cast %and3A_110 : i32 to index
      %swap3A_289 = arith.index_cast %swap3A_287 : i32 to index
      %swap3A_290 = arith.constant 0 : index
      %swap3A_291 = tpu.vector_load %arg7[%swap3A_288, %swap3A_289, %swap3A_290] {strides = array<i32>} : memref<2x32x128xf32, #tpu.memory_space<vmem>>, vector<16xf32>,
      tpu.vector_store %arg7[%swap3A_288, %swap3A_289, %swap3A_290], %gather3A_286 {strides = array<i32>} : memref<2x32x128xf32, #tpu.memory_space<vmem>>, vector<16xf32>,
      %broadcast_in_dim3A_292 = arith.constant 22 : i32
      %broadcast_in_dim3A_293 = vector.broadcast %broadcast_in_dim3A_292 : i32 to vector<16xi32>
      %gather3A_294 = tpu.vector_load_idx %arg6[%add3A_118, %broadcast_in_dim3A_293] : memref<640x128xf32, #tpu.memory_space<vmem>>[vector<16xi32>, vector<16xi32>], vector<16xf32>,
      %swap3A_295 = arith.constant 22 : i32
      %swap3A_296 = arith.index_cast %and3A_110 : i32 to index
      %swap3A_297 = arith.index_cast %swap3A_295 : i32 to index
      %swap3A_298 = arith.constant 0 : index
      %swap3A_299 = tpu.vector_load %arg7[%swap3A_296, %swap3A_297, %swap3A_298] {strides = array<i32>} : memref<2x32x128xf32, #tpu.memory_space<vmem>>, vector<16xf32>,
      tpu.vector_store %arg7[%swap3A_296, %swap3A_297, %swap3A_298], %gather3A_294 {strides = array<i32>} : memref<2x32x128xf32, #tpu.memory_space<vmem>>, vector<16xf32>,
      %broadcast_in_dim3A_300 = arith.constant 23 : i32
      %broadcast_in_dim3A_301 = vector.broadcast %broadcast_in_dim3A_300 : i32 to vector<16xi32>
      %gather3A_302 = tpu.vector_load_idx %arg6[%add3A_118, %broadcast_in_dim3A_301] : memref<640x128xf32, #tpu.memory_space<vmem>>[vector<16xi32>, vector<16xi32>], vector<16xf32>,
      %swap3A_303 = arith.constant 23 : i32
      %swap3A_304 = arith.index_cast %and3A_110 : i32 to index
      %swap3A_305 = arith.index_cast %swap3A_303 : i32 to index
      %swap3A_306 = arith.constant 0 : index
      %swap3A_307 = tpu.vector_load %arg7[%swap3A_304, %swap3A_305, %swap3A_306] {strides = array<i32>} : memref<2x32x128xf32, #tpu.memory_space<vmem>>, vector<16xf32>,
      tpu.vector_store %arg7[%swap3A_304, %swap3A_305, %swap3A_306], %gather3A_302 {strides = array<i32>} : memref<2x32x128xf32, #tpu.memory_space<vmem>>, vector<16xf32>,
      %broadcast_in_dim3A_308 = arith.constant 24 : i32
      %broadcast_in_dim3A_309 = vector.broadcast %broadcast_in_dim3A_308 : i32 to vector<16xi32>
      %gather3A_310 = tpu.vector_load_idx %arg6[%add3A_118, %broadcast_in_dim3A_309] : memref<640x128xf32, #tpu.memory_space<vmem>>[vector<16xi32>, vector<16xi32>], vector<16xf32>,
      %swap3A_311 = arith.constant 24 : i32
      %swap3A_312 = arith.index_cast %and3A_110 : i32 to index
      %swap3A_313 = arith.index_cast %swap3A_311 : i32 to index
      %swap3A_314 = arith.constant 0 : index
      %swap3A_315 = tpu.vector_load %arg7[%swap3A_312, %swap3A_313, %swap3A_314] {strides = array<i32>} : memref<2x32x128xf32, #tpu.memory_space<vmem>>, vector<16xf32>,
      tpu.vector_store %arg7[%swap3A_312, %swap3A_313, %swap3A_314], %gather3A_310 {strides = array<i32>} : memref<2x32x128xf32, #tpu.memory_space<vmem>>, vector<16xf32>,
      %broadcast_in_dim3A_316 = arith.constant 25 : i32
      %broadcast_in_dim3A_317 = vector.broadcast %broadcast_in_dim3A_316 : i32 to vector<16xi32>
      %gather3A_318 = tpu.vector_load_idx %arg6[%add3A_118, %broadcast_in_dim3A_317] : memref<640x128xf32, #tpu.memory_space<vmem>>[vector<16xi32>, vector<16xi32>], vector<16xf32>,
      %swap3A_319 = arith.constant 25 : i32
      %swap3A_320 = arith.index_cast %and3A_110 : i32 to index
      %swap3A_321 = arith.index_cast %swap3A_319 : i32 to index
      %swap3A_322 = arith.constant 0 : index
      %swap3A_323 = tpu.vector_load %arg7[%swap3A_320, %swap3A_321, %swap3A_322] {strides = array<i32>} : memref<2x32x128xf32, #tpu.memory_space<vmem>>, vector<16xf32>,
      tpu.vector_store %arg7[%swap3A_320, %swap3A_321, %swap3A_322], %gather3A_318 {strides = array<i32>} : memref<2x32x128xf32, #tpu.memory_space<vmem>>, vector<16xf32>,
      %broadcast_in_dim3A_324 = arith.constant 26 : i32
      %broadcast_in_dim3A_325 = vector.broadcast %broadcast_in_dim3A_324 : i32 to vector<16xi32>
      %gather3A_326 = tpu.vector_load_idx %arg6[%add3A_118, %broadcast_in_dim3A_325] : memref<640x128xf32, #tpu.memory_space<vmem>>[vector<16xi32>, vector<16xi32>], vector<16xf32>,
      %swap3A_327 = arith.constant 26 : i32
      %swap3A_328 = arith.index_cast %and3A_110 : i32 to index
      %swap3A_329 = arith.index_cast %swap3A_327 : i32 to index
      %swap3A_330 = arith.constant 0 : index
      %swap3A_331 = tpu.vector_load %arg7[%swap3A_328, %swap3A_329, %swap3A_330] {strides = array<i32>} : memref<2x32x128xf32, #tpu.memory_space<vmem>>, vector<16xf32>,
      tpu.vector_store %arg7[%swap3A_328, %swap3A_329, %swap3A_330], %gather3A_326 {strides = array<i32>} : memref<2x32x128xf32, #tpu.memory_space<vmem>>, vector<16xf32>,
      %broadcast_in_dim3A_332 = arith.constant 27 : i32
      %broadcast_in_dim3A_333 = vector.broadcast %broadcast_in_dim3A_332 : i32 to vector<16xi32>
      %gather3A_334 = tpu.vector_load_idx %arg6[%add3A_118, %broadcast_in_dim3A_333] : memref<640x128xf32, #tpu.memory_space<vmem>>[vector<16xi32>, vector<16xi32>], vector<16xf32>,
      %swap3A_335 = arith.constant 27 : i32
      %swap3A_336 = arith.index_cast %and3A_110 : i32 to index
      %swap3A_337 = arith.index_cast %swap3A_335 : i32 to index
      %swap3A_338 = arith.constant 0 : index
      %swap3A_339 = tpu.vector_load %arg7[%swap3A_336, %swap3A_337, %swap3A_338] {strides = array<i32>} : memref<2x32x128xf32, #tpu.memory_space<vmem>>, vector<16xf32>,
      tpu.vector_store %arg7[%swap3A_336, %swap3A_337, %swap3A_338], %gather3A_334 {strides = array<i32>} : memref<2x32x128xf32, #tpu.memory_space<vmem>>, vector<16xf32>,
      %broadcast_in_dim3A_340 = arith.constant 28 : i32
      %broadcast_in_dim3A_341 = vector.broadcast %broadcast_in_dim3A_340 : i32 to vector<16xi32>
      %gather3A_342 = tpu.vector_load_idx %arg6[%add3A_118, %broadcast_in_dim3A_341] : memref<640x128xf32, #tpu.memory_space<vmem>>[vector<16xi32>, vector<16xi32>], vector<16xf32>,
      %swap3A_343 = arith.constant 28 : i32
      %swap3A_344 = arith.index_cast %and3A_110 : i32 to index
      %swap3A_345 = arith.index_cast %swap3A_343 : i32 to index
      %swap3A_346 = arith.constant 0 : index
      %swap3A_347 = tpu.vector_load %arg7[%swap3A_344, %swap3A_345, %swap3A_346] {strides = array<i32>} : memref<2x32x128xf32, #tpu.memory_space<vmem>>, vector<16xf32>,
      tpu.vector_store %arg7[%swap3A_344, %swap3A_345, %swap3A_346], %gather3A_342 {strides = array<i32>} : memref<2x32x128xf32, #tpu.memory_space<vmem>>, vector<16xf32>,
      %broadcast_in_dim3A_348 = arith.constant 29 : i32
      %broadcast_in_dim3A_349 = vector.broadcast %broadcast_in_dim3A_348 : i32 to vector<16xi32>
      %gather3A_350 = tpu.vector_load_idx %arg6[%add3A_118, %broadcast_in_dim3A_349] : memref<640x128xf32, #tpu.memory_space<vmem>>[vector<16xi32>, vector<16xi32>], vector<16xf32>,
      %swap3A_351 = arith.constant 29 : i32
      %swap3A_352 = arith.index_cast %and3A_110 : i32 to index
      %swap3A_353 = arith.index_cast %swap3A_351 : i32 to index
      %swap3A_354 = arith.constant 0 : index
      %swap3A_355 = tpu.vector_load %arg7[%swap3A_352, %swap3A_353, %swap3A_354] {strides = array<i32>} : memref<2x32x128xf32, #tpu.memory_space<vmem>>, vector<16xf32>,
      tpu.vector_store %arg7[%swap3A_352, %swap3A_353, %swap3A_354], %gather3A_350 {strides = array<i32>} : memref<2x32x128xf32, #tpu.memory_space<vmem>>, vector<16xf32>,
      %broadcast_in_dim3A_356 = arith.constant 30 : i32
      %broadcast_in_dim3A_357 = vector.broadcast %broadcast_in_dim3A_356 : i32 to vector<16xi32>
      %gather3A_358 = tpu.vector_load_idx %arg6[%add3A_118, %broadcast_in_dim3A_357] : memref<640x128xf32, #tpu.memory_space<vmem>>[vector<16xi32>, vector<16xi32>], vector<16xf32>,
      %swap3A_359 = arith.constant 30 : i32
      %swap3A_360 = arith.index_cast %and3A_110 : i32 to index
      %swap3A_361 = arith.index_cast %swap3A_359 : i32 to index
      %swap3A_362 = arith.constant 0 : index
      %swap3A_363 = tpu.vector_load %arg7[%swap3A_360, %swap3A_361, %swap3A_362] {strides = array<i32>} : memref<2x32x128xf32, #tpu.memory_space<vmem>>, vector<16xf32>,
      tpu.vector_store %arg7[%swap3A_360, %swap3A_361, %swap3A_362], %gather3A_358 {strides = array<i32>} : memref<2x32x128xf32, #tpu.memory_space<vmem>>, vector<16xf32>,
      %broadcast_in_dim3A_364 = arith.constant 31 : i32
      %broadcast_in_dim3A_365 = vector.broadcast %broadcast_in_dim3A_364 : i32 to vector<16xi32>
      %gather3A_366 = tpu.vector_load_idx %arg6[%add3A_118, %broadcast_in_dim3A_365] : memref<640x128xf32, #tpu.memory_space<vmem>>[vector<16xi32>, vector<16xi32>], vector<16xf32>,
      %swap3A_367 = arith.constant 31 : i32
      %swap3A_368 = arith.index_cast %and3A_110 : i32 to index
      %swap3A_369 = arith.index_cast %swap3A_367 : i32 to index
      %swap3A_370 = arith.constant 0 : index
      %swap3A_371 = tpu.vector_load %arg7[%swap3A_368, %swap3A_369, %swap3A_370] {strides = array<i32>} : memref<2x32x128xf32, #tpu.memory_space<vmem>>, vector<16xf32>,
      tpu.vector_store %arg7[%swap3A_368, %swap3A_369, %swap3A_370], %gather3A_366 {strides = array<i32>} : memref<2x32x128xf32, #tpu.memory_space<vmem>>, vector<16xf32>,
      %add3A_372 = arith.constant 16 : i32
      %add3A_373 = arith.addi %mul3A_114, %add3A_372 : i32
      %add3A_374 = vector.broadcast %add3A_373 : i32 to vector<16xi32>
      %add3A_375 = arith.addi %add3A_374, %iota3A : vector<16xi32>
      %broadcast_in_dim3A_376 = arith.constant 0 : i32
      %broadcast_in_dim3A_377 = vector.broadcast %broadcast_in_dim3A_376 : i32 to vector<16xi32>
      %gather3A_378 = tpu.vector_load_idx %arg6[%add3A_375, %broadcast_in_dim3A_377] : memref<640x128xf32, #tpu.memory_space<vmem>>[vector<16xi32>, vector<16xi32>], vector<16xf32>,
      %swap3A_379 = arith.constant 0 : i32
      %swap3A_380 = arith.index_cast %and3A_110 : i32 to index
      %swap3A_381 = arith.index_cast %swap3A_379 : i32 to index
      %swap3A_382 = arith.constant 16 : index
      %swap3A_383 = tpu.vector_load %arg7[%swap3A_380, %swap3A_381, %swap3A_382] {strides = array<i32>} : memref<2x32x128xf32, #tpu.memory_space<vmem>>, vector<16xf32>,
      tpu.vector_store %arg7[%swap3A_380, %swap3A_381, %swap3A_382], %gather3A_378 {strides = array<i32>} : memref<2x32x128xf32, #tpu.memory_space<vmem>>, vector<16xf32>,
      %broadcast_in_dim3A_384 = arith.constant 1 : i32
      %broadcast_in_dim3A_385 = vector.broadcast %broadcast_in_dim3A_384 : i32 to vector<16xi32>
      %gather3A_386 = tpu.vector_load_idx %arg6[%add3A_375, %broadcast_in_dim3A_385] : memref<640x128xf32, #tpu.memory_space<vmem>>[vector<16xi32>, vector<16xi32>], vector<16xf32>,
      %swap3A_387 = arith.constant 1 : i32
      %swap3A_388 = arith.index_cast %and3A_110 : i32 to index
      %swap3A_389 = arith.index_cast %swap3A_387 : i32 to index
      %swap3A_390 = arith.constant 16 : index
      %swap3A_391 = tpu.vector_load %arg7[%swap3A_388, %swap3A_389, %swap3A_390] {strides = array<i32>} : memref<2x32x128xf32, #tpu.memory_space<vmem>>, vector<16xf32>,
      tpu.vector_store %arg7[%swap3A_388, %swap3A_389, %swap3A_390], %gather3A_386 {strides = array<i32>} : memref<2x32x128xf32, #tpu.memory_space<vmem>>, vector<16xf32>,
      %broadcast_in_dim3A_392 = arith.constant 2 : i32
      %broadcast_in_dim3A_393 = vector.broadcast %broadcast_in_dim3A_392 : i32 to vector<16xi32>
      %gather3A_394 = tpu.vector_load_idx %arg6[%add3A_375, %broadcast_in_dim3A_393] : memref<640x128xf32, #tpu.memory_space<vmem>>[vector<16xi32>, vector<16xi32>], vector<16xf32>,
      %swap3A_395 = arith.constant 2 : i32
      %swap3A_396 = arith.index_cast %and3A_110 : i32 to index
      %swap3A_397 = arith.index_cast %swap3A_395 : i32 to index
      %swap3A_398 = arith.constant 16 : index
      %swap3A_399 = tpu.vector_load %arg7[%swap3A_396, %swap3A_397, %swap3A_398] {strides = array<i32>} : memref<2x32x128xf32, #tpu.memory_space<vmem>>, vector<16xf32>,
      tpu.vector_store %arg7[%swap3A_396, %swap3A_397, %swap3A_398], %gather3A_394 {strides = array<i32>} : memref<2x32x128xf32, #tpu.memory_space<vmem>>, vector<16xf32>,
      %broadcast_in_dim3A_400 = arith.constant 3 : i32
      %broadcast_in_dim3A_401 = vector.broadcast %broadcast_in_dim3A_400 : i32 to vector<16xi32>
      %gather3A_402 = tpu.vector_load_idx %arg6[%add3A_375, %broadcast_in_dim3A_401] : memref<640x128xf32, #tpu.memory_space<vmem>>[vector<16xi32>, vector<16xi32>], vector<16xf32>,
      %swap3A_403 = arith.constant 3 : i32
      %swap3A_404 = arith.index_cast %and3A_110 : i32 to index
      %swap3A_405 = arith.index_cast %swap3A_403 : i32 to index
      %swap3A_406 = arith.constant 16 : index
      %swap3A_407 = tpu.vector_load %arg7[%swap3A_404, %swap3A_405, %swap3A_406] {strides = array<i32>} : memref<2x32x128xf32, #tpu.memory_space<vmem>>, vector<16xf32>,
      tpu.vector_store %arg7[%swap3A_404, %swap3A_405, %swap3A_406], %gather3A_402 {strides = array<i32>} : memref<2x32x128xf32, #tpu.memory_space<vmem>>, vector<16xf32>,
      %broadcast_in_dim3A_408 = arith.constant 4 : i32
      %broadcast_in_dim3A_409 = vector.broadcast %broadcast_in_dim3A_408 : i32 to vector<16xi32>
      %gather3A_410 = tpu.vector_load_idx %arg6[%add3A_375, %broadcast_in_dim3A_409] : memref<640x128xf32, #tpu.memory_space<vmem>>[vector<16xi32>, vector<16xi32>], vector<16xf32>,
      %swap3A_411 = arith.constant 4 : i32
      %swap3A_412 = arith.index_cast %and3A_110 : i32 to index
      %swap3A_413 = arith.index_cast %swap3A_411 : i32 to index
      %swap3A_414 = arith.constant 16 : index
      %swap3A_415 = tpu.vector_load %arg7[%swap3A_412, %swap3A_413, %swap3A_414] {strides = array<i32>} : memref<2x32x128xf32, #tpu.memory_space<vmem>>, vector<16xf32>,
      tpu.vector_store %arg7[%swap3A_412, %swap3A_413, %swap3A_414], %gather3A_410 {strides = array<i32>} : memref<2x32x128xf32, #tpu.memory_space<vmem>>, vector<16xf32>,
      %broadcast_in_dim3A_416 = arith.constant 5 : i32
      %broadcast_in_dim3A_417 = vector.broadcast %broadcast_in_dim3A_416 : i32 to vector<16xi32>
      %gather3A_418 = tpu.vector_load_idx %arg6[%add3A_375, %broadcast_in_dim3A_417] : memref<640x128xf32, #tpu.memory_space<vmem>>[vector<16xi32>, vector<16xi32>], vector<16xf32>,
      %swap3A_419 = arith.constant 5 : i32
      %swap3A_420 = arith.index_cast %and3A_110 : i32 to index
      %swap3A_421 = arith.index_cast %swap3A_419 : i32 to index
      %swap3A_422 = arith.constant 16 : index
      %swap3A_423 = tpu.vector_load %arg7[%swap3A_420, %swap3A_421, %swap3A_422] {strides = array<i32>} : memref<2x32x128xf32, #tpu.memory_space<vmem>>, vector<16xf32>,
      tpu.vector_store %arg7[%swap3A_420, %swap3A_421, %swap3A_422], %gather3A_418 {strides = array<i32>} : memref<2x32x128xf32, #tpu.memory_space<vmem>>, vector<16xf32>,
      %broadcast_in_dim3A_424 = arith.constant 6 : i32
      %broadcast_in_dim3A_425 = vector.broadcast %broadcast_in_dim3A_424 : i32 to vector<16xi32>
      %gather3A_426 = tpu.vector_load_idx %arg6[%add3A_375, %broadcast_in_dim3A_425] : memref<640x128xf32, #tpu.memory_space<vmem>>[vector<16xi32>, vector<16xi32>], vector<16xf32>,
      %swap3A_427 = arith.constant 6 : i32
      %swap3A_428 = arith.index_cast %and3A_110 : i32 to index
      %swap3A_429 = arith.index_cast %swap3A_427 : i32 to index
      %swap3A_430 = arith.constant 16 : index
      %swap3A_431 = tpu.vector_load %arg7[%swap3A_428, %swap3A_429, %swap3A_430] {strides = array<i32>} : memref<2x32x128xf32, #tpu.memory_space<vmem>>, vector<16xf32>,
      tpu.vector_store %arg7[%swap3A_428, %swap3A_429, %swap3A_430], %gather3A_426 {strides = array<i32>} : memref<2x32x128xf32, #tpu.memory_space<vmem>>, vector<16xf32>,
      %broadcast_in_dim3A_432 = arith.constant 7 : i32
      %broadcast_in_dim3A_433 = vector.broadcast %broadcast_in_dim3A_432 : i32 to vector<16xi32>
      %gather3A_434 = tpu.vector_load_idx %arg6[%add3A_375, %broadcast_in_dim3A_433] : memref<640x128xf32, #tpu.memory_space<vmem>>[vector<16xi32>, vector<16xi32>], vector<16xf32>,
      %swap3A_435 = arith.constant 7 : i32
      %swap3A_436 = arith.index_cast %and3A_110 : i32 to index
      %swap3A_437 = arith.index_cast %swap3A_435 : i32 to index
      %swap3A_438 = arith.constant 16 : index
      %swap3A_439 = tpu.vector_load %arg7[%swap3A_436, %swap3A_437, %swap3A_438] {strides = array<i32>} : memref<2x32x128xf32, #tpu.memory_space<vmem>>, vector<16xf32>,
      tpu.vector_store %arg7[%swap3A_436, %swap3A_437, %swap3A_438], %gather3A_434 {strides = array<i32>} : memref<2x32x128xf32, #tpu.memory_space<vmem>>, vector<16xf32>,
      %broadcast_in_dim3A_440 = arith.constant 8 : i32
      %broadcast_in_dim3A_441 = vector.broadcast %broadcast_in_dim3A_440 : i32 to vector<16xi32>
      %gather3A_442 = tpu.vector_load_idx %arg6[%add3A_375, %broadcast_in_dim3A_441] : memref<640x128xf32, #tpu.memory_space<vmem>>[vector<16xi32>, vector<16xi32>], vector<16xf32>,
      %swap3A_443 = arith.constant 8 : i32
      %swap3A_444 = arith.index_cast %and3A_110 : i32 to index
      %swap3A_445 = arith.index_cast %swap3A_443 : i32 to index
      %swap3A_446 = arith.constant 16 : index
      %swap3A_447 = tpu.vector_load %arg7[%swap3A_444, %swap3A_445, %swap3A_446] {strides = array<i32>} : memref<2x32x128xf32, #tpu.memory_space<vmem>>, vector<16xf32>,
      tpu.vector_store %arg7[%swap3A_444, %swap3A_445, %swap3A_446], %gather3A_442 {strides = array<i32>} : memref<2x32x128xf32, #tpu.memory_space<vmem>>, vector<16xf32>,
      %broadcast_in_dim3A_448 = arith.constant 9 : i32
      %broadcast_in_dim3A_449 = vector.broadcast %broadcast_in_dim3A_448 : i32 to vector<16xi32>
      %gather3A_450 = tpu.vector_load_idx %arg6[%add3A_375, %broadcast_in_dim3A_449] : memref<640x128xf32, #tpu.memory_space<vmem>>[vector<16xi32>, vector<16xi32>], vector<16xf32>,
      %swap3A_451 = arith.constant 9 : i32
      %swap3A_452 = arith.index_cast %and3A_110 : i32 to index
      %swap3A_453 = arith.index_cast %swap3A_451 : i32 to index
      %swap3A_454 = arith.constant 16 : index
      %swap3A_455 = tpu.vector_load %arg7[%swap3A_452, %swap3A_453, %swap3A_454] {strides = array<i32>} : memref<2x32x128xf32, #tpu.memory_space<vmem>>, vector<16xf32>,
      tpu.vector_store %arg7[%swap3A_452, %swap3A_453, %swap3A_454], %gather3A_450 {strides = array<i32>} : memref<2x32x128xf32, #tpu.memory_space<vmem>>, vector<16xf32>,
      %broadcast_in_dim3A_456 = arith.constant 10 : i32
      %broadcast_in_dim3A_457 = vector.broadcast %broadcast_in_dim3A_456 : i32 to vector<16xi32>
      %gather3A_458 = tpu.vector_load_idx %arg6[%add3A_375, %broadcast_in_dim3A_457] : memref<640x128xf32, #tpu.memory_space<vmem>>[vector<16xi32>, vector<16xi32>], vector<16xf32>,
      %swap3A_459 = arith.constant 10 : i32
      %swap3A_460 = arith.index_cast %and3A_110 : i32 to index
      %swap3A_461 = arith.index_cast %swap3A_459 : i32 to index
      %swap3A_462 = arith.constant 16 : index
      %swap3A_463 = tpu.vector_load %arg7[%swap3A_460, %swap3A_461, %swap3A_462] {strides = array<i32>} : memref<2x32x128xf32, #tpu.memory_space<vmem>>, vector<16xf32>,
      tpu.vector_store %arg7[%swap3A_460, %swap3A_461, %swap3A_462], %gather3A_458 {strides = array<i32>} : memref<2x32x128xf32, #tpu.memory_space<vmem>>, vector<16xf32>,
      %broadcast_in_dim3A_464 = arith.constant 11 : i32
      %broadcast_in_dim3A_465 = vector.broadcast %broadcast_in_dim3A_464 : i32 to vector<16xi32>
      %gather3A_466 = tpu.vector_load_idx %arg6[%add3A_375, %broadcast_in_dim3A_465] : memref<640x128xf32, #tpu.memory_space<vmem>>[vector<16xi32>, vector<16xi32>], vector<16xf32>,
      %swap3A_467 = arith.constant 11 : i32
      %swap3A_468 = arith.index_cast %and3A_110 : i32 to index
      %swap3A_469 = arith.index_cast %swap3A_467 : i32 to index
      %swap3A_470 = arith.constant 16 : index
      %swap3A_471 = tpu.vector_load %arg7[%swap3A_468, %swap3A_469, %swap3A_470] {strides = array<i32>} : memref<2x32x128xf32, #tpu.memory_space<vmem>>, vector<16xf32>,
      tpu.vector_store %arg7[%swap3A_468, %swap3A_469, %swap3A_470], %gather3A_466 {strides = array<i32>} : memref<2x32x128xf32, #tpu.memory_space<vmem>>, vector<16xf32>,
      %broadcast_in_dim3A_472 = arith.constant 12 : i32
      %broadcast_in_dim3A_473 = vector.broadcast %broadcast_in_dim3A_472 : i32 to vector<16xi32>
      %gather3A_474 = tpu.vector_load_idx %arg6[%add3A_375, %broadcast_in_dim3A_473] : memref<640x128xf32, #tpu.memory_space<vmem>>[vector<16xi32>, vector<16xi32>], vector<16xf32>,
      %swap3A_475 = arith.constant 12 : i32
      %swap3A_476 = arith.index_cast %and3A_110 : i32 to index
      %swap3A_477 = arith.index_cast %swap3A_475 : i32 to index
      %swap3A_478 = arith.constant 16 : index
      %swap3A_479 = tpu.vector_load %arg7[%swap3A_476, %swap3A_477, %swap3A_478] {strides = array<i32>} : memref<2x32x128xf32, #tpu.memory_space<vmem>>, vector<16xf32>,
      tpu.vector_store %arg7[%swap3A_476, %swap3A_477, %swap3A_478], %gather3A_474 {strides = array<i32>} : memref<2x32x128xf32, #tpu.memory_space<vmem>>, vector<16xf32>,
      %broadcast_in_dim3A_480 = arith.constant 13 : i32
      %broadcast_in_dim3A_481 = vector.broadcast %broadcast_in_dim3A_480 : i32 to vector<16xi32>
      %gather3A_482 = tpu.vector_load_idx %arg6[%add3A_375, %broadcast_in_dim3A_481] : memref<640x128xf32, #tpu.memory_space<vmem>>[vector<16xi32>, vector<16xi32>], vector<16xf32>,
      %swap3A_483 = arith.constant 13 : i32
      %swap3A_484 = arith.index_cast %and3A_110 : i32 to index
      %swap3A_485 = arith.index_cast %swap3A_483 : i32 to index
      %swap3A_486 = arith.constant 16 : index
      %swap3A_487 = tpu.vector_load %arg7[%swap3A_484, %swap3A_485, %swap3A_486] {strides = array<i32>} : memref<2x32x128xf32, #tpu.memory_space<vmem>>, vector<16xf32>,
      tpu.vector_store %arg7[%swap3A_484, %swap3A_485, %swap3A_486], %gather3A_482 {strides = array<i32>} : memref<2x32x128xf32, #tpu.memory_space<vmem>>, vector<16xf32>,
      %broadcast_in_dim3A_488 = arith.constant 14 : i32
      %broadcast_in_dim3A_489 = vector.broadcast %broadcast_in_dim3A_488 : i32 to vector<16xi32>
      %gather3A_490 = tpu.vector_load_idx %arg6[%add3A_375, %broadcast_in_dim3A_489] : memref<640x128xf32, #tpu.memory_space<vmem>>[vector<16xi32>, vector<16xi32>], vector<16xf32>,
      %swap3A_491 = arith.constant 14 : i32
      %swap3A_492 = arith.index_cast %and3A_110 : i32 to index
      %swap3A_493 = arith.index_cast %swap3A_491 : i32 to index
      %swap3A_494 = arith.constant 16 : index
      %swap3A_495 = tpu.vector_load %arg7[%swap3A_492, %swap3A_493, %swap3A_494] {strides = array<i32>} : memref<2x32x128xf32, #tpu.memory_space<vmem>>, vector<16xf32>,
      tpu.vector_store %arg7[%swap3A_492, %swap3A_493, %swap3A_494], %gather3A_490 {strides = array<i32>} : memref<2x32x128xf32, #tpu.memory_space<vmem>>, vector<16xf32>,
      %broadcast_in_dim3A_496 = arith.constant 15 : i32
      %broadcast_in_dim3A_497 = vector.broadcast %broadcast_in_dim3A_496 : i32 to vector<16xi32>
      %gather3A_498 = tpu.vector_load_idx %arg6[%add3A_375, %broadcast_in_dim3A_497] : memref<640x128xf32, #tpu.memory_space<vmem>>[vector<16xi32>, vector<16xi32>], vector<16xf32>,
      %swap3A_499 = arith.constant 15 : i32
      %swap3A_500 = arith.index_cast %and3A_110 : i32 to index
      %swap3A_501 = arith.index_cast %swap3A_499 : i32 to index
      %swap3A_502 = arith.constant 16 : index
      %swap3A_503 = tpu.vector_load %arg7[%swap3A_500, %swap3A_501, %swap3A_502] {strides = array<i32>} : memref<2x32x128xf32, #tpu.memory_space<vmem>>, vector<16xf32>,
      tpu.vector_store %arg7[%swap3A_500, %swap3A_501, %swap3A_502], %gather3A_498 {strides = array<i32>} : memref<2x32x128xf32, #tpu.memory_space<vmem>>, vector<16xf32>,
      %broadcast_in_dim3A_504 = arith.constant 16 : i32
      %broadcast_in_dim3A_505 = vector.broadcast %broadcast_in_dim3A_504 : i32 to vector<16xi32>
      %gather3A_506 = tpu.vector_load_idx %arg6[%add3A_375, %broadcast_in_dim3A_505] : memref<640x128xf32, #tpu.memory_space<vmem>>[vector<16xi32>, vector<16xi32>], vector<16xf32>,
      %swap3A_507 = arith.constant 16 : i32
      %swap3A_508 = arith.index_cast %and3A_110 : i32 to index
      %swap3A_509 = arith.index_cast %swap3A_507 : i32 to index
      %swap3A_510 = arith.constant 16 : index
      %swap3A_511 = tpu.vector_load %arg7[%swap3A_508, %swap3A_509, %swap3A_510] {strides = array<i32>} : memref<2x32x128xf32, #tpu.memory_space<vmem>>, vector<16xf32>,
      tpu.vector_store %arg7[%swap3A_508, %swap3A_509, %swap3A_510], %gather3A_506 {strides = array<i32>} : memref<2x32x128xf32, #tpu.memory_space<vmem>>, vector<16xf32>,
      %broadcast_in_dim3A_512 = arith.constant 17 : i32
      %broadcast_in_dim3A_513 = vector.broadcast %broadcast_in_dim3A_512 : i32 to vector<16xi32>
      %gather3A_514 = tpu.vector_load_idx %arg6[%add3A_375, %broadcast_in_dim3A_513] : memref<640x128xf32, #tpu.memory_space<vmem>>[vector<16xi32>, vector<16xi32>], vector<16xf32>,
      %swap3A_515 = arith.constant 17 : i32
      %swap3A_516 = arith.index_cast %and3A_110 : i32 to index
      %swap3A_517 = arith.index_cast %swap3A_515 : i32 to index
      %swap3A_518 = arith.constant 16 : index
      %swap3A_519 = tpu.vector_load %arg7[%swap3A_516, %swap3A_517, %swap3A_518] {strides = array<i32>} : memref<2x32x128xf32, #tpu.memory_space<vmem>>, vector<16xf32>,
      tpu.vector_store %arg7[%swap3A_516, %swap3A_517, %swap3A_518], %gather3A_514 {strides = array<i32>} : memref<2x32x128xf32, #tpu.memory_space<vmem>>, vector<16xf32>,
      %broadcast_in_dim3A_520 = arith.constant 18 : i32
      %broadcast_in_dim3A_521 = vector.broadcast %broadcast_in_dim3A_520 : i32 to vector<16xi32>
      %gather3A_522 = tpu.vector_load_idx %arg6[%add3A_375, %broadcast_in_dim3A_521] : memref<640x128xf32, #tpu.memory_space<vmem>>[vector<16xi32>, vector<16xi32>], vector<16xf32>,
      %swap3A_523 = arith.constant 18 : i32
      %swap3A_524 = arith.index_cast %and3A_110 : i32 to index
      %swap3A_525 = arith.index_cast %swap3A_523 : i32 to index
      %swap3A_526 = arith.constant 16 : index
      %swap3A_527 = tpu.vector_load %arg7[%swap3A_524, %swap3A_525, %swap3A_526] {strides = array<i32>} : memref<2x32x128xf32, #tpu.memory_space<vmem>>, vector<16xf32>,
      tpu.vector_store %arg7[%swap3A_524, %swap3A_525, %swap3A_526], %gather3A_522 {strides = array<i32>} : memref<2x32x128xf32, #tpu.memory_space<vmem>>, vector<16xf32>,
      %broadcast_in_dim3A_528 = arith.constant 19 : i32
      %broadcast_in_dim3A_529 = vector.broadcast %broadcast_in_dim3A_528 : i32 to vector<16xi32>
      %gather3A_530 = tpu.vector_load_idx %arg6[%add3A_375, %broadcast_in_dim3A_529] : memref<640x128xf32, #tpu.memory_space<vmem>>[vector<16xi32>, vector<16xi32>], vector<16xf32>,
      %swap3A_531 = arith.constant 19 : i32
      %swap3A_532 = arith.index_cast %and3A_110 : i32 to index
      %swap3A_533 = arith.index_cast %swap3A_531 : i32 to index
      %swap3A_534 = arith.constant 16 : index
      %swap3A_535 = tpu.vector_load %arg7[%swap3A_532, %swap3A_533, %swap3A_534] {strides = array<i32>} : memref<2x32x128xf32, #tpu.memory_space<vmem>>, vector<16xf32>,
      tpu.vector_store %arg7[%swap3A_532, %swap3A_533, %swap3A_534], %gather3A_530 {strides = array<i32>} : memref<2x32x128xf32, #tpu.memory_space<vmem>>, vector<16xf32>,
      %broadcast_in_dim3A_536 = arith.constant 20 : i32
      %broadcast_in_dim3A_537 = vector.broadcast %broadcast_in_dim3A_536 : i32 to vector<16xi32>
      %gather3A_538 = tpu.vector_load_idx %arg6[%add3A_375, %broadcast_in_dim3A_537] : memref<640x128xf32, #tpu.memory_space<vmem>>[vector<16xi32>, vector<16xi32>], vector<16xf32>,
      %swap3A_539 = arith.constant 20 : i32
      %swap3A_540 = arith.index_cast %and3A_110 : i32 to index
      %swap3A_541 = arith.index_cast %swap3A_539 : i32 to index
      %swap3A_542 = arith.constant 16 : index
      %swap3A_543 = tpu.vector_load %arg7[%swap3A_540, %swap3A_541, %swap3A_542] {strides = array<i32>} : memref<2x32x128xf32, #tpu.memory_space<vmem>>, vector<16xf32>,
      tpu.vector_store %arg7[%swap3A_540, %swap3A_541, %swap3A_542], %gather3A_538 {strides = array<i32>} : memref<2x32x128xf32, #tpu.memory_space<vmem>>, vector<16xf32>,
      %broadcast_in_dim3A_544 = arith.constant 21 : i32
      %broadcast_in_dim3A_545 = vector.broadcast %broadcast_in_dim3A_544 : i32 to vector<16xi32>
      %gather3A_546 = tpu.vector_load_idx %arg6[%add3A_375, %broadcast_in_dim3A_545] : memref<640x128xf32, #tpu.memory_space<vmem>>[vector<16xi32>, vector<16xi32>], vector<16xf32>,
      %swap3A_547 = arith.constant 21 : i32
      %swap3A_548 = arith.index_cast %and3A_110 : i32 to index
      %swap3A_549 = arith.index_cast %swap3A_547 : i32 to index
      %swap3A_550 = arith.constant 16 : index
      %swap3A_551 = tpu.vector_load %arg7[%swap3A_548, %swap3A_549, %swap3A_550] {strides = array<i32>} : memref<2x32x128xf32, #tpu.memory_space<vmem>>, vector<16xf32>,
      tpu.vector_store %arg7[%swap3A_548, %swap3A_549, %swap3A_550], %gather3A_546 {strides = array<i32>} : memref<2x32x128xf32, #tpu.memory_space<vmem>>, vector<16xf32>,
      %broadcast_in_dim3A_552 = arith.constant 22 : i32
      %broadcast_in_dim3A_553 = vector.broadcast %broadcast_in_dim3A_552 : i32 to vector<16xi32>
      %gather3A_554 = tpu.vector_load_idx %arg6[%add3A_375, %broadcast_in_dim3A_553] : memref<640x128xf32, #tpu.memory_space<vmem>>[vector<16xi32>, vector<16xi32>], vector<16xf32>,
      %swap3A_555 = arith.constant 22 : i32
      %swap3A_556 = arith.index_cast %and3A_110 : i32 to index
      %swap3A_557 = arith.index_cast %swap3A_555 : i32 to index
      %swap3A_558 = arith.constant 16 : index
      %swap3A_559 = tpu.vector_load %arg7[%swap3A_556, %swap3A_557, %swap3A_558] {strides = array<i32>} : memref<2x32x128xf32, #tpu.memory_space<vmem>>, vector<16xf32>,
      tpu.vector_store %arg7[%swap3A_556, %swap3A_557, %swap3A_558], %gather3A_554 {strides = array<i32>} : memref<2x32x128xf32, #tpu.memory_space<vmem>>, vector<16xf32>,
      %broadcast_in_dim3A_560 = arith.constant 23 : i32
      %broadcast_in_dim3A_561 = vector.broadcast %broadcast_in_dim3A_560 : i32 to vector<16xi32>
      %gather3A_562 = tpu.vector_load_idx %arg6[%add3A_375, %broadcast_in_dim3A_561] : memref<640x128xf32, #tpu.memory_space<vmem>>[vector<16xi32>, vector<16xi32>], vector<16xf32>,
      %swap3A_563 = arith.constant 23 : i32
      %swap3A_564 = arith.index_cast %and3A_110 : i32 to index
      %swap3A_565 = arith.index_cast %swap3A_563 : i32 to index
      %swap3A_566 = arith.constant 16 : index
      %swap3A_567 = tpu.vector_load %arg7[%swap3A_564, %swap3A_565, %swap3A_566] {strides = array<i32>} : memref<2x32x128xf32, #tpu.memory_space<vmem>>, vector<16xf32>,
      tpu.vector_store %arg7[%swap3A_564, %swap3A_565, %swap3A_566], %gather3A_562 {strides = array<i32>} : memref<2x32x128xf32, #tpu.memory_space<vmem>>, vector<16xf32>,
      %broadcast_in_dim3A_568 = arith.constant 24 : i32
      %broadcast_in_dim3A_569 = vector.broadcast %broadcast_in_dim3A_568 : i32 to vector<16xi32>
      %gather3A_570 = tpu.vector_load_idx %arg6[%add3A_375, %broadcast_in_dim3A_569] : memref<640x128xf32, #tpu.memory_space<vmem>>[vector<16xi32>, vector<16xi32>], vector<16xf32>,
      %swap3A_571 = arith.constant 24 : i32
      %swap3A_572 = arith.index_cast %and3A_110 : i32 to index
      %swap3A_573 = arith.index_cast %swap3A_571 : i32 to index
      %swap3A_574 = arith.constant 16 : index
      %swap3A_575 = tpu.vector_load %arg7[%swap3A_572, %swap3A_573, %swap3A_574] {strides = array<i32>} : memref<2x32x128xf32, #tpu.memory_space<vmem>>, vector<16xf32>,
      tpu.vector_store %arg7[%swap3A_572, %swap3A_573, %swap3A_574], %gather3A_570 {strides = array<i32>} : memref<2x32x128xf32, #tpu.memory_space<vmem>>, vector<16xf32>,
      %broadcast_in_dim3A_576 = arith.constant 25 : i32
      %broadcast_in_dim3A_577 = vector.broadcast %broadcast_in_dim3A_576 : i32 to vector<16xi32>
      %gather3A_578 = tpu.vector_load_idx %arg6[%add3A_375, %broadcast_in_dim3A_577] : memref<640x128xf32, #tpu.memory_space<vmem>>[vector<16xi32>, vector<16xi32>], vector<16xf32>,
      %swap3A_579 = arith.constant 25 : i32
      %swap3A_580 = arith.index_cast %and3A_110 : i32 to index
      %swap3A_581 = arith.index_cast %swap3A_579 : i32 to index
      %swap3A_582 = arith.constant 16 : index
      %swap3A_583 = tpu.vector_load %arg7[%swap3A_580, %swap3A_581, %swap3A_582] {strides = array<i32>} : memref<2x32x128xf32, #tpu.memory_space<vmem>>, vector<16xf32>,
      tpu.vector_store %arg7[%swap3A_580, %swap3A_581, %swap3A_582], %gather3A_578 {strides = array<i32>} : memref<2x32x128xf32, #tpu.memory_space<vmem>>, vector<16xf32>,
      %broadcast_in_dim3A_584 = arith.constant 26 : i32
      %broadcast_in_dim3A_585 = vector.broadcast %broadcast_in_dim3A_584 : i32 to vector<16xi32>
      %gather3A_586 = tpu.vector_load_idx %arg6[%add3A_375, %broadcast_in_dim3A_585] : memref<640x128xf32, #tpu.memory_space<vmem>>[vector<16xi32>, vector<16xi32>], vector<16xf32>,
      %swap3A_587 = arith.constant 26 : i32
      %swap3A_588 = arith.index_cast %and3A_110 : i32 to index
      %swap3A_589 = arith.index_cast %swap3A_587 : i32 to index
      %swap3A_590 = arith.constant 16 : index
      %swap3A_591 = tpu.vector_load %arg7[%swap3A_588, %swap3A_589, %swap3A_590] {strides = array<i32>} : memref<2x32x128xf32, #tpu.memory_space<vmem>>, vector<16xf32>,
      tpu.vector_store %arg7[%swap3A_588, %swap3A_589, %swap3A_590], %gather3A_586 {strides = array<i32>} : memref<2x32x128xf32, #tpu.memory_space<vmem>>, vector<16xf32>,
      %broadcast_in_dim3A_592 = arith.constant 27 : i32
      %broadcast_in_dim3A_593 = vector.broadcast %broadcast_in_dim3A_592 : i32 to vector<16xi32>
      %gather3A_594 = tpu.vector_load_idx %arg6[%add3A_375, %broadcast_in_dim3A_593] : memref<640x128xf32, #tpu.memory_space<vmem>>[vector<16xi32>, vector<16xi32>], vector<16xf32>,
      %swap3A_595 = arith.constant 27 : i32
      %swap3A_596 = arith.index_cast %and3A_110 : i32 to index
      %swap3A_597 = arith.index_cast %swap3A_595 : i32 to index
      %swap3A_598 = arith.constant 16 : index
      %swap3A_599 = tpu.vector_load %arg7[%swap3A_596, %swap3A_597, %swap3A_598] {strides = array<i32>} : memref<2x32x128xf32, #tpu.memory_space<vmem>>, vector<16xf32>,
      tpu.vector_store %arg7[%swap3A_596, %swap3A_597, %swap3A_598], %gather3A_594 {strides = array<i32>} : memref<2x32x128xf32, #tpu.memory_space<vmem>>, vector<16xf32>,
      %broadcast_in_dim3A_600 = arith.constant 28 : i32
      %broadcast_in_dim3A_601 = vector.broadcast %broadcast_in_dim3A_600 : i32 to vector<16xi32>
      %gather3A_602 = tpu.vector_load_idx %arg6[%add3A_375, %broadcast_in_dim3A_601] : memref<640x128xf32, #tpu.memory_space<vmem>>[vector<16xi32>, vector<16xi32>], vector<16xf32>,
      %swap3A_603 = arith.constant 28 : i32
      %swap3A_604 = arith.index_cast %and3A_110 : i32 to index
      %swap3A_605 = arith.index_cast %swap3A_603 : i32 to index
      %swap3A_606 = arith.constant 16 : index
      %swap3A_607 = tpu.vector_load %arg7[%swap3A_604, %swap3A_605, %swap3A_606] {strides = array<i32>} : memref<2x32x128xf32, #tpu.memory_space<vmem>>, vector<16xf32>,
      tpu.vector_store %arg7[%swap3A_604, %swap3A_605, %swap3A_606], %gather3A_602 {strides = array<i32>} : memref<2x32x128xf32, #tpu.memory_space<vmem>>, vector<16xf32>,
      %broadcast_in_dim3A_608 = arith.constant 29 : i32
      %broadcast_in_dim3A_609 = vector.broadcast %broadcast_in_dim3A_608 : i32 to vector<16xi32>
      %gather3A_610 = tpu.vector_load_idx %arg6[%add3A_375, %broadcast_in_dim3A_609] : memref<640x128xf32, #tpu.memory_space<vmem>>[vector<16xi32>, vector<16xi32>], vector<16xf32>,
      %swap3A_611 = arith.constant 29 : i32
      %swap3A_612 = arith.index_cast %and3A_110 : i32 to index
      %swap3A_613 = arith.index_cast %swap3A_611 : i32 to index
      %swap3A_614 = arith.constant 16 : index
      %swap3A_615 = tpu.vector_load %arg7[%swap3A_612, %swap3A_613, %swap3A_614] {strides = array<i32>} : memref<2x32x128xf32, #tpu.memory_space<vmem>>, vector<16xf32>,
      tpu.vector_store %arg7[%swap3A_612, %swap3A_613, %swap3A_614], %gather3A_610 {strides = array<i32>} : memref<2x32x128xf32, #tpu.memory_space<vmem>>, vector<16xf32>,
      %broadcast_in_dim3A_616 = arith.constant 30 : i32
      %broadcast_in_dim3A_617 = vector.broadcast %broadcast_in_dim3A_616 : i32 to vector<16xi32>
      %gather3A_618 = tpu.vector_load_idx %arg6[%add3A_375, %broadcast_in_dim3A_617] : memref<640x128xf32, #tpu.memory_space<vmem>>[vector<16xi32>, vector<16xi32>], vector<16xf32>,
      %swap3A_619 = arith.constant 30 : i32
      %swap3A_620 = arith.index_cast %and3A_110 : i32 to index
      %swap3A_621 = arith.index_cast %swap3A_619 : i32 to index
      %swap3A_622 = arith.constant 16 : index
      %swap3A_623 = tpu.vector_load %arg7[%swap3A_620, %swap3A_621, %swap3A_622] {strides = array<i32>} : memref<2x32x128xf32, #tpu.memory_space<vmem>>, vector<16xf32>,
      tpu.vector_store %arg7[%swap3A_620, %swap3A_621, %swap3A_622], %gather3A_618 {strides = array<i32>} : memref<2x32x128xf32, #tpu.memory_space<vmem>>, vector<16xf32>,
      %broadcast_in_dim3A_624 = arith.constant 31 : i32
      %broadcast_in_dim3A_625 = vector.broadcast %broadcast_in_dim3A_624 : i32 to vector<16xi32>
      %gather3A_626 = tpu.vector_load_idx %arg6[%add3A_375, %broadcast_in_dim3A_625] : memref<640x128xf32, #tpu.memory_space<vmem>>[vector<16xi32>, vector<16xi32>], vector<16xf32>,
      %swap3A_627 = arith.constant 31 : i32
      %swap3A_628 = arith.index_cast %and3A_110 : i32 to index
      %swap3A_629 = arith.index_cast %swap3A_627 : i32 to index
      %swap3A_630 = arith.constant 16 : index
      %swap3A_631 = tpu.vector_load %arg7[%swap3A_628, %swap3A_629, %swap3A_630] {strides = array<i32>} : memref<2x32x128xf32, #tpu.memory_space<vmem>>, vector<16xf32>,
      tpu.vector_store %arg7[%swap3A_628, %swap3A_629, %swap3A_630], %gather3A_626 {strides = array<i32>} : memref<2x32x128xf32, #tpu.memory_space<vmem>>, vector<16xf32>,
      %add3A_632 = arith.constant 32 : i32
      %add3A_633 = arith.addi %mul3A_114, %add3A_632 : i32
      %add3A_634 = vector.broadcast %add3A_633 : i32 to vector<16xi32>
      %add3A_635 = arith.addi %add3A_634, %iota3A : vector<16xi32>
      %broadcast_in_dim3A_636 = arith.constant 0 : i32
      %broadcast_in_dim3A_637 = vector.broadcast %broadcast_in_dim3A_636 : i32 to vector<16xi32>
      %gather3A_638 = tpu.vector_load_idx %arg6[%add3A_635, %broadcast_in_dim3A_637] : memref<640x128xf32, #tpu.memory_space<vmem>>[vector<16xi32>, vector<16xi32>], vector<16xf32>,
      %swap3A_639 = arith.constant 0 : i32
      %swap3A_640 = arith.index_cast %and3A_110 : i32 to index
      %swap3A_641 = arith.index_cast %swap3A_639 : i32 to index
      %swap3A_642 = arith.constant 32 : index
      %swap3A_643 = tpu.vector_load %arg7[%swap3A_640, %swap3A_641, %swap3A_642] {strides = array<i32>} : memref<2x32x128xf32, #tpu.memory_space<vmem>>, vector<16xf32>,
      tpu.vector_store %arg7[%swap3A_640, %swap3A_641, %swap3A_642], %gather3A_638 {strides = array<i32>} : memref<2x32x128xf32, #tpu.memory_space<vmem>>, vector<16xf32>,
      %broadcast_in_dim3A_644 = arith.constant 1 : i32
      %broadcast_in_dim3A_645 = vector.broadcast %broadcast_in_dim3A_644 : i32 to vector<16xi32>
      %gather3A_646 = tpu.vector_load_idx %arg6[%add3A_635, %broadcast_in_dim3A_645] : memref<640x128xf32, #tpu.memory_space<vmem>>[vector<16xi32>, vector<16xi32>], vector<16xf32>,
      %swap3A_647 = arith.constant 1 : i32
      %swap3A_648 = arith.index_cast %and3A_110 : i32 to index
      %swap3A_649 = arith.index_cast %swap3A_647 : i32 to index
      %swap3A_650 = arith.constant 32 : index
      %swap3A_651 = tpu.vector_load %arg7[%swap3A_648, %swap3A_649, %swap3A_650] {strides = array<i32>} : memref<2x32x128xf32, #tpu.memory_space<vmem>>, vector<16xf32>,
      tpu.vector_store %arg7[%swap3A_648, %swap3A_649, %swap3A_650], %gather3A_646 {strides = array<i32>} : memref<2x32x128xf32, #tpu.memory_space<vmem>>, vector<16xf32>,
      %broadcast_in_dim3A_652 = arith.constant 2 : i32
      %broadcast_in_dim3A_653 = vector.broadcast %broadcast_in_dim3A_652 : i32 to vector<16xi32>
      %gather3A_654 = tpu.vector_load_idx %arg6[%add3A_635, %broadcast_in_dim3A_653] : memref<640x128xf32, #tpu.memory_space<vmem>>[vector<16xi32>, vector<16xi32>], vector<16xf32>,
      %swap3A_655 = arith.constant 2 : i32
      %swap3A_656 = arith.index_cast %and3A_110 : i32 to index
      %swap3A_657 = arith.index_cast %swap3A_655 : i32 to index
      %swap3A_658 = arith.constant 32 : index
      %swap3A_659 = tpu.vector_load %arg7[%swap3A_656, %swap3A_657, %swap3A_658] {strides = array<i32>} : memref<2x32x128xf32, #tpu.memory_space<vmem>>, vector<16xf32>,
      tpu.vector_store %arg7[%swap3A_656, %swap3A_657, %swap3A_658], %gather3A_654 {strides = array<i32>} : memref<2x32x128xf32, #tpu.memory_space<vmem>>, vector<16xf32>,
      %broadcast_in_dim3A_660 = arith.constant 3 : i32
      %broadcast_in_dim3A_661 = vector.broadcast %broadcast_in_dim3A_660 : i32 to vector<16xi32>
      %gather3A_662 = tpu.vector_load_idx %arg6[%add3A_635, %broadcast_in_dim3A_661] : memref<640x128xf32, #tpu.memory_space<vmem>>[vector<16xi32>, vector<16xi32>], vector<16xf32>,
      %swap3A_663 = arith.constant 3 : i32
      %swap3A_664 = arith.index_cast %and3A_110 : i32 to index
      %swap3A_665 = arith.index_cast %swap3A_663 : i32 to index
      %swap3A_666 = arith.constant 32 : index
      %swap3A_667 = tpu.vector_load %arg7[%swap3A_664, %swap3A_665, %swap3A_666] {strides = array<i32>} : memref<2x32x128xf32, #tpu.memory_space<vmem>>, vector<16xf32>,
      tpu.vector_store %arg7[%swap3A_664, %swap3A_665, %swap3A_666], %gather3A_662 {strides = array<i32>} : memref<2x32x128xf32, #tpu.memory_space<vmem>>, vector<16xf32>,
      %broadcast_in_dim3A_668 = arith.constant 4 : i32
      %broadcast_in_dim3A_669 = vector.broadcast %broadcast_in_dim3A_668 : i32 to vector<16xi32>
      %gather3A_670 = tpu.vector_load_idx %arg6[%add3A_635, %broadcast_in_dim3A_669] : memref<640x128xf32, #tpu.memory_space<vmem>>[vector<16xi32>, vector<16xi32>], vector<16xf32>,
      %swap3A_671 = arith.constant 4 : i32
      %swap3A_672 = arith.index_cast %and3A_110 : i32 to index
      %swap3A_673 = arith.index_cast %swap3A_671 : i32 to index
      %swap3A_674 = arith.constant 32 : index
      %swap3A_675 = tpu.vector_load %arg7[%swap3A_672, %swap3A_673, %swap3A_674] {strides = array<i32>} : memref<2x32x128xf32, #tpu.memory_space<vmem>>, vector<16xf32>,
      tpu.vector_store %arg7[%swap3A_672, %swap3A_673, %swap3A_674], %gather3A_670 {strides = array<i32>} : memref<2x32x128xf32, #tpu.memory_space<vmem>>, vector<16xf32>,
      %broadcast_in_dim3A_676 = arith.constant 5 : i32
      %broadcast_in_dim3A_677 = vector.broadcast %broadcast_in_dim3A_676 : i32 to vector<16xi32>
      %gather3A_678 = tpu.vector_load_idx %arg6[%add3A_635, %broadcast_in_dim3A_677] : memref<640x128xf32, #tpu.memory_space<vmem>>[vector<16xi32>, vector<16xi32>], vector<16xf32>,
      %swap3A_679 = arith.constant 5 : i32
      %swap3A_680 = arith.index_cast %and3A_110 : i32 to index
      %swap3A_681 = arith.index_cast %swap3A_679 : i32 to index
      %swap3A_682 = arith.constant 32 : index
      %swap3A_683 = tpu.vector_load %arg7[%swap3A_680, %swap3A_681, %swap3A_682] {strides = array<i32>} : memref<2x32x128xf32, #tpu.memory_space<vmem>>, vector<16xf32>,
      tpu.vector_store %arg7[%swap3A_680, %swap3A_681, %swap3A_682], %gather3A_678 {strides = array<i32>} : memref<2x32x128xf32, #tpu.memory_space<vmem>>, vector<16xf32>,
      %broadcast_in_dim3A_684 = arith.constant 6 : i32
      %broadcast_in_dim3A_685 = vector.broadcast %broadcast_in_dim3A_684 : i32 to vector<16xi32>
      %gather3A_686 = tpu.vector_load_idx %arg6[%add3A_635, %broadcast_in_dim3A_685] : memref<640x128xf32, #tpu.memory_space<vmem>>[vector<16xi32>, vector<16xi32>], vector<16xf32>,
      %swap3A_687 = arith.constant 6 : i32
      %swap3A_688 = arith.index_cast %and3A_110 : i32 to index
      %swap3A_689 = arith.index_cast %swap3A_687 : i32 to index
      %swap3A_690 = arith.constant 32 : index
      %swap3A_691 = tpu.vector_load %arg7[%swap3A_688, %swap3A_689, %swap3A_690] {strides = array<i32>} : memref<2x32x128xf32, #tpu.memory_space<vmem>>, vector<16xf32>,
      tpu.vector_store %arg7[%swap3A_688, %swap3A_689, %swap3A_690], %gather3A_686 {strides = array<i32>} : memref<2x32x128xf32, #tpu.memory_space<vmem>>, vector<16xf32>,
      %broadcast_in_dim3A_692 = arith.constant 7 : i32
      %broadcast_in_dim3A_693 = vector.broadcast %broadcast_in_dim3A_692 : i32 to vector<16xi32>
      %gather3A_694 = tpu.vector_load_idx %arg6[%add3A_635, %broadcast_in_dim3A_693] : memref<640x128xf32, #tpu.memory_space<vmem>>[vector<16xi32>, vector<16xi32>], vector<16xf32>,
      %swap3A_695 = arith.constant 7 : i32
      %swap3A_696 = arith.index_cast %and3A_110 : i32 to index
      %swap3A_697 = arith.index_cast %swap3A_695 : i32 to index
      %swap3A_698 = arith.constant 32 : index
      %swap3A_699 = tpu.vector_load %arg7[%swap3A_696, %swap3A_697, %swap3A_698] {strides = array<i32>} : memref<2x32x128xf32, #tpu.memory_space<vmem>>, vector<16xf32>,
      tpu.vector_store %arg7[%swap3A_696, %swap3A_697, %swap3A_698], %gather3A_694 {strides = array<i32>} : memref<2x32x128xf32, #tpu.memory_space<vmem>>, vector<16xf32>,
      %broadcast_in_dim3A_700 = arith.constant 8 : i32
      %broadcast_in_dim3A_701 = vector.broadcast %broadcast_in_dim3A_700 : i32 to vector<16xi32>
      %gather3A_702 = tpu.vector_load_idx %arg6[%add3A_635, %broadcast_in_dim3A_701] : memref<640x128xf32, #tpu.memory_space<vmem>>[vector<16xi32>, vector<16xi32>], vector<16xf32>,
      %swap3A_703 = arith.constant 8 : i32
      %swap3A_704 = arith.index_cast %and3A_110 : i32 to index
      %swap3A_705 = arith.index_cast %swap3A_703 : i32 to index
      %swap3A_706 = arith.constant 32 : index
      %swap3A_707 = tpu.vector_load %arg7[%swap3A_704, %swap3A_705, %swap3A_706] {strides = array<i32>} : memref<2x32x128xf32, #tpu.memory_space<vmem>>, vector<16xf32>,
      tpu.vector_store %arg7[%swap3A_704, %swap3A_705, %swap3A_706], %gather3A_702 {strides = array<i32>} : memref<2x32x128xf32, #tpu.memory_space<vmem>>, vector<16xf32>,
      %broadcast_in_dim3A_708 = arith.constant 9 : i32
      %broadcast_in_dim3A_709 = vector.broadcast %broadcast_in_dim3A_708 : i32 to vector<16xi32>
      %gather3A_710 = tpu.vector_load_idx %arg6[%add3A_635, %broadcast_in_dim3A_709] : memref<640x128xf32, #tpu.memory_space<vmem>>[vector<16xi32>, vector<16xi32>], vector<16xf32>,
      %swap3A_711 = arith.constant 9 : i32
      %swap3A_712 = arith.index_cast %and3A_110 : i32 to index
      %swap3A_713 = arith.index_cast %swap3A_711 : i32 to index
      %swap3A_714 = arith.constant 32 : index
      %swap3A_715 = tpu.vector_load %arg7[%swap3A_712, %swap3A_713, %swap3A_714] {strides = array<i32>} : memref<2x32x128xf32, #tpu.memory_space<vmem>>, vector<16xf32>,
      tpu.vector_store %arg7[%swap3A_712, %swap3A_713, %swap3A_714], %gather3A_710 {strides = array<i32>} : memref<2x32x128xf32, #tpu.memory_space<vmem>>, vector<16xf32>,
      %broadcast_in_dim3A_716 = arith.constant 10 : i32
      %broadcast_in_dim3A_717 = vector.broadcast %broadcast_in_dim3A_716 : i32 to vector<16xi32>
      %gather3A_718 = tpu.vector_load_idx %arg6[%add3A_635, %broadcast_in_dim3A_717] : memref<640x128xf32, #tpu.memory_space<vmem>>[vector<16xi32>, vector<16xi32>], vector<16xf32>,
      %swap3A_719 = arith.constant 10 : i32
      %swap3A_720 = arith.index_cast %and3A_110 : i32 to index
      %swap3A_721 = arith.index_cast %swap3A_719 : i32 to index
      %swap3A_722 = arith.constant 32 : index
      %swap3A_723 = tpu.vector_load %arg7[%swap3A_720, %swap3A_721, %swap3A_722] {strides = array<i32>} : memref<2x32x128xf32, #tpu.memory_space<vmem>>, vector<16xf32>,
      tpu.vector_store %arg7[%swap3A_720, %swap3A_721, %swap3A_722], %gather3A_718 {strides = array<i32>} : memref<2x32x128xf32, #tpu.memory_space<vmem>>, vector<16xf32>,
      %broadcast_in_dim3A_724 = arith.constant 11 : i32
      %broadcast_in_dim3A_725 = vector.broadcast %broadcast_in_dim3A_724 : i32 to vector<16xi32>
      %gather3A_726 = tpu.vector_load_idx %arg6[%add3A_635, %broadcast_in_dim3A_725] : memref<640x128xf32, #tpu.memory_space<vmem>>[vector<16xi32>, vector<16xi32>], vector<16xf32>,
      %swap3A_727 = arith.constant 11 : i32
      %swap3A_728 = arith.index_cast %and3A_110 : i32 to index
      %swap3A_729 = arith.index_cast %swap3A_727 : i32 to index
      %swap3A_730 = arith.constant 32 : index
      %swap3A_731 = tpu.vector_load %arg7[%swap3A_728, %swap3A_729, %swap3A_730] {strides = array<i32>} : memref<2x32x128xf32, #tpu.memory_space<vmem>>, vector<16xf32>,
      tpu.vector_store %arg7[%swap3A_728, %swap3A_729, %swap3A_730], %gather3A_726 {strides = array<i32>} : memref<2x32x128xf32, #tpu.memory_space<vmem>>, vector<16xf32>,
      %broadcast_in_dim3A_732 = arith.constant 12 : i32
      %broadcast_in_dim3A_733 = vector.broadcast %broadcast_in_dim3A_732 : i32 to vector<16xi32>
      %gather3A_734 = tpu.vector_load_idx %arg6[%add3A_635, %broadcast_in_dim3A_733] : memref<640x128xf32, #tpu.memory_space<vmem>>[vector<16xi32>, vector<16xi32>], vector<16xf32>,
      %swap3A_735 = arith.constant 12 : i32
      %swap3A_736 = arith.index_cast %and3A_110 : i32 to index
      %swap3A_737 = arith.index_cast %swap3A_735 : i32 to index
      %swap3A_738 = arith.constant 32 : index
      %swap3A_739 = tpu.vector_load %arg7[%swap3A_736, %swap3A_737, %swap3A_738] {strides = array<i32>} : memref<2x32x128xf32, #tpu.memory_space<vmem>>, vector<16xf32>,
      tpu.vector_store %arg7[%swap3A_736, %swap3A_737, %swap3A_738], %gather3A_734 {strides = array<i32>} : memref<2x32x128xf32, #tpu.memory_space<vmem>>, vector<16xf32>,
      %broadcast_in_dim3A_740 = arith.constant 13 : i32
      %broadcast_in_dim3A_741 = vector.broadcast %broadcast_in_dim3A_740 : i32 to vector<16xi32>
      %gather3A_742 = tpu.vector_load_idx %arg6[%add3A_635, %broadcast_in_dim3A_741] : memref<640x128xf32, #tpu.memory_space<vmem>>[vector<16xi32>, vector<16xi32>], vector<16xf32>,
      %swap3A_743 = arith.constant 13 : i32
      %swap3A_744 = arith.index_cast %and3A_110 : i32 to index
      %swap3A_745 = arith.index_cast %swap3A_743 : i32 to index
      %swap3A_746 = arith.constant 32 : index
      %swap3A_747 = tpu.vector_load %arg7[%swap3A_744, %swap3A_745, %swap3A_746] {strides = array<i32>} : memref<2x32x128xf32, #tpu.memory_space<vmem>>, vector<16xf32>,
      tpu.vector_store %arg7[%swap3A_744, %swap3A_745, %swap3A_746], %gather3A_742 {strides = array<i32>} : memref<2x32x128xf32, #tpu.memory_space<vmem>>, vector<16xf32>,
      %broadcast_in_dim3A_748 = arith.constant 14 : i32
      %broadcast_in_dim3A_749 = vector.broadcast %broadcast_in_dim3A_748 : i32 to vector<16xi32>
      %gather3A_750 = tpu.vector_load_idx %arg6[%add3A_635, %broadcast_in_dim3A_749] : memref<640x128xf32, #tpu.memory_space<vmem>>[vector<16xi32>, vector<16xi32>], vector<16xf32>,
      %swap3A_751 = arith.constant 14 : i32
      %swap3A_752 = arith.index_cast %and3A_110 : i32 to index
      %swap3A_753 = arith.index_cast %swap3A_751 : i32 to index
      %swap3A_754 = arith.constant 32 : index
      %swap3A_755 = tpu.vector_load %arg7[%swap3A_752, %swap3A_753, %swap3A_754] {strides = array<i32>} : memref<2x32x128xf32, #tpu.memory_space<vmem>>, vector<16xf32>,
      tpu.vector_store %arg7[%swap3A_752, %swap3A_753, %swap3A_754], %gather3A_750 {strides = array<i32>} : memref<2x32x128xf32, #tpu.memory_space<vmem>>, vector<16xf32>,
      %broadcast_in_dim3A_756 = arith.constant 15 : i32
      %broadcast_in_dim3A_757 = vector.broadcast %broadcast_in_dim3A_756 : i32 to vector<16xi32>
      %gather3A_758 = tpu.vector_load_idx %arg6[%add3A_635, %broadcast_in_dim3A_757] : memref<640x128xf32, #tpu.memory_space<vmem>>[vector<16xi32>, vector<16xi32>], vector<16xf32>,
      %swap3A_759 = arith.constant 15 : i32
      %swap3A_760 = arith.index_cast %and3A_110 : i32 to index
      %swap3A_761 = arith.index_cast %swap3A_759 : i32 to index
      %swap3A_762 = arith.constant 32 : index
      %swap3A_763 = tpu.vector_load %arg7[%swap3A_760, %swap3A_761, %swap3A_762] {strides = array<i32>} : memref<2x32x128xf32, #tpu.memory_space<vmem>>, vector<16xf32>,
      tpu.vector_store %arg7[%swap3A_760, %swap3A_761, %swap3A_762], %gather3A_758 {strides = array<i32>} : memref<2x32x128xf32, #tpu.memory_space<vmem>>, vector<16xf32>,
      %broadcast_in_dim3A_764 = arith.constant 16 : i32
      %broadcast_in_dim3A_765 = vector.broadcast %broadcast_in_dim3A_764 : i32 to vector<16xi32>
      %gather3A_766 = tpu.vector_load_idx %arg6[%add3A_635, %broadcast_in_dim3A_765] : memref<640x128xf32, #tpu.memory_space<vmem>>[vector<16xi32>, vector<16xi32>], vector<16xf32>,
      %swap3A_767 = arith.constant 16 : i32
      %swap3A_768 = arith.index_cast %and3A_110 : i32 to index
      %swap3A_769 = arith.index_cast %swap3A_767 : i32 to index
      %swap3A_770 = arith.constant 32 : index
      %swap3A_771 = tpu.vector_load %arg7[%swap3A_768, %swap3A_769, %swap3A_770] {strides = array<i32>} : memref<2x32x128xf32, #tpu.memory_space<vmem>>, vector<16xf32>,
      tpu.vector_store %arg7[%swap3A_768, %swap3A_769, %swap3A_770], %gather3A_766 {strides = array<i32>} : memref<2x32x128xf32, #tpu.memory_space<vmem>>, vector<16xf32>,
      %broadcast_in_dim3A_772 = arith.constant 17 : i32
      %broadcast_in_dim3A_773 = vector.broadcast %broadcast_in_dim3A_772 : i32 to vector<16xi32>
      %gather3A_774 = tpu.vector_load_idx %arg6[%add3A_635, %broadcast_in_dim3A_773] : memref<640x128xf32, #tpu.memory_space<vmem>>[vector<16xi32>, vector<16xi32>], vector<16xf32>,
      %swap3A_775 = arith.constant 17 : i32
      %swap3A_776 = arith.index_cast %and3A_110 : i32 to index
      %swap3A_777 = arith.index_cast %swap3A_775 : i32 to index
      %swap3A_778 = arith.constant 32 : index
      %swap3A_779 = tpu.vector_load %arg7[%swap3A_776, %swap3A_777, %swap3A_778] {strides = array<i32>} : memref<2x32x128xf32, #tpu.memory_space<vmem>>, vector<16xf32>,
      tpu.vector_store %arg7[%swap3A_776, %swap3A_777, %swap3A_778], %gather3A_774 {strides = array<i32>} : memref<2x32x128xf32, #tpu.memory_space<vmem>>, vector<16xf32>,
      %broadcast_in_dim3A_780 = arith.constant 18 : i32
      %broadcast_in_dim3A_781 = vector.broadcast %broadcast_in_dim3A_780 : i32 to vector<16xi32>
      %gather3A_782 = tpu.vector_load_idx %arg6[%add3A_635, %broadcast_in_dim3A_781] : memref<640x128xf32, #tpu.memory_space<vmem>>[vector<16xi32>, vector<16xi32>], vector<16xf32>,
      %swap3A_783 = arith.constant 18 : i32
      %swap3A_784 = arith.index_cast %and3A_110 : i32 to index
      %swap3A_785 = arith.index_cast %swap3A_783 : i32 to index
      %swap3A_786 = arith.constant 32 : index
      %swap3A_787 = tpu.vector_load %arg7[%swap3A_784, %swap3A_785, %swap3A_786] {strides = array<i32>} : memref<2x32x128xf32, #tpu.memory_space<vmem>>, vector<16xf32>,
      tpu.vector_store %arg7[%swap3A_784, %swap3A_785, %swap3A_786], %gather3A_782 {strides = array<i32>} : memref<2x32x128xf32, #tpu.memory_space<vmem>>, vector<16xf32>,
      %broadcast_in_dim3A_788 = arith.constant 19 : i32
      %broadcast_in_dim3A_789 = vector.broadcast %broadcast_in_dim3A_788 : i32 to vector<16xi32>
      %gather3A_790 = tpu.vector_load_idx %arg6[%add3A_635, %broadcast_in_dim3A_789] : memref<640x128xf32, #tpu.memory_space<vmem>>[vector<16xi32>, vector<16xi32>], vector<16xf32>,
      %swap3A_791 = arith.constant 19 : i32
      %swap3A_792 = arith.index_cast %and3A_110 : i32 to index
      %swap3A_793 = arith.index_cast %swap3A_791 : i32 to index
      %swap3A_794 = arith.constant 32 : index
      %swap3A_795 = tpu.vector_load %arg7[%swap3A_792, %swap3A_793, %swap3A_794] {strides = array<i32>} : memref<2x32x128xf32, #tpu.memory_space<vmem>>, vector<16xf32>,
      tpu.vector_store %arg7[%swap3A_792, %swap3A_793, %swap3A_794], %gather3A_790 {strides = array<i32>} : memref<2x32x128xf32, #tpu.memory_space<vmem>>, vector<16xf32>,
      %broadcast_in_dim3A_796 = arith.constant 20 : i32
      %broadcast_in_dim3A_797 = vector.broadcast %broadcast_in_dim3A_796 : i32 to vector<16xi32>
      %gather3A_798 = tpu.vector_load_idx %arg6[%add3A_635, %broadcast_in_dim3A_797] : memref<640x128xf32, #tpu.memory_space<vmem>>[vector<16xi32>, vector<16xi32>], vector<16xf32>,
      %swap3A_799 = arith.constant 20 : i32
      %swap3A_800 = arith.index_cast %and3A_110 : i32 to index
      %swap3A_801 = arith.index_cast %swap3A_799 : i32 to index
      %swap3A_802 = arith.constant 32 : index
      %swap3A_803 = tpu.vector_load %arg7[%swap3A_800, %swap3A_801, %swap3A_802] {strides = array<i32>} : memref<2x32x128xf32, #tpu.memory_space<vmem>>, vector<16xf32>,
      tpu.vector_store %arg7[%swap3A_800, %swap3A_801, %swap3A_802], %gather3A_798 {strides = array<i32>} : memref<2x32x128xf32, #tpu.memory_space<vmem>>, vector<16xf32>,
      %broadcast_in_dim3A_804 = arith.constant 21 : i32
      %broadcast_in_dim3A_805 = vector.broadcast %broadcast_in_dim3A_804 : i32 to vector<16xi32>
      %gather3A_806 = tpu.vector_load_idx %arg6[%add3A_635, %broadcast_in_dim3A_805] : memref<640x128xf32, #tpu.memory_space<vmem>>[vector<16xi32>, vector<16xi32>], vector<16xf32>,
      %swap3A_807 = arith.constant 21 : i32
      %swap3A_808 = arith.index_cast %and3A_110 : i32 to index
      %swap3A_809 = arith.index_cast %swap3A_807 : i32 to index
      %swap3A_810 = arith.constant 32 : index
      %swap3A_811 = tpu.vector_load %arg7[%swap3A_808, %swap3A_809, %swap3A_810] {strides = array<i32>} : memref<2x32x128xf32, #tpu.memory_space<vmem>>, vector<16xf32>,
      tpu.vector_store %arg7[%swap3A_808, %swap3A_809, %swap3A_810], %gather3A_806 {strides = array<i32>} : memref<2x32x128xf32, #tpu.memory_space<vmem>>, vector<16xf32>,
      %broadcast_in_dim3A_812 = arith.constant 22 : i32
      %broadcast_in_dim3A_813 = vector.broadcast %broadcast_in_dim3A_812 : i32 to vector<16xi32>
      %gather3A_814 = tpu.vector_load_idx %arg6[%add3A_635, %broadcast_in_dim3A_813] : memref<640x128xf32, #tpu.memory_space<vmem>>[vector<16xi32>, vector<16xi32>], vector<16xf32>,
      %swap3A_815 = arith.constant 22 : i32
      %swap3A_816 = arith.index_cast %and3A_110 : i32 to index
      %swap3A_817 = arith.index_cast %swap3A_815 : i32 to index
      %swap3A_818 = arith.constant 32 : index
      %swap3A_819 = tpu.vector_load %arg7[%swap3A_816, %swap3A_817, %swap3A_818] {strides = array<i32>} : memref<2x32x128xf32, #tpu.memory_space<vmem>>, vector<16xf32>,
      tpu.vector_store %arg7[%swap3A_816, %swap3A_817, %swap3A_818], %gather3A_814 {strides = array<i32>} : memref<2x32x128xf32, #tpu.memory_space<vmem>>, vector<16xf32>,
      %broadcast_in_dim3A_820 = arith.constant 23 : i32
      %broadcast_in_dim3A_821 = vector.broadcast %broadcast_in_dim3A_820 : i32 to vector<16xi32>
      %gather3A_822 = tpu.vector_load_idx %arg6[%add3A_635, %broadcast_in_dim3A_821] : memref<640x128xf32, #tpu.memory_space<vmem>>[vector<16xi32>, vector<16xi32>], vector<16xf32>,
      %swap3A_823 = arith.constant 23 : i32
      %swap3A_824 = arith.index_cast %and3A_110 : i32 to index
      %swap3A_825 = arith.index_cast %swap3A_823 : i32 to index
      %swap3A_826 = arith.constant 32 : index
      %swap3A_827 = tpu.vector_load %arg7[%swap3A_824, %swap3A_825, %swap3A_826] {strides = array<i32>} : memref<2x32x128xf32, #tpu.memory_space<vmem>>, vector<16xf32>,
      tpu.vector_store %arg7[%swap3A_824, %swap3A_825, %swap3A_826], %gather3A_822 {strides = array<i32>} : memref<2x32x128xf32, #tpu.memory_space<vmem>>, vector<16xf32>,
      %broadcast_in_dim3A_828 = arith.constant 24 : i32
      %broadcast_in_dim3A_829 = vector.broadcast %broadcast_in_dim3A_828 : i32 to vector<16xi32>
      %gather3A_830 = tpu.vector_load_idx %arg6[%add3A_635, %broadcast_in_dim3A_829] : memref<640x128xf32, #tpu.memory_space<vmem>>[vector<16xi32>, vector<16xi32>], vector<16xf32>,
      %swap3A_831 = arith.constant 24 : i32
      %swap3A_832 = arith.index_cast %and3A_110 : i32 to index
      %swap3A_833 = arith.index_cast %swap3A_831 : i32 to index
      %swap3A_834 = arith.constant 32 : index
      %swap3A_835 = tpu.vector_load %arg7[%swap3A_832, %swap3A_833, %swap3A_834] {strides = array<i32>} : memref<2x32x128xf32, #tpu.memory_space<vmem>>, vector<16xf32>,
      tpu.vector_store %arg7[%swap3A_832, %swap3A_833, %swap3A_834], %gather3A_830 {strides = array<i32>} : memref<2x32x128xf32, #tpu.memory_space<vmem>>, vector<16xf32>,
      %broadcast_in_dim3A_836 = arith.constant 25 : i32
      %broadcast_in_dim3A_837 = vector.broadcast %broadcast_in_dim3A_836 : i32 to vector<16xi32>
      %gather3A_838 = tpu.vector_load_idx %arg6[%add3A_635, %broadcast_in_dim3A_837] : memref<640x128xf32, #tpu.memory_space<vmem>>[vector<16xi32>, vector<16xi32>], vector<16xf32>,
      %swap3A_839 = arith.constant 25 : i32
      %swap3A_840 = arith.index_cast %and3A_110 : i32 to index
      %swap3A_841 = arith.index_cast %swap3A_839 : i32 to index
      %swap3A_842 = arith.constant 32 : index
      %swap3A_843 = tpu.vector_load %arg7[%swap3A_840, %swap3A_841, %swap3A_842] {strides = array<i32>} : memref<2x32x128xf32, #tpu.memory_space<vmem>>, vector<16xf32>,
      tpu.vector_store %arg7[%swap3A_840, %swap3A_841, %swap3A_842], %gather3A_838 {strides = array<i32>} : memref<2x32x128xf32, #tpu.memory_space<vmem>>, vector<16xf32>,
      %broadcast_in_dim3A_844 = arith.constant 26 : i32
      %broadcast_in_dim3A_845 = vector.broadcast %broadcast_in_dim3A_844 : i32 to vector<16xi32>
      %gather3A_846 = tpu.vector_load_idx %arg6[%add3A_635, %broadcast_in_dim3A_845] : memref<640x128xf32, #tpu.memory_space<vmem>>[vector<16xi32>, vector<16xi32>], vector<16xf32>,
      %swap3A_847 = arith.constant 26 : i32
      %swap3A_848 = arith.index_cast %and3A_110 : i32 to index
      %swap3A_849 = arith.index_cast %swap3A_847 : i32 to index
      %swap3A_850 = arith.constant 32 : index
      %swap3A_851 = tpu.vector_load %arg7[%swap3A_848, %swap3A_849, %swap3A_850] {strides = array<i32>} : memref<2x32x128xf32, #tpu.memory_space<vmem>>, vector<16xf32>,
      tpu.vector_store %arg7[%swap3A_848, %swap3A_849, %swap3A_850], %gather3A_846 {strides = array<i32>} : memref<2x32x128xf32, #tpu.memory_space<vmem>>, vector<16xf32>,
      %broadcast_in_dim3A_852 = arith.constant 27 : i32
      %broadcast_in_dim3A_853 = vector.broadcast %broadcast_in_dim3A_852 : i32 to vector<16xi32>
      %gather3A_854 = tpu.vector_load_idx %arg6[%add3A_635, %broadcast_in_dim3A_853] : memref<640x128xf32, #tpu.memory_space<vmem>>[vector<16xi32>, vector<16xi32>], vector<16xf32>,
      %swap3A_855 = arith.constant 27 : i32
      %swap3A_856 = arith.index_cast %and3A_110 : i32 to index
      %swap3A_857 = arith.index_cast %swap3A_855 : i32 to index
      %swap3A_858 = arith.constant 32 : index
      %swap3A_859 = tpu.vector_load %arg7[%swap3A_856, %swap3A_857, %swap3A_858] {strides = array<i32>} : memref<2x32x128xf32, #tpu.memory_space<vmem>>, vector<16xf32>,
      tpu.vector_store %arg7[%swap3A_856, %swap3A_857, %swap3A_858], %gather3A_854 {strides = array<i32>} : memref<2x32x128xf32, #tpu.memory_space<vmem>>, vector<16xf32>,
      %broadcast_in_dim3A_860 = arith.constant 28 : i32
      %broadcast_in_dim3A_861 = vector.broadcast %broadcast_in_dim3A_860 : i32 to vector<16xi32>
      %gather3A_862 = tpu.vector_load_idx %arg6[%add3A_635, %broadcast_in_dim3A_861] : memref<640x128xf32, #tpu.memory_space<vmem>>[vector<16xi32>, vector<16xi32>], vector<16xf32>,
      %swap3A_863 = arith.constant 28 : i32
      %swap3A_864 = arith.index_cast %and3A_110 : i32 to index
      %swap3A_865 = arith.index_cast %swap3A_863 : i32 to index
      %swap3A_866 = arith.constant 32 : index
      %swap3A_867 = tpu.vector_load %arg7[%swap3A_864, %swap3A_865, %swap3A_866] {strides = array<i32>} : memref<2x32x128xf32, #tpu.memory_space<vmem>>, vector<16xf32>,
      tpu.vector_store %arg7[%swap3A_864, %swap3A_865, %swap3A_866], %gather3A_862 {strides = array<i32>} : memref<2x32x128xf32, #tpu.memory_space<vmem>>, vector<16xf32>,
      %broadcast_in_dim3A_868 = arith.constant 29 : i32
      %broadcast_in_dim3A_869 = vector.broadcast %broadcast_in_dim3A_868 : i32 to vector<16xi32>
      %gather3A_870 = tpu.vector_load_idx %arg6[%add3A_635, %broadcast_in_dim3A_869] : memref<640x128xf32, #tpu.memory_space<vmem>>[vector<16xi32>, vector<16xi32>], vector<16xf32>,
      %swap3A_871 = arith.constant 29 : i32
      %swap3A_872 = arith.index_cast %and3A_110 : i32 to index
      %swap3A_873 = arith.index_cast %swap3A_871 : i32 to index
      %swap3A_874 = arith.constant 32 : index
      %swap3A_875 = tpu.vector_load %arg7[%swap3A_872, %swap3A_873, %swap3A_874] {strides = array<i32>} : memref<2x32x128xf32, #tpu.memory_space<vmem>>, vector<16xf32>,
      tpu.vector_store %arg7[%swap3A_872, %swap3A_873, %swap3A_874], %gather3A_870 {strides = array<i32>} : memref<2x32x128xf32, #tpu.memory_space<vmem>>, vector<16xf32>,
      %broadcast_in_dim3A_876 = arith.constant 30 : i32
      %broadcast_in_dim3A_877 = vector.broadcast %broadcast_in_dim3A_876 : i32 to vector<16xi32>
      %gather3A_878 = tpu.vector_load_idx %arg6[%add3A_635, %broadcast_in_dim3A_877] : memref<640x128xf32, #tpu.memory_space<vmem>>[vector<16xi32>, vector<16xi32>], vector<16xf32>,
      %swap3A_879 = arith.constant 30 : i32
      %swap3A_880 = arith.index_cast %and3A_110 : i32 to index
      %swap3A_881 = arith.index_cast %swap3A_879 : i32 to index
      %swap3A_882 = arith.constant 32 : index
      %swap3A_883 = tpu.vector_load %arg7[%swap3A_880, %swap3A_881, %swap3A_882] {strides = array<i32>} : memref<2x32x128xf32, #tpu.memory_space<vmem>>, vector<16xf32>,
      tpu.vector_store %arg7[%swap3A_880, %swap3A_881, %swap3A_882], %gather3A_878 {strides = array<i32>} : memref<2x32x128xf32, #tpu.memory_space<vmem>>, vector<16xf32>,
      %broadcast_in_dim3A_884 = arith.constant 31 : i32
      %broadcast_in_dim3A_885 = vector.broadcast %broadcast_in_dim3A_884 : i32 to vector<16xi32>
      %gather3A_886 = tpu.vector_load_idx %arg6[%add3A_635, %broadcast_in_dim3A_885] : memref<640x128xf32, #tpu.memory_space<vmem>>[vector<16xi32>, vector<16xi32>], vector<16xf32>,
      %swap3A_887 = arith.constant 31 : i32
      %swap3A_888 = arith.index_cast %and3A_110 : i32 to index
      %swap3A_889 = arith.index_cast %swap3A_887 : i32 to index
      %swap3A_890 = arith.constant 32 : index
      %swap3A_891 = tpu.vector_load %arg7[%swap3A_888, %swap3A_889, %swap3A_890] {strides = array<i32>} : memref<2x32x128xf32, #tpu.memory_space<vmem>>, vector<16xf32>,
      tpu.vector_store %arg7[%swap3A_888, %swap3A_889, %swap3A_890], %gather3A_886 {strides = array<i32>} : memref<2x32x128xf32, #tpu.memory_space<vmem>>, vector<16xf32>,
      %add3A_892 = arith.constant 48 : i32
      %add3A_893 = arith.addi %mul3A_114, %add3A_892 : i32
      %add3A_894 = vector.broadcast %add3A_893 : i32 to vector<16xi32>
      %add3A_895 = arith.addi %add3A_894, %iota3A : vector<16xi32>
      %broadcast_in_dim3A_896 = arith.constant 0 : i32
      %broadcast_in_dim3A_897 = vector.broadcast %broadcast_in_dim3A_896 : i32 to vector<16xi32>
      %gather3A_898 = tpu.vector_load_idx %arg6[%add3A_895, %broadcast_in_dim3A_897] : memref<640x128xf32, #tpu.memory_space<vmem>>[vector<16xi32>, vector<16xi32>], vector<16xf32>,
      %swap3A_899 = arith.constant 0 : i32
      %swap3A_900 = arith.index_cast %and3A_110 : i32 to index
      %swap3A_901 = arith.index_cast %swap3A_899 : i32 to index
      %swap3A_902 = arith.constant 48 : index
      %swap3A_903 = tpu.vector_load %arg7[%swap3A_900, %swap3A_901, %swap3A_902] {strides = array<i32>} : memref<2x32x128xf32, #tpu.memory_space<vmem>>, vector<16xf32>,
      tpu.vector_store %arg7[%swap3A_900, %swap3A_901, %swap3A_902], %gather3A_898 {strides = array<i32>} : memref<2x32x128xf32, #tpu.memory_space<vmem>>, vector<16xf32>,
      %broadcast_in_dim3A_904 = arith.constant 1 : i32
      %broadcast_in_dim3A_905 = vector.broadcast %broadcast_in_dim3A_904 : i32 to vector<16xi32>
      %gather3A_906 = tpu.vector_load_idx %arg6[%add3A_895, %broadcast_in_dim3A_905] : memref<640x128xf32, #tpu.memory_space<vmem>>[vector<16xi32>, vector<16xi32>], vector<16xf32>,
      %swap3A_907 = arith.constant 1 : i32
      %swap3A_908 = arith.index_cast %and3A_110 : i32 to index
      %swap3A_909 = arith.index_cast %swap3A_907 : i32 to index
      %swap3A_910 = arith.constant 48 : index
      %swap3A_911 = tpu.vector_load %arg7[%swap3A_908, %swap3A_909, %swap3A_910] {strides = array<i32>} : memref<2x32x128xf32, #tpu.memory_space<vmem>>, vector<16xf32>,
      tpu.vector_store %arg7[%swap3A_908, %swap3A_909, %swap3A_910], %gather3A_906 {strides = array<i32>} : memref<2x32x128xf32, #tpu.memory_space<vmem>>, vector<16xf32>,
      %broadcast_in_dim3A_912 = arith.constant 2 : i32
      %broadcast_in_dim3A_913 = vector.broadcast %broadcast_in_dim3A_912 : i32 to vector<16xi32>
      %gather3A_914 = tpu.vector_load_idx %arg6[%add3A_895, %broadcast_in_dim3A_913] : memref<640x128xf32, #tpu.memory_space<vmem>>[vector<16xi32>, vector<16xi32>], vector<16xf32>,
      %swap3A_915 = arith.constant 2 : i32
      %swap3A_916 = arith.index_cast %and3A_110 : i32 to index
      %swap3A_917 = arith.index_cast %swap3A_915 : i32 to index
      %swap3A_918 = arith.constant 48 : index
      %swap3A_919 = tpu.vector_load %arg7[%swap3A_916, %swap3A_917, %swap3A_918] {strides = array<i32>} : memref<2x32x128xf32, #tpu.memory_space<vmem>>, vector<16xf32>,
      tpu.vector_store %arg7[%swap3A_916, %swap3A_917, %swap3A_918], %gather3A_914 {strides = array<i32>} : memref<2x32x128xf32, #tpu.memory_space<vmem>>, vector<16xf32>,
      %broadcast_in_dim3A_920 = arith.constant 3 : i32
      %broadcast_in_dim3A_921 = vector.broadcast %broadcast_in_dim3A_920 : i32 to vector<16xi32>
      %gather3A_922 = tpu.vector_load_idx %arg6[%add3A_895, %broadcast_in_dim3A_921] : memref<640x128xf32, #tpu.memory_space<vmem>>[vector<16xi32>, vector<16xi32>], vector<16xf32>,
      %swap3A_923 = arith.constant 3 : i32
      %swap3A_924 = arith.index_cast %and3A_110 : i32 to index
      %swap3A_925 = arith.index_cast %swap3A_923 : i32 to index
      %swap3A_926 = arith.constant 48 : index
      %swap3A_927 = tpu.vector_load %arg7[%swap3A_924, %swap3A_925, %swap3A_926] {strides = array<i32>} : memref<2x32x128xf32, #tpu.memory_space<vmem>>, vector<16xf32>,
      tpu.vector_store %arg7[%swap3A_924, %swap3A_925, %swap3A_926], %gather3A_922 {strides = array<i32>} : memref<2x32x128xf32, #tpu.memory_space<vmem>>, vector<16xf32>,
      %broadcast_in_dim3A_928 = arith.constant 4 : i32
      %broadcast_in_dim3A_929 = vector.broadcast %broadcast_in_dim3A_928 : i32 to vector<16xi32>
      %gather3A_930 = tpu.vector_load_idx %arg6[%add3A_895, %broadcast_in_dim3A_929] : memref<640x128xf32, #tpu.memory_space<vmem>>[vector<16xi32>, vector<16xi32>], vector<16xf32>,
      %swap3A_931 = arith.constant 4 : i32
      %swap3A_932 = arith.index_cast %and3A_110 : i32 to index
      %swap3A_933 = arith.index_cast %swap3A_931 : i32 to index
      %swap3A_934 = arith.constant 48 : index
      %swap3A_935 = tpu.vector_load %arg7[%swap3A_932, %swap3A_933, %swap3A_934] {strides = array<i32>} : memref<2x32x128xf32, #tpu.memory_space<vmem>>, vector<16xf32>,
      tpu.vector_store %arg7[%swap3A_932, %swap3A_933, %swap3A_934], %gather3A_930 {strides = array<i32>} : memref<2x32x128xf32, #tpu.memory_space<vmem>>, vector<16xf32>,
      %broadcast_in_dim3A_936 = arith.constant 5 : i32
      %broadcast_in_dim3A_937 = vector.broadcast %broadcast_in_dim3A_936 : i32 to vector<16xi32>
      %gather3A_938 = tpu.vector_load_idx %arg6[%add3A_895, %broadcast_in_dim3A_937] : memref<640x128xf32, #tpu.memory_space<vmem>>[vector<16xi32>, vector<16xi32>], vector<16xf32>,
      %swap3A_939 = arith.constant 5 : i32
      %swap3A_940 = arith.index_cast %and3A_110 : i32 to index
      %swap3A_941 = arith.index_cast %swap3A_939 : i32 to index
      %swap3A_942 = arith.constant 48 : index
      %swap3A_943 = tpu.vector_load %arg7[%swap3A_940, %swap3A_941, %swap3A_942] {strides = array<i32>} : memref<2x32x128xf32, #tpu.memory_space<vmem>>, vector<16xf32>,
      tpu.vector_store %arg7[%swap3A_940, %swap3A_941, %swap3A_942], %gather3A_938 {strides = array<i32>} : memref<2x32x128xf32, #tpu.memory_space<vmem>>, vector<16xf32>,
      %broadcast_in_dim3A_944 = arith.constant 6 : i32
      %broadcast_in_dim3A_945 = vector.broadcast %broadcast_in_dim3A_944 : i32 to vector<16xi32>
      %gather3A_946 = tpu.vector_load_idx %arg6[%add3A_895, %broadcast_in_dim3A_945] : memref<640x128xf32, #tpu.memory_space<vmem>>[vector<16xi32>, vector<16xi32>], vector<16xf32>,
      %swap3A_947 = arith.constant 6 : i32
      %swap3A_948 = arith.index_cast %and3A_110 : i32 to index
      %swap3A_949 = arith.index_cast %swap3A_947 : i32 to index
      %swap3A_950 = arith.constant 48 : index
      %swap3A_951 = tpu.vector_load %arg7[%swap3A_948, %swap3A_949, %swap3A_950] {strides = array<i32>} : memref<2x32x128xf32, #tpu.memory_space<vmem>>, vector<16xf32>,
      tpu.vector_store %arg7[%swap3A_948, %swap3A_949, %swap3A_950], %gather3A_946 {strides = array<i32>} : memref<2x32x128xf32, #tpu.memory_space<vmem>>, vector<16xf32>,
      %broadcast_in_dim3A_952 = arith.constant 7 : i32
      %broadcast_in_dim3A_953 = vector.broadcast %broadcast_in_dim3A_952 : i32 to vector<16xi32>
      %gather3A_954 = tpu.vector_load_idx %arg6[%add3A_895, %broadcast_in_dim3A_953] : memref<640x128xf32, #tpu.memory_space<vmem>>[vector<16xi32>, vector<16xi32>], vector<16xf32>,
      %swap3A_955 = arith.constant 7 : i32
      %swap3A_956 = arith.index_cast %and3A_110 : i32 to index
      %swap3A_957 = arith.index_cast %swap3A_955 : i32 to index
      %swap3A_958 = arith.constant 48 : index
      %swap3A_959 = tpu.vector_load %arg7[%swap3A_956, %swap3A_957, %swap3A_958] {strides = array<i32>} : memref<2x32x128xf32, #tpu.memory_space<vmem>>, vector<16xf32>,
      tpu.vector_store %arg7[%swap3A_956, %swap3A_957, %swap3A_958], %gather3A_954 {strides = array<i32>} : memref<2x32x128xf32, #tpu.memory_space<vmem>>, vector<16xf32>,
      %broadcast_in_dim3A_960 = arith.constant 8 : i32
      %broadcast_in_dim3A_961 = vector.broadcast %broadcast_in_dim3A_960 : i32 to vector<16xi32>
      %gather3A_962 = tpu.vector_load_idx %arg6[%add3A_895, %broadcast_in_dim3A_961] : memref<640x128xf32, #tpu.memory_space<vmem>>[vector<16xi32>, vector<16xi32>], vector<16xf32>,
      %swap3A_963 = arith.constant 8 : i32
      %swap3A_964 = arith.index_cast %and3A_110 : i32 to index
      %swap3A_965 = arith.index_cast %swap3A_963 : i32 to index
      %swap3A_966 = arith.constant 48 : index
      %swap3A_967 = tpu.vector_load %arg7[%swap3A_964, %swap3A_965, %swap3A_966] {strides = array<i32>} : memref<2x32x128xf32, #tpu.memory_space<vmem>>, vector<16xf32>,
      tpu.vector_store %arg7[%swap3A_964, %swap3A_965, %swap3A_966], %gather3A_962 {strides = array<i32>} : memref<2x32x128xf32, #tpu.memory_space<vmem>>, vector<16xf32>,
      %broadcast_in_dim3A_968 = arith.constant 9 : i32
      %broadcast_in_dim3A_969 = vector.broadcast %broadcast_in_dim3A_968 : i32 to vector<16xi32>
      %gather3A_970 = tpu.vector_load_idx %arg6[%add3A_895, %broadcast_in_dim3A_969] : memref<640x128xf32, #tpu.memory_space<vmem>>[vector<16xi32>, vector<16xi32>], vector<16xf32>,
      %swap3A_971 = arith.constant 9 : i32
      %swap3A_972 = arith.index_cast %and3A_110 : i32 to index
      %swap3A_973 = arith.index_cast %swap3A_971 : i32 to index
      %swap3A_974 = arith.constant 48 : index
      %swap3A_975 = tpu.vector_load %arg7[%swap3A_972, %swap3A_973, %swap3A_974] {strides = array<i32>} : memref<2x32x128xf32, #tpu.memory_space<vmem>>, vector<16xf32>,
      tpu.vector_store %arg7[%swap3A_972, %swap3A_973, %swap3A_974], %gather3A_970 {strides = array<i32>} : memref<2x32x128xf32, #tpu.memory_space<vmem>>, vector<16xf32>,
      %broadcast_in_dim3A_976 = arith.constant 10 : i32
      %broadcast_in_dim3A_977 = vector.broadcast %broadcast_in_dim3A_976 : i32 to vector<16xi32>
      %gather3A_978 = tpu.vector_load_idx %arg6[%add3A_895, %broadcast_in_dim3A_977] : memref<640x128xf32, #tpu.memory_space<vmem>>[vector<16xi32>, vector<16xi32>], vector<16xf32>,
      %swap3A_979 = arith.constant 10 : i32
      %swap3A_980 = arith.index_cast %and3A_110 : i32 to index
      %swap3A_981 = arith.index_cast %swap3A_979 : i32 to index
      %swap3A_982 = arith.constant 48 : index
      %swap3A_983 = tpu.vector_load %arg7[%swap3A_980, %swap3A_981, %swap3A_982] {strides = array<i32>} : memref<2x32x128xf32, #tpu.memory_space<vmem>>, vector<16xf32>,
      tpu.vector_store %arg7[%swap3A_980, %swap3A_981, %swap3A_982], %gather3A_978 {strides = array<i32>} : memref<2x32x128xf32, #tpu.memory_space<vmem>>, vector<16xf32>,
      %broadcast_in_dim3A_984 = arith.constant 11 : i32
      %broadcast_in_dim3A_985 = vector.broadcast %broadcast_in_dim3A_984 : i32 to vector<16xi32>
      %gather3A_986 = tpu.vector_load_idx %arg6[%add3A_895, %broadcast_in_dim3A_985] : memref<640x128xf32, #tpu.memory_space<vmem>>[vector<16xi32>, vector<16xi32>], vector<16xf32>,
      %swap3A_987 = arith.constant 11 : i32
      %swap3A_988 = arith.index_cast %and3A_110 : i32 to index
      %swap3A_989 = arith.index_cast %swap3A_987 : i32 to index
      %swap3A_990 = arith.constant 48 : index
      %swap3A_991 = tpu.vector_load %arg7[%swap3A_988, %swap3A_989, %swap3A_990] {strides = array<i32>} : memref<2x32x128xf32, #tpu.memory_space<vmem>>, vector<16xf32>,
      tpu.vector_store %arg7[%swap3A_988, %swap3A_989, %swap3A_990], %gather3A_986 {strides = array<i32>} : memref<2x32x128xf32, #tpu.memory_space<vmem>>, vector<16xf32>,
      %broadcast_in_dim3A_992 = arith.constant 12 : i32
      %broadcast_in_dim3A_993 = vector.broadcast %broadcast_in_dim3A_992 : i32 to vector<16xi32>
      %gather3A_994 = tpu.vector_load_idx %arg6[%add3A_895, %broadcast_in_dim3A_993] : memref<640x128xf32, #tpu.memory_space<vmem>>[vector<16xi32>, vector<16xi32>], vector<16xf32>,
      %swap3A_995 = arith.constant 12 : i32
      %swap3A_996 = arith.index_cast %and3A_110 : i32 to index
      %swap3A_997 = arith.index_cast %swap3A_995 : i32 to index
      %swap3A_998 = arith.constant 48 : index
      %swap3A_999 = tpu.vector_load %arg7[%swap3A_996, %swap3A_997, %swap3A_998] {strides = array<i32>} : memref<2x32x128xf32, #tpu.memory_space<vmem>>, vector<16xf32>,
      tpu.vector_store %arg7[%swap3A_996, %swap3A_997, %swap3A_998], %gather3A_994 {strides = array<i32>} : memref<2x32x128xf32, #tpu.memory_space<vmem>>, vector<16xf32>,
      %broadcast_in_dim3A_1000 = arith.constant 13 : i32
      %broadcast_in_dim3A_1001 = vector.broadcast %broadcast_in_dim3A_1000 : i32 to vector<16xi32>
      %gather3A_1002 = tpu.vector_load_idx %arg6[%add3A_895, %broadcast_in_dim3A_1001] : memref<640x128xf32, #tpu.memory_space<vmem>>[vector<16xi32>, vector<16xi32>], vector<16xf32>,
      %swap3A_1003 = arith.constant 13 : i32
      %swap3A_1004 = arith.index_cast %and3A_110 : i32 to index
      %swap3A_1005 = arith.index_cast %swap3A_1003 : i32 to index
      %swap3A_1006 = arith.constant 48 : index
      %swap3A_1007 = tpu.vector_load %arg7[%swap3A_1004, %swap3A_1005, %swap3A_1006] {strides = array<i32>} : memref<2x32x128xf32, #tpu.memory_space<vmem>>, vector<16xf32>,
      tpu.vector_store %arg7[%swap3A_1004, %swap3A_1005, %swap3A_1006], %gather3A_1002 {strides = array<i32>} : memref<2x32x128xf32, #tpu.memory_space<vmem>>, vector<16xf32>,
      %broadcast_in_dim3A_1008 = arith.constant 14 : i32
      %broadcast_in_dim3A_1009 = vector.broadcast %broadcast_in_dim3A_1008 : i32 to vector<16xi32>
      %gather3A_1010 = tpu.vector_load_idx %arg6[%add3A_895, %broadcast_in_dim3A_1009] : memref<640x128xf32, #tpu.memory_space<vmem>>[vector<16xi32>, vector<16xi32>], vector<16xf32>,
      %swap3A_1011 = arith.constant 14 : i32
      %swap3A_1012 = arith.index_cast %and3A_110 : i32 to index
      %swap3A_1013 = arith.index_cast %swap3A_1011 : i32 to index
      %swap3A_1014 = arith.constant 48 : index
      %swap3A_1015 = tpu.vector_load %arg7[%swap3A_1012, %swap3A_1013, %swap3A_1014] {strides = array<i32>} : memref<2x32x128xf32, #tpu.memory_space<vmem>>, vector<16xf32>,
      tpu.vector_store %arg7[%swap3A_1012, %swap3A_1013, %swap3A_1014], %gather3A_1010 {strides = array<i32>} : memref<2x32x128xf32, #tpu.memory_space<vmem>>, vector<16xf32>,
      %broadcast_in_dim3A_1016 = arith.constant 15 : i32
      %broadcast_in_dim3A_1017 = vector.broadcast %broadcast_in_dim3A_1016 : i32 to vector<16xi32>
      %gather3A_1018 = tpu.vector_load_idx %arg6[%add3A_895, %broadcast_in_dim3A_1017] : memref<640x128xf32, #tpu.memory_space<vmem>>[vector<16xi32>, vector<16xi32>], vector<16xf32>,
      %swap3A_1019 = arith.constant 15 : i32
      %swap3A_1020 = arith.index_cast %and3A_110 : i32 to index
      %swap3A_1021 = arith.index_cast %swap3A_1019 : i32 to index
      %swap3A_1022 = arith.constant 48 : index
      %swap3A_1023 = tpu.vector_load %arg7[%swap3A_1020, %swap3A_1021, %swap3A_1022] {strides = array<i32>} : memref<2x32x128xf32, #tpu.memory_space<vmem>>, vector<16xf32>,
      tpu.vector_store %arg7[%swap3A_1020, %swap3A_1021, %swap3A_1022], %gather3A_1018 {strides = array<i32>} : memref<2x32x128xf32, #tpu.memory_space<vmem>>, vector<16xf32>,
      %broadcast_in_dim3A_1024 = arith.constant 16 : i32
      %broadcast_in_dim3A_1025 = vector.broadcast %broadcast_in_dim3A_1024 : i32 to vector<16xi32>
      %gather3A_1026 = tpu.vector_load_idx %arg6[%add3A_895, %broadcast_in_dim3A_1025] : memref<640x128xf32, #tpu.memory_space<vmem>>[vector<16xi32>, vector<16xi32>], vector<16xf32>,
      %swap3A_1027 = arith.constant 16 : i32
      %swap3A_1028 = arith.index_cast %and3A_110 : i32 to index
      %swap3A_1029 = arith.index_cast %swap3A_1027 : i32 to index
      %swap3A_1030 = arith.constant 48 : index
      %swap3A_1031 = tpu.vector_load %arg7[%swap3A_1028, %swap3A_1029, %swap3A_1030] {strides = array<i32>} : memref<2x32x128xf32, #tpu.memory_space<vmem>>, vector<16xf32>,
      tpu.vector_store %arg7[%swap3A_1028, %swap3A_1029, %swap3A_1030], %gather3A_1026 {strides = array<i32>} : memref<2x32x128xf32, #tpu.memory_space<vmem>>, vector<16xf32>,
      %broadcast_in_dim3A_1032 = arith.constant 17 : i32
      %broadcast_in_dim3A_1033 = vector.broadcast %broadcast_in_dim3A_1032 : i32 to vector<16xi32>
      %gather3A_1034 = tpu.vector_load_idx %arg6[%add3A_895, %broadcast_in_dim3A_1033] : memref<640x128xf32, #tpu.memory_space<vmem>>[vector<16xi32>, vector<16xi32>], vector<16xf32>,
      %swap3A_1035 = arith.constant 17 : i32
      %swap3A_1036 = arith.index_cast %and3A_110 : i32 to index
      %swap3A_1037 = arith.index_cast %swap3A_1035 : i32 to index
      %swap3A_1038 = arith.constant 48 : index
      %swap3A_1039 = tpu.vector_load %arg7[%swap3A_1036, %swap3A_1037, %swap3A_1038] {strides = array<i32>} : memref<2x32x128xf32, #tpu.memory_space<vmem>>, vector<16xf32>,
      tpu.vector_store %arg7[%swap3A_1036, %swap3A_1037, %swap3A_1038], %gather3A_1034 {strides = array<i32>} : memref<2x32x128xf32, #tpu.memory_space<vmem>>, vector<16xf32>,
      %broadcast_in_dim3A_1040 = arith.constant 18 : i32
      %broadcast_in_dim3A_1041 = vector.broadcast %broadcast_in_dim3A_1040 : i32 to vector<16xi32>
      %gather3A_1042 = tpu.vector_load_idx %arg6[%add3A_895, %broadcast_in_dim3A_1041] : memref<640x128xf32, #tpu.memory_space<vmem>>[vector<16xi32>, vector<16xi32>], vector<16xf32>,
      %swap3A_1043 = arith.constant 18 : i32
      %swap3A_1044 = arith.index_cast %and3A_110 : i32 to index
      %swap3A_1045 = arith.index_cast %swap3A_1043 : i32 to index
      %swap3A_1046 = arith.constant 48 : index
      %swap3A_1047 = tpu.vector_load %arg7[%swap3A_1044, %swap3A_1045, %swap3A_1046] {strides = array<i32>} : memref<2x32x128xf32, #tpu.memory_space<vmem>>, vector<16xf32>,
      tpu.vector_store %arg7[%swap3A_1044, %swap3A_1045, %swap3A_1046], %gather3A_1042 {strides = array<i32>} : memref<2x32x128xf32, #tpu.memory_space<vmem>>, vector<16xf32>,
      %broadcast_in_dim3A_1048 = arith.constant 19 : i32
      %broadcast_in_dim3A_1049 = vector.broadcast %broadcast_in_dim3A_1048 : i32 to vector<16xi32>
      %gather3A_1050 = tpu.vector_load_idx %arg6[%add3A_895, %broadcast_in_dim3A_1049] : memref<640x128xf32, #tpu.memory_space<vmem>>[vector<16xi32>, vector<16xi32>], vector<16xf32>,
      %swap3A_1051 = arith.constant 19 : i32
      %swap3A_1052 = arith.index_cast %and3A_110 : i32 to index
      %swap3A_1053 = arith.index_cast %swap3A_1051 : i32 to index
      %swap3A_1054 = arith.constant 48 : index
      %swap3A_1055 = tpu.vector_load %arg7[%swap3A_1052, %swap3A_1053, %swap3A_1054] {strides = array<i32>} : memref<2x32x128xf32, #tpu.memory_space<vmem>>, vector<16xf32>,
      tpu.vector_store %arg7[%swap3A_1052, %swap3A_1053, %swap3A_1054], %gather3A_1050 {strides = array<i32>} : memref<2x32x128xf32, #tpu.memory_space<vmem>>, vector<16xf32>,
      %broadcast_in_dim3A_1056 = arith.constant 20 : i32
      %broadcast_in_dim3A_1057 = vector.broadcast %broadcast_in_dim3A_1056 : i32 to vector<16xi32>
      %gather3A_1058 = tpu.vector_load_idx %arg6[%add3A_895, %broadcast_in_dim3A_1057] : memref<640x128xf32, #tpu.memory_space<vmem>>[vector<16xi32>, vector<16xi32>], vector<16xf32>,
      %swap3A_1059 = arith.constant 20 : i32
      %swap3A_1060 = arith.index_cast %and3A_110 : i32 to index
      %swap3A_1061 = arith.index_cast %swap3A_1059 : i32 to index
      %swap3A_1062 = arith.constant 48 : index
      %swap3A_1063 = tpu.vector_load %arg7[%swap3A_1060, %swap3A_1061, %swap3A_1062] {strides = array<i32>} : memref<2x32x128xf32, #tpu.memory_space<vmem>>, vector<16xf32>,
      tpu.vector_store %arg7[%swap3A_1060, %swap3A_1061, %swap3A_1062], %gather3A_1058 {strides = array<i32>} : memref<2x32x128xf32, #tpu.memory_space<vmem>>, vector<16xf32>,
      %broadcast_in_dim3A_1064 = arith.constant 21 : i32
      %broadcast_in_dim3A_1065 = vector.broadcast %broadcast_in_dim3A_1064 : i32 to vector<16xi32>
      %gather3A_1066 = tpu.vector_load_idx %arg6[%add3A_895, %broadcast_in_dim3A_1065] : memref<640x128xf32, #tpu.memory_space<vmem>>[vector<16xi32>, vector<16xi32>], vector<16xf32>,
      %swap3A_1067 = arith.constant 21 : i32
      %swap3A_1068 = arith.index_cast %and3A_110 : i32 to index
      %swap3A_1069 = arith.index_cast %swap3A_1067 : i32 to index
      %swap3A_1070 = arith.constant 48 : index
      %swap3A_1071 = tpu.vector_load %arg7[%swap3A_1068, %swap3A_1069, %swap3A_1070] {strides = array<i32>} : memref<2x32x128xf32, #tpu.memory_space<vmem>>, vector<16xf32>,
      tpu.vector_store %arg7[%swap3A_1068, %swap3A_1069, %swap3A_1070], %gather3A_1066 {strides = array<i32>} : memref<2x32x128xf32, #tpu.memory_space<vmem>>, vector<16xf32>,
      %broadcast_in_dim3A_1072 = arith.constant 22 : i32
      %broadcast_in_dim3A_1073 = vector.broadcast %broadcast_in_dim3A_1072 : i32 to vector<16xi32>
      %gather3A_1074 = tpu.vector_load_idx %arg6[%add3A_895, %broadcast_in_dim3A_1073] : memref<640x128xf32, #tpu.memory_space<vmem>>[vector<16xi32>, vector<16xi32>], vector<16xf32>,
      %swap3A_1075 = arith.constant 22 : i32
      %swap3A_1076 = arith.index_cast %and3A_110 : i32 to index
      %swap3A_1077 = arith.index_cast %swap3A_1075 : i32 to index
      %swap3A_1078 = arith.constant 48 : index
      %swap3A_1079 = tpu.vector_load %arg7[%swap3A_1076, %swap3A_1077, %swap3A_1078] {strides = array<i32>} : memref<2x32x128xf32, #tpu.memory_space<vmem>>, vector<16xf32>,
      tpu.vector_store %arg7[%swap3A_1076, %swap3A_1077, %swap3A_1078], %gather3A_1074 {strides = array<i32>} : memref<2x32x128xf32, #tpu.memory_space<vmem>>, vector<16xf32>,
      %broadcast_in_dim3A_1080 = arith.constant 23 : i32
      %broadcast_in_dim3A_1081 = vector.broadcast %broadcast_in_dim3A_1080 : i32 to vector<16xi32>
      %gather3A_1082 = tpu.vector_load_idx %arg6[%add3A_895, %broadcast_in_dim3A_1081] : memref<640x128xf32, #tpu.memory_space<vmem>>[vector<16xi32>, vector<16xi32>], vector<16xf32>,
      %swap3A_1083 = arith.constant 23 : i32
      %swap3A_1084 = arith.index_cast %and3A_110 : i32 to index
      %swap3A_1085 = arith.index_cast %swap3A_1083 : i32 to index
      %swap3A_1086 = arith.constant 48 : index
      %swap3A_1087 = tpu.vector_load %arg7[%swap3A_1084, %swap3A_1085, %swap3A_1086] {strides = array<i32>} : memref<2x32x128xf32, #tpu.memory_space<vmem>>, vector<16xf32>,
      tpu.vector_store %arg7[%swap3A_1084, %swap3A_1085, %swap3A_1086], %gather3A_1082 {strides = array<i32>} : memref<2x32x128xf32, #tpu.memory_space<vmem>>, vector<16xf32>,
      %broadcast_in_dim3A_1088 = arith.constant 24 : i32
      %broadcast_in_dim3A_1089 = vector.broadcast %broadcast_in_dim3A_1088 : i32 to vector<16xi32>
      %gather3A_1090 = tpu.vector_load_idx %arg6[%add3A_895, %broadcast_in_dim3A_1089] : memref<640x128xf32, #tpu.memory_space<vmem>>[vector<16xi32>, vector<16xi32>], vector<16xf32>,
      %swap3A_1091 = arith.constant 24 : i32
      %swap3A_1092 = arith.index_cast %and3A_110 : i32 to index
      %swap3A_1093 = arith.index_cast %swap3A_1091 : i32 to index
      %swap3A_1094 = arith.constant 48 : index
      %swap3A_1095 = tpu.vector_load %arg7[%swap3A_1092, %swap3A_1093, %swap3A_1094] {strides = array<i32>} : memref<2x32x128xf32, #tpu.memory_space<vmem>>, vector<16xf32>,
      tpu.vector_store %arg7[%swap3A_1092, %swap3A_1093, %swap3A_1094], %gather3A_1090 {strides = array<i32>} : memref<2x32x128xf32, #tpu.memory_space<vmem>>, vector<16xf32>,
      %broadcast_in_dim3A_1096 = arith.constant 25 : i32
      %broadcast_in_dim3A_1097 = vector.broadcast %broadcast_in_dim3A_1096 : i32 to vector<16xi32>
      %gather3A_1098 = tpu.vector_load_idx %arg6[%add3A_895, %broadcast_in_dim3A_1097] : memref<640x128xf32, #tpu.memory_space<vmem>>[vector<16xi32>, vector<16xi32>], vector<16xf32>,
      %swap3A_1099 = arith.constant 25 : i32
      %swap3A_1100 = arith.index_cast %and3A_110 : i32 to index
      %swap3A_1101 = arith.index_cast %swap3A_1099 : i32 to index
      %swap3A_1102 = arith.constant 48 : index
      %swap3A_1103 = tpu.vector_load %arg7[%swap3A_1100, %swap3A_1101, %swap3A_1102] {strides = array<i32>} : memref<2x32x128xf32, #tpu.memory_space<vmem>>, vector<16xf32>,
      tpu.vector_store %arg7[%swap3A_1100, %swap3A_1101, %swap3A_1102], %gather3A_1098 {strides = array<i32>} : memref<2x32x128xf32, #tpu.memory_space<vmem>>, vector<16xf32>,
      %broadcast_in_dim3A_1104 = arith.constant 26 : i32
      %broadcast_in_dim3A_1105 = vector.broadcast %broadcast_in_dim3A_1104 : i32 to vector<16xi32>
      %gather3A_1106 = tpu.vector_load_idx %arg6[%add3A_895, %broadcast_in_dim3A_1105] : memref<640x128xf32, #tpu.memory_space<vmem>>[vector<16xi32>, vector<16xi32>], vector<16xf32>,
      %swap3A_1107 = arith.constant 26 : i32
      %swap3A_1108 = arith.index_cast %and3A_110 : i32 to index
      %swap3A_1109 = arith.index_cast %swap3A_1107 : i32 to index
      %swap3A_1110 = arith.constant 48 : index
      %swap3A_1111 = tpu.vector_load %arg7[%swap3A_1108, %swap3A_1109, %swap3A_1110] {strides = array<i32>} : memref<2x32x128xf32, #tpu.memory_space<vmem>>, vector<16xf32>,
      tpu.vector_store %arg7[%swap3A_1108, %swap3A_1109, %swap3A_1110], %gather3A_1106 {strides = array<i32>} : memref<2x32x128xf32, #tpu.memory_space<vmem>>, vector<16xf32>,
      %broadcast_in_dim3A_1112 = arith.constant 27 : i32
      %broadcast_in_dim3A_1113 = vector.broadcast %broadcast_in_dim3A_1112 : i32 to vector<16xi32>
      %gather3A_1114 = tpu.vector_load_idx %arg6[%add3A_895, %broadcast_in_dim3A_1113] : memref<640x128xf32, #tpu.memory_space<vmem>>[vector<16xi32>, vector<16xi32>], vector<16xf32>,
      %swap3A_1115 = arith.constant 27 : i32
      %swap3A_1116 = arith.index_cast %and3A_110 : i32 to index
      %swap3A_1117 = arith.index_cast %swap3A_1115 : i32 to index
      %swap3A_1118 = arith.constant 48 : index
      %swap3A_1119 = tpu.vector_load %arg7[%swap3A_1116, %swap3A_1117, %swap3A_1118] {strides = array<i32>} : memref<2x32x128xf32, #tpu.memory_space<vmem>>, vector<16xf32>,
      tpu.vector_store %arg7[%swap3A_1116, %swap3A_1117, %swap3A_1118], %gather3A_1114 {strides = array<i32>} : memref<2x32x128xf32, #tpu.memory_space<vmem>>, vector<16xf32>,
      %broadcast_in_dim3A_1120 = arith.constant 28 : i32
      %broadcast_in_dim3A_1121 = vector.broadcast %broadcast_in_dim3A_1120 : i32 to vector<16xi32>
      %gather3A_1122 = tpu.vector_load_idx %arg6[%add3A_895, %broadcast_in_dim3A_1121] : memref<640x128xf32, #tpu.memory_space<vmem>>[vector<16xi32>, vector<16xi32>], vector<16xf32>,
      %swap3A_1123 = arith.constant 28 : i32
      %swap3A_1124 = arith.index_cast %and3A_110 : i32 to index
      %swap3A_1125 = arith.index_cast %swap3A_1123 : i32 to index
      %swap3A_1126 = arith.constant 48 : index
      %swap3A_1127 = tpu.vector_load %arg7[%swap3A_1124, %swap3A_1125, %swap3A_1126] {strides = array<i32>} : memref<2x32x128xf32, #tpu.memory_space<vmem>>, vector<16xf32>,
      tpu.vector_store %arg7[%swap3A_1124, %swap3A_1125, %swap3A_1126], %gather3A_1122 {strides = array<i32>} : memref<2x32x128xf32, #tpu.memory_space<vmem>>, vector<16xf32>,
      %broadcast_in_dim3A_1128 = arith.constant 29 : i32
      %broadcast_in_dim3A_1129 = vector.broadcast %broadcast_in_dim3A_1128 : i32 to vector<16xi32>
      %gather3A_1130 = tpu.vector_load_idx %arg6[%add3A_895, %broadcast_in_dim3A_1129] : memref<640x128xf32, #tpu.memory_space<vmem>>[vector<16xi32>, vector<16xi32>], vector<16xf32>,
      %swap3A_1131 = arith.constant 29 : i32
      %swap3A_1132 = arith.index_cast %and3A_110 : i32 to index
      %swap3A_1133 = arith.index_cast %swap3A_1131 : i32 to index
      %swap3A_1134 = arith.constant 48 : index
      %swap3A_1135 = tpu.vector_load %arg7[%swap3A_1132, %swap3A_1133, %swap3A_1134] {strides = array<i32>} : memref<2x32x128xf32, #tpu.memory_space<vmem>>, vector<16xf32>,
      tpu.vector_store %arg7[%swap3A_1132, %swap3A_1133, %swap3A_1134], %gather3A_1130 {strides = array<i32>} : memref<2x32x128xf32, #tpu.memory_space<vmem>>, vector<16xf32>,
      %broadcast_in_dim3A_1136 = arith.constant 30 : i32
      %broadcast_in_dim3A_1137 = vector.broadcast %broadcast_in_dim3A_1136 : i32 to vector<16xi32>
      %gather3A_1138 = tpu.vector_load_idx %arg6[%add3A_895, %broadcast_in_dim3A_1137] : memref<640x128xf32, #tpu.memory_space<vmem>>[vector<16xi32>, vector<16xi32>], vector<16xf32>,
      %swap3A_1139 = arith.constant 30 : i32
      %swap3A_1140 = arith.index_cast %and3A_110 : i32 to index
      %swap3A_1141 = arith.index_cast %swap3A_1139 : i32 to index
      %swap3A_1142 = arith.constant 48 : index
      %swap3A_1143 = tpu.vector_load %arg7[%swap3A_1140, %swap3A_1141, %swap3A_1142] {strides = array<i32>} : memref<2x32x128xf32, #tpu.memory_space<vmem>>, vector<16xf32>,
      tpu.vector_store %arg7[%swap3A_1140, %swap3A_1141, %swap3A_1142], %gather3A_1138 {strides = array<i32>} : memref<2x32x128xf32, #tpu.memory_space<vmem>>, vector<16xf32>,
      %broadcast_in_dim3A_1144 = arith.constant 31 : i32
      %broadcast_in_dim3A_1145 = vector.broadcast %broadcast_in_dim3A_1144 : i32 to vector<16xi32>
      %gather3A_1146 = tpu.vector_load_idx %arg6[%add3A_895, %broadcast_in_dim3A_1145] : memref<640x128xf32, #tpu.memory_space<vmem>>[vector<16xi32>, vector<16xi32>], vector<16xf32>,
      %swap3A_1147 = arith.constant 31 : i32
      %swap3A_1148 = arith.index_cast %and3A_110 : i32 to index
      %swap3A_1149 = arith.index_cast %swap3A_1147 : i32 to index
      %swap3A_1150 = arith.constant 48 : index
      %swap3A_1151 = tpu.vector_load %arg7[%swap3A_1148, %swap3A_1149, %swap3A_1150] {strides = array<i32>} : memref<2x32x128xf32, #tpu.memory_space<vmem>>, vector<16xf32>,
      tpu.vector_store %arg7[%swap3A_1148, %swap3A_1149, %swap3A_1150], %gather3A_1146 {strides = array<i32>} : memref<2x32x128xf32, #tpu.memory_space<vmem>>, vector<16xf32>,
      %add3A_1152 = arith.constant 64 : i32
      %add3A_1153 = arith.addi %mul3A_114, %add3A_1152 : i32
      %add3A_1154 = vector.broadcast %add3A_1153 : i32 to vector<16xi32>
      %add3A_1155 = arith.addi %add3A_1154, %iota3A : vector<16xi32>
      %broadcast_in_dim3A_1156 = arith.constant 0 : i32
      %broadcast_in_dim3A_1157 = vector.broadcast %broadcast_in_dim3A_1156 : i32 to vector<16xi32>
      %gather3A_1158 = tpu.vector_load_idx %arg6[%add3A_1155, %broadcast_in_dim3A_1157] : memref<640x128xf32, #tpu.memory_space<vmem>>[vector<16xi32>, vector<16xi32>], vector<16xf32>,
      %swap3A_1159 = arith.constant 0 : i32
      %swap3A_1160 = arith.index_cast %and3A_110 : i32 to index
      %swap3A_1161 = arith.index_cast %swap3A_1159 : i32 to index
      %swap3A_1162 = arith.constant 64 : index
      %swap3A_1163 = tpu.vector_load %arg7[%swap3A_1160, %swap3A_1161, %swap3A_1162] {strides = array<i32>} : memref<2x32x128xf32, #tpu.memory_space<vmem>>, vector<16xf32>,
      tpu.vector_store %arg7[%swap3A_1160, %swap3A_1161, %swap3A_1162], %gather3A_1158 {strides = array<i32>} : memref<2x32x128xf32, #tpu.memory_space<vmem>>, vector<16xf32>,
      %broadcast_in_dim3A_1164 = arith.constant 1 : i32
      %broadcast_in_dim3A_1165 = vector.broadcast %broadcast_in_dim3A_1164 : i32 to vector<16xi32>
      %gather3A_1166 = tpu.vector_load_idx %arg6[%add3A_1155, %broadcast_in_dim3A_1165] : memref<640x128xf32, #tpu.memory_space<vmem>>[vector<16xi32>, vector<16xi32>], vector<16xf32>,
      %swap3A_1167 = arith.constant 1 : i32
      %swap3A_1168 = arith.index_cast %and3A_110 : i32 to index
      %swap3A_1169 = arith.index_cast %swap3A_1167 : i32 to index
      %swap3A_1170 = arith.constant 64 : index
      %swap3A_1171 = tpu.vector_load %arg7[%swap3A_1168, %swap3A_1169, %swap3A_1170] {strides = array<i32>} : memref<2x32x128xf32, #tpu.memory_space<vmem>>, vector<16xf32>,
      tpu.vector_store %arg7[%swap3A_1168, %swap3A_1169, %swap3A_1170], %gather3A_1166 {strides = array<i32>} : memref<2x32x128xf32, #tpu.memory_space<vmem>>, vector<16xf32>,
      %broadcast_in_dim3A_1172 = arith.constant 2 : i32
      %broadcast_in_dim3A_1173 = vector.broadcast %broadcast_in_dim3A_1172 : i32 to vector<16xi32>
      %gather3A_1174 = tpu.vector_load_idx %arg6[%add3A_1155, %broadcast_in_dim3A_1173] : memref<640x128xf32, #tpu.memory_space<vmem>>[vector<16xi32>, vector<16xi32>], vector<16xf32>,
      %swap3A_1175 = arith.constant 2 : i32
      %swap3A_1176 = arith.index_cast %and3A_110 : i32 to index
      %swap3A_1177 = arith.index_cast %swap3A_1175 : i32 to index
      %swap3A_1178 = arith.constant 64 : index
      %swap3A_1179 = tpu.vector_load %arg7[%swap3A_1176, %swap3A_1177, %swap3A_1178] {strides = array<i32>} : memref<2x32x128xf32, #tpu.memory_space<vmem>>, vector<16xf32>,
      tpu.vector_store %arg7[%swap3A_1176, %swap3A_1177, %swap3A_1178], %gather3A_1174 {strides = array<i32>} : memref<2x32x128xf32, #tpu.memory_space<vmem>>, vector<16xf32>,
      %broadcast_in_dim3A_1180 = arith.constant 3 : i32
      %broadcast_in_dim3A_1181 = vector.broadcast %broadcast_in_dim3A_1180 : i32 to vector<16xi32>
      %gather3A_1182 = tpu.vector_load_idx %arg6[%add3A_1155, %broadcast_in_dim3A_1181] : memref<640x128xf32, #tpu.memory_space<vmem>>[vector<16xi32>, vector<16xi32>], vector<16xf32>,
      %swap3A_1183 = arith.constant 3 : i32
      %swap3A_1184 = arith.index_cast %and3A_110 : i32 to index
      %swap3A_1185 = arith.index_cast %swap3A_1183 : i32 to index
      %swap3A_1186 = arith.constant 64 : index
      %swap3A_1187 = tpu.vector_load %arg7[%swap3A_1184, %swap3A_1185, %swap3A_1186] {strides = array<i32>} : memref<2x32x128xf32, #tpu.memory_space<vmem>>, vector<16xf32>,
      tpu.vector_store %arg7[%swap3A_1184, %swap3A_1185, %swap3A_1186], %gather3A_1182 {strides = array<i32>} : memref<2x32x128xf32, #tpu.memory_space<vmem>>, vector<16xf32>,
      %broadcast_in_dim3A_1188 = arith.constant 4 : i32
      %broadcast_in_dim3A_1189 = vector.broadcast %broadcast_in_dim3A_1188 : i32 to vector<16xi32>
      %gather3A_1190 = tpu.vector_load_idx %arg6[%add3A_1155, %broadcast_in_dim3A_1189] : memref<640x128xf32, #tpu.memory_space<vmem>>[vector<16xi32>, vector<16xi32>], vector<16xf32>,
      %swap3A_1191 = arith.constant 4 : i32
      %swap3A_1192 = arith.index_cast %and3A_110 : i32 to index
      %swap3A_1193 = arith.index_cast %swap3A_1191 : i32 to index
      %swap3A_1194 = arith.constant 64 : index
      %swap3A_1195 = tpu.vector_load %arg7[%swap3A_1192, %swap3A_1193, %swap3A_1194] {strides = array<i32>} : memref<2x32x128xf32, #tpu.memory_space<vmem>>, vector<16xf32>,
      tpu.vector_store %arg7[%swap3A_1192, %swap3A_1193, %swap3A_1194], %gather3A_1190 {strides = array<i32>} : memref<2x32x128xf32, #tpu.memory_space<vmem>>, vector<16xf32>,
      %broadcast_in_dim3A_1196 = arith.constant 5 : i32
      %broadcast_in_dim3A_1197 = vector.broadcast %broadcast_in_dim3A_1196 : i32 to vector<16xi32>
      %gather3A_1198 = tpu.vector_load_idx %arg6[%add3A_1155, %broadcast_in_dim3A_1197] : memref<640x128xf32, #tpu.memory_space<vmem>>[vector<16xi32>, vector<16xi32>], vector<16xf32>,
      %swap3A_1199 = arith.constant 5 : i32
      %swap3A_1200 = arith.index_cast %and3A_110 : i32 to index
      %swap3A_1201 = arith.index_cast %swap3A_1199 : i32 to index
      %swap3A_1202 = arith.constant 64 : index
      %swap3A_1203 = tpu.vector_load %arg7[%swap3A_1200, %swap3A_1201, %swap3A_1202] {strides = array<i32>} : memref<2x32x128xf32, #tpu.memory_space<vmem>>, vector<16xf32>,
      tpu.vector_store %arg7[%swap3A_1200, %swap3A_1201, %swap3A_1202], %gather3A_1198 {strides = array<i32>} : memref<2x32x128xf32, #tpu.memory_space<vmem>>, vector<16xf32>,
      %broadcast_in_dim3A_1204 = arith.constant 6 : i32
      %broadcast_in_dim3A_1205 = vector.broadcast %broadcast_in_dim3A_1204 : i32 to vector<16xi32>
      %gather3A_1206 = tpu.vector_load_idx %arg6[%add3A_1155, %broadcast_in_dim3A_1205] : memref<640x128xf32, #tpu.memory_space<vmem>>[vector<16xi32>, vector<16xi32>], vector<16xf32>,
      %swap3A_1207 = arith.constant 6 : i32
      %swap3A_1208 = arith.index_cast %and3A_110 : i32 to index
      %swap3A_1209 = arith.index_cast %swap3A_1207 : i32 to index
      %swap3A_1210 = arith.constant 64 : index
      %swap3A_1211 = tpu.vector_load %arg7[%swap3A_1208, %swap3A_1209, %swap3A_1210] {strides = array<i32>} : memref<2x32x128xf32, #tpu.memory_space<vmem>>, vector<16xf32>,
      tpu.vector_store %arg7[%swap3A_1208, %swap3A_1209, %swap3A_1210], %gather3A_1206 {strides = array<i32>} : memref<2x32x128xf32, #tpu.memory_space<vmem>>, vector<16xf32>,
      %broadcast_in_dim3A_1212 = arith.constant 7 : i32
      %broadcast_in_dim3A_1213 = vector.broadcast %broadcast_in_dim3A_1212 : i32 to vector<16xi32>
      %gather3A_1214 = tpu.vector_load_idx %arg6[%add3A_1155, %broadcast_in_dim3A_1213] : memref<640x128xf32, #tpu.memory_space<vmem>>[vector<16xi32>, vector<16xi32>], vector<16xf32>,
      %swap3A_1215 = arith.constant 7 : i32
      %swap3A_1216 = arith.index_cast %and3A_110 : i32 to index
      %swap3A_1217 = arith.index_cast %swap3A_1215 : i32 to index
      %swap3A_1218 = arith.constant 64 : index
      %swap3A_1219 = tpu.vector_load %arg7[%swap3A_1216, %swap3A_1217, %swap3A_1218] {strides = array<i32>} : memref<2x32x128xf32, #tpu.memory_space<vmem>>, vector<16xf32>,
      tpu.vector_store %arg7[%swap3A_1216, %swap3A_1217, %swap3A_1218], %gather3A_1214 {strides = array<i32>} : memref<2x32x128xf32, #tpu.memory_space<vmem>>, vector<16xf32>,
      %broadcast_in_dim3A_1220 = arith.constant 8 : i32
      %broadcast_in_dim3A_1221 = vector.broadcast %broadcast_in_dim3A_1220 : i32 to vector<16xi32>
      %gather3A_1222 = tpu.vector_load_idx %arg6[%add3A_1155, %broadcast_in_dim3A_1221] : memref<640x128xf32, #tpu.memory_space<vmem>>[vector<16xi32>, vector<16xi32>], vector<16xf32>,
      %swap3A_1223 = arith.constant 8 : i32
      %swap3A_1224 = arith.index_cast %and3A_110 : i32 to index
      %swap3A_1225 = arith.index_cast %swap3A_1223 : i32 to index
      %swap3A_1226 = arith.constant 64 : index
      %swap3A_1227 = tpu.vector_load %arg7[%swap3A_1224, %swap3A_1225, %swap3A_1226] {strides = array<i32>} : memref<2x32x128xf32, #tpu.memory_space<vmem>>, vector<16xf32>,
      tpu.vector_store %arg7[%swap3A_1224, %swap3A_1225, %swap3A_1226], %gather3A_1222 {strides = array<i32>} : memref<2x32x128xf32, #tpu.memory_space<vmem>>, vector<16xf32>,
      %broadcast_in_dim3A_1228 = arith.constant 9 : i32
      %broadcast_in_dim3A_1229 = vector.broadcast %broadcast_in_dim3A_1228 : i32 to vector<16xi32>
      %gather3A_1230 = tpu.vector_load_idx %arg6[%add3A_1155, %broadcast_in_dim3A_1229] : memref<640x128xf32, #tpu.memory_space<vmem>>[vector<16xi32>, vector<16xi32>], vector<16xf32>,
      %swap3A_1231 = arith.constant 9 : i32
      %swap3A_1232 = arith.index_cast %and3A_110 : i32 to index
      %swap3A_1233 = arith.index_cast %swap3A_1231 : i32 to index
      %swap3A_1234 = arith.constant 64 : index
      %swap3A_1235 = tpu.vector_load %arg7[%swap3A_1232, %swap3A_1233, %swap3A_1234] {strides = array<i32>} : memref<2x32x128xf32, #tpu.memory_space<vmem>>, vector<16xf32>,
      tpu.vector_store %arg7[%swap3A_1232, %swap3A_1233, %swap3A_1234], %gather3A_1230 {strides = array<i32>} : memref<2x32x128xf32, #tpu.memory_space<vmem>>, vector<16xf32>,
      %broadcast_in_dim3A_1236 = arith.constant 10 : i32
      %broadcast_in_dim3A_1237 = vector.broadcast %broadcast_in_dim3A_1236 : i32 to vector<16xi32>
      %gather3A_1238 = tpu.vector_load_idx %arg6[%add3A_1155, %broadcast_in_dim3A_1237] : memref<640x128xf32, #tpu.memory_space<vmem>>[vector<16xi32>, vector<16xi32>], vector<16xf32>,
      %swap3A_1239 = arith.constant 10 : i32
      %swap3A_1240 = arith.index_cast %and3A_110 : i32 to index
      %swap3A_1241 = arith.index_cast %swap3A_1239 : i32 to index
      %swap3A_1242 = arith.constant 64 : index
      %swap3A_1243 = tpu.vector_load %arg7[%swap3A_1240, %swap3A_1241, %swap3A_1242] {strides = array<i32>} : memref<2x32x128xf32, #tpu.memory_space<vmem>>, vector<16xf32>,
      tpu.vector_store %arg7[%swap3A_1240, %swap3A_1241, %swap3A_1242], %gather3A_1238 {strides = array<i32>} : memref<2x32x128xf32, #tpu.memory_space<vmem>>, vector<16xf32>,
      %broadcast_in_dim3A_1244 = arith.constant 11 : i32
      %broadcast_in_dim3A_1245 = vector.broadcast %broadcast_in_dim3A_1244 : i32 to vector<16xi32>
      %gather3A_1246 = tpu.vector_load_idx %arg6[%add3A_1155, %broadcast_in_dim3A_1245] : memref<640x128xf32, #tpu.memory_space<vmem>>[vector<16xi32>, vector<16xi32>], vector<16xf32>,
      %swap3A_1247 = arith.constant 11 : i32
      %swap3A_1248 = arith.index_cast %and3A_110 : i32 to index
      %swap3A_1249 = arith.index_cast %swap3A_1247 : i32 to index
      %swap3A_1250 = arith.constant 64 : index
      %swap3A_1251 = tpu.vector_load %arg7[%swap3A_1248, %swap3A_1249, %swap3A_1250] {strides = array<i32>} : memref<2x32x128xf32, #tpu.memory_space<vmem>>, vector<16xf32>,
      tpu.vector_store %arg7[%swap3A_1248, %swap3A_1249, %swap3A_1250], %gather3A_1246 {strides = array<i32>} : memref<2x32x128xf32, #tpu.memory_space<vmem>>, vector<16xf32>,
      %broadcast_in_dim3A_1252 = arith.constant 12 : i32
      %broadcast_in_dim3A_1253 = vector.broadcast %broadcast_in_dim3A_1252 : i32 to vector<16xi32>
      %gather3A_1254 = tpu.vector_load_idx %arg6[%add3A_1155, %broadcast_in_dim3A_1253] : memref<640x128xf32, #tpu.memory_space<vmem>>[vector<16xi32>, vector<16xi32>], vector<16xf32>,
      %swap3A_1255 = arith.constant 12 : i32
      %swap3A_1256 = arith.index_cast %and3A_110 : i32 to index
      %swap3A_1257 = arith.index_cast %swap3A_1255 : i32 to index
      %swap3A_1258 = arith.constant 64 : index
      %swap3A_1259 = tpu.vector_load %arg7[%swap3A_1256, %swap3A_1257, %swap3A_1258] {strides = array<i32>} : memref<2x32x128xf32, #tpu.memory_space<vmem>>, vector<16xf32>,
      tpu.vector_store %arg7[%swap3A_1256, %swap3A_1257, %swap3A_1258], %gather3A_1254 {strides = array<i32>} : memref<2x32x128xf32, #tpu.memory_space<vmem>>, vector<16xf32>,
      %broadcast_in_dim3A_1260 = arith.constant 13 : i32
      %broadcast_in_dim3A_1261 = vector.broadcast %broadcast_in_dim3A_1260 : i32 to vector<16xi32>
      %gather3A_1262 = tpu.vector_load_idx %arg6[%add3A_1155, %broadcast_in_dim3A_1261] : memref<640x128xf32, #tpu.memory_space<vmem>>[vector<16xi32>, vector<16xi32>], vector<16xf32>,
      %swap3A_1263 = arith.constant 13 : i32
      %swap3A_1264 = arith.index_cast %and3A_110 : i32 to index
      %swap3A_1265 = arith.index_cast %swap3A_1263 : i32 to index
      %swap3A_1266 = arith.constant 64 : index
      %swap3A_1267 = tpu.vector_load %arg7[%swap3A_1264, %swap3A_1265, %swap3A_1266] {strides = array<i32>} : memref<2x32x128xf32, #tpu.memory_space<vmem>>, vector<16xf32>,
      tpu.vector_store %arg7[%swap3A_1264, %swap3A_1265, %swap3A_1266], %gather3A_1262 {strides = array<i32>} : memref<2x32x128xf32, #tpu.memory_space<vmem>>, vector<16xf32>,
      %broadcast_in_dim3A_1268 = arith.constant 14 : i32
      %broadcast_in_dim3A_1269 = vector.broadcast %broadcast_in_dim3A_1268 : i32 to vector<16xi32>
      %gather3A_1270 = tpu.vector_load_idx %arg6[%add3A_1155, %broadcast_in_dim3A_1269] : memref<640x128xf32, #tpu.memory_space<vmem>>[vector<16xi32>, vector<16xi32>], vector<16xf32>,
      %swap3A_1271 = arith.constant 14 : i32
      %swap3A_1272 = arith.index_cast %and3A_110 : i32 to index
      %swap3A_1273 = arith.index_cast %swap3A_1271 : i32 to index
      %swap3A_1274 = arith.constant 64 : index
      %swap3A_1275 = tpu.vector_load %arg7[%swap3A_1272, %swap3A_1273, %swap3A_1274] {strides = array<i32>} : memref<2x32x128xf32, #tpu.memory_space<vmem>>, vector<16xf32>,
      tpu.vector_store %arg7[%swap3A_1272, %swap3A_1273, %swap3A_1274], %gather3A_1270 {strides = array<i32>} : memref<2x32x128xf32, #tpu.memory_space<vmem>>, vector<16xf32>,
      %broadcast_in_dim3A_1276 = arith.constant 15 : i32
      %broadcast_in_dim3A_1277 = vector.broadcast %broadcast_in_dim3A_1276 : i32 to vector<16xi32>
      %gather3A_1278 = tpu.vector_load_idx %arg6[%add3A_1155, %broadcast_in_dim3A_1277] : memref<640x128xf32, #tpu.memory_space<vmem>>[vector<16xi32>, vector<16xi32>], vector<16xf32>,
      %swap3A_1279 = arith.constant 15 : i32
      %swap3A_1280 = arith.index_cast %and3A_110 : i32 to index
      %swap3A_1281 = arith.index_cast %swap3A_1279 : i32 to index
      %swap3A_1282 = arith.constant 64 : index
      %swap3A_1283 = tpu.vector_load %arg7[%swap3A_1280, %swap3A_1281, %swap3A_1282] {strides = array<i32>} : memref<2x32x128xf32, #tpu.memory_space<vmem>>, vector<16xf32>,
      tpu.vector_store %arg7[%swap3A_1280, %swap3A_1281, %swap3A_1282], %gather3A_1278 {strides = array<i32>} : memref<2x32x128xf32, #tpu.memory_space<vmem>>, vector<16xf32>,
      %broadcast_in_dim3A_1284 = arith.constant 16 : i32
      %broadcast_in_dim3A_1285 = vector.broadcast %broadcast_in_dim3A_1284 : i32 to vector<16xi32>
      %gather3A_1286 = tpu.vector_load_idx %arg6[%add3A_1155, %broadcast_in_dim3A_1285] : memref<640x128xf32, #tpu.memory_space<vmem>>[vector<16xi32>, vector<16xi32>], vector<16xf32>,
      %swap3A_1287 = arith.constant 16 : i32
      %swap3A_1288 = arith.index_cast %and3A_110 : i32 to index
      %swap3A_1289 = arith.index_cast %swap3A_1287 : i32 to index
      %swap3A_1290 = arith.constant 64 : index
      %swap3A_1291 = tpu.vector_load %arg7[%swap3A_1288, %swap3A_1289, %swap3A_1290] {strides = array<i32>} : memref<2x32x128xf32, #tpu.memory_space<vmem>>, vector<16xf32>,
      tpu.vector_store %arg7[%swap3A_1288, %swap3A_1289, %swap3A_1290], %gather3A_1286 {strides = array<i32>} : memref<2x32x128xf32, #tpu.memory_space<vmem>>, vector<16xf32>,
      %broadcast_in_dim3A_1292 = arith.constant 17 : i32
      %broadcast_in_dim3A_1293 = vector.broadcast %broadcast_in_dim3A_1292 : i32 to vector<16xi32>
      %gather3A_1294 = tpu.vector_load_idx %arg6[%add3A_1155, %broadcast_in_dim3A_1293] : memref<640x128xf32, #tpu.memory_space<vmem>>[vector<16xi32>, vector<16xi32>], vector<16xf32>,
      %swap3A_1295 = arith.constant 17 : i32
      %swap3A_1296 = arith.index_cast %and3A_110 : i32 to index
      %swap3A_1297 = arith.index_cast %swap3A_1295 : i32 to index
      %swap3A_1298 = arith.constant 64 : index
      %swap3A_1299 = tpu.vector_load %arg7[%swap3A_1296, %swap3A_1297, %swap3A_1298] {strides = array<i32>} : memref<2x32x128xf32, #tpu.memory_space<vmem>>, vector<16xf32>,
      tpu.vector_store %arg7[%swap3A_1296, %swap3A_1297, %swap3A_1298], %gather3A_1294 {strides = array<i32>} : memref<2x32x128xf32, #tpu.memory_space<vmem>>, vector<16xf32>,
      %broadcast_in_dim3A_1300 = arith.constant 18 : i32
      %broadcast_in_dim3A_1301 = vector.broadcast %broadcast_in_dim3A_1300 : i32 to vector<16xi32>
      %gather3A_1302 = tpu.vector_load_idx %arg6[%add3A_1155, %broadcast_in_dim3A_1301] : memref<640x128xf32, #tpu.memory_space<vmem>>[vector<16xi32>, vector<16xi32>], vector<16xf32>,
      %swap3A_1303 = arith.constant 18 : i32
      %swap3A_1304 = arith.index_cast %and3A_110 : i32 to index
      %swap3A_1305 = arith.index_cast %swap3A_1303 : i32 to index
      %swap3A_1306 = arith.constant 64 : index
      %swap3A_1307 = tpu.vector_load %arg7[%swap3A_1304, %swap3A_1305, %swap3A_1306] {strides = array<i32>} : memref<2x32x128xf32, #tpu.memory_space<vmem>>, vector<16xf32>,
      tpu.vector_store %arg7[%swap3A_1304, %swap3A_1305, %swap3A_1306], %gather3A_1302 {strides = array<i32>} : memref<2x32x128xf32, #tpu.memory_space<vmem>>, vector<16xf32>,
      %broadcast_in_dim3A_1308 = arith.constant 19 : i32
      %broadcast_in_dim3A_1309 = vector.broadcast %broadcast_in_dim3A_1308 : i32 to vector<16xi32>
      %gather3A_1310 = tpu.vector_load_idx %arg6[%add3A_1155, %broadcast_in_dim3A_1309] : memref<640x128xf32, #tpu.memory_space<vmem>>[vector<16xi32>, vector<16xi32>], vector<16xf32>,
      %swap3A_1311 = arith.constant 19 : i32
      %swap3A_1312 = arith.index_cast %and3A_110 : i32 to index
      %swap3A_1313 = arith.index_cast %swap3A_1311 : i32 to index
      %swap3A_1314 = arith.constant 64 : index
      %swap3A_1315 = tpu.vector_load %arg7[%swap3A_1312, %swap3A_1313, %swap3A_1314] {strides = array<i32>} : memref<2x32x128xf32, #tpu.memory_space<vmem>>, vector<16xf32>,
      tpu.vector_store %arg7[%swap3A_1312, %swap3A_1313, %swap3A_1314], %gather3A_1310 {strides = array<i32>} : memref<2x32x128xf32, #tpu.memory_space<vmem>>, vector<16xf32>,
      %broadcast_in_dim3A_1316 = arith.constant 20 : i32
      %broadcast_in_dim3A_1317 = vector.broadcast %broadcast_in_dim3A_1316 : i32 to vector<16xi32>
      %gather3A_1318 = tpu.vector_load_idx %arg6[%add3A_1155, %broadcast_in_dim3A_1317] : memref<640x128xf32, #tpu.memory_space<vmem>>[vector<16xi32>, vector<16xi32>], vector<16xf32>,
      %swap3A_1319 = arith.constant 20 : i32
      %swap3A_1320 = arith.index_cast %and3A_110 : i32 to index
      %swap3A_1321 = arith.index_cast %swap3A_1319 : i32 to index
      %swap3A_1322 = arith.constant 64 : index
      %swap3A_1323 = tpu.vector_load %arg7[%swap3A_1320, %swap3A_1321, %swap3A_1322] {strides = array<i32>} : memref<2x32x128xf32, #tpu.memory_space<vmem>>, vector<16xf32>,
      tpu.vector_store %arg7[%swap3A_1320, %swap3A_1321, %swap3A_1322], %gather3A_1318 {strides = array<i32>} : memref<2x32x128xf32, #tpu.memory_space<vmem>>, vector<16xf32>,
      %broadcast_in_dim3A_1324 = arith.constant 21 : i32
      %broadcast_in_dim3A_1325 = vector.broadcast %broadcast_in_dim3A_1324 : i32 to vector<16xi32>
      %gather3A_1326 = tpu.vector_load_idx %arg6[%add3A_1155, %broadcast_in_dim3A_1325] : memref<640x128xf32, #tpu.memory_space<vmem>>[vector<16xi32>, vector<16xi32>], vector<16xf32>,
      %swap3A_1327 = arith.constant 21 : i32
      %swap3A_1328 = arith.index_cast %and3A_110 : i32 to index
      %swap3A_1329 = arith.index_cast %swap3A_1327 : i32 to index
      %swap3A_1330 = arith.constant 64 : index
      %swap3A_1331 = tpu.vector_load %arg7[%swap3A_1328, %swap3A_1329, %swap3A_1330] {strides = array<i32>} : memref<2x32x128xf32, #tpu.memory_space<vmem>>, vector<16xf32>,
      tpu.vector_store %arg7[%swap3A_1328, %swap3A_1329, %swap3A_1330], %gather3A_1326 {strides = array<i32>} : memref<2x32x128xf32, #tpu.memory_space<vmem>>, vector<16xf32>,
      %broadcast_in_dim3A_1332 = arith.constant 22 : i32
      %broadcast_in_dim3A_1333 = vector.broadcast %broadcast_in_dim3A_1332 : i32 to vector<16xi32>
      %gather3A_1334 = tpu.vector_load_idx %arg6[%add3A_1155, %broadcast_in_dim3A_1333] : memref<640x128xf32, #tpu.memory_space<vmem>>[vector<16xi32>, vector<16xi32>], vector<16xf32>,
      %swap3A_1335 = arith.constant 22 : i32
      %swap3A_1336 = arith.index_cast %and3A_110 : i32 to index
      %swap3A_1337 = arith.index_cast %swap3A_1335 : i32 to index
      %swap3A_1338 = arith.constant 64 : index
      %swap3A_1339 = tpu.vector_load %arg7[%swap3A_1336, %swap3A_1337, %swap3A_1338] {strides = array<i32>} : memref<2x32x128xf32, #tpu.memory_space<vmem>>, vector<16xf32>,
      tpu.vector_store %arg7[%swap3A_1336, %swap3A_1337, %swap3A_1338], %gather3A_1334 {strides = array<i32>} : memref<2x32x128xf32, #tpu.memory_space<vmem>>, vector<16xf32>,
      %broadcast_in_dim3A_1340 = arith.constant 23 : i32
      %broadcast_in_dim3A_1341 = vector.broadcast %broadcast_in_dim3A_1340 : i32 to vector<16xi32>
      %gather3A_1342 = tpu.vector_load_idx %arg6[%add3A_1155, %broadcast_in_dim3A_1341] : memref<640x128xf32, #tpu.memory_space<vmem>>[vector<16xi32>, vector<16xi32>], vector<16xf32>,
      %swap3A_1343 = arith.constant 23 : i32
      %swap3A_1344 = arith.index_cast %and3A_110 : i32 to index
      %swap3A_1345 = arith.index_cast %swap3A_1343 : i32 to index
      %swap3A_1346 = arith.constant 64 : index
      %swap3A_1347 = tpu.vector_load %arg7[%swap3A_1344, %swap3A_1345, %swap3A_1346] {strides = array<i32>} : memref<2x32x128xf32, #tpu.memory_space<vmem>>, vector<16xf32>,
      tpu.vector_store %arg7[%swap3A_1344, %swap3A_1345, %swap3A_1346], %gather3A_1342 {strides = array<i32>} : memref<2x32x128xf32, #tpu.memory_space<vmem>>, vector<16xf32>,
      %broadcast_in_dim3A_1348 = arith.constant 24 : i32
      %broadcast_in_dim3A_1349 = vector.broadcast %broadcast_in_dim3A_1348 : i32 to vector<16xi32>
      %gather3A_1350 = tpu.vector_load_idx %arg6[%add3A_1155, %broadcast_in_dim3A_1349] : memref<640x128xf32, #tpu.memory_space<vmem>>[vector<16xi32>, vector<16xi32>], vector<16xf32>,
      %swap3A_1351 = arith.constant 24 : i32
      %swap3A_1352 = arith.index_cast %and3A_110 : i32 to index
      %swap3A_1353 = arith.index_cast %swap3A_1351 : i32 to index
      %swap3A_1354 = arith.constant 64 : index
      %swap3A_1355 = tpu.vector_load %arg7[%swap3A_1352, %swap3A_1353, %swap3A_1354] {strides = array<i32>} : memref<2x32x128xf32, #tpu.memory_space<vmem>>, vector<16xf32>,
      tpu.vector_store %arg7[%swap3A_1352, %swap3A_1353, %swap3A_1354], %gather3A_1350 {strides = array<i32>} : memref<2x32x128xf32, #tpu.memory_space<vmem>>, vector<16xf32>,
      %broadcast_in_dim3A_1356 = arith.constant 25 : i32
      %broadcast_in_dim3A_1357 = vector.broadcast %broadcast_in_dim3A_1356 : i32 to vector<16xi32>
      %gather3A_1358 = tpu.vector_load_idx %arg6[%add3A_1155, %broadcast_in_dim3A_1357] : memref<640x128xf32, #tpu.memory_space<vmem>>[vector<16xi32>, vector<16xi32>], vector<16xf32>,
      %swap3A_1359 = arith.constant 25 : i32
      %swap3A_1360 = arith.index_cast %and3A_110 : i32 to index
      %swap3A_1361 = arith.index_cast %swap3A_1359 : i32 to index
      %swap3A_1362 = arith.constant 64 : index
      %swap3A_1363 = tpu.vector_load %arg7[%swap3A_1360, %swap3A_1361, %swap3A_1362] {strides = array<i32>} : memref<2x32x128xf32, #tpu.memory_space<vmem>>, vector<16xf32>,
      tpu.vector_store %arg7[%swap3A_1360, %swap3A_1361, %swap3A_1362], %gather3A_1358 {strides = array<i32>} : memref<2x32x128xf32, #tpu.memory_space<vmem>>, vector<16xf32>,
      %broadcast_in_dim3A_1364 = arith.constant 26 : i32
      %broadcast_in_dim3A_1365 = vector.broadcast %broadcast_in_dim3A_1364 : i32 to vector<16xi32>
      %gather3A_1366 = tpu.vector_load_idx %arg6[%add3A_1155, %broadcast_in_dim3A_1365] : memref<640x128xf32, #tpu.memory_space<vmem>>[vector<16xi32>, vector<16xi32>], vector<16xf32>,
      %swap3A_1367 = arith.constant 26 : i32
      %swap3A_1368 = arith.index_cast %and3A_110 : i32 to index
      %swap3A_1369 = arith.index_cast %swap3A_1367 : i32 to index
      %swap3A_1370 = arith.constant 64 : index
      %swap3A_1371 = tpu.vector_load %arg7[%swap3A_1368, %swap3A_1369, %swap3A_1370] {strides = array<i32>} : memref<2x32x128xf32, #tpu.memory_space<vmem>>, vector<16xf32>,
      tpu.vector_store %arg7[%swap3A_1368, %swap3A_1369, %swap3A_1370], %gather3A_1366 {strides = array<i32>} : memref<2x32x128xf32, #tpu.memory_space<vmem>>, vector<16xf32>,
      %broadcast_in_dim3A_1372 = arith.constant 27 : i32
      %broadcast_in_dim3A_1373 = vector.broadcast %broadcast_in_dim3A_1372 : i32 to vector<16xi32>
      %gather3A_1374 = tpu.vector_load_idx %arg6[%add3A_1155, %broadcast_in_dim3A_1373] : memref<640x128xf32, #tpu.memory_space<vmem>>[vector<16xi32>, vector<16xi32>], vector<16xf32>,
      %swap3A_1375 = arith.constant 27 : i32
      %swap3A_1376 = arith.index_cast %and3A_110 : i32 to index
      %swap3A_1377 = arith.index_cast %swap3A_1375 : i32 to index
      %swap3A_1378 = arith.constant 64 : index
      %swap3A_1379 = tpu.vector_load %arg7[%swap3A_1376, %swap3A_1377, %swap3A_1378] {strides = array<i32>} : memref<2x32x128xf32, #tpu.memory_space<vmem>>, vector<16xf32>,
      tpu.vector_store %arg7[%swap3A_1376, %swap3A_1377, %swap3A_1378], %gather3A_1374 {strides = array<i32>} : memref<2x32x128xf32, #tpu.memory_space<vmem>>, vector<16xf32>,
      %broadcast_in_dim3A_1380 = arith.constant 28 : i32
      %broadcast_in_dim3A_1381 = vector.broadcast %broadcast_in_dim3A_1380 : i32 to vector<16xi32>
      %gather3A_1382 = tpu.vector_load_idx %arg6[%add3A_1155, %broadcast_in_dim3A_1381] : memref<640x128xf32, #tpu.memory_space<vmem>>[vector<16xi32>, vector<16xi32>], vector<16xf32>,
      %swap3A_1383 = arith.constant 28 : i32
      %swap3A_1384 = arith.index_cast %and3A_110 : i32 to index
      %swap3A_1385 = arith.index_cast %swap3A_1383 : i32 to index
      %swap3A_1386 = arith.constant 64 : index
      %swap3A_1387 = tpu.vector_load %arg7[%swap3A_1384, %swap3A_1385, %swap3A_1386] {strides = array<i32>} : memref<2x32x128xf32, #tpu.memory_space<vmem>>, vector<16xf32>,
      tpu.vector_store %arg7[%swap3A_1384, %swap3A_1385, %swap3A_1386], %gather3A_1382 {strides = array<i32>} : memref<2x32x128xf32, #tpu.memory_space<vmem>>, vector<16xf32>,
      %broadcast_in_dim3A_1388 = arith.constant 29 : i32
      %broadcast_in_dim3A_1389 = vector.broadcast %broadcast_in_dim3A_1388 : i32 to vector<16xi32>
      %gather3A_1390 = tpu.vector_load_idx %arg6[%add3A_1155, %broadcast_in_dim3A_1389] : memref<640x128xf32, #tpu.memory_space<vmem>>[vector<16xi32>, vector<16xi32>], vector<16xf32>,
      %swap3A_1391 = arith.constant 29 : i32
      %swap3A_1392 = arith.index_cast %and3A_110 : i32 to index
      %swap3A_1393 = arith.index_cast %swap3A_1391 : i32 to index
      %swap3A_1394 = arith.constant 64 : index
      %swap3A_1395 = tpu.vector_load %arg7[%swap3A_1392, %swap3A_1393, %swap3A_1394] {strides = array<i32>} : memref<2x32x128xf32, #tpu.memory_space<vmem>>, vector<16xf32>,
      tpu.vector_store %arg7[%swap3A_1392, %swap3A_1393, %swap3A_1394], %gather3A_1390 {strides = array<i32>} : memref<2x32x128xf32, #tpu.memory_space<vmem>>, vector<16xf32>,
      %broadcast_in_dim3A_1396 = arith.constant 30 : i32
      %broadcast_in_dim3A_1397 = vector.broadcast %broadcast_in_dim3A_1396 : i32 to vector<16xi32>
      %gather3A_1398 = tpu.vector_load_idx %arg6[%add3A_1155, %broadcast_in_dim3A_1397] : memref<640x128xf32, #tpu.memory_space<vmem>>[vector<16xi32>, vector<16xi32>], vector<16xf32>,
      %swap3A_1399 = arith.constant 30 : i32
      %swap3A_1400 = arith.index_cast %and3A_110 : i32 to index
      %swap3A_1401 = arith.index_cast %swap3A_1399 : i32 to index
      %swap3A_1402 = arith.constant 64 : index
      %swap3A_1403 = tpu.vector_load %arg7[%swap3A_1400, %swap3A_1401, %swap3A_1402] {strides = array<i32>} : memref<2x32x128xf32, #tpu.memory_space<vmem>>, vector<16xf32>,
      tpu.vector_store %arg7[%swap3A_1400, %swap3A_1401, %swap3A_1402], %gather3A_1398 {strides = array<i32>} : memref<2x32x128xf32, #tpu.memory_space<vmem>>, vector<16xf32>,
      %broadcast_in_dim3A_1404 = arith.constant 31 : i32
      %broadcast_in_dim3A_1405 = vector.broadcast %broadcast_in_dim3A_1404 : i32 to vector<16xi32>
      %gather3A_1406 = tpu.vector_load_idx %arg6[%add3A_1155, %broadcast_in_dim3A_1405] : memref<640x128xf32, #tpu.memory_space<vmem>>[vector<16xi32>, vector<16xi32>], vector<16xf32>,
      %swap3A_1407 = arith.constant 31 : i32
      %swap3A_1408 = arith.index_cast %and3A_110 : i32 to index
      %swap3A_1409 = arith.index_cast %swap3A_1407 : i32 to index
      %swap3A_1410 = arith.constant 64 : index
      %swap3A_1411 = tpu.vector_load %arg7[%swap3A_1408, %swap3A_1409, %swap3A_1410] {strides = array<i32>} : memref<2x32x128xf32, #tpu.memory_space<vmem>>, vector<16xf32>,
      tpu.vector_store %arg7[%swap3A_1408, %swap3A_1409, %swap3A_1410], %gather3A_1406 {strides = array<i32>} : memref<2x32x128xf32, #tpu.memory_space<vmem>>, vector<16xf32>,
      %add3A_1412 = arith.constant 80 : i32
      %add3A_1413 = arith.addi %mul3A_114, %add3A_1412 : i32
      %add3A_1414 = vector.broadcast %add3A_1413 : i32 to vector<16xi32>
      %add3A_1415 = arith.addi %add3A_1414, %iota3A : vector<16xi32>
      %broadcast_in_dim3A_1416 = arith.constant 0 : i32
      %broadcast_in_dim3A_1417 = vector.broadcast %broadcast_in_dim3A_1416 : i32 to vector<16xi32>
      %gather3A_1418 = tpu.vector_load_idx %arg6[%add3A_1415, %broadcast_in_dim3A_1417] : memref<640x128xf32, #tpu.memory_space<vmem>>[vector<16xi32>, vector<16xi32>], vector<16xf32>,
      %swap3A_1419 = arith.constant 0 : i32
      %swap3A_1420 = arith.index_cast %and3A_110 : i32 to index
      %swap3A_1421 = arith.index_cast %swap3A_1419 : i32 to index
      %swap3A_1422 = arith.constant 80 : index
      %swap3A_1423 = tpu.vector_load %arg7[%swap3A_1420, %swap3A_1421, %swap3A_1422] {strides = array<i32>} : memref<2x32x128xf32, #tpu.memory_space<vmem>>, vector<16xf32>,
      tpu.vector_store %arg7[%swap3A_1420, %swap3A_1421, %swap3A_1422], %gather3A_1418 {strides = array<i32>} : memref<2x32x128xf32, #tpu.memory_space<vmem>>, vector<16xf32>,
      %broadcast_in_dim3A_1424 = arith.constant 1 : i32
      %broadcast_in_dim3A_1425 = vector.broadcast %broadcast_in_dim3A_1424 : i32 to vector<16xi32>
      %gather3A_1426 = tpu.vector_load_idx %arg6[%add3A_1415, %broadcast_in_dim3A_1425] : memref<640x128xf32, #tpu.memory_space<vmem>>[vector<16xi32>, vector<16xi32>], vector<16xf32>,
      %swap3A_1427 = arith.constant 1 : i32
      %swap3A_1428 = arith.index_cast %and3A_110 : i32 to index
      %swap3A_1429 = arith.index_cast %swap3A_1427 : i32 to index
      %swap3A_1430 = arith.constant 80 : index
      %swap3A_1431 = tpu.vector_load %arg7[%swap3A_1428, %swap3A_1429, %swap3A_1430] {strides = array<i32>} : memref<2x32x128xf32, #tpu.memory_space<vmem>>, vector<16xf32>,
      tpu.vector_store %arg7[%swap3A_1428, %swap3A_1429, %swap3A_1430], %gather3A_1426 {strides = array<i32>} : memref<2x32x128xf32, #tpu.memory_space<vmem>>, vector<16xf32>,
      %broadcast_in_dim3A_1432 = arith.constant 2 : i32
      %broadcast_in_dim3A_1433 = vector.broadcast %broadcast_in_dim3A_1432 : i32 to vector<16xi32>
      %gather3A_1434 = tpu.vector_load_idx %arg6[%add3A_1415, %broadcast_in_dim3A_1433] : memref<640x128xf32, #tpu.memory_space<vmem>>[vector<16xi32>, vector<16xi32>], vector<16xf32>,
      %swap3A_1435 = arith.constant 2 : i32
      %swap3A_1436 = arith.index_cast %and3A_110 : i32 to index
      %swap3A_1437 = arith.index_cast %swap3A_1435 : i32 to index
      %swap3A_1438 = arith.constant 80 : index
      %swap3A_1439 = tpu.vector_load %arg7[%swap3A_1436, %swap3A_1437, %swap3A_1438] {strides = array<i32>} : memref<2x32x128xf32, #tpu.memory_space<vmem>>, vector<16xf32>,
      tpu.vector_store %arg7[%swap3A_1436, %swap3A_1437, %swap3A_1438], %gather3A_1434 {strides = array<i32>} : memref<2x32x128xf32, #tpu.memory_space<vmem>>, vector<16xf32>,
      %broadcast_in_dim3A_1440 = arith.constant 3 : i32
      %broadcast_in_dim3A_1441 = vector.broadcast %broadcast_in_dim3A_1440 : i32 to vector<16xi32>
      %gather3A_1442 = tpu.vector_load_idx %arg6[%add3A_1415, %broadcast_in_dim3A_1441] : memref<640x128xf32, #tpu.memory_space<vmem>>[vector<16xi32>, vector<16xi32>], vector<16xf32>,
      %swap3A_1443 = arith.constant 3 : i32
      %swap3A_1444 = arith.index_cast %and3A_110 : i32 to index
      %swap3A_1445 = arith.index_cast %swap3A_1443 : i32 to index
      %swap3A_1446 = arith.constant 80 : index
      %swap3A_1447 = tpu.vector_load %arg7[%swap3A_1444, %swap3A_1445, %swap3A_1446] {strides = array<i32>} : memref<2x32x128xf32, #tpu.memory_space<vmem>>, vector<16xf32>,
      tpu.vector_store %arg7[%swap3A_1444, %swap3A_1445, %swap3A_1446], %gather3A_1442 {strides = array<i32>} : memref<2x32x128xf32, #tpu.memory_space<vmem>>, vector<16xf32>,
      %broadcast_in_dim3A_1448 = arith.constant 4 : i32
      %broadcast_in_dim3A_1449 = vector.broadcast %broadcast_in_dim3A_1448 : i32 to vector<16xi32>
      %gather3A_1450 = tpu.vector_load_idx %arg6[%add3A_1415, %broadcast_in_dim3A_1449] : memref<640x128xf32, #tpu.memory_space<vmem>>[vector<16xi32>, vector<16xi32>], vector<16xf32>,
      %swap3A_1451 = arith.constant 4 : i32
      %swap3A_1452 = arith.index_cast %and3A_110 : i32 to index
      %swap3A_1453 = arith.index_cast %swap3A_1451 : i32 to index
      %swap3A_1454 = arith.constant 80 : index
      %swap3A_1455 = tpu.vector_load %arg7[%swap3A_1452, %swap3A_1453, %swap3A_1454] {strides = array<i32>} : memref<2x32x128xf32, #tpu.memory_space<vmem>>, vector<16xf32>,
      tpu.vector_store %arg7[%swap3A_1452, %swap3A_1453, %swap3A_1454], %gather3A_1450 {strides = array<i32>} : memref<2x32x128xf32, #tpu.memory_space<vmem>>, vector<16xf32>,
      %broadcast_in_dim3A_1456 = arith.constant 5 : i32
      %broadcast_in_dim3A_1457 = vector.broadcast %broadcast_in_dim3A_1456 : i32 to vector<16xi32>
      %gather3A_1458 = tpu.vector_load_idx %arg6[%add3A_1415, %broadcast_in_dim3A_1457] : memref<640x128xf32, #tpu.memory_space<vmem>>[vector<16xi32>, vector<16xi32>], vector<16xf32>,
      %swap3A_1459 = arith.constant 5 : i32
      %swap3A_1460 = arith.index_cast %and3A_110 : i32 to index
      %swap3A_1461 = arith.index_cast %swap3A_1459 : i32 to index
      %swap3A_1462 = arith.constant 80 : index
      %swap3A_1463 = tpu.vector_load %arg7[%swap3A_1460, %swap3A_1461, %swap3A_1462] {strides = array<i32>} : memref<2x32x128xf32, #tpu.memory_space<vmem>>, vector<16xf32>,
      tpu.vector_store %arg7[%swap3A_1460, %swap3A_1461, %swap3A_1462], %gather3A_1458 {strides = array<i32>} : memref<2x32x128xf32, #tpu.memory_space<vmem>>, vector<16xf32>,
      %broadcast_in_dim3A_1464 = arith.constant 6 : i32
      %broadcast_in_dim3A_1465 = vector.broadcast %broadcast_in_dim3A_1464 : i32 to vector<16xi32>
      %gather3A_1466 = tpu.vector_load_idx %arg6[%add3A_1415, %broadcast_in_dim3A_1465] : memref<640x128xf32, #tpu.memory_space<vmem>>[vector<16xi32>, vector<16xi32>], vector<16xf32>,
      %swap3A_1467 = arith.constant 6 : i32
      %swap3A_1468 = arith.index_cast %and3A_110 : i32 to index
      %swap3A_1469 = arith.index_cast %swap3A_1467 : i32 to index
      %swap3A_1470 = arith.constant 80 : index
      %swap3A_1471 = tpu.vector_load %arg7[%swap3A_1468, %swap3A_1469, %swap3A_1470] {strides = array<i32>} : memref<2x32x128xf32, #tpu.memory_space<vmem>>, vector<16xf32>,
      tpu.vector_store %arg7[%swap3A_1468, %swap3A_1469, %swap3A_1470], %gather3A_1466 {strides = array<i32>} : memref<2x32x128xf32, #tpu.memory_space<vmem>>, vector<16xf32>,
      %broadcast_in_dim3A_1472 = arith.constant 7 : i32
      %broadcast_in_dim3A_1473 = vector.broadcast %broadcast_in_dim3A_1472 : i32 to vector<16xi32>
      %gather3A_1474 = tpu.vector_load_idx %arg6[%add3A_1415, %broadcast_in_dim3A_1473] : memref<640x128xf32, #tpu.memory_space<vmem>>[vector<16xi32>, vector<16xi32>], vector<16xf32>,
      %swap3A_1475 = arith.constant 7 : i32
      %swap3A_1476 = arith.index_cast %and3A_110 : i32 to index
      %swap3A_1477 = arith.index_cast %swap3A_1475 : i32 to index
      %swap3A_1478 = arith.constant 80 : index
      %swap3A_1479 = tpu.vector_load %arg7[%swap3A_1476, %swap3A_1477, %swap3A_1478] {strides = array<i32>} : memref<2x32x128xf32, #tpu.memory_space<vmem>>, vector<16xf32>,
      tpu.vector_store %arg7[%swap3A_1476, %swap3A_1477, %swap3A_1478], %gather3A_1474 {strides = array<i32>} : memref<2x32x128xf32, #tpu.memory_space<vmem>>, vector<16xf32>,
      %broadcast_in_dim3A_1480 = arith.constant 8 : i32
      %broadcast_in_dim3A_1481 = vector.broadcast %broadcast_in_dim3A_1480 : i32 to vector<16xi32>
      %gather3A_1482 = tpu.vector_load_idx %arg6[%add3A_1415, %broadcast_in_dim3A_1481] : memref<640x128xf32, #tpu.memory_space<vmem>>[vector<16xi32>, vector<16xi32>], vector<16xf32>,
      %swap3A_1483 = arith.constant 8 : i32
      %swap3A_1484 = arith.index_cast %and3A_110 : i32 to index
      %swap3A_1485 = arith.index_cast %swap3A_1483 : i32 to index
      %swap3A_1486 = arith.constant 80 : index
      %swap3A_1487 = tpu.vector_load %arg7[%swap3A_1484, %swap3A_1485, %swap3A_1486] {strides = array<i32>} : memref<2x32x128xf32, #tpu.memory_space<vmem>>, vector<16xf32>,
      tpu.vector_store %arg7[%swap3A_1484, %swap3A_1485, %swap3A_1486], %gather3A_1482 {strides = array<i32>} : memref<2x32x128xf32, #tpu.memory_space<vmem>>, vector<16xf32>,
      %broadcast_in_dim3A_1488 = arith.constant 9 : i32
      %broadcast_in_dim3A_1489 = vector.broadcast %broadcast_in_dim3A_1488 : i32 to vector<16xi32>
      %gather3A_1490 = tpu.vector_load_idx %arg6[%add3A_1415, %broadcast_in_dim3A_1489] : memref<640x128xf32, #tpu.memory_space<vmem>>[vector<16xi32>, vector<16xi32>], vector<16xf32>,
      %swap3A_1491 = arith.constant 9 : i32
      %swap3A_1492 = arith.index_cast %and3A_110 : i32 to index
      %swap3A_1493 = arith.index_cast %swap3A_1491 : i32 to index
      %swap3A_1494 = arith.constant 80 : index
      %swap3A_1495 = tpu.vector_load %arg7[%swap3A_1492, %swap3A_1493, %swap3A_1494] {strides = array<i32>} : memref<2x32x128xf32, #tpu.memory_space<vmem>>, vector<16xf32>,
      tpu.vector_store %arg7[%swap3A_1492, %swap3A_1493, %swap3A_1494], %gather3A_1490 {strides = array<i32>} : memref<2x32x128xf32, #tpu.memory_space<vmem>>, vector<16xf32>,
      %broadcast_in_dim3A_1496 = arith.constant 10 : i32
      %broadcast_in_dim3A_1497 = vector.broadcast %broadcast_in_dim3A_1496 : i32 to vector<16xi32>
      %gather3A_1498 = tpu.vector_load_idx %arg6[%add3A_1415, %broadcast_in_dim3A_1497] : memref<640x128xf32, #tpu.memory_space<vmem>>[vector<16xi32>, vector<16xi32>], vector<16xf32>,
      %swap3A_1499 = arith.constant 10 : i32
      %swap3A_1500 = arith.index_cast %and3A_110 : i32 to index
      %swap3A_1501 = arith.index_cast %swap3A_1499 : i32 to index
      %swap3A_1502 = arith.constant 80 : index
      %swap3A_1503 = tpu.vector_load %arg7[%swap3A_1500, %swap3A_1501, %swap3A_1502] {strides = array<i32>} : memref<2x32x128xf32, #tpu.memory_space<vmem>>, vector<16xf32>,
      tpu.vector_store %arg7[%swap3A_1500, %swap3A_1501, %swap3A_1502], %gather3A_1498 {strides = array<i32>} : memref<2x32x128xf32, #tpu.memory_space<vmem>>, vector<16xf32>,
      %broadcast_in_dim3A_1504 = arith.constant 11 : i32
      %broadcast_in_dim3A_1505 = vector.broadcast %broadcast_in_dim3A_1504 : i32 to vector<16xi32>
      %gather3A_1506 = tpu.vector_load_idx %arg6[%add3A_1415, %broadcast_in_dim3A_1505] : memref<640x128xf32, #tpu.memory_space<vmem>>[vector<16xi32>, vector<16xi32>], vector<16xf32>,
      %swap3A_1507 = arith.constant 11 : i32
      %swap3A_1508 = arith.index_cast %and3A_110 : i32 to index
      %swap3A_1509 = arith.index_cast %swap3A_1507 : i32 to index
      %swap3A_1510 = arith.constant 80 : index
      %swap3A_1511 = tpu.vector_load %arg7[%swap3A_1508, %swap3A_1509, %swap3A_1510] {strides = array<i32>} : memref<2x32x128xf32, #tpu.memory_space<vmem>>, vector<16xf32>,
      tpu.vector_store %arg7[%swap3A_1508, %swap3A_1509, %swap3A_1510], %gather3A_1506 {strides = array<i32>} : memref<2x32x128xf32, #tpu.memory_space<vmem>>, vector<16xf32>,
      %broadcast_in_dim3A_1512 = arith.constant 12 : i32
      %broadcast_in_dim3A_1513 = vector.broadcast %broadcast_in_dim3A_1512 : i32 to vector<16xi32>
      %gather3A_1514 = tpu.vector_load_idx %arg6[%add3A_1415, %broadcast_in_dim3A_1513] : memref<640x128xf32, #tpu.memory_space<vmem>>[vector<16xi32>, vector<16xi32>], vector<16xf32>,
      %swap3A_1515 = arith.constant 12 : i32
      %swap3A_1516 = arith.index_cast %and3A_110 : i32 to index
      %swap3A_1517 = arith.index_cast %swap3A_1515 : i32 to index
      %swap3A_1518 = arith.constant 80 : index
      %swap3A_1519 = tpu.vector_load %arg7[%swap3A_1516, %swap3A_1517, %swap3A_1518] {strides = array<i32>} : memref<2x32x128xf32, #tpu.memory_space<vmem>>, vector<16xf32>,
      tpu.vector_store %arg7[%swap3A_1516, %swap3A_1517, %swap3A_1518], %gather3A_1514 {strides = array<i32>} : memref<2x32x128xf32, #tpu.memory_space<vmem>>, vector<16xf32>,
      %broadcast_in_dim3A_1520 = arith.constant 13 : i32
      %broadcast_in_dim3A_1521 = vector.broadcast %broadcast_in_dim3A_1520 : i32 to vector<16xi32>
      %gather3A_1522 = tpu.vector_load_idx %arg6[%add3A_1415, %broadcast_in_dim3A_1521] : memref<640x128xf32, #tpu.memory_space<vmem>>[vector<16xi32>, vector<16xi32>], vector<16xf32>,
      %swap3A_1523 = arith.constant 13 : i32
      %swap3A_1524 = arith.index_cast %and3A_110 : i32 to index
      %swap3A_1525 = arith.index_cast %swap3A_1523 : i32 to index
      %swap3A_1526 = arith.constant 80 : index
      %swap3A_1527 = tpu.vector_load %arg7[%swap3A_1524, %swap3A_1525, %swap3A_1526] {strides = array<i32>} : memref<2x32x128xf32, #tpu.memory_space<vmem>>, vector<16xf32>,
      tpu.vector_store %arg7[%swap3A_1524, %swap3A_1525, %swap3A_1526], %gather3A_1522 {strides = array<i32>} : memref<2x32x128xf32, #tpu.memory_space<vmem>>, vector<16xf32>,
      %broadcast_in_dim3A_1528 = arith.constant 14 : i32
      %broadcast_in_dim3A_1529 = vector.broadcast %broadcast_in_dim3A_1528 : i32 to vector<16xi32>
      %gather3A_1530 = tpu.vector_load_idx %arg6[%add3A_1415, %broadcast_in_dim3A_1529] : memref<640x128xf32, #tpu.memory_space<vmem>>[vector<16xi32>, vector<16xi32>], vector<16xf32>,
      %swap3A_1531 = arith.constant 14 : i32
      %swap3A_1532 = arith.index_cast %and3A_110 : i32 to index
      %swap3A_1533 = arith.index_cast %swap3A_1531 : i32 to index
      %swap3A_1534 = arith.constant 80 : index
      %swap3A_1535 = tpu.vector_load %arg7[%swap3A_1532, %swap3A_1533, %swap3A_1534] {strides = array<i32>} : memref<2x32x128xf32, #tpu.memory_space<vmem>>, vector<16xf32>,
      tpu.vector_store %arg7[%swap3A_1532, %swap3A_1533, %swap3A_1534], %gather3A_1530 {strides = array<i32>} : memref<2x32x128xf32, #tpu.memory_space<vmem>>, vector<16xf32>,
      %broadcast_in_dim3A_1536 = arith.constant 15 : i32
      %broadcast_in_dim3A_1537 = vector.broadcast %broadcast_in_dim3A_1536 : i32 to vector<16xi32>
      %gather3A_1538 = tpu.vector_load_idx %arg6[%add3A_1415, %broadcast_in_dim3A_1537] : memref<640x128xf32, #tpu.memory_space<vmem>>[vector<16xi32>, vector<16xi32>], vector<16xf32>,
      %swap3A_1539 = arith.constant 15 : i32
      %swap3A_1540 = arith.index_cast %and3A_110 : i32 to index
      %swap3A_1541 = arith.index_cast %swap3A_1539 : i32 to index
      %swap3A_1542 = arith.constant 80 : index
      %swap3A_1543 = tpu.vector_load %arg7[%swap3A_1540, %swap3A_1541, %swap3A_1542] {strides = array<i32>} : memref<2x32x128xf32, #tpu.memory_space<vmem>>, vector<16xf32>,
      tpu.vector_store %arg7[%swap3A_1540, %swap3A_1541, %swap3A_1542], %gather3A_1538 {strides = array<i32>} : memref<2x32x128xf32, #tpu.memory_space<vmem>>, vector<16xf32>,
      %broadcast_in_dim3A_1544 = arith.constant 16 : i32
      %broadcast_in_dim3A_1545 = vector.broadcast %broadcast_in_dim3A_1544 : i32 to vector<16xi32>
      %gather3A_1546 = tpu.vector_load_idx %arg6[%add3A_1415, %broadcast_in_dim3A_1545] : memref<640x128xf32, #tpu.memory_space<vmem>>[vector<16xi32>, vector<16xi32>], vector<16xf32>,
      %swap3A_1547 = arith.constant 16 : i32
      %swap3A_1548 = arith.index_cast %and3A_110 : i32 to index
      %swap3A_1549 = arith.index_cast %swap3A_1547 : i32 to index
      %swap3A_1550 = arith.constant 80 : index
      %swap3A_1551 = tpu.vector_load %arg7[%swap3A_1548, %swap3A_1549, %swap3A_1550] {strides = array<i32>} : memref<2x32x128xf32, #tpu.memory_space<vmem>>, vector<16xf32>,
      tpu.vector_store %arg7[%swap3A_1548, %swap3A_1549, %swap3A_1550], %gather3A_1546 {strides = array<i32>} : memref<2x32x128xf32, #tpu.memory_space<vmem>>, vector<16xf32>,
      %broadcast_in_dim3A_1552 = arith.constant 17 : i32
      %broadcast_in_dim3A_1553 = vector.broadcast %broadcast_in_dim3A_1552 : i32 to vector<16xi32>
      %gather3A_1554 = tpu.vector_load_idx %arg6[%add3A_1415, %broadcast_in_dim3A_1553] : memref<640x128xf32, #tpu.memory_space<vmem>>[vector<16xi32>, vector<16xi32>], vector<16xf32>,
      %swap3A_1555 = arith.constant 17 : i32
      %swap3A_1556 = arith.index_cast %and3A_110 : i32 to index
      %swap3A_1557 = arith.index_cast %swap3A_1555 : i32 to index
      %swap3A_1558 = arith.constant 80 : index
      %swap3A_1559 = tpu.vector_load %arg7[%swap3A_1556, %swap3A_1557, %swap3A_1558] {strides = array<i32>} : memref<2x32x128xf32, #tpu.memory_space<vmem>>, vector<16xf32>,
      tpu.vector_store %arg7[%swap3A_1556, %swap3A_1557, %swap3A_1558], %gather3A_1554 {strides = array<i32>} : memref<2x32x128xf32, #tpu.memory_space<vmem>>, vector<16xf32>,
      %broadcast_in_dim3A_1560 = arith.constant 18 : i32
      %broadcast_in_dim3A_1561 = vector.broadcast %broadcast_in_dim3A_1560 : i32 to vector<16xi32>
      %gather3A_1562 = tpu.vector_load_idx %arg6[%add3A_1415, %broadcast_in_dim3A_1561] : memref<640x128xf32, #tpu.memory_space<vmem>>[vector<16xi32>, vector<16xi32>], vector<16xf32>,
      %swap3A_1563 = arith.constant 18 : i32
      %swap3A_1564 = arith.index_cast %and3A_110 : i32 to index
      %swap3A_1565 = arith.index_cast %swap3A_1563 : i32 to index
      %swap3A_1566 = arith.constant 80 : index
      %swap3A_1567 = tpu.vector_load %arg7[%swap3A_1564, %swap3A_1565, %swap3A_1566] {strides = array<i32>} : memref<2x32x128xf32, #tpu.memory_space<vmem>>, vector<16xf32>,
      tpu.vector_store %arg7[%swap3A_1564, %swap3A_1565, %swap3A_1566], %gather3A_1562 {strides = array<i32>} : memref<2x32x128xf32, #tpu.memory_space<vmem>>, vector<16xf32>,
      %broadcast_in_dim3A_1568 = arith.constant 19 : i32
      %broadcast_in_dim3A_1569 = vector.broadcast %broadcast_in_dim3A_1568 : i32 to vector<16xi32>
      %gather3A_1570 = tpu.vector_load_idx %arg6[%add3A_1415, %broadcast_in_dim3A_1569] : memref<640x128xf32, #tpu.memory_space<vmem>>[vector<16xi32>, vector<16xi32>], vector<16xf32>,
      %swap3A_1571 = arith.constant 19 : i32
      %swap3A_1572 = arith.index_cast %and3A_110 : i32 to index
      %swap3A_1573 = arith.index_cast %swap3A_1571 : i32 to index
      %swap3A_1574 = arith.constant 80 : index
      %swap3A_1575 = tpu.vector_load %arg7[%swap3A_1572, %swap3A_1573, %swap3A_1574] {strides = array<i32>} : memref<2x32x128xf32, #tpu.memory_space<vmem>>, vector<16xf32>,
      tpu.vector_store %arg7[%swap3A_1572, %swap3A_1573, %swap3A_1574], %gather3A_1570 {strides = array<i32>} : memref<2x32x128xf32, #tpu.memory_space<vmem>>, vector<16xf32>,
      %broadcast_in_dim3A_1576 = arith.constant 20 : i32
      %broadcast_in_dim3A_1577 = vector.broadcast %broadcast_in_dim3A_1576 : i32 to vector<16xi32>
      %gather3A_1578 = tpu.vector_load_idx %arg6[%add3A_1415, %broadcast_in_dim3A_1577] : memref<640x128xf32, #tpu.memory_space<vmem>>[vector<16xi32>, vector<16xi32>], vector<16xf32>,
      %swap3A_1579 = arith.constant 20 : i32
      %swap3A_1580 = arith.index_cast %and3A_110 : i32 to index
      %swap3A_1581 = arith.index_cast %swap3A_1579 : i32 to index
      %swap3A_1582 = arith.constant 80 : index
      %swap3A_1583 = tpu.vector_load %arg7[%swap3A_1580, %swap3A_1581, %swap3A_1582] {strides = array<i32>} : memref<2x32x128xf32, #tpu.memory_space<vmem>>, vector<16xf32>,
      tpu.vector_store %arg7[%swap3A_1580, %swap3A_1581, %swap3A_1582], %gather3A_1578 {strides = array<i32>} : memref<2x32x128xf32, #tpu.memory_space<vmem>>, vector<16xf32>,
      %broadcast_in_dim3A_1584 = arith.constant 21 : i32
      %broadcast_in_dim3A_1585 = vector.broadcast %broadcast_in_dim3A_1584 : i32 to vector<16xi32>
      %gather3A_1586 = tpu.vector_load_idx %arg6[%add3A_1415, %broadcast_in_dim3A_1585] : memref<640x128xf32, #tpu.memory_space<vmem>>[vector<16xi32>, vector<16xi32>], vector<16xf32>,
      %swap3A_1587 = arith.constant 21 : i32
      %swap3A_1588 = arith.index_cast %and3A_110 : i32 to index
      %swap3A_1589 = arith.index_cast %swap3A_1587 : i32 to index
      %swap3A_1590 = arith.constant 80 : index
      %swap3A_1591 = tpu.vector_load %arg7[%swap3A_1588, %swap3A_1589, %swap3A_1590] {strides = array<i32>} : memref<2x32x128xf32, #tpu.memory_space<vmem>>, vector<16xf32>,
      tpu.vector_store %arg7[%swap3A_1588, %swap3A_1589, %swap3A_1590], %gather3A_1586 {strides = array<i32>} : memref<2x32x128xf32, #tpu.memory_space<vmem>>, vector<16xf32>,
      %broadcast_in_dim3A_1592 = arith.constant 22 : i32
      %broadcast_in_dim3A_1593 = vector.broadcast %broadcast_in_dim3A_1592 : i32 to vector<16xi32>
      %gather3A_1594 = tpu.vector_load_idx %arg6[%add3A_1415, %broadcast_in_dim3A_1593] : memref<640x128xf32, #tpu.memory_space<vmem>>[vector<16xi32>, vector<16xi32>], vector<16xf32>,
      %swap3A_1595 = arith.constant 22 : i32
      %swap3A_1596 = arith.index_cast %and3A_110 : i32 to index
      %swap3A_1597 = arith.index_cast %swap3A_1595 : i32 to index
      %swap3A_1598 = arith.constant 80 : index
      %swap3A_1599 = tpu.vector_load %arg7[%swap3A_1596, %swap3A_1597, %swap3A_1598] {strides = array<i32>} : memref<2x32x128xf32, #tpu.memory_space<vmem>>, vector<16xf32>,
      tpu.vector_store %arg7[%swap3A_1596, %swap3A_1597, %swap3A_1598], %gather3A_1594 {strides = array<i32>} : memref<2x32x128xf32, #tpu.memory_space<vmem>>, vector<16xf32>,
      %broadcast_in_dim3A_1600 = arith.constant 23 : i32
      %broadcast_in_dim3A_1601 = vector.broadcast %broadcast_in_dim3A_1600 : i32 to vector<16xi32>
      %gather3A_1602 = tpu.vector_load_idx %arg6[%add3A_1415, %broadcast_in_dim3A_1601] : memref<640x128xf32, #tpu.memory_space<vmem>>[vector<16xi32>, vector<16xi32>], vector<16xf32>,
      %swap3A_1603 = arith.constant 23 : i32
      %swap3A_1604 = arith.index_cast %and3A_110 : i32 to index
      %swap3A_1605 = arith.index_cast %swap3A_1603 : i32 to index
      %swap3A_1606 = arith.constant 80 : index
      %swap3A_1607 = tpu.vector_load %arg7[%swap3A_1604, %swap3A_1605, %swap3A_1606] {strides = array<i32>} : memref<2x32x128xf32, #tpu.memory_space<vmem>>, vector<16xf32>,
      tpu.vector_store %arg7[%swap3A_1604, %swap3A_1605, %swap3A_1606], %gather3A_1602 {strides = array<i32>} : memref<2x32x128xf32, #tpu.memory_space<vmem>>, vector<16xf32>,
      %broadcast_in_dim3A_1608 = arith.constant 24 : i32
      %broadcast_in_dim3A_1609 = vector.broadcast %broadcast_in_dim3A_1608 : i32 to vector<16xi32>
      %gather3A_1610 = tpu.vector_load_idx %arg6[%add3A_1415, %broadcast_in_dim3A_1609] : memref<640x128xf32, #tpu.memory_space<vmem>>[vector<16xi32>, vector<16xi32>], vector<16xf32>,
      %swap3A_1611 = arith.constant 24 : i32
      %swap3A_1612 = arith.index_cast %and3A_110 : i32 to index
      %swap3A_1613 = arith.index_cast %swap3A_1611 : i32 to index
      %swap3A_1614 = arith.constant 80 : index
      %swap3A_1615 = tpu.vector_load %arg7[%swap3A_1612, %swap3A_1613, %swap3A_1614] {strides = array<i32>} : memref<2x32x128xf32, #tpu.memory_space<vmem>>, vector<16xf32>,
      tpu.vector_store %arg7[%swap3A_1612, %swap3A_1613, %swap3A_1614], %gather3A_1610 {strides = array<i32>} : memref<2x32x128xf32, #tpu.memory_space<vmem>>, vector<16xf32>,
      %broadcast_in_dim3A_1616 = arith.constant 25 : i32
      %broadcast_in_dim3A_1617 = vector.broadcast %broadcast_in_dim3A_1616 : i32 to vector<16xi32>
      %gather3A_1618 = tpu.vector_load_idx %arg6[%add3A_1415, %broadcast_in_dim3A_1617] : memref<640x128xf32, #tpu.memory_space<vmem>>[vector<16xi32>, vector<16xi32>], vector<16xf32>,
      %swap3A_1619 = arith.constant 25 : i32
      %swap3A_1620 = arith.index_cast %and3A_110 : i32 to index
      %swap3A_1621 = arith.index_cast %swap3A_1619 : i32 to index
      %swap3A_1622 = arith.constant 80 : index
      %swap3A_1623 = tpu.vector_load %arg7[%swap3A_1620, %swap3A_1621, %swap3A_1622] {strides = array<i32>} : memref<2x32x128xf32, #tpu.memory_space<vmem>>, vector<16xf32>,
      tpu.vector_store %arg7[%swap3A_1620, %swap3A_1621, %swap3A_1622], %gather3A_1618 {strides = array<i32>} : memref<2x32x128xf32, #tpu.memory_space<vmem>>, vector<16xf32>,
      %broadcast_in_dim3A_1624 = arith.constant 26 : i32
      %broadcast_in_dim3A_1625 = vector.broadcast %broadcast_in_dim3A_1624 : i32 to vector<16xi32>
      %gather3A_1626 = tpu.vector_load_idx %arg6[%add3A_1415, %broadcast_in_dim3A_1625] : memref<640x128xf32, #tpu.memory_space<vmem>>[vector<16xi32>, vector<16xi32>], vector<16xf32>,
      %swap3A_1627 = arith.constant 26 : i32
      %swap3A_1628 = arith.index_cast %and3A_110 : i32 to index
      %swap3A_1629 = arith.index_cast %swap3A_1627 : i32 to index
      %swap3A_1630 = arith.constant 80 : index
      %swap3A_1631 = tpu.vector_load %arg7[%swap3A_1628, %swap3A_1629, %swap3A_1630] {strides = array<i32>} : memref<2x32x128xf32, #tpu.memory_space<vmem>>, vector<16xf32>,
      tpu.vector_store %arg7[%swap3A_1628, %swap3A_1629, %swap3A_1630], %gather3A_1626 {strides = array<i32>} : memref<2x32x128xf32, #tpu.memory_space<vmem>>, vector<16xf32>,
      %broadcast_in_dim3A_1632 = arith.constant 27 : i32
      %broadcast_in_dim3A_1633 = vector.broadcast %broadcast_in_dim3A_1632 : i32 to vector<16xi32>
      %gather3A_1634 = tpu.vector_load_idx %arg6[%add3A_1415, %broadcast_in_dim3A_1633] : memref<640x128xf32, #tpu.memory_space<vmem>>[vector<16xi32>, vector<16xi32>], vector<16xf32>,
      %swap3A_1635 = arith.constant 27 : i32
      %swap3A_1636 = arith.index_cast %and3A_110 : i32 to index
      %swap3A_1637 = arith.index_cast %swap3A_1635 : i32 to index
      %swap3A_1638 = arith.constant 80 : index
      %swap3A_1639 = tpu.vector_load %arg7[%swap3A_1636, %swap3A_1637, %swap3A_1638] {strides = array<i32>} : memref<2x32x128xf32, #tpu.memory_space<vmem>>, vector<16xf32>,
      tpu.vector_store %arg7[%swap3A_1636, %swap3A_1637, %swap3A_1638], %gather3A_1634 {strides = array<i32>} : memref<2x32x128xf32, #tpu.memory_space<vmem>>, vector<16xf32>,
      %broadcast_in_dim3A_1640 = arith.constant 28 : i32
      %broadcast_in_dim3A_1641 = vector.broadcast %broadcast_in_dim3A_1640 : i32 to vector<16xi32>
      %gather3A_1642 = tpu.vector_load_idx %arg6[%add3A_1415, %broadcast_in_dim3A_1641] : memref<640x128xf32, #tpu.memory_space<vmem>>[vector<16xi32>, vector<16xi32>], vector<16xf32>,
      %swap3A_1643 = arith.constant 28 : i32
      %swap3A_1644 = arith.index_cast %and3A_110 : i32 to index
      %swap3A_1645 = arith.index_cast %swap3A_1643 : i32 to index
      %swap3A_1646 = arith.constant 80 : index
      %swap3A_1647 = tpu.vector_load %arg7[%swap3A_1644, %swap3A_1645, %swap3A_1646] {strides = array<i32>} : memref<2x32x128xf32, #tpu.memory_space<vmem>>, vector<16xf32>,
      tpu.vector_store %arg7[%swap3A_1644, %swap3A_1645, %swap3A_1646], %gather3A_1642 {strides = array<i32>} : memref<2x32x128xf32, #tpu.memory_space<vmem>>, vector<16xf32>,
      %broadcast_in_dim3A_1648 = arith.constant 29 : i32
      %broadcast_in_dim3A_1649 = vector.broadcast %broadcast_in_dim3A_1648 : i32 to vector<16xi32>
      %gather3A_1650 = tpu.vector_load_idx %arg6[%add3A_1415, %broadcast_in_dim3A_1649] : memref<640x128xf32, #tpu.memory_space<vmem>>[vector<16xi32>, vector<16xi32>], vector<16xf32>,
      %swap3A_1651 = arith.constant 29 : i32
      %swap3A_1652 = arith.index_cast %and3A_110 : i32 to index
      %swap3A_1653 = arith.index_cast %swap3A_1651 : i32 to index
      %swap3A_1654 = arith.constant 80 : index
      %swap3A_1655 = tpu.vector_load %arg7[%swap3A_1652, %swap3A_1653, %swap3A_1654] {strides = array<i32>} : memref<2x32x128xf32, #tpu.memory_space<vmem>>, vector<16xf32>,
      tpu.vector_store %arg7[%swap3A_1652, %swap3A_1653, %swap3A_1654], %gather3A_1650 {strides = array<i32>} : memref<2x32x128xf32, #tpu.memory_space<vmem>>, vector<16xf32>,
      %broadcast_in_dim3A_1656 = arith.constant 30 : i32
      %broadcast_in_dim3A_1657 = vector.broadcast %broadcast_in_dim3A_1656 : i32 to vector<16xi32>
      %gather3A_1658 = tpu.vector_load_idx %arg6[%add3A_1415, %broadcast_in_dim3A_1657] : memref<640x128xf32, #tpu.memory_space<vmem>>[vector<16xi32>, vector<16xi32>], vector<16xf32>,
      %swap3A_1659 = arith.constant 30 : i32
      %swap3A_1660 = arith.index_cast %and3A_110 : i32 to index
      %swap3A_1661 = arith.index_cast %swap3A_1659 : i32 to index
      %swap3A_1662 = arith.constant 80 : index
      %swap3A_1663 = tpu.vector_load %arg7[%swap3A_1660, %swap3A_1661, %swap3A_1662] {strides = array<i32>} : memref<2x32x128xf32, #tpu.memory_space<vmem>>, vector<16xf32>,
      tpu.vector_store %arg7[%swap3A_1660, %swap3A_1661, %swap3A_1662], %gather3A_1658 {strides = array<i32>} : memref<2x32x128xf32, #tpu.memory_space<vmem>>, vector<16xf32>,
      %broadcast_in_dim3A_1664 = arith.constant 31 : i32
      %broadcast_in_dim3A_1665 = vector.broadcast %broadcast_in_dim3A_1664 : i32 to vector<16xi32>
      %gather3A_1666 = tpu.vector_load_idx %arg6[%add3A_1415, %broadcast_in_dim3A_1665] : memref<640x128xf32, #tpu.memory_space<vmem>>[vector<16xi32>, vector<16xi32>], vector<16xf32>,
      %swap3A_1667 = arith.constant 31 : i32
      %swap3A_1668 = arith.index_cast %and3A_110 : i32 to index
      %swap3A_1669 = arith.index_cast %swap3A_1667 : i32 to index
      %swap3A_1670 = arith.constant 80 : index
      %swap3A_1671 = tpu.vector_load %arg7[%swap3A_1668, %swap3A_1669, %swap3A_1670] {strides = array<i32>} : memref<2x32x128xf32, #tpu.memory_space<vmem>>, vector<16xf32>,
      tpu.vector_store %arg7[%swap3A_1668, %swap3A_1669, %swap3A_1670], %gather3A_1666 {strides = array<i32>} : memref<2x32x128xf32, #tpu.memory_space<vmem>>, vector<16xf32>,
      %add3A_1672 = arith.constant 96 : i32
      %add3A_1673 = arith.addi %mul3A_114, %add3A_1672 : i32
      %add3A_1674 = vector.broadcast %add3A_1673 : i32 to vector<16xi32>
      %add3A_1675 = arith.addi %add3A_1674, %iota3A : vector<16xi32>
      %broadcast_in_dim3A_1676 = arith.constant 0 : i32
      %broadcast_in_dim3A_1677 = vector.broadcast %broadcast_in_dim3A_1676 : i32 to vector<16xi32>
      %gather3A_1678 = tpu.vector_load_idx %arg6[%add3A_1675, %broadcast_in_dim3A_1677] : memref<640x128xf32, #tpu.memory_space<vmem>>[vector<16xi32>, vector<16xi32>], vector<16xf32>,
      %swap3A_1679 = arith.constant 0 : i32
      %swap3A_1680 = arith.index_cast %and3A_110 : i32 to index
      %swap3A_1681 = arith.index_cast %swap3A_1679 : i32 to index
      %swap3A_1682 = arith.constant 96 : index
      %swap3A_1683 = tpu.vector_load %arg7[%swap3A_1680, %swap3A_1681, %swap3A_1682] {strides = array<i32>} : memref<2x32x128xf32, #tpu.memory_space<vmem>>, vector<16xf32>,
      tpu.vector_store %arg7[%swap3A_1680, %swap3A_1681, %swap3A_1682], %gather3A_1678 {strides = array<i32>} : memref<2x32x128xf32, #tpu.memory_space<vmem>>, vector<16xf32>,
      %broadcast_in_dim3A_1684 = arith.constant 1 : i32
      %broadcast_in_dim3A_1685 = vector.broadcast %broadcast_in_dim3A_1684 : i32 to vector<16xi32>
      %gather3A_1686 = tpu.vector_load_idx %arg6[%add3A_1675, %broadcast_in_dim3A_1685] : memref<640x128xf32, #tpu.memory_space<vmem>>[vector<16xi32>, vector<16xi32>], vector<16xf32>,
      %swap3A_1687 = arith.constant 1 : i32
      %swap3A_1688 = arith.index_cast %and3A_110 : i32 to index
      %swap3A_1689 = arith.index_cast %swap3A_1687 : i32 to index
      %swap3A_1690 = arith.constant 96 : index
      %swap3A_1691 = tpu.vector_load %arg7[%swap3A_1688, %swap3A_1689, %swap3A_1690] {strides = array<i32>} : memref<2x32x128xf32, #tpu.memory_space<vmem>>, vector<16xf32>,
      tpu.vector_store %arg7[%swap3A_1688, %swap3A_1689, %swap3A_1690], %gather3A_1686 {strides = array<i32>} : memref<2x32x128xf32, #tpu.memory_space<vmem>>, vector<16xf32>,
      %broadcast_in_dim3A_1692 = arith.constant 2 : i32
      %broadcast_in_dim3A_1693 = vector.broadcast %broadcast_in_dim3A_1692 : i32 to vector<16xi32>
      %gather3A_1694 = tpu.vector_load_idx %arg6[%add3A_1675, %broadcast_in_dim3A_1693] : memref<640x128xf32, #tpu.memory_space<vmem>>[vector<16xi32>, vector<16xi32>], vector<16xf32>,
      %swap3A_1695 = arith.constant 2 : i32
      %swap3A_1696 = arith.index_cast %and3A_110 : i32 to index
      %swap3A_1697 = arith.index_cast %swap3A_1695 : i32 to index
      %swap3A_1698 = arith.constant 96 : index
      %swap3A_1699 = tpu.vector_load %arg7[%swap3A_1696, %swap3A_1697, %swap3A_1698] {strides = array<i32>} : memref<2x32x128xf32, #tpu.memory_space<vmem>>, vector<16xf32>,
      tpu.vector_store %arg7[%swap3A_1696, %swap3A_1697, %swap3A_1698], %gather3A_1694 {strides = array<i32>} : memref<2x32x128xf32, #tpu.memory_space<vmem>>, vector<16xf32>,
      %broadcast_in_dim3A_1700 = arith.constant 3 : i32
      %broadcast_in_dim3A_1701 = vector.broadcast %broadcast_in_dim3A_1700 : i32 to vector<16xi32>
      %gather3A_1702 = tpu.vector_load_idx %arg6[%add3A_1675, %broadcast_in_dim3A_1701] : memref<640x128xf32, #tpu.memory_space<vmem>>[vector<16xi32>, vector<16xi32>], vector<16xf32>,
      %swap3A_1703 = arith.constant 3 : i32
      %swap3A_1704 = arith.index_cast %and3A_110 : i32 to index
      %swap3A_1705 = arith.index_cast %swap3A_1703 : i32 to index
      %swap3A_1706 = arith.constant 96 : index
      %swap3A_1707 = tpu.vector_load %arg7[%swap3A_1704, %swap3A_1705, %swap3A_1706] {strides = array<i32>} : memref<2x32x128xf32, #tpu.memory_space<vmem>>, vector<16xf32>,
      tpu.vector_store %arg7[%swap3A_1704, %swap3A_1705, %swap3A_1706], %gather3A_1702 {strides = array<i32>} : memref<2x32x128xf32, #tpu.memory_space<vmem>>, vector<16xf32>,
      %broadcast_in_dim3A_1708 = arith.constant 4 : i32
      %broadcast_in_dim3A_1709 = vector.broadcast %broadcast_in_dim3A_1708 : i32 to vector<16xi32>
      %gather3A_1710 = tpu.vector_load_idx %arg6[%add3A_1675, %broadcast_in_dim3A_1709] : memref<640x128xf32, #tpu.memory_space<vmem>>[vector<16xi32>, vector<16xi32>], vector<16xf32>,
      %swap3A_1711 = arith.constant 4 : i32
      %swap3A_1712 = arith.index_cast %and3A_110 : i32 to index
      %swap3A_1713 = arith.index_cast %swap3A_1711 : i32 to index
      %swap3A_1714 = arith.constant 96 : index
      %swap3A_1715 = tpu.vector_load %arg7[%swap3A_1712, %swap3A_1713, %swap3A_1714] {strides = array<i32>} : memref<2x32x128xf32, #tpu.memory_space<vmem>>, vector<16xf32>,
      tpu.vector_store %arg7[%swap3A_1712, %swap3A_1713, %swap3A_1714], %gather3A_1710 {strides = array<i32>} : memref<2x32x128xf32, #tpu.memory_space<vmem>>, vector<16xf32>,
      %broadcast_in_dim3A_1716 = arith.constant 5 : i32
      %broadcast_in_dim3A_1717 = vector.broadcast %broadcast_in_dim3A_1716 : i32 to vector<16xi32>
      %gather3A_1718 = tpu.vector_load_idx %arg6[%add3A_1675, %broadcast_in_dim3A_1717] : memref<640x128xf32, #tpu.memory_space<vmem>>[vector<16xi32>, vector<16xi32>], vector<16xf32>,
      %swap3A_1719 = arith.constant 5 : i32
      %swap3A_1720 = arith.index_cast %and3A_110 : i32 to index
      %swap3A_1721 = arith.index_cast %swap3A_1719 : i32 to index
      %swap3A_1722 = arith.constant 96 : index
      %swap3A_1723 = tpu.vector_load %arg7[%swap3A_1720, %swap3A_1721, %swap3A_1722] {strides = array<i32>} : memref<2x32x128xf32, #tpu.memory_space<vmem>>, vector<16xf32>,
      tpu.vector_store %arg7[%swap3A_1720, %swap3A_1721, %swap3A_1722], %gather3A_1718 {strides = array<i32>} : memref<2x32x128xf32, #tpu.memory_space<vmem>>, vector<16xf32>,
      %broadcast_in_dim3A_1724 = arith.constant 6 : i32
      %broadcast_in_dim3A_1725 = vector.broadcast %broadcast_in_dim3A_1724 : i32 to vector<16xi32>
      %gather3A_1726 = tpu.vector_load_idx %arg6[%add3A_1675, %broadcast_in_dim3A_1725] : memref<640x128xf32, #tpu.memory_space<vmem>>[vector<16xi32>, vector<16xi32>], vector<16xf32>,
      %swap3A_1727 = arith.constant 6 : i32
      %swap3A_1728 = arith.index_cast %and3A_110 : i32 to index
      %swap3A_1729 = arith.index_cast %swap3A_1727 : i32 to index
      %swap3A_1730 = arith.constant 96 : index
      %swap3A_1731 = tpu.vector_load %arg7[%swap3A_1728, %swap3A_1729, %swap3A_1730] {strides = array<i32>} : memref<2x32x128xf32, #tpu.memory_space<vmem>>, vector<16xf32>,
      tpu.vector_store %arg7[%swap3A_1728, %swap3A_1729, %swap3A_1730], %gather3A_1726 {strides = array<i32>} : memref<2x32x128xf32, #tpu.memory_space<vmem>>, vector<16xf32>,
      %broadcast_in_dim3A_1732 = arith.constant 7 : i32
      %broadcast_in_dim3A_1733 = vector.broadcast %broadcast_in_dim3A_1732 : i32 to vector<16xi32>
      %gather3A_1734 = tpu.vector_load_idx %arg6[%add3A_1675, %broadcast_in_dim3A_1733] : memref<640x128xf32, #tpu.memory_space<vmem>>[vector<16xi32>, vector<16xi32>], vector<16xf32>,
      %swap3A_1735 = arith.constant 7 : i32
      %swap3A_1736 = arith.index_cast %and3A_110 : i32 to index
      %swap3A_1737 = arith.index_cast %swap3A_1735 : i32 to index
      %swap3A_1738 = arith.constant 96 : index
      %swap3A_1739 = tpu.vector_load %arg7[%swap3A_1736, %swap3A_1737, %swap3A_1738] {strides = array<i32>} : memref<2x32x128xf32, #tpu.memory_space<vmem>>, vector<16xf32>,
      tpu.vector_store %arg7[%swap3A_1736, %swap3A_1737, %swap3A_1738], %gather3A_1734 {strides = array<i32>} : memref<2x32x128xf32, #tpu.memory_space<vmem>>, vector<16xf32>,
      %broadcast_in_dim3A_1740 = arith.constant 8 : i32
      %broadcast_in_dim3A_1741 = vector.broadcast %broadcast_in_dim3A_1740 : i32 to vector<16xi32>
      %gather3A_1742 = tpu.vector_load_idx %arg6[%add3A_1675, %broadcast_in_dim3A_1741] : memref<640x128xf32, #tpu.memory_space<vmem>>[vector<16xi32>, vector<16xi32>], vector<16xf32>,
      %swap3A_1743 = arith.constant 8 : i32
      %swap3A_1744 = arith.index_cast %and3A_110 : i32 to index
      %swap3A_1745 = arith.index_cast %swap3A_1743 : i32 to index
      %swap3A_1746 = arith.constant 96 : index
      %swap3A_1747 = tpu.vector_load %arg7[%swap3A_1744, %swap3A_1745, %swap3A_1746] {strides = array<i32>} : memref<2x32x128xf32, #tpu.memory_space<vmem>>, vector<16xf32>,
      tpu.vector_store %arg7[%swap3A_1744, %swap3A_1745, %swap3A_1746], %gather3A_1742 {strides = array<i32>} : memref<2x32x128xf32, #tpu.memory_space<vmem>>, vector<16xf32>,
      %broadcast_in_dim3A_1748 = arith.constant 9 : i32
      %broadcast_in_dim3A_1749 = vector.broadcast %broadcast_in_dim3A_1748 : i32 to vector<16xi32>
      %gather3A_1750 = tpu.vector_load_idx %arg6[%add3A_1675, %broadcast_in_dim3A_1749] : memref<640x128xf32, #tpu.memory_space<vmem>>[vector<16xi32>, vector<16xi32>], vector<16xf32>,
      %swap3A_1751 = arith.constant 9 : i32
      %swap3A_1752 = arith.index_cast %and3A_110 : i32 to index
      %swap3A_1753 = arith.index_cast %swap3A_1751 : i32 to index
      %swap3A_1754 = arith.constant 96 : index
      %swap3A_1755 = tpu.vector_load %arg7[%swap3A_1752, %swap3A_1753, %swap3A_1754] {strides = array<i32>} : memref<2x32x128xf32, #tpu.memory_space<vmem>>, vector<16xf32>,
      tpu.vector_store %arg7[%swap3A_1752, %swap3A_1753, %swap3A_1754], %gather3A_1750 {strides = array<i32>} : memref<2x32x128xf32, #tpu.memory_space<vmem>>, vector<16xf32>,
      %broadcast_in_dim3A_1756 = arith.constant 10 : i32
      %broadcast_in_dim3A_1757 = vector.broadcast %broadcast_in_dim3A_1756 : i32 to vector<16xi32>
      %gather3A_1758 = tpu.vector_load_idx %arg6[%add3A_1675, %broadcast_in_dim3A_1757] : memref<640x128xf32, #tpu.memory_space<vmem>>[vector<16xi32>, vector<16xi32>], vector<16xf32>,
      %swap3A_1759 = arith.constant 10 : i32
      %swap3A_1760 = arith.index_cast %and3A_110 : i32 to index
      %swap3A_1761 = arith.index_cast %swap3A_1759 : i32 to index
      %swap3A_1762 = arith.constant 96 : index
      %swap3A_1763 = tpu.vector_load %arg7[%swap3A_1760, %swap3A_1761, %swap3A_1762] {strides = array<i32>} : memref<2x32x128xf32, #tpu.memory_space<vmem>>, vector<16xf32>,
      tpu.vector_store %arg7[%swap3A_1760, %swap3A_1761, %swap3A_1762], %gather3A_1758 {strides = array<i32>} : memref<2x32x128xf32, #tpu.memory_space<vmem>>, vector<16xf32>,
      %broadcast_in_dim3A_1764 = arith.constant 11 : i32
      %broadcast_in_dim3A_1765 = vector.broadcast %broadcast_in_dim3A_1764 : i32 to vector<16xi32>
      %gather3A_1766 = tpu.vector_load_idx %arg6[%add3A_1675, %broadcast_in_dim3A_1765] : memref<640x128xf32, #tpu.memory_space<vmem>>[vector<16xi32>, vector<16xi32>], vector<16xf32>,
      %swap3A_1767 = arith.constant 11 : i32
      %swap3A_1768 = arith.index_cast %and3A_110 : i32 to index
      %swap3A_1769 = arith.index_cast %swap3A_1767 : i32 to index
      %swap3A_1770 = arith.constant 96 : index
      %swap3A_1771 = tpu.vector_load %arg7[%swap3A_1768, %swap3A_1769, %swap3A_1770] {strides = array<i32>} : memref<2x32x128xf32, #tpu.memory_space<vmem>>, vector<16xf32>,
      tpu.vector_store %arg7[%swap3A_1768, %swap3A_1769, %swap3A_1770], %gather3A_1766 {strides = array<i32>} : memref<2x32x128xf32, #tpu.memory_space<vmem>>, vector<16xf32>,
      %broadcast_in_dim3A_1772 = arith.constant 12 : i32
      %broadcast_in_dim3A_1773 = vector.broadcast %broadcast_in_dim3A_1772 : i32 to vector<16xi32>
      %gather3A_1774 = tpu.vector_load_idx %arg6[%add3A_1675, %broadcast_in_dim3A_1773] : memref<640x128xf32, #tpu.memory_space<vmem>>[vector<16xi32>, vector<16xi32>], vector<16xf32>,
      %swap3A_1775 = arith.constant 12 : i32
      %swap3A_1776 = arith.index_cast %and3A_110 : i32 to index
      %swap3A_1777 = arith.index_cast %swap3A_1775 : i32 to index
      %swap3A_1778 = arith.constant 96 : index
      %swap3A_1779 = tpu.vector_load %arg7[%swap3A_1776, %swap3A_1777, %swap3A_1778] {strides = array<i32>} : memref<2x32x128xf32, #tpu.memory_space<vmem>>, vector<16xf32>,
      tpu.vector_store %arg7[%swap3A_1776, %swap3A_1777, %swap3A_1778], %gather3A_1774 {strides = array<i32>} : memref<2x32x128xf32, #tpu.memory_space<vmem>>, vector<16xf32>,
      %broadcast_in_dim3A_1780 = arith.constant 13 : i32
      %broadcast_in_dim3A_1781 = vector.broadcast %broadcast_in_dim3A_1780 : i32 to vector<16xi32>
      %gather3A_1782 = tpu.vector_load_idx %arg6[%add3A_1675, %broadcast_in_dim3A_1781] : memref<640x128xf32, #tpu.memory_space<vmem>>[vector<16xi32>, vector<16xi32>], vector<16xf32>,
      %swap3A_1783 = arith.constant 13 : i32
      %swap3A_1784 = arith.index_cast %and3A_110 : i32 to index
      %swap3A_1785 = arith.index_cast %swap3A_1783 : i32 to index
      %swap3A_1786 = arith.constant 96 : index
      %swap3A_1787 = tpu.vector_load %arg7[%swap3A_1784, %swap3A_1785, %swap3A_1786] {strides = array<i32>} : memref<2x32x128xf32, #tpu.memory_space<vmem>>, vector<16xf32>,
      tpu.vector_store %arg7[%swap3A_1784, %swap3A_1785, %swap3A_1786], %gather3A_1782 {strides = array<i32>} : memref<2x32x128xf32, #tpu.memory_space<vmem>>, vector<16xf32>,
      %broadcast_in_dim3A_1788 = arith.constant 14 : i32
      %broadcast_in_dim3A_1789 = vector.broadcast %broadcast_in_dim3A_1788 : i32 to vector<16xi32>
      %gather3A_1790 = tpu.vector_load_idx %arg6[%add3A_1675, %broadcast_in_dim3A_1789] : memref<640x128xf32, #tpu.memory_space<vmem>>[vector<16xi32>, vector<16xi32>], vector<16xf32>,
      %swap3A_1791 = arith.constant 14 : i32
      %swap3A_1792 = arith.index_cast %and3A_110 : i32 to index
      %swap3A_1793 = arith.index_cast %swap3A_1791 : i32 to index
      %swap3A_1794 = arith.constant 96 : index
      %swap3A_1795 = tpu.vector_load %arg7[%swap3A_1792, %swap3A_1793, %swap3A_1794] {strides = array<i32>} : memref<2x32x128xf32, #tpu.memory_space<vmem>>, vector<16xf32>,
      tpu.vector_store %arg7[%swap3A_1792, %swap3A_1793, %swap3A_1794], %gather3A_1790 {strides = array<i32>} : memref<2x32x128xf32, #tpu.memory_space<vmem>>, vector<16xf32>,
      %broadcast_in_dim3A_1796 = arith.constant 15 : i32
      %broadcast_in_dim3A_1797 = vector.broadcast %broadcast_in_dim3A_1796 : i32 to vector<16xi32>
      %gather3A_1798 = tpu.vector_load_idx %arg6[%add3A_1675, %broadcast_in_dim3A_1797] : memref<640x128xf32, #tpu.memory_space<vmem>>[vector<16xi32>, vector<16xi32>], vector<16xf32>,
      %swap3A_1799 = arith.constant 15 : i32
      %swap3A_1800 = arith.index_cast %and3A_110 : i32 to index
      %swap3A_1801 = arith.index_cast %swap3A_1799 : i32 to index
      %swap3A_1802 = arith.constant 96 : index
      %swap3A_1803 = tpu.vector_load %arg7[%swap3A_1800, %swap3A_1801, %swap3A_1802] {strides = array<i32>} : memref<2x32x128xf32, #tpu.memory_space<vmem>>, vector<16xf32>,
      tpu.vector_store %arg7[%swap3A_1800, %swap3A_1801, %swap3A_1802], %gather3A_1798 {strides = array<i32>} : memref<2x32x128xf32, #tpu.memory_space<vmem>>, vector<16xf32>,
      %broadcast_in_dim3A_1804 = arith.constant 16 : i32
      %broadcast_in_dim3A_1805 = vector.broadcast %broadcast_in_dim3A_1804 : i32 to vector<16xi32>
      %gather3A_1806 = tpu.vector_load_idx %arg6[%add3A_1675, %broadcast_in_dim3A_1805] : memref<640x128xf32, #tpu.memory_space<vmem>>[vector<16xi32>, vector<16xi32>], vector<16xf32>,
      %swap3A_1807 = arith.constant 16 : i32
      %swap3A_1808 = arith.index_cast %and3A_110 : i32 to index
      %swap3A_1809 = arith.index_cast %swap3A_1807 : i32 to index
      %swap3A_1810 = arith.constant 96 : index
      %swap3A_1811 = tpu.vector_load %arg7[%swap3A_1808, %swap3A_1809, %swap3A_1810] {strides = array<i32>} : memref<2x32x128xf32, #tpu.memory_space<vmem>>, vector<16xf32>,
      tpu.vector_store %arg7[%swap3A_1808, %swap3A_1809, %swap3A_1810], %gather3A_1806 {strides = array<i32>} : memref<2x32x128xf32, #tpu.memory_space<vmem>>, vector<16xf32>,
      %broadcast_in_dim3A_1812 = arith.constant 17 : i32
      %broadcast_in_dim3A_1813 = vector.broadcast %broadcast_in_dim3A_1812 : i32 to vector<16xi32>
      %gather3A_1814 = tpu.vector_load_idx %arg6[%add3A_1675, %broadcast_in_dim3A_1813] : memref<640x128xf32, #tpu.memory_space<vmem>>[vector<16xi32>, vector<16xi32>], vector<16xf32>,
      %swap3A_1815 = arith.constant 17 : i32
      %swap3A_1816 = arith.index_cast %and3A_110 : i32 to index
      %swap3A_1817 = arith.index_cast %swap3A_1815 : i32 to index
      %swap3A_1818 = arith.constant 96 : index
      %swap3A_1819 = tpu.vector_load %arg7[%swap3A_1816, %swap3A_1817, %swap3A_1818] {strides = array<i32>} : memref<2x32x128xf32, #tpu.memory_space<vmem>>, vector<16xf32>,
      tpu.vector_store %arg7[%swap3A_1816, %swap3A_1817, %swap3A_1818], %gather3A_1814 {strides = array<i32>} : memref<2x32x128xf32, #tpu.memory_space<vmem>>, vector<16xf32>,
      %broadcast_in_dim3A_1820 = arith.constant 18 : i32
      %broadcast_in_dim3A_1821 = vector.broadcast %broadcast_in_dim3A_1820 : i32 to vector<16xi32>
      %gather3A_1822 = tpu.vector_load_idx %arg6[%add3A_1675, %broadcast_in_dim3A_1821] : memref<640x128xf32, #tpu.memory_space<vmem>>[vector<16xi32>, vector<16xi32>], vector<16xf32>,
      %swap3A_1823 = arith.constant 18 : i32
      %swap3A_1824 = arith.index_cast %and3A_110 : i32 to index
      %swap3A_1825 = arith.index_cast %swap3A_1823 : i32 to index
      %swap3A_1826 = arith.constant 96 : index
      %swap3A_1827 = tpu.vector_load %arg7[%swap3A_1824, %swap3A_1825, %swap3A_1826] {strides = array<i32>} : memref<2x32x128xf32, #tpu.memory_space<vmem>>, vector<16xf32>,
      tpu.vector_store %arg7[%swap3A_1824, %swap3A_1825, %swap3A_1826], %gather3A_1822 {strides = array<i32>} : memref<2x32x128xf32, #tpu.memory_space<vmem>>, vector<16xf32>,
      %broadcast_in_dim3A_1828 = arith.constant 19 : i32
      %broadcast_in_dim3A_1829 = vector.broadcast %broadcast_in_dim3A_1828 : i32 to vector<16xi32>
      %gather3A_1830 = tpu.vector_load_idx %arg6[%add3A_1675, %broadcast_in_dim3A_1829] : memref<640x128xf32, #tpu.memory_space<vmem>>[vector<16xi32>, vector<16xi32>], vector<16xf32>,
      %swap3A_1831 = arith.constant 19 : i32
      %swap3A_1832 = arith.index_cast %and3A_110 : i32 to index
      %swap3A_1833 = arith.index_cast %swap3A_1831 : i32 to index
      %swap3A_1834 = arith.constant 96 : index
      %swap3A_1835 = tpu.vector_load %arg7[%swap3A_1832, %swap3A_1833, %swap3A_1834] {strides = array<i32>} : memref<2x32x128xf32, #tpu.memory_space<vmem>>, vector<16xf32>,
      tpu.vector_store %arg7[%swap3A_1832, %swap3A_1833, %swap3A_1834], %gather3A_1830 {strides = array<i32>} : memref<2x32x128xf32, #tpu.memory_space<vmem>>, vector<16xf32>,
      %broadcast_in_dim3A_1836 = arith.constant 20 : i32
      %broadcast_in_dim3A_1837 = vector.broadcast %broadcast_in_dim3A_1836 : i32 to vector<16xi32>
      %gather3A_1838 = tpu.vector_load_idx %arg6[%add3A_1675, %broadcast_in_dim3A_1837] : memref<640x128xf32, #tpu.memory_space<vmem>>[vector<16xi32>, vector<16xi32>], vector<16xf32>,
      %swap3A_1839 = arith.constant 20 : i32
      %swap3A_1840 = arith.index_cast %and3A_110 : i32 to index
      %swap3A_1841 = arith.index_cast %swap3A_1839 : i32 to index
      %swap3A_1842 = arith.constant 96 : index
      %swap3A_1843 = tpu.vector_load %arg7[%swap3A_1840, %swap3A_1841, %swap3A_1842] {strides = array<i32>} : memref<2x32x128xf32, #tpu.memory_space<vmem>>, vector<16xf32>,
      tpu.vector_store %arg7[%swap3A_1840, %swap3A_1841, %swap3A_1842], %gather3A_1838 {strides = array<i32>} : memref<2x32x128xf32, #tpu.memory_space<vmem>>, vector<16xf32>,
      %broadcast_in_dim3A_1844 = arith.constant 21 : i32
      %broadcast_in_dim3A_1845 = vector.broadcast %broadcast_in_dim3A_1844 : i32 to vector<16xi32>
      %gather3A_1846 = tpu.vector_load_idx %arg6[%add3A_1675, %broadcast_in_dim3A_1845] : memref<640x128xf32, #tpu.memory_space<vmem>>[vector<16xi32>, vector<16xi32>], vector<16xf32>,
      %swap3A_1847 = arith.constant 21 : i32
      %swap3A_1848 = arith.index_cast %and3A_110 : i32 to index
      %swap3A_1849 = arith.index_cast %swap3A_1847 : i32 to index
      %swap3A_1850 = arith.constant 96 : index
      %swap3A_1851 = tpu.vector_load %arg7[%swap3A_1848, %swap3A_1849, %swap3A_1850] {strides = array<i32>} : memref<2x32x128xf32, #tpu.memory_space<vmem>>, vector<16xf32>,
      tpu.vector_store %arg7[%swap3A_1848, %swap3A_1849, %swap3A_1850], %gather3A_1846 {strides = array<i32>} : memref<2x32x128xf32, #tpu.memory_space<vmem>>, vector<16xf32>,
      %broadcast_in_dim3A_1852 = arith.constant 22 : i32
      %broadcast_in_dim3A_1853 = vector.broadcast %broadcast_in_dim3A_1852 : i32 to vector<16xi32>
      %gather3A_1854 = tpu.vector_load_idx %arg6[%add3A_1675, %broadcast_in_dim3A_1853] : memref<640x128xf32, #tpu.memory_space<vmem>>[vector<16xi32>, vector<16xi32>], vector<16xf32>,
      %swap3A_1855 = arith.constant 22 : i32
      %swap3A_1856 = arith.index_cast %and3A_110 : i32 to index
      %swap3A_1857 = arith.index_cast %swap3A_1855 : i32 to index
      %swap3A_1858 = arith.constant 96 : index
      %swap3A_1859 = tpu.vector_load %arg7[%swap3A_1856, %swap3A_1857, %swap3A_1858] {strides = array<i32>} : memref<2x32x128xf32, #tpu.memory_space<vmem>>, vector<16xf32>,
      tpu.vector_store %arg7[%swap3A_1856, %swap3A_1857, %swap3A_1858], %gather3A_1854 {strides = array<i32>} : memref<2x32x128xf32, #tpu.memory_space<vmem>>, vector<16xf32>,
      %broadcast_in_dim3A_1860 = arith.constant 23 : i32
      %broadcast_in_dim3A_1861 = vector.broadcast %broadcast_in_dim3A_1860 : i32 to vector<16xi32>
      %gather3A_1862 = tpu.vector_load_idx %arg6[%add3A_1675, %broadcast_in_dim3A_1861] : memref<640x128xf32, #tpu.memory_space<vmem>>[vector<16xi32>, vector<16xi32>], vector<16xf32>,
      %swap3A_1863 = arith.constant 23 : i32
      %swap3A_1864 = arith.index_cast %and3A_110 : i32 to index
      %swap3A_1865 = arith.index_cast %swap3A_1863 : i32 to index
      %swap3A_1866 = arith.constant 96 : index
      %swap3A_1867 = tpu.vector_load %arg7[%swap3A_1864, %swap3A_1865, %swap3A_1866] {strides = array<i32>} : memref<2x32x128xf32, #tpu.memory_space<vmem>>, vector<16xf32>,
      tpu.vector_store %arg7[%swap3A_1864, %swap3A_1865, %swap3A_1866], %gather3A_1862 {strides = array<i32>} : memref<2x32x128xf32, #tpu.memory_space<vmem>>, vector<16xf32>,
      %broadcast_in_dim3A_1868 = arith.constant 24 : i32
      %broadcast_in_dim3A_1869 = vector.broadcast %broadcast_in_dim3A_1868 : i32 to vector<16xi32>
      %gather3A_1870 = tpu.vector_load_idx %arg6[%add3A_1675, %broadcast_in_dim3A_1869] : memref<640x128xf32, #tpu.memory_space<vmem>>[vector<16xi32>, vector<16xi32>], vector<16xf32>,
      %swap3A_1871 = arith.constant 24 : i32
      %swap3A_1872 = arith.index_cast %and3A_110 : i32 to index
      %swap3A_1873 = arith.index_cast %swap3A_1871 : i32 to index
      %swap3A_1874 = arith.constant 96 : index
      %swap3A_1875 = tpu.vector_load %arg7[%swap3A_1872, %swap3A_1873, %swap3A_1874] {strides = array<i32>} : memref<2x32x128xf32, #tpu.memory_space<vmem>>, vector<16xf32>,
      tpu.vector_store %arg7[%swap3A_1872, %swap3A_1873, %swap3A_1874], %gather3A_1870 {strides = array<i32>} : memref<2x32x128xf32, #tpu.memory_space<vmem>>, vector<16xf32>,
      %broadcast_in_dim3A_1876 = arith.constant 25 : i32
      %broadcast_in_dim3A_1877 = vector.broadcast %broadcast_in_dim3A_1876 : i32 to vector<16xi32>
      %gather3A_1878 = tpu.vector_load_idx %arg6[%add3A_1675, %broadcast_in_dim3A_1877] : memref<640x128xf32, #tpu.memory_space<vmem>>[vector<16xi32>, vector<16xi32>], vector<16xf32>,
      %swap3A_1879 = arith.constant 25 : i32
      %swap3A_1880 = arith.index_cast %and3A_110 : i32 to index
      %swap3A_1881 = arith.index_cast %swap3A_1879 : i32 to index
      %swap3A_1882 = arith.constant 96 : index
      %swap3A_1883 = tpu.vector_load %arg7[%swap3A_1880, %swap3A_1881, %swap3A_1882] {strides = array<i32>} : memref<2x32x128xf32, #tpu.memory_space<vmem>>, vector<16xf32>,
      tpu.vector_store %arg7[%swap3A_1880, %swap3A_1881, %swap3A_1882], %gather3A_1878 {strides = array<i32>} : memref<2x32x128xf32, #tpu.memory_space<vmem>>, vector<16xf32>,
      %broadcast_in_dim3A_1884 = arith.constant 26 : i32
      %broadcast_in_dim3A_1885 = vector.broadcast %broadcast_in_dim3A_1884 : i32 to vector<16xi32>
      %gather3A_1886 = tpu.vector_load_idx %arg6[%add3A_1675, %broadcast_in_dim3A_1885] : memref<640x128xf32, #tpu.memory_space<vmem>>[vector<16xi32>, vector<16xi32>], vector<16xf32>,
      %swap3A_1887 = arith.constant 26 : i32
      %swap3A_1888 = arith.index_cast %and3A_110 : i32 to index
      %swap3A_1889 = arith.index_cast %swap3A_1887 : i32 to index
      %swap3A_1890 = arith.constant 96 : index
      %swap3A_1891 = tpu.vector_load %arg7[%swap3A_1888, %swap3A_1889, %swap3A_1890] {strides = array<i32>} : memref<2x32x128xf32, #tpu.memory_space<vmem>>, vector<16xf32>,
      tpu.vector_store %arg7[%swap3A_1888, %swap3A_1889, %swap3A_1890], %gather3A_1886 {strides = array<i32>} : memref<2x32x128xf32, #tpu.memory_space<vmem>>, vector<16xf32>,
      %broadcast_in_dim3A_1892 = arith.constant 27 : i32
      %broadcast_in_dim3A_1893 = vector.broadcast %broadcast_in_dim3A_1892 : i32 to vector<16xi32>
      %gather3A_1894 = tpu.vector_load_idx %arg6[%add3A_1675, %broadcast_in_dim3A_1893] : memref<640x128xf32, #tpu.memory_space<vmem>>[vector<16xi32>, vector<16xi32>], vector<16xf32>,
      %swap3A_1895 = arith.constant 27 : i32
      %swap3A_1896 = arith.index_cast %and3A_110 : i32 to index
      %swap3A_1897 = arith.index_cast %swap3A_1895 : i32 to index
      %swap3A_1898 = arith.constant 96 : index
      %swap3A_1899 = tpu.vector_load %arg7[%swap3A_1896, %swap3A_1897, %swap3A_1898] {strides = array<i32>} : memref<2x32x128xf32, #tpu.memory_space<vmem>>, vector<16xf32>,
      tpu.vector_store %arg7[%swap3A_1896, %swap3A_1897, %swap3A_1898], %gather3A_1894 {strides = array<i32>} : memref<2x32x128xf32, #tpu.memory_space<vmem>>, vector<16xf32>,
      %broadcast_in_dim3A_1900 = arith.constant 28 : i32
      %broadcast_in_dim3A_1901 = vector.broadcast %broadcast_in_dim3A_1900 : i32 to vector<16xi32>
      %gather3A_1902 = tpu.vector_load_idx %arg6[%add3A_1675, %broadcast_in_dim3A_1901] : memref<640x128xf32, #tpu.memory_space<vmem>>[vector<16xi32>, vector<16xi32>], vector<16xf32>,
      %swap3A_1903 = arith.constant 28 : i32
      %swap3A_1904 = arith.index_cast %and3A_110 : i32 to index
      %swap3A_1905 = arith.index_cast %swap3A_1903 : i32 to index
      %swap3A_1906 = arith.constant 96 : index
      %swap3A_1907 = tpu.vector_load %arg7[%swap3A_1904, %swap3A_1905, %swap3A_1906] {strides = array<i32>} : memref<2x32x128xf32, #tpu.memory_space<vmem>>, vector<16xf32>,
      tpu.vector_store %arg7[%swap3A_1904, %swap3A_1905, %swap3A_1906], %gather3A_1902 {strides = array<i32>} : memref<2x32x128xf32, #tpu.memory_space<vmem>>, vector<16xf32>,
      %broadcast_in_dim3A_1908 = arith.constant 29 : i32
      %broadcast_in_dim3A_1909 = vector.broadcast %broadcast_in_dim3A_1908 : i32 to vector<16xi32>
      %gather3A_1910 = tpu.vector_load_idx %arg6[%add3A_1675, %broadcast_in_dim3A_1909] : memref<640x128xf32, #tpu.memory_space<vmem>>[vector<16xi32>, vector<16xi32>], vector<16xf32>,
      %swap3A_1911 = arith.constant 29 : i32
      %swap3A_1912 = arith.index_cast %and3A_110 : i32 to index
      %swap3A_1913 = arith.index_cast %swap3A_1911 : i32 to index
      %swap3A_1914 = arith.constant 96 : index
      %swap3A_1915 = tpu.vector_load %arg7[%swap3A_1912, %swap3A_1913, %swap3A_1914] {strides = array<i32>} : memref<2x32x128xf32, #tpu.memory_space<vmem>>, vector<16xf32>,
      tpu.vector_store %arg7[%swap3A_1912, %swap3A_1913, %swap3A_1914], %gather3A_1910 {strides = array<i32>} : memref<2x32x128xf32, #tpu.memory_space<vmem>>, vector<16xf32>,
      %broadcast_in_dim3A_1916 = arith.constant 30 : i32
      %broadcast_in_dim3A_1917 = vector.broadcast %broadcast_in_dim3A_1916 : i32 to vector<16xi32>
      %gather3A_1918 = tpu.vector_load_idx %arg6[%add3A_1675, %broadcast_in_dim3A_1917] : memref<640x128xf32, #tpu.memory_space<vmem>>[vector<16xi32>, vector<16xi32>], vector<16xf32>,
      %swap3A_1919 = arith.constant 30 : i32
      %swap3A_1920 = arith.index_cast %and3A_110 : i32 to index
      %swap3A_1921 = arith.index_cast %swap3A_1919 : i32 to index
      %swap3A_1922 = arith.constant 96 : index
      %swap3A_1923 = tpu.vector_load %arg7[%swap3A_1920, %swap3A_1921, %swap3A_1922] {strides = array<i32>} : memref<2x32x128xf32, #tpu.memory_space<vmem>>, vector<16xf32>,
      tpu.vector_store %arg7[%swap3A_1920, %swap3A_1921, %swap3A_1922], %gather3A_1918 {strides = array<i32>} : memref<2x32x128xf32, #tpu.memory_space<vmem>>, vector<16xf32>,
      %broadcast_in_dim3A_1924 = arith.constant 31 : i32
      %broadcast_in_dim3A_1925 = vector.broadcast %broadcast_in_dim3A_1924 : i32 to vector<16xi32>
      %gather3A_1926 = tpu.vector_load_idx %arg6[%add3A_1675, %broadcast_in_dim3A_1925] : memref<640x128xf32, #tpu.memory_space<vmem>>[vector<16xi32>, vector<16xi32>], vector<16xf32>,
      %swap3A_1927 = arith.constant 31 : i32
      %swap3A_1928 = arith.index_cast %and3A_110 : i32 to index
      %swap3A_1929 = arith.index_cast %swap3A_1927 : i32 to index
      %swap3A_1930 = arith.constant 96 : index
      %swap3A_1931 = tpu.vector_load %arg7[%swap3A_1928, %swap3A_1929, %swap3A_1930] {strides = array<i32>} : memref<2x32x128xf32, #tpu.memory_space<vmem>>, vector<16xf32>,
      tpu.vector_store %arg7[%swap3A_1928, %swap3A_1929, %swap3A_1930], %gather3A_1926 {strides = array<i32>} : memref<2x32x128xf32, #tpu.memory_space<vmem>>, vector<16xf32>,
      %add3A_1932 = arith.constant 112 : i32
      %add3A_1933 = arith.addi %mul3A_114, %add3A_1932 : i32
      %add3A_1934 = vector.broadcast %add3A_1933 : i32 to vector<16xi32>
      %add3A_1935 = arith.addi %add3A_1934, %iota3A : vector<16xi32>
      %broadcast_in_dim3A_1936 = arith.constant 0 : i32
      %broadcast_in_dim3A_1937 = vector.broadcast %broadcast_in_dim3A_1936 : i32 to vector<16xi32>
      %gather3A_1938 = tpu.vector_load_idx %arg6[%add3A_1935, %broadcast_in_dim3A_1937] : memref<640x128xf32, #tpu.memory_space<vmem>>[vector<16xi32>, vector<16xi32>], vector<16xf32>,
      %swap3A_1939 = arith.constant 0 : i32
      %swap3A_1940 = arith.index_cast %and3A_110 : i32 to index
      %swap3A_1941 = arith.index_cast %swap3A_1939 : i32 to index
      %swap3A_1942 = arith.constant 112 : index
      %swap3A_1943 = tpu.vector_load %arg7[%swap3A_1940, %swap3A_1941, %swap3A_1942] {strides = array<i32>} : memref<2x32x128xf32, #tpu.memory_space<vmem>>, vector<16xf32>,
      tpu.vector_store %arg7[%swap3A_1940, %swap3A_1941, %swap3A_1942], %gather3A_1938 {strides = array<i32>} : memref<2x32x128xf32, #tpu.memory_space<vmem>>, vector<16xf32>,
      %broadcast_in_dim3A_1944 = arith.constant 1 : i32
      %broadcast_in_dim3A_1945 = vector.broadcast %broadcast_in_dim3A_1944 : i32 to vector<16xi32>
      %gather3A_1946 = tpu.vector_load_idx %arg6[%add3A_1935, %broadcast_in_dim3A_1945] : memref<640x128xf32, #tpu.memory_space<vmem>>[vector<16xi32>, vector<16xi32>], vector<16xf32>,
      %swap3A_1947 = arith.constant 1 : i32
      %swap3A_1948 = arith.index_cast %and3A_110 : i32 to index
      %swap3A_1949 = arith.index_cast %swap3A_1947 : i32 to index
      %swap3A_1950 = arith.constant 112 : index
      %swap3A_1951 = tpu.vector_load %arg7[%swap3A_1948, %swap3A_1949, %swap3A_1950] {strides = array<i32>} : memref<2x32x128xf32, #tpu.memory_space<vmem>>, vector<16xf32>,
      tpu.vector_store %arg7[%swap3A_1948, %swap3A_1949, %swap3A_1950], %gather3A_1946 {strides = array<i32>} : memref<2x32x128xf32, #tpu.memory_space<vmem>>, vector<16xf32>,
      %broadcast_in_dim3A_1952 = arith.constant 2 : i32
      %broadcast_in_dim3A_1953 = vector.broadcast %broadcast_in_dim3A_1952 : i32 to vector<16xi32>
      %gather3A_1954 = tpu.vector_load_idx %arg6[%add3A_1935, %broadcast_in_dim3A_1953] : memref<640x128xf32, #tpu.memory_space<vmem>>[vector<16xi32>, vector<16xi32>], vector<16xf32>,
      %swap3A_1955 = arith.constant 2 : i32
      %swap3A_1956 = arith.index_cast %and3A_110 : i32 to index
      %swap3A_1957 = arith.index_cast %swap3A_1955 : i32 to index
      %swap3A_1958 = arith.constant 112 : index
      %swap3A_1959 = tpu.vector_load %arg7[%swap3A_1956, %swap3A_1957, %swap3A_1958] {strides = array<i32>} : memref<2x32x128xf32, #tpu.memory_space<vmem>>, vector<16xf32>,
      tpu.vector_store %arg7[%swap3A_1956, %swap3A_1957, %swap3A_1958], %gather3A_1954 {strides = array<i32>} : memref<2x32x128xf32, #tpu.memory_space<vmem>>, vector<16xf32>,
      %broadcast_in_dim3A_1960 = arith.constant 3 : i32
      %broadcast_in_dim3A_1961 = vector.broadcast %broadcast_in_dim3A_1960 : i32 to vector<16xi32>
      %gather3A_1962 = tpu.vector_load_idx %arg6[%add3A_1935, %broadcast_in_dim3A_1961] : memref<640x128xf32, #tpu.memory_space<vmem>>[vector<16xi32>, vector<16xi32>], vector<16xf32>,
      %swap3A_1963 = arith.constant 3 : i32
      %swap3A_1964 = arith.index_cast %and3A_110 : i32 to index
      %swap3A_1965 = arith.index_cast %swap3A_1963 : i32 to index
      %swap3A_1966 = arith.constant 112 : index
      %swap3A_1967 = tpu.vector_load %arg7[%swap3A_1964, %swap3A_1965, %swap3A_1966] {strides = array<i32>} : memref<2x32x128xf32, #tpu.memory_space<vmem>>, vector<16xf32>,
      tpu.vector_store %arg7[%swap3A_1964, %swap3A_1965, %swap3A_1966], %gather3A_1962 {strides = array<i32>} : memref<2x32x128xf32, #tpu.memory_space<vmem>>, vector<16xf32>,
      %broadcast_in_dim3A_1968 = arith.constant 4 : i32
      %broadcast_in_dim3A_1969 = vector.broadcast %broadcast_in_dim3A_1968 : i32 to vector<16xi32>
      %gather3A_1970 = tpu.vector_load_idx %arg6[%add3A_1935, %broadcast_in_dim3A_1969] : memref<640x128xf32, #tpu.memory_space<vmem>>[vector<16xi32>, vector<16xi32>], vector<16xf32>,
      %swap3A_1971 = arith.constant 4 : i32
      %swap3A_1972 = arith.index_cast %and3A_110 : i32 to index
      %swap3A_1973 = arith.index_cast %swap3A_1971 : i32 to index
      %swap3A_1974 = arith.constant 112 : index
      %swap3A_1975 = tpu.vector_load %arg7[%swap3A_1972, %swap3A_1973, %swap3A_1974] {strides = array<i32>} : memref<2x32x128xf32, #tpu.memory_space<vmem>>, vector<16xf32>,
      tpu.vector_store %arg7[%swap3A_1972, %swap3A_1973, %swap3A_1974], %gather3A_1970 {strides = array<i32>} : memref<2x32x128xf32, #tpu.memory_space<vmem>>, vector<16xf32>,
      %broadcast_in_dim3A_1976 = arith.constant 5 : i32
      %broadcast_in_dim3A_1977 = vector.broadcast %broadcast_in_dim3A_1976 : i32 to vector<16xi32>
      %gather3A_1978 = tpu.vector_load_idx %arg6[%add3A_1935, %broadcast_in_dim3A_1977] : memref<640x128xf32, #tpu.memory_space<vmem>>[vector<16xi32>, vector<16xi32>], vector<16xf32>,
      %swap3A_1979 = arith.constant 5 : i32
      %swap3A_1980 = arith.index_cast %and3A_110 : i32 to index
      %swap3A_1981 = arith.index_cast %swap3A_1979 : i32 to index
      %swap3A_1982 = arith.constant 112 : index
      %swap3A_1983 = tpu.vector_load %arg7[%swap3A_1980, %swap3A_1981, %swap3A_1982] {strides = array<i32>} : memref<2x32x128xf32, #tpu.memory_space<vmem>>, vector<16xf32>,
      tpu.vector_store %arg7[%swap3A_1980, %swap3A_1981, %swap3A_1982], %gather3A_1978 {strides = array<i32>} : memref<2x32x128xf32, #tpu.memory_space<vmem>>, vector<16xf32>,
      %broadcast_in_dim3A_1984 = arith.constant 6 : i32
      %broadcast_in_dim3A_1985 = vector.broadcast %broadcast_in_dim3A_1984 : i32 to vector<16xi32>
      %gather3A_1986 = tpu.vector_load_idx %arg6[%add3A_1935, %broadcast_in_dim3A_1985] : memref<640x128xf32, #tpu.memory_space<vmem>>[vector<16xi32>, vector<16xi32>], vector<16xf32>,
      %swap3A_1987 = arith.constant 6 : i32
      %swap3A_1988 = arith.index_cast %and3A_110 : i32 to index
      %swap3A_1989 = arith.index_cast %swap3A_1987 : i32 to index
      %swap3A_1990 = arith.constant 112 : index
      %swap3A_1991 = tpu.vector_load %arg7[%swap3A_1988, %swap3A_1989, %swap3A_1990] {strides = array<i32>} : memref<2x32x128xf32, #tpu.memory_space<vmem>>, vector<16xf32>,
      tpu.vector_store %arg7[%swap3A_1988, %swap3A_1989, %swap3A_1990], %gather3A_1986 {strides = array<i32>} : memref<2x32x128xf32, #tpu.memory_space<vmem>>, vector<16xf32>,
      %broadcast_in_dim3A_1992 = arith.constant 7 : i32
      %broadcast_in_dim3A_1993 = vector.broadcast %broadcast_in_dim3A_1992 : i32 to vector<16xi32>
      %gather3A_1994 = tpu.vector_load_idx %arg6[%add3A_1935, %broadcast_in_dim3A_1993] : memref<640x128xf32, #tpu.memory_space<vmem>>[vector<16xi32>, vector<16xi32>], vector<16xf32>,
      %swap3A_1995 = arith.constant 7 : i32
      %swap3A_1996 = arith.index_cast %and3A_110 : i32 to index
      %swap3A_1997 = arith.index_cast %swap3A_1995 : i32 to index
      %swap3A_1998 = arith.constant 112 : index
      %swap3A_1999 = tpu.vector_load %arg7[%swap3A_1996, %swap3A_1997, %swap3A_1998] {strides = array<i32>} : memref<2x32x128xf32, #tpu.memory_space<vmem>>, vector<16xf32>,
      tpu.vector_store %arg7[%swap3A_1996, %swap3A_1997, %swap3A_1998], %gather3A_1994 {strides = array<i32>} : memref<2x32x128xf32, #tpu.memory_space<vmem>>, vector<16xf32>,
      %broadcast_in_dim3A_2000 = arith.constant 8 : i32
      %broadcast_in_dim3A_2001 = vector.broadcast %broadcast_in_dim3A_2000 : i32 to vector<16xi32>
      %gather3A_2002 = tpu.vector_load_idx %arg6[%add3A_1935, %broadcast_in_dim3A_2001] : memref<640x128xf32, #tpu.memory_space<vmem>>[vector<16xi32>, vector<16xi32>], vector<16xf32>,
      %swap3A_2003 = arith.constant 8 : i32
      %swap3A_2004 = arith.index_cast %and3A_110 : i32 to index
      %swap3A_2005 = arith.index_cast %swap3A_2003 : i32 to index
      %swap3A_2006 = arith.constant 112 : index
      %swap3A_2007 = tpu.vector_load %arg7[%swap3A_2004, %swap3A_2005, %swap3A_2006] {strides = array<i32>} : memref<2x32x128xf32, #tpu.memory_space<vmem>>, vector<16xf32>,
      tpu.vector_store %arg7[%swap3A_2004, %swap3A_2005, %swap3A_2006], %gather3A_2002 {strides = array<i32>} : memref<2x32x128xf32, #tpu.memory_space<vmem>>, vector<16xf32>,
      %broadcast_in_dim3A_2008 = arith.constant 9 : i32
      %broadcast_in_dim3A_2009 = vector.broadcast %broadcast_in_dim3A_2008 : i32 to vector<16xi32>
      %gather3A_2010 = tpu.vector_load_idx %arg6[%add3A_1935, %broadcast_in_dim3A_2009] : memref<640x128xf32, #tpu.memory_space<vmem>>[vector<16xi32>, vector<16xi32>], vector<16xf32>,
      %swap3A_2011 = arith.constant 9 : i32
      %swap3A_2012 = arith.index_cast %and3A_110 : i32 to index
      %swap3A_2013 = arith.index_cast %swap3A_2011 : i32 to index
      %swap3A_2014 = arith.constant 112 : index
      %swap3A_2015 = tpu.vector_load %arg7[%swap3A_2012, %swap3A_2013, %swap3A_2014] {strides = array<i32>} : memref<2x32x128xf32, #tpu.memory_space<vmem>>, vector<16xf32>,
      tpu.vector_store %arg7[%swap3A_2012, %swap3A_2013, %swap3A_2014], %gather3A_2010 {strides = array<i32>} : memref<2x32x128xf32, #tpu.memory_space<vmem>>, vector<16xf32>,
      %broadcast_in_dim3A_2016 = arith.constant 10 : i32
      %broadcast_in_dim3A_2017 = vector.broadcast %broadcast_in_dim3A_2016 : i32 to vector<16xi32>
      %gather3A_2018 = tpu.vector_load_idx %arg6[%add3A_1935, %broadcast_in_dim3A_2017] : memref<640x128xf32, #tpu.memory_space<vmem>>[vector<16xi32>, vector<16xi32>], vector<16xf32>,
      %swap3A_2019 = arith.constant 10 : i32
      %swap3A_2020 = arith.index_cast %and3A_110 : i32 to index
      %swap3A_2021 = arith.index_cast %swap3A_2019 : i32 to index
      %swap3A_2022 = arith.constant 112 : index
      %swap3A_2023 = tpu.vector_load %arg7[%swap3A_2020, %swap3A_2021, %swap3A_2022] {strides = array<i32>} : memref<2x32x128xf32, #tpu.memory_space<vmem>>, vector<16xf32>,
      tpu.vector_store %arg7[%swap3A_2020, %swap3A_2021, %swap3A_2022], %gather3A_2018 {strides = array<i32>} : memref<2x32x128xf32, #tpu.memory_space<vmem>>, vector<16xf32>,
      %broadcast_in_dim3A_2024 = arith.constant 11 : i32
      %broadcast_in_dim3A_2025 = vector.broadcast %broadcast_in_dim3A_2024 : i32 to vector<16xi32>
      %gather3A_2026 = tpu.vector_load_idx %arg6[%add3A_1935, %broadcast_in_dim3A_2025] : memref<640x128xf32, #tpu.memory_space<vmem>>[vector<16xi32>, vector<16xi32>], vector<16xf32>,
      %swap3A_2027 = arith.constant 11 : i32
      %swap3A_2028 = arith.index_cast %and3A_110 : i32 to index
      %swap3A_2029 = arith.index_cast %swap3A_2027 : i32 to index
      %swap3A_2030 = arith.constant 112 : index
      %swap3A_2031 = tpu.vector_load %arg7[%swap3A_2028, %swap3A_2029, %swap3A_2030] {strides = array<i32>} : memref<2x32x128xf32, #tpu.memory_space<vmem>>, vector<16xf32>,
      tpu.vector_store %arg7[%swap3A_2028, %swap3A_2029, %swap3A_2030], %gather3A_2026 {strides = array<i32>} : memref<2x32x128xf32, #tpu.memory_space<vmem>>, vector<16xf32>,
      %broadcast_in_dim3A_2032 = arith.constant 12 : i32
      %broadcast_in_dim3A_2033 = vector.broadcast %broadcast_in_dim3A_2032 : i32 to vector<16xi32>
      %gather3A_2034 = tpu.vector_load_idx %arg6[%add3A_1935, %broadcast_in_dim3A_2033] : memref<640x128xf32, #tpu.memory_space<vmem>>[vector<16xi32>, vector<16xi32>], vector<16xf32>,
      %swap3A_2035 = arith.constant 12 : i32
      %swap3A_2036 = arith.index_cast %and3A_110 : i32 to index
      %swap3A_2037 = arith.index_cast %swap3A_2035 : i32 to index
      %swap3A_2038 = arith.constant 112 : index
      %swap3A_2039 = tpu.vector_load %arg7[%swap3A_2036, %swap3A_2037, %swap3A_2038] {strides = array<i32>} : memref<2x32x128xf32, #tpu.memory_space<vmem>>, vector<16xf32>,
      tpu.vector_store %arg7[%swap3A_2036, %swap3A_2037, %swap3A_2038], %gather3A_2034 {strides = array<i32>} : memref<2x32x128xf32, #tpu.memory_space<vmem>>, vector<16xf32>,
      %broadcast_in_dim3A_2040 = arith.constant 13 : i32
      %broadcast_in_dim3A_2041 = vector.broadcast %broadcast_in_dim3A_2040 : i32 to vector<16xi32>
      %gather3A_2042 = tpu.vector_load_idx %arg6[%add3A_1935, %broadcast_in_dim3A_2041] : memref<640x128xf32, #tpu.memory_space<vmem>>[vector<16xi32>, vector<16xi32>], vector<16xf32>,
      %swap3A_2043 = arith.constant 13 : i32
      %swap3A_2044 = arith.index_cast %and3A_110 : i32 to index
      %swap3A_2045 = arith.index_cast %swap3A_2043 : i32 to index
      %swap3A_2046 = arith.constant 112 : index
      %swap3A_2047 = tpu.vector_load %arg7[%swap3A_2044, %swap3A_2045, %swap3A_2046] {strides = array<i32>} : memref<2x32x128xf32, #tpu.memory_space<vmem>>, vector<16xf32>,
      tpu.vector_store %arg7[%swap3A_2044, %swap3A_2045, %swap3A_2046], %gather3A_2042 {strides = array<i32>} : memref<2x32x128xf32, #tpu.memory_space<vmem>>, vector<16xf32>,
      %broadcast_in_dim3A_2048 = arith.constant 14 : i32
      %broadcast_in_dim3A_2049 = vector.broadcast %broadcast_in_dim3A_2048 : i32 to vector<16xi32>
      %gather3A_2050 = tpu.vector_load_idx %arg6[%add3A_1935, %broadcast_in_dim3A_2049] : memref<640x128xf32, #tpu.memory_space<vmem>>[vector<16xi32>, vector<16xi32>], vector<16xf32>,
      %swap3A_2051 = arith.constant 14 : i32
      %swap3A_2052 = arith.index_cast %and3A_110 : i32 to index
      %swap3A_2053 = arith.index_cast %swap3A_2051 : i32 to index
      %swap3A_2054 = arith.constant 112 : index
      %swap3A_2055 = tpu.vector_load %arg7[%swap3A_2052, %swap3A_2053, %swap3A_2054] {strides = array<i32>} : memref<2x32x128xf32, #tpu.memory_space<vmem>>, vector<16xf32>,
      tpu.vector_store %arg7[%swap3A_2052, %swap3A_2053, %swap3A_2054], %gather3A_2050 {strides = array<i32>} : memref<2x32x128xf32, #tpu.memory_space<vmem>>, vector<16xf32>,
      %broadcast_in_dim3A_2056 = arith.constant 15 : i32
      %broadcast_in_dim3A_2057 = vector.broadcast %broadcast_in_dim3A_2056 : i32 to vector<16xi32>
      %gather3A_2058 = tpu.vector_load_idx %arg6[%add3A_1935, %broadcast_in_dim3A_2057] : memref<640x128xf32, #tpu.memory_space<vmem>>[vector<16xi32>, vector<16xi32>], vector<16xf32>,
      %swap3A_2059 = arith.constant 15 : i32
      %swap3A_2060 = arith.index_cast %and3A_110 : i32 to index
      %swap3A_2061 = arith.index_cast %swap3A_2059 : i32 to index
      %swap3A_2062 = arith.constant 112 : index
      %swap3A_2063 = tpu.vector_load %arg7[%swap3A_2060, %swap3A_2061, %swap3A_2062] {strides = array<i32>} : memref<2x32x128xf32, #tpu.memory_space<vmem>>, vector<16xf32>,
      tpu.vector_store %arg7[%swap3A_2060, %swap3A_2061, %swap3A_2062], %gather3A_2058 {strides = array<i32>} : memref<2x32x128xf32, #tpu.memory_space<vmem>>, vector<16xf32>,
      %broadcast_in_dim3A_2064 = arith.constant 16 : i32
      %broadcast_in_dim3A_2065 = vector.broadcast %broadcast_in_dim3A_2064 : i32 to vector<16xi32>
      %gather3A_2066 = tpu.vector_load_idx %arg6[%add3A_1935, %broadcast_in_dim3A_2065] : memref<640x128xf32, #tpu.memory_space<vmem>>[vector<16xi32>, vector<16xi32>], vector<16xf32>,
      %swap3A_2067 = arith.constant 16 : i32
      %swap3A_2068 = arith.index_cast %and3A_110 : i32 to index
      %swap3A_2069 = arith.index_cast %swap3A_2067 : i32 to index
      %swap3A_2070 = arith.constant 112 : index
      %swap3A_2071 = tpu.vector_load %arg7[%swap3A_2068, %swap3A_2069, %swap3A_2070] {strides = array<i32>} : memref<2x32x128xf32, #tpu.memory_space<vmem>>, vector<16xf32>,
      tpu.vector_store %arg7[%swap3A_2068, %swap3A_2069, %swap3A_2070], %gather3A_2066 {strides = array<i32>} : memref<2x32x128xf32, #tpu.memory_space<vmem>>, vector<16xf32>,
      %broadcast_in_dim3A_2072 = arith.constant 17 : i32
      %broadcast_in_dim3A_2073 = vector.broadcast %broadcast_in_dim3A_2072 : i32 to vector<16xi32>
      %gather3A_2074 = tpu.vector_load_idx %arg6[%add3A_1935, %broadcast_in_dim3A_2073] : memref<640x128xf32, #tpu.memory_space<vmem>>[vector<16xi32>, vector<16xi32>], vector<16xf32>,
      %swap3A_2075 = arith.constant 17 : i32
      %swap3A_2076 = arith.index_cast %and3A_110 : i32 to index
      %swap3A_2077 = arith.index_cast %swap3A_2075 : i32 to index
      %swap3A_2078 = arith.constant 112 : index
      %swap3A_2079 = tpu.vector_load %arg7[%swap3A_2076, %swap3A_2077, %swap3A_2078] {strides = array<i32>} : memref<2x32x128xf32, #tpu.memory_space<vmem>>, vector<16xf32>,
      tpu.vector_store %arg7[%swap3A_2076, %swap3A_2077, %swap3A_2078], %gather3A_2074 {strides = array<i32>} : memref<2x32x128xf32, #tpu.memory_space<vmem>>, vector<16xf32>,
      %broadcast_in_dim3A_2080 = arith.constant 18 : i32
      %broadcast_in_dim3A_2081 = vector.broadcast %broadcast_in_dim3A_2080 : i32 to vector<16xi32>
      %gather3A_2082 = tpu.vector_load_idx %arg6[%add3A_1935, %broadcast_in_dim3A_2081] : memref<640x128xf32, #tpu.memory_space<vmem>>[vector<16xi32>, vector<16xi32>], vector<16xf32>,
      %swap3A_2083 = arith.constant 18 : i32
      %swap3A_2084 = arith.index_cast %and3A_110 : i32 to index
      %swap3A_2085 = arith.index_cast %swap3A_2083 : i32 to index
      %swap3A_2086 = arith.constant 112 : index
      %swap3A_2087 = tpu.vector_load %arg7[%swap3A_2084, %swap3A_2085, %swap3A_2086] {strides = array<i32>} : memref<2x32x128xf32, #tpu.memory_space<vmem>>, vector<16xf32>,
      tpu.vector_store %arg7[%swap3A_2084, %swap3A_2085, %swap3A_2086], %gather3A_2082 {strides = array<i32>} : memref<2x32x128xf32, #tpu.memory_space<vmem>>, vector<16xf32>,
      %broadcast_in_dim3A_2088 = arith.constant 19 : i32
      %broadcast_in_dim3A_2089 = vector.broadcast %broadcast_in_dim3A_2088 : i32 to vector<16xi32>
      %gather3A_2090 = tpu.vector_load_idx %arg6[%add3A_1935, %broadcast_in_dim3A_2089] : memref<640x128xf32, #tpu.memory_space<vmem>>[vector<16xi32>, vector<16xi32>], vector<16xf32>,
      %swap3A_2091 = arith.constant 19 : i32
      %swap3A_2092 = arith.index_cast %and3A_110 : i32 to index
      %swap3A_2093 = arith.index_cast %swap3A_2091 : i32 to index
      %swap3A_2094 = arith.constant 112 : index
      %swap3A_2095 = tpu.vector_load %arg7[%swap3A_2092, %swap3A_2093, %swap3A_2094] {strides = array<i32>} : memref<2x32x128xf32, #tpu.memory_space<vmem>>, vector<16xf32>,
      tpu.vector_store %arg7[%swap3A_2092, %swap3A_2093, %swap3A_2094], %gather3A_2090 {strides = array<i32>} : memref<2x32x128xf32, #tpu.memory_space<vmem>>, vector<16xf32>,
      %broadcast_in_dim3A_2096 = arith.constant 20 : i32
      %broadcast_in_dim3A_2097 = vector.broadcast %broadcast_in_dim3A_2096 : i32 to vector<16xi32>
      %gather3A_2098 = tpu.vector_load_idx %arg6[%add3A_1935, %broadcast_in_dim3A_2097] : memref<640x128xf32, #tpu.memory_space<vmem>>[vector<16xi32>, vector<16xi32>], vector<16xf32>,
      %swap3A_2099 = arith.constant 20 : i32
      %swap3A_2100 = arith.index_cast %and3A_110 : i32 to index
      %swap3A_2101 = arith.index_cast %swap3A_2099 : i32 to index
      %swap3A_2102 = arith.constant 112 : index
      %swap3A_2103 = tpu.vector_load %arg7[%swap3A_2100, %swap3A_2101, %swap3A_2102] {strides = array<i32>} : memref<2x32x128xf32, #tpu.memory_space<vmem>>, vector<16xf32>,
      tpu.vector_store %arg7[%swap3A_2100, %swap3A_2101, %swap3A_2102], %gather3A_2098 {strides = array<i32>} : memref<2x32x128xf32, #tpu.memory_space<vmem>>, vector<16xf32>,
      %broadcast_in_dim3A_2104 = arith.constant 21 : i32
      %broadcast_in_dim3A_2105 = vector.broadcast %broadcast_in_dim3A_2104 : i32 to vector<16xi32>
      %gather3A_2106 = tpu.vector_load_idx %arg6[%add3A_1935, %broadcast_in_dim3A_2105] : memref<640x128xf32, #tpu.memory_space<vmem>>[vector<16xi32>, vector<16xi32>], vector<16xf32>,
      %swap3A_2107 = arith.constant 21 : i32
      %swap3A_2108 = arith.index_cast %and3A_110 : i32 to index
      %swap3A_2109 = arith.index_cast %swap3A_2107 : i32 to index
      %swap3A_2110 = arith.constant 112 : index
      %swap3A_2111 = tpu.vector_load %arg7[%swap3A_2108, %swap3A_2109, %swap3A_2110] {strides = array<i32>} : memref<2x32x128xf32, #tpu.memory_space<vmem>>, vector<16xf32>,
      tpu.vector_store %arg7[%swap3A_2108, %swap3A_2109, %swap3A_2110], %gather3A_2106 {strides = array<i32>} : memref<2x32x128xf32, #tpu.memory_space<vmem>>, vector<16xf32>,
      %broadcast_in_dim3A_2112 = arith.constant 22 : i32
      %broadcast_in_dim3A_2113 = vector.broadcast %broadcast_in_dim3A_2112 : i32 to vector<16xi32>
      %gather3A_2114 = tpu.vector_load_idx %arg6[%add3A_1935, %broadcast_in_dim3A_2113] : memref<640x128xf32, #tpu.memory_space<vmem>>[vector<16xi32>, vector<16xi32>], vector<16xf32>,
      %swap3A_2115 = arith.constant 22 : i32
      %swap3A_2116 = arith.index_cast %and3A_110 : i32 to index
      %swap3A_2117 = arith.index_cast %swap3A_2115 : i32 to index
      %swap3A_2118 = arith.constant 112 : index
      %swap3A_2119 = tpu.vector_load %arg7[%swap3A_2116, %swap3A_2117, %swap3A_2118] {strides = array<i32>} : memref<2x32x128xf32, #tpu.memory_space<vmem>>, vector<16xf32>,
      tpu.vector_store %arg7[%swap3A_2116, %swap3A_2117, %swap3A_2118], %gather3A_2114 {strides = array<i32>} : memref<2x32x128xf32, #tpu.memory_space<vmem>>, vector<16xf32>,
      %broadcast_in_dim3A_2120 = arith.constant 23 : i32
      %broadcast_in_dim3A_2121 = vector.broadcast %broadcast_in_dim3A_2120 : i32 to vector<16xi32>
      %gather3A_2122 = tpu.vector_load_idx %arg6[%add3A_1935, %broadcast_in_dim3A_2121] : memref<640x128xf32, #tpu.memory_space<vmem>>[vector<16xi32>, vector<16xi32>], vector<16xf32>,
      %swap3A_2123 = arith.constant 23 : i32
      %swap3A_2124 = arith.index_cast %and3A_110 : i32 to index
      %swap3A_2125 = arith.index_cast %swap3A_2123 : i32 to index
      %swap3A_2126 = arith.constant 112 : index
      %swap3A_2127 = tpu.vector_load %arg7[%swap3A_2124, %swap3A_2125, %swap3A_2126] {strides = array<i32>} : memref<2x32x128xf32, #tpu.memory_space<vmem>>, vector<16xf32>,
      tpu.vector_store %arg7[%swap3A_2124, %swap3A_2125, %swap3A_2126], %gather3A_2122 {strides = array<i32>} : memref<2x32x128xf32, #tpu.memory_space<vmem>>, vector<16xf32>,
      %broadcast_in_dim3A_2128 = arith.constant 24 : i32
      %broadcast_in_dim3A_2129 = vector.broadcast %broadcast_in_dim3A_2128 : i32 to vector<16xi32>
      %gather3A_2130 = tpu.vector_load_idx %arg6[%add3A_1935, %broadcast_in_dim3A_2129] : memref<640x128xf32, #tpu.memory_space<vmem>>[vector<16xi32>, vector<16xi32>], vector<16xf32>,
      %swap3A_2131 = arith.constant 24 : i32
      %swap3A_2132 = arith.index_cast %and3A_110 : i32 to index
      %swap3A_2133 = arith.index_cast %swap3A_2131 : i32 to index
      %swap3A_2134 = arith.constant 112 : index
      %swap3A_2135 = tpu.vector_load %arg7[%swap3A_2132, %swap3A_2133, %swap3A_2134] {strides = array<i32>} : memref<2x32x128xf32, #tpu.memory_space<vmem>>, vector<16xf32>,
      tpu.vector_store %arg7[%swap3A_2132, %swap3A_2133, %swap3A_2134], %gather3A_2130 {strides = array<i32>} : memref<2x32x128xf32, #tpu.memory_space<vmem>>, vector<16xf32>,
      %broadcast_in_dim3A_2136 = arith.constant 25 : i32
      %broadcast_in_dim3A_2137 = vector.broadcast %broadcast_in_dim3A_2136 : i32 to vector<16xi32>
      %gather3A_2138 = tpu.vector_load_idx %arg6[%add3A_1935, %broadcast_in_dim3A_2137] : memref<640x128xf32, #tpu.memory_space<vmem>>[vector<16xi32>, vector<16xi32>], vector<16xf32>,
      %swap3A_2139 = arith.constant 25 : i32
      %swap3A_2140 = arith.index_cast %and3A_110 : i32 to index
      %swap3A_2141 = arith.index_cast %swap3A_2139 : i32 to index
      %swap3A_2142 = arith.constant 112 : index
      %swap3A_2143 = tpu.vector_load %arg7[%swap3A_2140, %swap3A_2141, %swap3A_2142] {strides = array<i32>} : memref<2x32x128xf32, #tpu.memory_space<vmem>>, vector<16xf32>,
      tpu.vector_store %arg7[%swap3A_2140, %swap3A_2141, %swap3A_2142], %gather3A_2138 {strides = array<i32>} : memref<2x32x128xf32, #tpu.memory_space<vmem>>, vector<16xf32>,
      %broadcast_in_dim3A_2144 = arith.constant 26 : i32
      %broadcast_in_dim3A_2145 = vector.broadcast %broadcast_in_dim3A_2144 : i32 to vector<16xi32>
      %gather3A_2146 = tpu.vector_load_idx %arg6[%add3A_1935, %broadcast_in_dim3A_2145] : memref<640x128xf32, #tpu.memory_space<vmem>>[vector<16xi32>, vector<16xi32>], vector<16xf32>,
      %swap3A_2147 = arith.constant 26 : i32
      %swap3A_2148 = arith.index_cast %and3A_110 : i32 to index
      %swap3A_2149 = arith.index_cast %swap3A_2147 : i32 to index
      %swap3A_2150 = arith.constant 112 : index
      %swap3A_2151 = tpu.vector_load %arg7[%swap3A_2148, %swap3A_2149, %swap3A_2150] {strides = array<i32>} : memref<2x32x128xf32, #tpu.memory_space<vmem>>, vector<16xf32>,
      tpu.vector_store %arg7[%swap3A_2148, %swap3A_2149, %swap3A_2150], %gather3A_2146 {strides = array<i32>} : memref<2x32x128xf32, #tpu.memory_space<vmem>>, vector<16xf32>,
      %broadcast_in_dim3A_2152 = arith.constant 27 : i32
      %broadcast_in_dim3A_2153 = vector.broadcast %broadcast_in_dim3A_2152 : i32 to vector<16xi32>
      %gather3A_2154 = tpu.vector_load_idx %arg6[%add3A_1935, %broadcast_in_dim3A_2153] : memref<640x128xf32, #tpu.memory_space<vmem>>[vector<16xi32>, vector<16xi32>], vector<16xf32>,
      %swap3A_2155 = arith.constant 27 : i32
      %swap3A_2156 = arith.index_cast %and3A_110 : i32 to index
      %swap3A_2157 = arith.index_cast %swap3A_2155 : i32 to index
      %swap3A_2158 = arith.constant 112 : index
      %swap3A_2159 = tpu.vector_load %arg7[%swap3A_2156, %swap3A_2157, %swap3A_2158] {strides = array<i32>} : memref<2x32x128xf32, #tpu.memory_space<vmem>>, vector<16xf32>,
      tpu.vector_store %arg7[%swap3A_2156, %swap3A_2157, %swap3A_2158], %gather3A_2154 {strides = array<i32>} : memref<2x32x128xf32, #tpu.memory_space<vmem>>, vector<16xf32>,
      %broadcast_in_dim3A_2160 = arith.constant 28 : i32
      %broadcast_in_dim3A_2161 = vector.broadcast %broadcast_in_dim3A_2160 : i32 to vector<16xi32>
      %gather3A_2162 = tpu.vector_load_idx %arg6[%add3A_1935, %broadcast_in_dim3A_2161] : memref<640x128xf32, #tpu.memory_space<vmem>>[vector<16xi32>, vector<16xi32>], vector<16xf32>,
      %swap3A_2163 = arith.constant 28 : i32
      %swap3A_2164 = arith.index_cast %and3A_110 : i32 to index
      %swap3A_2165 = arith.index_cast %swap3A_2163 : i32 to index
      %swap3A_2166 = arith.constant 112 : index
      %swap3A_2167 = tpu.vector_load %arg7[%swap3A_2164, %swap3A_2165, %swap3A_2166] {strides = array<i32>} : memref<2x32x128xf32, #tpu.memory_space<vmem>>, vector<16xf32>,
      tpu.vector_store %arg7[%swap3A_2164, %swap3A_2165, %swap3A_2166], %gather3A_2162 {strides = array<i32>} : memref<2x32x128xf32, #tpu.memory_space<vmem>>, vector<16xf32>,
      %broadcast_in_dim3A_2168 = arith.constant 29 : i32
      %broadcast_in_dim3A_2169 = vector.broadcast %broadcast_in_dim3A_2168 : i32 to vector<16xi32>
      %gather3A_2170 = tpu.vector_load_idx %arg6[%add3A_1935, %broadcast_in_dim3A_2169] : memref<640x128xf32, #tpu.memory_space<vmem>>[vector<16xi32>, vector<16xi32>], vector<16xf32>,
      %swap3A_2171 = arith.constant 29 : i32
      %swap3A_2172 = arith.index_cast %and3A_110 : i32 to index
      %swap3A_2173 = arith.index_cast %swap3A_2171 : i32 to index
      %swap3A_2174 = arith.constant 112 : index
      %swap3A_2175 = tpu.vector_load %arg7[%swap3A_2172, %swap3A_2173, %swap3A_2174] {strides = array<i32>} : memref<2x32x128xf32, #tpu.memory_space<vmem>>, vector<16xf32>,
      tpu.vector_store %arg7[%swap3A_2172, %swap3A_2173, %swap3A_2174], %gather3A_2170 {strides = array<i32>} : memref<2x32x128xf32, #tpu.memory_space<vmem>>, vector<16xf32>,
      %broadcast_in_dim3A_2176 = arith.constant 30 : i32
      %broadcast_in_dim3A_2177 = vector.broadcast %broadcast_in_dim3A_2176 : i32 to vector<16xi32>
      %gather3A_2178 = tpu.vector_load_idx %arg6[%add3A_1935, %broadcast_in_dim3A_2177] : memref<640x128xf32, #tpu.memory_space<vmem>>[vector<16xi32>, vector<16xi32>], vector<16xf32>,
      %swap3A_2179 = arith.constant 30 : i32
      %swap3A_2180 = arith.index_cast %and3A_110 : i32 to index
      %swap3A_2181 = arith.index_cast %swap3A_2179 : i32 to index
      %swap3A_2182 = arith.constant 112 : index
      %swap3A_2183 = tpu.vector_load %arg7[%swap3A_2180, %swap3A_2181, %swap3A_2182] {strides = array<i32>} : memref<2x32x128xf32, #tpu.memory_space<vmem>>, vector<16xf32>,
      tpu.vector_store %arg7[%swap3A_2180, %swap3A_2181, %swap3A_2182], %gather3A_2178 {strides = array<i32>} : memref<2x32x128xf32, #tpu.memory_space<vmem>>, vector<16xf32>,
      %broadcast_in_dim3A_2184 = arith.constant 31 : i32
      %broadcast_in_dim3A_2185 = vector.broadcast %broadcast_in_dim3A_2184 : i32 to vector<16xi32>
      %gather3A_2186 = tpu.vector_load_idx %arg6[%add3A_1935, %broadcast_in_dim3A_2185] : memref<640x128xf32, #tpu.memory_space<vmem>>[vector<16xi32>, vector<16xi32>], vector<16xf32>,
      %swap3A_2187 = arith.constant 31 : i32
      %swap3A_2188 = arith.index_cast %and3A_110 : i32 to index
      %swap3A_2189 = arith.index_cast %swap3A_2187 : i32 to index
      %swap3A_2190 = arith.constant 112 : index
      %swap3A_2191 = tpu.vector_load %arg7[%swap3A_2188, %swap3A_2189, %swap3A_2190] {strides = array<i32>} : memref<2x32x128xf32, #tpu.memory_space<vmem>>, vector<16xf32>,
      tpu.vector_store %arg7[%swap3A_2188, %swap3A_2189, %swap3A_2190], %gather3A_2186 {strides = array<i32>} : memref<2x32x128xf32, #tpu.memory_space<vmem>>, vector<16xf32>,
      %dma_start3A_2192 = arith.constant 0 : i32
      %dma_start3A_2193 = arith.constant 0 : i32
      %dma_start3A_2194 = tpu.memref_slice %arg7[%and3A_110, %dma_start3A_2192, %dma_start3A_2193] : memref<2x32x128xf32, #tpu.memory_space<vmem>> -> memref<1x32x128xf32, #tpu.memory_space<vmem>>
      %dma_start3A_2195 = tpu.memref_squeeze %dma_start3A_2194 : memref<1x32x128xf32, #tpu.memory_space<vmem>> -> memref<32x128xf32, #tpu.memory_space<vmem>>
      %dma_start3A_2196 = arith.constant 0 : i32
      %dma_start3A_2197 = tpu.memref_slice %arg4[%scan3A_88, %dma_start3A_2196, %mul3A_2] : memref<50x32x4096xf32, #tpu.memory_space<hbm>> -> memref<1x32x128xf32, #tpu.memory_space<hbm>>
      %dma_start3A_2198 = tpu.memref_squeeze %dma_start3A_2197 : memref<1x32x128xf32, #tpu.memory_space<hbm>> -> memref<32x128xf32, #tpu.memory_space<hbm>>
      %dma_start3A_2199 = arith.constant 0 : i32
      %dma_start3A_2200 = tpu.memref_slice %arg4[%scan3A_88, %dma_start3A_2199, %mul3A_2] : memref<50x32x4096xf32, #tpu.memory_space<hbm>> -> memref<1x32x128xf32, #tpu.memory_space<hbm>>
      %dma_start3A_2201 = tpu.memref_squeeze %dma_start3A_2200 : memref<1x32x128xf32, #tpu.memory_space<hbm>> -> memref<32x128xf32, #tpu.memory_space<hbm>>
      %dma_start3A_2202 = arith.constant 0 : i32
      %dma_start3A_2203 = arith.constant 0 : i32
      %dma_start3A_2204 = tpu.memref_slice %arg7[%and3A_110, %dma_start3A_2202, %dma_start3A_2203] : memref<2x32x128xf32, #tpu.memory_space<vmem>> -> memref<1x32x128xf32, #tpu.memory_space<vmem>>
      %dma_start3A_2205 = tpu.memref_squeeze %dma_start3A_2204 : memref<1x32x128xf32, #tpu.memory_space<vmem>> -> memref<32x128xf32, #tpu.memory_space<vmem>>
      tpu.enqueue_dma source(%dma_start3A_2205 : memref<32x128xf32, #tpu.memory_space<vmem>>) target(%dma_start3A_2201 : memref<32x128xf32, #tpu.memory_space<hbm>>) target_semaphore(%arg9 : memref<!tpu.dma_semaphore, #tpu.memory_space<semaphore_mem>>)
      %add3A_2206 = arith.constant 5 : i32
      %add3A_2207 = arith.addi %scan3A_88, %add3A_2206 : i32
      %lt3A_2208 = arith.constant 50 : i32
      %lt3A_2209 = arith.cmpi slt, %add3A_2207, %lt3A_2208 : i32
      %convert_element_type3A_2210 = arith.extui %lt3A_2209 : i1 to i32
      %cond3A_2211 = arith.constant 0 : i32
      %cond3A_2212 = arith.cmpi ne, %convert_element_type3A_2210, %cond3A_2211 : i32
      scf.if %cond3A_2212 {
        %add3A_2213 = arith.constant 5 : i32
        %add3A_2214 = arith.addi %scan3A_88, %add3A_2213 : i32
        %mul3A_2215 = arith.constant 128 : i32
        %mul3A_2216 = arith.muli %select_n3A_97, %mul3A_2215 : i32
        %dma_start3A_2217 = arith.constant 0 : i32
        %dma_start3A_2218 = tpu.memref_slice %arg6[%mul3A_2216, %dma_start3A_2217] : memref<640x128xf32, #tpu.memory_space<vmem>> -> memref<128x128xf32, #tpu.memory_space<vmem>>
        %dma_start3A_2219 = arith.constant 0 : i32
        %dma_start3A_2220 = tpu.memref_slice %arg5[%add3A_2214, %dma_start3A_2219] : memref<50x128xi32, #tpu.memory_space<vmem>> -> memref<1x128xi32, #tpu.memory_space<vmem>>
        %dma_start3A_2221 = tpu.memref_squeeze %dma_start3A_2220 : memref<1x128xi32, #tpu.memory_space<vmem>> -> memref<128xi32, #tpu.memory_space<vmem>>
        %dma_start3A_2222 = arith.constant 0 : i32
        %dma_start3A_2223 = arith.constant 0 : i32
        %dma_start3A_2224 = tpu.memref_slice %arg3[%dma_start3A_2222, %dma_start3A_2223] : memref<1000000x128xf32, #tpu.memory_space<hbm>> -> memref<1000000x128xf32, #tpu.memory_space<hbm>>
        tpu.enqueue_indirect_dma source(%dma_start3A_2224 : memref<1000000x128xf32, #tpu.memory_space<hbm>>) target(%dma_start3A_2218 : memref<128x128xf32, #tpu.memory_space<vmem>>) offsets(%dma_start3A_2221 : memref<128xi32, #tpu.memory_space<vmem>>) semaphore(%arg8 : memref<!tpu.dma_semaphore, #tpu.memory_space<semaphore_mem>>)
      } else {
      }
    }
    %scan3A_56 = arith.constant 50 : i32
    %dma_wait3A = arith.constant 0 : i32
    %dma_wait3A_57 = arith.constant 0 : i32
    %dma_wait3A_58 = arith.constant 0 : i32
    %dma_wait3A_59 = arith.constant 0 : i32
    %dma_wait3A_60 = tpu.memref_slice %arg7[%dma_wait3A, %dma_wait3A_58, %dma_wait3A_59] : memref<2x32x128xf32, #tpu.memory_space<vmem>> -> memref<1x32x128xf32, #tpu.memory_space<vmem>>
    %dma_wait3A_61 = tpu.memref_squeeze %dma_wait3A_60 : memref<1x32x128xf32, #tpu.memory_space<vmem>> -> memref<32x128xf32, #tpu.memory_space<vmem>>
    %dma_wait3A_62 = arith.constant 0 : i32
    %dma_wait3A_63 = tpu.memref_slice %arg4[%dma_wait3A_57, %dma_wait3A_62, %mul3A_2] : memref<50x32x4096xf32, #tpu.memory_space<hbm>> -> memref<1x32x128xf32, #tpu.memory_space<hbm>>
    %dma_wait3A_64 = tpu.memref_squeeze %dma_wait3A_63 : memref<1x32x128xf32, #tpu.memory_space<hbm>> -> memref<32x128xf32, #tpu.memory_space<hbm>>
    %dma_wait3A_65 = arith.constant 0 : i32
    %dma_wait3A_66 = tpu.memref_slice %arg4[%dma_wait3A_57, %dma_wait3A_65, %mul3A_2] : memref<50x32x4096xf32, #tpu.memory_space<hbm>> -> memref<1x32x128xf32, #tpu.memory_space<hbm>>
    %dma_wait3A_67 = tpu.memref_squeeze %dma_wait3A_66 : memref<1x32x128xf32, #tpu.memory_space<hbm>> -> memref<32x128xf32, #tpu.memory_space<hbm>>
    %dma_wait3A_68 = arith.constant 0 : i32
    %dma_wait3A_69 = arith.constant 0 : i32
    %dma_wait3A_70 = tpu.memref_slice %arg7[%dma_wait3A, %dma_wait3A_68, %dma_wait3A_69] : memref<2x32x128xf32, #tpu.memory_space<vmem>> -> memref<1x32x128xf32, #tpu.memory_space<vmem>>
    %dma_wait3A_71 = tpu.memref_squeeze %dma_wait3A_70 : memref<1x32x128xf32, #tpu.memory_space<vmem>> -> memref<32x128xf32, #tpu.memory_space<vmem>>
    tpu.wait_dma2 semaphore(%arg9 : memref<!tpu.dma_semaphore, #tpu.memory_space<semaphore_mem>>) src(%dma_wait3A_71 : memref<32x128xf32, #tpu.memory_space<vmem>>) dst(%dma_wait3A_67 : memref<32x128xf32, #tpu.memory_space<hbm>>)
    %dma_wait3A_72 = arith.constant 0 : i32
    %dma_wait3A_73 = arith.constant 0 : i32
    %dma_wait3A_74 = arith.constant 0 : i32
    %dma_wait3A_75 = arith.constant 0 : i32
    %dma_wait3A_76 = tpu.memref_slice %arg7[%dma_wait3A_72, %dma_wait3A_74, %dma_wait3A_75] : memref<2x32x128xf32, #tpu.memory_space<vmem>> -> memref<1x32x128xf32, #tpu.memory_space<vmem>>
    %dma_wait3A_77 = tpu.memref_squeeze %dma_wait3A_76 : memref<1x32x128xf32, #tpu.memory_space<vmem>> -> memref<32x128xf32, #tpu.memory_space<vmem>>
    %dma_wait3A_78 = arith.constant 0 : i32
    %dma_wait3A_79 = tpu.memref_slice %arg4[%dma_wait3A_73, %dma_wait3A_78, %mul3A_2] : memref<50x32x4096xf32, #tpu.memory_space<hbm>> -> memref<1x32x128xf32, #tpu.memory_space<hbm>>
    %dma_wait3A_80 = tpu.memref_squeeze %dma_wait3A_79 : memref<1x32x128xf32, #tpu.memory_space<hbm>> -> memref<32x128xf32, #tpu.memory_space<hbm>>
    %dma_wait3A_81 = arith.constant 0 : i32
    %dma_wait3A_82 = tpu.memref_slice %arg4[%dma_wait3A_73, %dma_wait3A_81, %mul3A_2] : memref<50x32x4096xf32, #tpu.memory_space<hbm>> -> memref<1x32x128xf32, #tpu.memory_space<hbm>>
    %dma_wait3A_83 = tpu.memref_squeeze %dma_wait3A_82 : memref<1x32x128xf32, #tpu.memory_space<hbm>> -> memref<32x128xf32, #tpu.memory_space<hbm>>
    %dma_wait3A_84 = arith.constant 0 : i32
    %dma_wait3A_85 = arith.constant 0 : i32
    %dma_wait3A_86 = tpu.memref_slice %arg7[%dma_wait3A_72, %dma_wait3A_84, %dma_wait3A_85] : memref<2x32x128xf32, #tpu.memory_space<vmem>> -> memref<1x32x128xf32, #tpu.memory_space<vmem>>
    %dma_wait3A_87 = tpu.memref_squeeze %dma_wait3A_86 : memref<1x32x128xf32, #tpu.memory_space<vmem>> -> memref<32x128xf32, #tpu.memory_space<vmem>>
    tpu.wait_dma2 semaphore(%arg9 : memref<!tpu.dma_semaphore, #tpu.memory_space<semaphore_mem>>) src(%dma_wait3A_87 : memref<32x128xf32, #tpu.memory_space<vmem>>) dst(%dma_wait3A_83 : memref<32x128xf32, #tpu.memory_space<hbm>>)
    return
  }
}

module attributes {stable_mosaic.version = 14 : i64} {
  func.func @body(%arg0: i32, %arg1: memref<50x32x512xf32, #tpu.memory_space<vmem>>, %arg2: memref<49x512xf32, #tpu.memory_space<vmem>>) attributes {dimension_semantics = [#tpu.dimension_semantics<arbitrary>], iteration_bounds = array<i64: 8>, scalar_prefetch = 0 : i64, scratch_operands = 0 : i64, tpu.core_type = #tpu.core_type<tc>, window_params = [{transform_indices = @transform_0, window_bounds = array<i64: 50, 32, 512>}, {transform_indices = @transform_1, window_bounds = array<i64: 49, 512>}]} {
    %get3A = arith.constant 0 : index
    %get3A_0 = arith.constant 0 : index
    %get3A_1 = arith.constant 0 : index
    %get3A_2 = vector.load %arg1[%get3A, %get3A_0, %get3A_1] : memref<50x32x512xf32, #tpu.memory_space<vmem>>, vector<50x32x512xf32>
    %slice3A = vector.extract_strided_slice %get3A_2 {offsets = [0, 0, 0], sizes = [1, 32, 512], strides = [1, 1, 1]} : vector<50x32x512xf32> to vector<1x32x512xf32>
    %slice3A_3 = vector.extract_strided_slice %get3A_2 {offsets = [1, 0, 0], sizes = [49, 32, 512], strides = [1, 1, 1]} : vector<50x32x512xf32> to vector<49x32x512xf32>
    %sub3A = vector.broadcast %slice3A : vector<1x32x512xf32> to vector<49x32x512xf32>
    %sub3A_4 = arith.subf %slice3A_3, %sub3A : vector<49x32x512xf32>
    %integer_pow3A = arith.mulf %sub3A_4, %sub3A_4 : vector<49x32x512xf32>
    %reduce_sum3A = arith.constant dense<0.000000e+00> : vector<49x512xf32>
    %reduce_sum3A_5 = vector.multi_reduction <add>, %integer_pow3A, %reduce_sum3A [1] : vector<49x32x512xf32> to vector<49x512xf32>
    %mul3A = arith.mulf %slice3A, %slice3A : vector<1x32x512xf32>
    %reduce_sum3A_6 = arith.constant dense<0.000000e+00> : vector<1x512xf32>
    %reduce_sum3A_7 = vector.multi_reduction <add>, %mul3A, %reduce_sum3A_6 [1] : vector<1x32x512xf32> to vector<1x512xf32>
    %mul3A_8 = arith.mulf %slice3A_3, %slice3A_3 : vector<49x32x512xf32>
    %reduce_sum3A_9 = arith.constant dense<0.000000e+00> : vector<49x512xf32>
    %reduce_sum3A_10 = vector.multi_reduction <add>, %mul3A_8, %reduce_sum3A_9 [1] : vector<49x32x512xf32> to vector<49x512xf32>
    %sub3A_11 = arith.constant 1.000000e+00 : f32
    %sub3A_12 = vector.broadcast %sub3A_11 : f32 to vector<1x512xf32>
    %sub3A_13 = arith.subf %sub3A_12, %reduce_sum3A_7 : vector<1x512xf32>
    %jit3A = arith.constant 9.99999974E-6 : f32
    %jit3A_14 = arith.constant 1.000000e+00 : f32
    %max3A = vector.broadcast %jit3A : f32 to vector<1x512xf32>
    %max3A_15 = arith.maximumf %max3A, %sub3A_13 : vector<1x512xf32>
    %min3A = vector.broadcast %jit3A_14 : f32 to vector<1x512xf32>
    %min3A_16 = arith.minimumf %min3A, %max3A_15 : vector<1x512xf32>
    %sub3A_17 = arith.constant 1.000000e+00 : f32
    %sub3A_18 = vector.broadcast %sub3A_17 : f32 to vector<49x512xf32>
    %sub3A_19 = arith.subf %sub3A_18, %reduce_sum3A_10 : vector<49x512xf32>
    %jit3A_20 = arith.constant 9.99999974E-6 : f32
    %jit3A_21 = arith.constant 1.000000e+00 : f32
    %max3A_22 = vector.broadcast %jit3A_20 : f32 to vector<49x512xf32>
    %max3A_23 = arith.maximumf %max3A_22, %sub3A_19 : vector<49x512xf32>
    %min3A_24 = vector.broadcast %jit3A_21 : f32 to vector<49x512xf32>
    %min3A_25 = arith.minimumf %min3A_24, %max3A_23 : vector<49x512xf32>
    %mul3A_26 = arith.constant 2.000000e+00 : f32
    %mul3A_27 = vector.broadcast %mul3A_26 : f32 to vector<49x512xf32>
    %mul3A_28 = arith.mulf %mul3A_27, %reduce_sum3A_5 : vector<49x512xf32>
    %mul3A_29 = vector.broadcast %min3A_16 : vector<1x512xf32> to vector<49x512xf32>
    %mul3A_30 = arith.mulf %mul3A_29, %min3A_25 : vector<49x512xf32>
    %div3A = arith.divf %mul3A_28, %mul3A_30 : vector<49x512xf32>
    %add3A = arith.constant 1.000000e+00 : f32
    %add3A_31 = vector.broadcast %add3A : f32 to vector<49x512xf32>
    %add3A_32 = arith.addf %add3A_31, %div3A : vector<49x512xf32>
    %max3A_33 = arith.constant 1.000010e+00 : f32
    %max3A_34 = vector.broadcast %max3A_33 : f32 to vector<49x512xf32>
    %max3A_35 = arith.maximumf %add3A_32, %max3A_34 : vector<49x512xf32>
    %sub3A_36 = arith.constant 1.000000e+00 : f32
    %sub3A_37 = vector.broadcast %sub3A_36 : f32 to vector<49x512xf32>
    %sub3A_38 = arith.subf %max3A_35, %sub3A_37 : vector<49x512xf32>
    %add3A_39 = arith.constant 1.000000e+00 : f32
    %add3A_40 = vector.broadcast %add3A_39 : f32 to vector<49x512xf32>
    %add3A_41 = arith.addf %max3A_35, %add3A_40 : vector<49x512xf32>
    %mul3A_42 = arith.mulf %sub3A_38, %add3A_41 : vector<49x512xf32>
    %sqrt3A = math.sqrt %mul3A_42 : vector<49x512xf32>
    %add3A_43 = arith.addf %max3A_35, %sqrt3A : vector<49x512xf32>
    %log3A = math.log %add3A_43 : vector<49x512xf32>
    %swap3A = arith.constant 0 : index
    %swap3A_44 = arith.constant 0 : index
    %swap3A_45 = vector.load %arg2[%swap3A, %swap3A_44] : memref<49x512xf32, #tpu.memory_space<vmem>>, vector<49x512xf32>
    tpu.vector_store %arg2[%swap3A, %swap3A_44], %log3A {strides = array<i32>} : memref<49x512xf32, #tpu.memory_space<vmem>>, vector<49x512xf32>,
    return
  }
  func.func @transform_0(%arg0: i32) -> (i32, i32, i32) {
    %c0_i32 = arith.constant 0 : i32
    %c0_i32_0 = arith.constant 0 : i32
    %c0_i32_1 = arith.constant 0 : i32
    return %c0_i32, %c0_i32_0, %arg0 : i32, i32, i32
  }
  func.func @transform_1(%arg0: i32) -> (i32, i32) {
    %c0_i32 = arith.constant 0 : i32
    %c0_i32_0 = arith.constant 0 : i32
    return %c0_i32, %arg0 : i32, i32
  }
}

</mosaic_0001>

<sc_bundles>
// kernel: kernel.4.cloned.1.call-start
scs
__scs_entry_jumppad:
0x0: {  	(pc) =	sbr.rel $0x88, $3  }
0x1: {  	(tag) =	ssettag $0x0;
	lr =	simm.s32 $0x1  }
0x2: {  	[smem:$0x3F9F] =	sst lr;
	_ =	strace $0xD0000000  }
0x3: {  	_ = 	snop  }
0x4: {  	_ = 	snop  }
0x5: {  	_ = 	snop  }
0x6: {  	_ = 	snop  }
0x7: {  	_ = 	snop  }
__scs_overlays_trampoline_lowered:
0x8: {  	[smem:$0x3FAE] =	sst s0  }
0x9: {  	[smem:$0x3FAF] =	sst s1  }
0xa: {  	[smem:$0x3FB0] =	sst s2  }
0xb: {  	[smem:$0x3FB1] =	sst s3  }
0xc: {  	[smem:$0x3FB2] =	sst s4  }
0xd: {  	[smem:$0x3FB3] =	sst s5  }
0xe: {  	[smem:$0x3FB4] =	sst s6  }
0xf: {  	[smem:$0x3FB5] =	sst s7  }
0x10: {  	[smem:$0x3FB6] =	sst s8  }
0x11: {  	[smem:$0x3FB7] =	sst s9;
	s0 =	simm.s32 @!p0 $0x0  }
0x12: {  	s1 =	sld [smem:$0x3F9D];
	s0 =	simm.s32 @p0 $0x1  }
0x13: {  	[smem:$0x3FB8] =	sst s0;
	s0 =	simm.s32 @!p1 $0x0  }
0x14: {  	s2 =	sld [smem:$0x3F9C];
	s0 =	simm.s32 @p1 $0x1  }
0x15: {  	[smem:$0x3FB9] =	sst s0;
	s0 =	simm.s32 @!p2 $0x0  }
0x16: {  	s3 =	sld [smem:$0x3FDB];
	s0 =	simm.s32 @p2 $0x1  }
0x17: {  	s4 =	simm.s32 $0x1BF5;
	[smem:$0x3FBB] =	sst s0  }
0x18: {  	s0 =	sld [smem:$0x3F9E];
	_ =	swait.ge [sflag:s4], $0x0  }
0x19: {  	s7 =	sld [smem:$0x3F9F]  }
0x1a: {  	s8 =	sadd.s32 $0xFFFFE003, lr  }
0x1b: {  	s9 =	sadd.s32 $0xFFFFFEF7, lr;
	s5 =	simm.s32 $0xFFFFFFFF;
	p2 =	slt.u32 s8, $0xFFFFF086  }
0x1c: {  	p1 =	slt.u32 s9, $0xF7A;
	s5 =	simm.s32 @!p2 $0x0  }
0x1d: {  	s5 =	simm.s32 @p1 $0x1;
	p0 =	seq.s32 s7, s2  }
0x1e: {  	s7 =	smul.u32 @!p0 $0xF7A, s2;
	p2 =	seq.s32 @!p0 s5, $0x0  }
0x1f: {  	s9 =	smul.u32 $0xF7A, s1;
	s8 =	simm.s32 @!p0 $0x1BF5;
	p2 =	por !p2, p0  }
0x20: {  	[sflag:s8] =	ssyncset.s32 @!p0 $0xFFFFF086;
	s6 =	sadd.s32 @!p0 s3, s7;
	s7 =	simm.s32 @!p0 $0x108  }
0x21: {  	s3 =	sadd.s32 s3, s9;
	s6 =	sadd.s32 @!p0 $0x88, s6;
	s7 =	simm.s32 @p2 $0x1082  }
0x22: {  	[simem:s7], [sflag:s8] =	dma.local @!p0 [hbm:s6], $0xF7A  }
0x23: {  	s9 =	sor.u32 $0xD0000000, s2;
	s6 =	simm.s32 $0x108;
	_ =	swait.ge @!p0 [sflag:s8], $0x0  }
0x24: {  	s3 =	sadd.s32 $0x88, s3;
	s6 =	simm.s32 @!p1 $0x1082;
	[sflag:s4] =	ssyncset.s32 $0xFFFFF086  }
0x25: {  	[simem:s6], [sflag:s4] =	dma.local [hbm:s3], $0xF7A  }
0x26: {  	[smem:$0x3F9F] =	sst s1;
	(tag) =	ssettag s2;
	_ =	strace s9  }
0x27: {  	s1 =	sld [smem:$0x3FAF]  }
0x28: {  	s2 =	sld [smem:$0x3FB0]  }
0x29: {  	s4 =	sld [smem:$0x3FB2]  }
0x2a: {  	p0 =	seq.s32 s5, $0x0;
	s5 =	sld [smem:$0x3FB3]  }
0x2b: {  	s6 =	sld [smem:$0x3FB4]  }
0x2c: {  	s7 =	sld [smem:$0x3FB5]  }
0x2d: {  	s3 =	simm.s32 $0x108;
	s8 =	sld [smem:$0x3FB6]  }
0x2e: {  	s3 =	simm.s32 @!p0 $0x1082;
	s9 =	sld [smem:$0x3FB7]  }
0x2f: {  	lr =	sadd.s32 s0, s3;
	s0 =	sld [smem:$0x3FAE]  }
0x30: {  	s3 =	sld [smem:$0x3FB1]  }
0x31: {  	[smem:$0x3FBA] =	sst s10  }
0x32: {  	s10 =	sld [smem:$0x3FB8];
	_ =	sdelay $0x3  }
0x33: {  	p0 =	seq.s32 s10, $0x1;
	s10 =	sld [smem:$0x3FBA];
	_ =	sdelay $0x3  }
0x34: {  	[smem:$0x3FBA] =	sst s10  }
0x35: {  	s10 =	sld [smem:$0x3FB9];
	_ =	sdelay $0x3  }
0x36: {  	p1 =	seq.s32 s10, $0x1;
	s10 =	sld [smem:$0x3FBA];
	_ =	sdelay $0x3  }
0x37: {  	[smem:$0x3FBA] =	sst s10  }
0x38: {  	s10 =	sld [smem:$0x3FBB]  }
0x39: {  	_ = 	snop;
	(pc) =	sbr.ind lr, $3  }
0x3a: {  	_ = 	snop  }
0x3b: {  	_ = 	snop  }
0x3c: {  	p2 =	seq.s32 s10, $0x1;
	s10 =	sld [smem:$0x3FBA]  }
0x3d: {  	_ =	shalt  }
0x3e: {  	_ =	shalt  }
0x3f: {  	_ =	shalt  }
0x40: {  	_ =	shalt  }
0x41: {  	_ =	shalt  }
0x42: {  	_ =	shalt  }
0x43: {  	_ =	shalt  }
0x44: {  	_ =	shalt  }
0x45: {  	_ =	shalt  }
0x46: {  	_ =	shalt  }
0x47: {  	_ =	shalt  }
0x48: {  	_ =	shalt  }
0x49: {  	_ =	shalt  }
0x4a: {  	_ =	shalt  }
0x4b: {  	_ =	shalt  }
0x4c: {  	_ =	shalt  }
0x4d: {  	_ =	shalt  }
0x4e: {  	_ =	shalt  }
0x4f: {  	_ =	shalt  }
0x50: {  	_ =	shalt  }
0x51: {  	_ =	shalt  }
0x52: {  	_ =	shalt  }
0x53: {  	_ =	shalt  }
0x54: {  	_ =	shalt  }
0x55: {  	_ =	shalt  }
0x56: {  	_ =	shalt  }
0x57: {  	_ =	shalt  }
0x58: {  	_ =	shalt  }
0x59: {  	_ =	shalt  }
0x5a: {  	_ =	shalt  }
0x5b: {  	_ =	shalt  }
0x5c: {  	_ =	shalt  }
0x5d: {  	_ =	shalt  }
0x5e: {  	_ =	shalt  }
0x5f: {  	_ =	shalt  }
0x60: {  	_ =	shalt  }
0x61: {  	_ =	shalt  }
0x62: {  	_ =	shalt  }
0x63: {  	_ =	shalt  }
0x64: {  	_ =	shalt  }
0x65: {  	_ =	shalt  }
0x66: {  	_ =	shalt  }
0x67: {  	_ =	shalt  }
0x68: {  	_ =	shalt  }
0x69: {  	_ =	shalt  }
0x6a: {  	_ =	shalt  }
0x6b: {  	_ =	shalt  }
0x6c: {  	_ =	shalt  }
0x6d: {  	_ =	shalt  }
0x6e: {  	_ =	shalt  }
0x6f: {  	_ =	shalt  }
0x70: {  	_ =	shalt  }
0x71: {  	_ =	shalt  }
0x72: {  	_ =	shalt  }
0x73: {  	_ =	shalt  }
0x74: {  	_ =	shalt  }
0x75: {  	_ =	shalt  }
0x76: {  	_ =	shalt  }
0x77: {  	_ =	shalt  }
0x78: {  	_ =	shalt  }
0x79: {  	_ =	shalt  }
0x7a: {  	_ =	shalt  }
0x7b: {  	_ =	shalt  }
0x7c: {  	_ =	shalt  }
0x7d: {  	_ =	shalt  }
0x7e: {  	_ =	shalt  }
0x7f: {  	_ =	shalt  }
0x80: {  	_ =	shalt  }
0x81: {  	_ =	shalt  }
0x82: {  	_ =	shalt  }
0x83: {  	_ =	shalt  }
0x84: {  	_ =	shalt  }
0x85: {  	_ =	shalt  }
0x86: {  	_ =	shalt  }
0x87: {  	_ =	shalt  }
.Lfunc_end0:
.L_simem_size_0:
called_computation_lowered:
.L_overlay_start_0:
0x88: {  	s2 =	sld [smem:$0x3FD9]  }
0x89: {  	s3 =	sld [smem:$0x3FFE];
	_ =	sdelay $0x1  }
0x8a: {  	s1 =	srdreg.scid  }
0x8b: {  	s0 =	sand.u32 $0x1, s1  }
0x8c: {  	s14 =	sshll.u32 s0, $0xA;
	s2 =	sadd.s32 s3, s2  }
0x8d: {  	s2 =	sadd.s32 s2, s14  }
0x8e: {  	[smem:$0x3FC6] =	sst s2  }
0x8f: {  	_ = 	snop  }
0x90: {  	s2 =	sld [smem:$0x3FD0];
	_ =	sdelay $0x2  }
0x91: {  	s4 =	simm.s32 $0xA;
	s5 =	simm.s32 $0x10;
	s15 =	sld [smem:$0x3FC9]  }
0x92: {  	[smem:s5], [sflag:s4] =	dma.local [hbm:s2], $0x1  }
0x93: {  	_ =	swait.eq [sflag:s4], $0x1  }
0x94: {  	[sflag:s4] =	ssyncset.done $0x0  }
0x95: {  	[sflag:s4] =	ssyncadd.s32 $0xFFFFFFFF  }
0x96: {  	s16 =	sld [smem:$0x11];
	(tm) =	ssettm $0x1  }
0x97: {  	s17 =	sld [smem:$0x3FFB];
	_ =	sdelay $0x3  }
0x98: {  	_ =	strace s17  }
0x99: {  	s4 =	sld [smem:$0x3FFC];
	_ =	sdelay $0x3  }
0x9a: {  	_ =	strace s4  }
0x9b: {  	s4 =	sld [smem:$0x3FFD];
	_ =	sdelay $0x3  }
0x9c: {  	_ =	strace s4  }
0x9d: {  	_ =	strace $0x8FFFFFFF  }
0x9e: {  	s18 =	sld [smem:$0x3FDB];
	_ =	sdelay $0x1  }
0x9f: {  	s19 =	simm.s32 $_scs_section_size  }
0xa0: {  	s6 =	simm.s32 $_size__tile_overlayer_lowered;
	s7 =	simm.s32 $_tile_overlayer_lowered  }
0xa1: {  	s22 =	simm.s32 $0x1BFF;
	s21 =	sshll.u32 s7, $0x1;
	s4 =	sadd.s32 s19, s18  }
0xa2: {  	s8 =	simm.s32 $0x0;
	s20 =	sshll.u32 s6, $0x1;
	s6 =	sadd.s32 s21, s4  }
0xa3: {  	[timem:s8], [sflag:s22] =	dma.local [hbm:s6], s20  }
0xa4: {  	_ =	swait.ge [sflag:s22], s20  }
0xa5: {  	s5 =	ssub.s32 $0x0, s20;
	[sflag:s22] =	ssyncset.done $0x0  }
0xa6: {  	[sflag:s22] =	ssyncadd.s32 s5;
	_ =	sdelay $0x1  }
0xa7: {  	s23 =	simm.s32 $0x1B8B  }
0xa8: {  	_ =	swait.ge [sflag:s23], $0x1  }
0xa9: {  	[sflag:s23] =	ssyncset.done $0x0  }
0xaa: {  	s25 =	simm.s32 $0x1B8E;
	s24 =	sld [smem:$0x3FFE];
	[sflag:s23] =	ssyncadd.s32 $0xFFFFFFFF  }
0xab: {  	s26 =	simm.s32 $execute0_lowered;
	[smem:$0x3FD2] =	sst s25  }
0xac: {  	s6 =	sshll.u32 s26, $0x1;
	_ =	strace $0x80000046;
	[dreg:$0x1] =	wrdreg $0xFFFFFFFF  }
0xad: {  	s28 =	simm.s32 $_size_execute0_lowered;
	s4 =	sadd.s32 s4, s6;
	[dreg:$0x0] =	wrdreg $0x0  }
0xae: {  	s6 =	sshll.u32 s28, $0x1;
	[dreg:$0x2] =	wrdreg s4  }
0xaf: {  	[dreg:$0x3] =	wrdreg s6  }
0xb0: {  	[dreg:$0x4] =	wrdreg $0xC0  }
0xb1: {  	_ =	task [dreg:s8], $0x5FFFF  }
0xb2: {  	[dreg:$0x1] =	wrdreg $0xFFFFFFFF  }
0xb3: {  	[dreg:$0x0] =	wrdreg $0x60  }
0xb4: {  	[dreg:$0x2] =	wrdreg s15  }
0xb5: {  	[dreg:$0x3] =	wrdreg s24  }
0xb6: {  	[dreg:$0x4] =	wrdreg s16  }
0xb7: {  	[dreg:$0x5] =	wrdreg $0x9  }
0xb8: {  	_ =	task.clear_ibuf [dreg:s8], $0x6FFFF;
	_ =	strace $0x90000046  }
0xb9: {  	s29 =	simm.s32 $0x9;
	_ =	strace $0x80000048  }
0xba: {  	_ =	swait.ge [sflag:s29], $0x1  }
0xbb: {  	[sflag:s29] =	ssyncadd.s32 $0xFFFFFFFF  }
0xbc: {  	_ =	strace $0x90000048  }
0xbd: {  	_ =	sfence  }
0xbe: {  	s30 =	sld [smem:$0x0];
	_ =	sdelay $0x2  }
0xbf: {  	s31 =	sshll.u32 s1, $0xD;
	s1 =	sshrl.u32 s1, $0x2  }
0xc0: {  	s3 =	sand.u32 $0x4000, s31;
	s1 =	sadd.s32 s1, s30  }
0xc1: {  	s0 =	sor.u32 s3, s0;
	s1 =	sshll.u32 s1, $0x11  }
0xc2: {  	s0 =	sor.u32 s1, s0  }
0xc3: {  	s0 =	sadd.s32 $0x8F2B, s0  }
0xc4: {  	[sflag:s0] =	ssyncadd.remote.s32 $0x1  }
0xc5: {  	_ =	sfence.sel $0xFFFF  }
0xc6: {  	[dreg:$0x0] =	wrdreg $0xFFFFFFFF;
	(pc) =	sbr.abs _section_cstart, $3  }
0xc7: {  	[dreg:$0x1] =	wrdreg $0xFFFFFFFF  }
0xc8: {  	_ =	task.clear_ibuf [dreg:s8], $0x2FFFF;
	_ =	strace $0x9FFFFFFF  }
0xc9: {  	(tm) =	ssettm $0x7FFFFFFF  }
tec
execute0_lowered:
.L_overlay_start_1:
0x0: {  	(tag) =	ssettag $0x1  }
0x1: {  	s3 =	rddreg [dreg:$0x0];
	s1 =	srdreg.scid  }
0x2: {  	s4 =	rddreg [dreg:$0x1];
	s0 =	stileid.u32  }
0x3: {  	s7 =	rddreg [dreg:$0x2];
	s2 =	simm.s32 $0x0;
	s9 =	simm.s32 $0x8000  }
0x4: {  	s10 =	simm.s32 $0x1800;
	s11 =	simm.s32 $0x3;
	s12 =	simm.s32 $0x80  }
0x5: {  	s13 =	simm.s32 $0x1C00;
	s14 =	simm.s32 $0x5C00;
	s15 =	simm.s32 $0x100  }
0x6: {  	s16 =	simm.s32 $0x9C00;
	s17 =	simm.s32 $0x180;
	s18 =	simm.s32 $0xDC00  }
0x7: {  	s19 =	simm.s32 $0x200;
	s20 =	simm.s32 $0x11C00;
	s21 =	simm.s32 $0x1  }
0x8: {  	s22 =	simm.s32 $0x2;
	s23 =	simm.s32 $0x0;
	s5 =	sand.u32 $0x1, s1  }
0x9: {  	s6 =	sshll.u32 s0, $0xB;
	s8 =	sshll.u32 s5, $0xA;
	s5 =	ssub.s32 $0x2, s5  }
0xa: {  	[smem:$0x7FF] =	sst s2;
	s6 =	sor.u32 s8, s6;
	s31 =	sshrl.u32 s5, $0x1  }
0xb: {  	s4 =	sadd.s32 $0xF42800, s4;
	s8 =	sshrl.u32 s6, $0x3;
	s6 =	ssub.s32 s5, s31  }
0xc: {  	v0 =	vlaneseq.u32;
	_ =	strace $0x80000047;
	s3 =	sadd.s32 s3, s8;
	s6 =	smax.u32 s6, $0x1  }
0xd: {  	v0 =	vmul.u32 $0x80, v0;
	s7 =	sadd.s32 s8, s7;
	s8 =	simm.s32 $0x400;
	s5 =	sadd.s32 $0x6000, s3  }
.LBB2_1:
0xe: {  	[tilespmem:s2], [sflag:$0x3] =	stream.strided.gather [hbm4b:s3+s8], $0x1800, s9, s8, $0x38;
	[tilespmem:$0x17C00] =	vst v63  }
0xf: {  	_ = 	snop  }
0x10: {  	[tilespmem:s10], [sflag:$0x3] =	stream.linear.gather [hbm4b:s5+s2], $0x100, $0x38;
	[tilespmem:$0x17C00] =	vst v63  }
0x11: {  	_ =	swait.ge [sflag:s11], $0x1900  }
0x12: {  	[sflag:s11] =	ssyncset.done $0x0  }
0x13: {  	[sflag:s11] =	ssyncadd.s32 $0xFFFFE700  }
0x14: {  	[tilespmem:s13], [sflag:$0x1] =	stream.indirect.gather [hbm4b:s4+s12], $0x80, s2, s12, $0xb8;
	[tilespmem:$0x17C00] =	vst v63  }
0x15: {  	_ = 	snop  }
0x16: {  	[tilespmem:s14], [sflag:$0x1] =	stream.indirect.gather [hbm4b:s4+s12], $0x80, s12, s12, $0xb8;
	[tilespmem:$0x17C00] =	vst v63  }
0x17: {  	_ = 	snop  }
0x18: {  	[tilespmem:s16], [sflag:$0x1] =	stream.indirect.gather [hbm4b:s4+s12], $0x80, s15, s12, $0xb8;
	[tilespmem:$0x17C00] =	vst v63  }
0x19: {  	s24 =	simm.s32 $0x280  }
0x1a: {  	[tilespmem:s18], [sflag:$0x1] =	stream.indirect.gather [hbm4b:s4+s12], $0x80, s17, s12, $0xb8;
	[tilespmem:$0x17C00] =	vst v63  }
0x1b: {  	s25 =	simm.s32 $0x0;
	s26 =	smov.u32 s7;
	s28 =	simm.s32 $0x0  }
0x1c: {  	[tilespmem:s20], [sflag:$0x1] =	stream.indirect.gather [hbm4b:s4+s12], $0x80, s19, s12, $0xb8;
	[tilespmem:$0x17C00] =	vst v63  }
.LBB2_2:
0x1d: {  	s29 =	smul.u32 $0xCD, s28;
	_ =	sdelay $0x1  }
0x1e: {  	s29 =	sshrl.u32 s29, $0xA  }
0x1f: {  	s29 =	sand.u32 $0x3F, s29  }
0x20: {  	s29 =	smul.u32 $0x5, s29;
	_ =	sdelay $0x1  }
0x21: {  	s29 =	ssub.s32 s28, s29  }
0x22: {  	s29 =	sand.u32 $0xFF, s29  }
0x23: {  	s31 =	sshll.u32 s29, $0x7  }
0x24: {  	v1 =	vmov s31  }
0x25: {  	_ =	swait.ge [sflag:s21], $0x4000;
	v1 =	vshll.u32 v1, $0x7  }
0x26: {  	p0 =	slt.u32 s28, $0x2;
	[sflag:s21] =	ssyncset.done $0x0;
	v1 =	vor.u32 v0, v1  }
0x27: {  	s30 =	simm.s32 @!p0 $0x2;
	[sflag:s21] =	ssyncadd.s32 $0xFFFFC000  }
0x28: {  	_ =	swait.ge @!p0 [sflag:s30], $0x1000  }
0x29: {  	[sflag:s30] =	ssyncset.done @!p0 $0x0  }
0x2a: {  	[sflag:s30] =	ssyncadd.s32 @!p0 $0xFFFFF000  }
0x2b: {  	v2 =	vld.idx.msk [tilespmem:v1+s13+$0x0], $0xffff  }
0x2c: {  	v3 =	vor.u32 $0x1, v1;
	_ =	sdelay $0x2  }
0x2d: {  	s30 =	sand.u32 $0x1000, s25  }
0x2e: {  	[tilespmem:s30+$0x15C00] =	vst v2  }
0x2f: {  	v2 =	vld.idx.msk [tilespmem:v3+s13+$0x0], $0xffff  }
0x30: {  	v3 =	vor.u32 $0x2, v1;
	_ =	sdelay $0x3  }
0x31: {  	[tilespmem:s30+$0x15C80] =	vst v2  }
0x32: {  	v2 =	vld.idx.msk [tilespmem:v3+s13+$0x0], $0xffff  }
0x33: {  	v3 =	vor.u32 $0x3, v1;
	_ =	sdelay $0x3  }
0x34: {  	[tilespmem:s30+$0x15D00] =	vst v2  }
0x35: {  	v2 =	vld.idx.msk [tilespmem:v3+s13+$0x0], $0xffff  }
0x36: {  	v3 =	vor.u32 $0x4, v1;
	_ =	sdelay $0x3  }
0x37: {  	[tilespmem:s30+$0x15D80] =	vst v2  }
0x38: {  	v2 =	vld.idx.msk [tilespmem:v3+s13+$0x0], $0xffff  }
0x39: {  	v3 =	vor.u32 $0x5, v1;
	_ =	sdelay $0x3  }
0x3a: {  	[tilespmem:s30+$0x15E00] =	vst v2  }
0x3b: {  	v2 =	vld.idx.msk [tilespmem:v3+s13+$0x0], $0xffff  }
0x3c: {  	v3 =	vor.u32 $0x6, v1;
	_ =	sdelay $0x3  }
0x3d: {  	[tilespmem:s30+$0x15E80] =	vst v2  }
0x3e: {  	v2 =	vld.idx.msk [tilespmem:v3+s13+$0x0], $0xffff  }
0x3f: {  	v3 =	vor.u32 $0x7, v1;
	_ =	sdelay $0x3  }
0x40: {  	[tilespmem:s30+$0x15F00] =	vst v2  }
0x41: {  	v2 =	vld.idx.msk [tilespmem:v3+s13+$0x0], $0xffff  }
0x42: {  	v3 =	vor.u32 $0x8, v1;
	_ =	sdelay $0x3  }
0x43: {  	[tilespmem:s30+$0x15F80] =	vst v2  }
0x44: {  	v2 =	vld.idx.msk [tilespmem:v3+s13+$0x0], $0xffff  }
0x45: {  	v3 =	vor.u32 $0x9, v1;
	_ =	sdelay $0x3  }
0x46: {  	[tilespmem:s30+$0x16000] =	vst v2  }
0x47: {  	v2 =	vld.idx.msk [tilespmem:v3+s13+$0x0], $0xffff  }
0x48: {  	v3 =	vor.u32 $0xA, v1;
	_ =	sdelay $0x3  }
0x49: {  	[tilespmem:s30+$0x16080] =	vst v2  }
0x4a: {  	v2 =	vld.idx.msk [tilespmem:v3+s13+$0x0], $0xffff  }
0x4b: {  	v3 =	vor.u32 $0xB, v1;
	_ =	sdelay $0x3  }
0x4c: {  	[tilespmem:s30+$0x16100] =	vst v2  }
0x4d: {  	v2 =	vld.idx.msk [tilespmem:v3+s13+$0x0], $0xffff  }
0x4e: {  	v3 =	vor.u32 $0xC, v1;
	_ =	sdelay $0x3  }
0x4f: {  	[tilespmem:s30+$0x16180] =	vst v2  }
0x50: {  	v2 =	vld.idx.msk [tilespmem:v3+s13+$0x0], $0xffff  }
0x51: {  	v3 =	vor.u32 $0xD, v1;
	_ =	sdelay $0x3  }
0x52: {  	[tilespmem:s30+$0x16200] =	vst v2  }
0x53: {  	v2 =	vld.idx.msk [tilespmem:v3+s13+$0x0], $0xffff  }
0x54: {  	v3 =	vor.u32 $0xE, v1;
	_ =	sdelay $0x3  }
0x55: {  	[tilespmem:s30+$0x16280] =	vst v2  }
0x56: {  	v2 =	vld.idx.msk [tilespmem:v3+s13+$0x0], $0xffff  }
0x57: {  	v3 =	vor.u32 $0xF, v1;
	_ =	sdelay $0x3  }
0x58: {  	[tilespmem:s30+$0x16300] =	vst v2  }
0x59: {  	v2 =	vld.idx.msk [tilespmem:v3+s13+$0x0], $0xffff  }
0x5a: {  	v3 =	vor.u32 $0x10, v1;
	_ =	sdelay $0x3  }
0x5b: {  	[tilespmem:s30+$0x16380] =	vst v2  }
0x5c: {  	v2 =	vld.idx.msk [tilespmem:v3+s13+$0x0], $0xffff  }
0x5d: {  	v3 =	vor.u32 $0x11, v1;
	_ =	sdelay $0x3  }
0x5e: {  	[tilespmem:s30+$0x16400] =	vst v2  }
0x5f: {  	v2 =	vld.idx.msk [tilespmem:v3+s13+$0x0], $0xffff  }
0x60: {  	v3 =	vor.u32 $0x12, v1;
	_ =	sdelay $0x3  }
0x61: {  	[tilespmem:s30+$0x16480] =	vst v2  }
0x62: {  	v2 =	vld.idx.msk [tilespmem:v3+s13+$0x0], $0xffff  }
0x63: {  	v3 =	vor.u32 $0x13, v1;
	_ =	sdelay $0x3  }
0x64: {  	[tilespmem:s30+$0x16500] =	vst v2  }
0x65: {  	v2 =	vld.idx.msk [tilespmem:v3+s13+$0x0], $0xffff  }
0x66: {  	v3 =	vor.u32 $0x14, v1;
	_ =	sdelay $0x3  }
0x67: {  	[tilespmem:s30+$0x16580] =	vst v2  }
0x68: {  	v2 =	vld.idx.msk [tilespmem:v3+s13+$0x0], $0xffff  }
0x69: {  	v3 =	vor.u32 $0x15, v1;
	_ =	sdelay $0x3  }
0x6a: {  	[tilespmem:s30+$0x16600] =	vst v2  }
0x6b: {  	v2 =	vld.idx.msk [tilespmem:v3+s13+$0x0], $0xffff  }
0x6c: {  	v3 =	vor.u32 $0x16, v1;
	_ =	sdelay $0x3  }
0x6d: {  	[tilespmem:s30+$0x16680] =	vst v2  }
0x6e: {  	v2 =	vld.idx.msk [tilespmem:v3+s13+$0x0], $0xffff  }
0x6f: {  	v3 =	vor.u32 $0x17, v1;
	_ =	sdelay $0x3  }
0x70: {  	[tilespmem:s30+$0x16700] =	vst v2  }
0x71: {  	v2 =	vld.idx.msk [tilespmem:v3+s13+$0x0], $0xffff  }
0x72: {  	v3 =	vor.u32 $0x18, v1;
	_ =	sdelay $0x3  }
0x73: {  	[tilespmem:s30+$0x16780] =	vst v2  }
0x74: {  	v2 =	vld.idx.msk [tilespmem:v3+s13+$0x0], $0xffff  }
0x75: {  	v3 =	vor.u32 $0x19, v1;
	_ =	sdelay $0x3  }
0x76: {  	[tilespmem:s30+$0x16800] =	vst v2  }
0x77: {  	v2 =	vld.idx.msk [tilespmem:v3+s13+$0x0], $0xffff  }
0x78: {  	v3 =	vor.u32 $0x1A, v1;
	_ =	sdelay $0x3  }
0x79: {  	[tilespmem:s30+$0x16880] =	vst v2  }
0x7a: {  	v2 =	vld.idx.msk [tilespmem:v3+s13+$0x0], $0xffff  }
0x7b: {  	v3 =	vor.u32 $0x1B, v1;
	_ =	sdelay $0x3  }
0x7c: {  	[tilespmem:s30+$0x16900] =	vst v2  }
0x7d: {  	v2 =	vld.idx.msk [tilespmem:v3+s13+$0x0], $0xffff  }
0x7e: {  	v3 =	vor.u32 $0x1C, v1;
	_ =	sdelay $0x3  }
0x7f: {  	[tilespmem:s30+$0x16980] =	vst v2  }
0x80: {  	v2 =	vld.idx.msk [tilespmem:v3+s13+$0x0], $0xffff  }
0x81: {  	v3 =	vor.u32 $0x1D, v1;
	_ =	sdelay $0x3  }
0x82: {  	[tilespmem:s30+$0x16A00] =	vst v2  }
0x83: {  	v2 =	vld.idx.msk [tilespmem:v3+s13+$0x0], $0xffff  }
0x84: {  	v3 =	vor.u32 $0x1E, v1;
	_ =	sdelay $0x3  }
0x85: {  	[tilespmem:s30+$0x16A80] =	vst v2  }
0x86: {  	v2 =	vld.idx.msk [tilespmem:v3+s13+$0x0], $0xffff  }
0x87: {  	v1 =	vor.u32 $0x1F, v1;
	_ =	sdelay $0x2  }
0x88: {  	s1 =	sor.u32 $0x10, s31  }
0x89: {  	[tilespmem:s30+$0x16B00] =	vst v2;
	v2 =	vmov s1  }
0x8a: {  	v1 =	vld.idx.msk [tilespmem:v1+s13+$0x0], $0xffff;
	v2 =	vshll.u32 v2, $0x7  }
0x8b: {  	v2 =	vor.u32 v0, v2;
	_ =	sdelay $0x3  }
0x8c: {  	[tilespmem:s30+$0x16B80] =	vst v1  }
0x8d: {  	v1 =	vld.idx.msk [tilespmem:v2+s13+$0x0], $0xffff  }
0x8e: {  	v3 =	vor.u32 $0x1, v2;
	_ =	sdelay $0x3  }
0x8f: {  	[tilespmem:s30+$0x15C10] =	vst v1  }
0x90: {  	v1 =	vld.idx.msk [tilespmem:v3+s13+$0x0], $0xffff  }
0x91: {  	v3 =	vor.u32 $0x2, v2;
	_ =	sdelay $0x3  }
0x92: {  	[tilespmem:s30+$0x15C90] =	vst v1  }
0x93: {  	v1 =	vld.idx.msk [tilespmem:v3+s13+$0x0], $0xffff  }
0x94: {  	v3 =	vor.u32 $0x3, v2;
	_ =	sdelay $0x3  }
0x95: {  	[tilespmem:s30+$0x15D10] =	vst v1  }
0x96: {  	v1 =	vld.idx.msk [tilespmem:v3+s13+$0x0], $0xffff  }
0x97: {  	v3 =	vor.u32 $0x4, v2;
	_ =	sdelay $0x3  }
0x98: {  	[tilespmem:s30+$0x15D90] =	vst v1  }
0x99: {  	v1 =	vld.idx.msk [tilespmem:v3+s13+$0x0], $0xffff  }
0x9a: {  	v3 =	vor.u32 $0x5, v2;
	_ =	sdelay $0x3  }
0x9b: {  	[tilespmem:s30+$0x15E10] =	vst v1  }
0x9c: {  	v1 =	vld.idx.msk [tilespmem:v3+s13+$0x0], $0xffff  }
0x9d: {  	v3 =	vor.u32 $0x6, v2;
	_ =	sdelay $0x3  }
0x9e: {  	[tilespmem:s30+$0x15E90] =	vst v1  }
0x9f: {  	v1 =	vld.idx.msk [tilespmem:v3+s13+$0x0], $0xffff  }
0xa0: {  	v3 =	vor.u32 $0x7, v2;
	_ =	sdelay $0x3  }
0xa1: {  	[tilespmem:s30+$0x15F10] =	vst v1  }
0xa2: {  	v1 =	vld.idx.msk [tilespmem:v3+s13+$0x0], $0xffff  }
0xa3: {  	v3 =	vor.u32 $0x8, v2;
	_ =	sdelay $0x3  }
0xa4: {  	[tilespmem:s30+$0x15F90] =	vst v1  }
0xa5: {  	v1 =	vld.idx.msk [tilespmem:v3+s13+$0x0], $0xffff  }
0xa6: {  	v3 =	vor.u32 $0x9, v2;
	_ =	sdelay $0x3  }
0xa7: {  	[tilespmem:s30+$0x16010] =	vst v1  }
0xa8: {  	v1 =	vld.idx.msk [tilespmem:v3+s13+$0x0], $0xffff  }
0xa9: {  	v3 =	vor.u32 $0xA, v2;
	_ =	sdelay $0x3  }
0xaa: {  	[tilespmem:s30+$0x16090] =	vst v1  }
0xab: {  	v1 =	vld.idx.msk [tilespmem:v3+s13+$0x0], $0xffff  }
0xac: {  	v3 =	vor.u32 $0xB, v2;
	_ =	sdelay $0x3  }
0xad: {  	[tilespmem:s30+$0x16110] =	vst v1  }
0xae: {  	v1 =	vld.idx.msk [tilespmem:v3+s13+$0x0], $0xffff  }
0xaf: {  	v3 =	vor.u32 $0xC, v2;
	_ =	sdelay $0x3  }
0xb0: {  	[tilespmem:s30+$0x16190] =	vst v1  }
0xb1: {  	v1 =	vld.idx.msk [tilespmem:v3+s13+$0x0], $0xffff  }
0xb2: {  	v3 =	vor.u32 $0xD, v2;
	_ =	sdelay $0x3  }
0xb3: {  	[tilespmem:s30+$0x16210] =	vst v1  }
0xb4: {  	v1 =	vld.idx.msk [tilespmem:v3+s13+$0x0], $0xffff  }
0xb5: {  	v3 =	vor.u32 $0xE, v2;
	_ =	sdelay $0x3  }
0xb6: {  	[tilespmem:s30+$0x16290] =	vst v1  }
0xb7: {  	v1 =	vld.idx.msk [tilespmem:v3+s13+$0x0], $0xffff  }
0xb8: {  	v3 =	vor.u32 $0xF, v2;
	_ =	sdelay $0x3  }
0xb9: {  	[tilespmem:s30+$0x16310] =	vst v1  }
0xba: {  	v1 =	vld.idx.msk [tilespmem:v3+s13+$0x0], $0xffff  }
0xbb: {  	v3 =	vor.u32 $0x10, v2;
	_ =	sdelay $0x3  }
0xbc: {  	[tilespmem:s30+$0x16390] =	vst v1  }
0xbd: {  	v1 =	vld.idx.msk [tilespmem:v3+s13+$0x0], $0xffff  }
0xbe: {  	v3 =	vor.u32 $0x11, v2;
	_ =	sdelay $0x3  }
0xbf: {  	[tilespmem:s30+$0x16410] =	vst v1  }
0xc0: {  	v1 =	vld.idx.msk [tilespmem:v3+s13+$0x0], $0xffff  }
0xc1: {  	v3 =	vor.u32 $0x12, v2;
	_ =	sdelay $0x3  }
0xc2: {  	[tilespmem:s30+$0x16490] =	vst v1  }
0xc3: {  	v1 =	vld.idx.msk [tilespmem:v3+s13+$0x0], $0xffff  }
0xc4: {  	v3 =	vor.u32 $0x13, v2;
	_ =	sdelay $0x3  }
0xc5: {  	[tilespmem:s30+$0x16510] =	vst v1  }
0xc6: {  	v1 =	vld.idx.msk [tilespmem:v3+s13+$0x0], $0xffff  }
0xc7: {  	v3 =	vor.u32 $0x14, v2;
	_ =	sdelay $0x3  }
0xc8: {  	[tilespmem:s30+$0x16590] =	vst v1  }
0xc9: {  	v1 =	vld.idx.msk [tilespmem:v3+s13+$0x0], $0xffff  }
0xca: {  	v3 =	vor.u32 $0x15, v2;
	_ =	sdelay $0x3  }
0xcb: {  	[tilespmem:s30+$0x16610] =	vst v1  }
0xcc: {  	v1 =	vld.idx.msk [tilespmem:v3+s13+$0x0], $0xffff  }
0xcd: {  	v3 =	vor.u32 $0x16, v2;
	_ =	sdelay $0x3  }
0xce: {  	[tilespmem:s30+$0x16690] =	vst v1  }
0xcf: {  	v1 =	vld.idx.msk [tilespmem:v3+s13+$0x0], $0xffff  }
0xd0: {  	v3 =	vor.u32 $0x17, v2;
	_ =	sdelay $0x3  }
0xd1: {  	[tilespmem:s30+$0x16710] =	vst v1  }
0xd2: {  	v1 =	vld.idx.msk [tilespmem:v3+s13+$0x0], $0xffff  }
0xd3: {  	v3 =	vor.u32 $0x18, v2;
	_ =	sdelay $0x3  }
0xd4: {  	[tilespmem:s30+$0x16790] =	vst v1  }
0xd5: {  	v1 =	vld.idx.msk [tilespmem:v3+s13+$0x0], $0xffff  }
0xd6: {  	v3 =	vor.u32 $0x19, v2;
	_ =	sdelay $0x3  }
0xd7: {  	[tilespmem:s30+$0x16810] =	vst v1  }
0xd8: {  	v1 =	vld.idx.msk [tilespmem:v3+s13+$0x0], $0xffff  }
0xd9: {  	v3 =	vor.u32 $0x1A, v2;
	_ =	sdelay $0x3  }
0xda: {  	[tilespmem:s30+$0x16890] =	vst v1  }
0xdb: {  	v1 =	vld.idx.msk [tilespmem:v3+s13+$0x0], $0xffff  }
0xdc: {  	v3 =	vor.u32 $0x1B, v2;
	_ =	sdelay $0x3  }
0xdd: {  	[tilespmem:s30+$0x16910] =	vst v1  }
0xde: {  	v1 =	vld.idx.msk [tilespmem:v3+s13+$0x0], $0xffff  }
0xdf: {  	v3 =	vor.u32 $0x1C, v2;
	_ =	sdelay $0x3  }
0xe0: {  	[tilespmem:s30+$0x16990] =	vst v1  }
0xe1: {  	v1 =	vld.idx.msk [tilespmem:v3+s13+$0x0], $0xffff  }
0xe2: {  	v3 =	vor.u32 $0x1D, v2;
	_ =	sdelay $0x3  }
0xe3: {  	[tilespmem:s30+$0x16A10] =	vst v1  }
0xe4: {  	v1 =	vld.idx.msk [tilespmem:v3+s13+$0x0], $0xffff  }
0xe5: {  	v3 =	vor.u32 $0x1E, v2;
	_ =	sdelay $0x3  }
0xe6: {  	[tilespmem:s30+$0x16A90] =	vst v1  }
0xe7: {  	v1 =	vld.idx.msk [tilespmem:v3+s13+$0x0], $0xffff  }
0xe8: {  	v2 =	vor.u32 $0x1F, v2;
	_ =	sdelay $0x2  }
0xe9: {  	s1 =	sor.u32 $0x20, s31  }
0xea: {  	[tilespmem:s30+$0x16B10] =	vst v1;
	v1 =	vmov s1  }
0xeb: {  	v2 =	vld.idx.msk [tilespmem:v2+s13+$0x0], $0xffff;
	v1 =	vshll.u32 v1, $0x7  }
0xec: {  	v1 =	vor.u32 v0, v1;
	_ =	sdelay $0x3  }
0xed: {  	[tilespmem:s30+$0x16B90] =	vst v2  }
0xee: {  	v2 =	vld.idx.msk [tilespmem:v1+s13+$0x0], $0xffff  }
0xef: {  	v3 =	vor.u32 $0x1, v1;
	_ =	sdelay $0x3  }
0xf0: {  	[tilespmem:s30+$0x15C20] =	vst v2  }
0xf1: {  	v2 =	vld.idx.msk [tilespmem:v3+s13+$0x0], $0xffff  }
0xf2: {  	v3 =	vor.u32 $0x2, v1;
	_ =	sdelay $0x3  }
0xf3: {  	[tilespmem:s30+$0x15CA0] =	vst v2  }
0xf4: {  	v2 =	vld.idx.msk [tilespmem:v3+s13+$0x0], $0xffff  }
0xf5: {  	v3 =	vor.u32 $0x3, v1;
	_ =	sdelay $0x3  }
0xf6: {  	[tilespmem:s30+$0x15D20] =	vst v2  }
0xf7: {  	v2 =	vld.idx.msk [tilespmem:v3+s13+$0x0], $0xffff  }
0xf8: {  	v3 =	vor.u32 $0x4, v1;
	_ =	sdelay $0x3  }
0xf9: {  	[tilespmem:s30+$0x15DA0] =	vst v2  }
0xfa: {  	v2 =	vld.idx.msk [tilespmem:v3+s13+$0x0], $0xffff  }
0xfb: {  	v3 =	vor.u32 $0x5, v1;
	_ =	sdelay $0x3  }
0xfc: {  	[tilespmem:s30+$0x15E20] =	vst v2  }
0xfd: {  	v2 =	vld.idx.msk [tilespmem:v3+s13+$0x0], $0xffff  }
0xfe: {  	v3 =	vor.u32 $0x6, v1;
	_ =	sdelay $0x3  }
0xff: {  	[tilespmem:s30+$0x15EA0] =	vst v2  }
0x100: {  	v2 =	vld.idx.msk [tilespmem:v3+s13+$0x0], $0xffff  }
0x101: {  	v3 =	vor.u32 $0x7, v1;
	_ =	sdelay $0x3  }
0x102: {  	[tilespmem:s30+$0x15F20] =	vst v2  }
0x103: {  	v2 =	vld.idx.msk [tilespmem:v3+s13+$0x0], $0xffff  }
0x104: {  	v3 =	vor.u32 $0x8, v1;
	_ =	sdelay $0x3  }
0x105: {  	[tilespmem:s30+$0x15FA0] =	vst v2  }
0x106: {  	v2 =	vld.idx.msk [tilespmem:v3+s13+$0x0], $0xffff  }
0x107: {  	v3 =	vor.u32 $0x9, v1;
	_ =	sdelay $0x3  }
0x108: {  	[tilespmem:s30+$0x16020] =	vst v2  }
0x109: {  	v2 =	vld.idx.msk [tilespmem:v3+s13+$0x0], $0xffff  }
0x10a: {  	v3 =	vor.u32 $0xA, v1;
	_ =	sdelay $0x3  }
0x10b: {  	[tilespmem:s30+$0x160A0] =	vst v2  }
0x10c: {  	v2 =	vld.idx.msk [tilespmem:v3+s13+$0x0], $0xffff  }
0x10d: {  	v3 =	vor.u32 $0xB, v1;
	_ =	sdelay $0x3  }
0x10e: {  	[tilespmem:s30+$0x16120] =	vst v2  }
0x10f: {  	v2 =	vld.idx.msk [tilespmem:v3+s13+$0x0], $0xffff  }
0x110: {  	v3 =	vor.u32 $0xC, v1;
	_ =	sdelay $0x3  }
0x111: {  	[tilespmem:s30+$0x161A0] =	vst v2  }
0x112: {  	v2 =	vld.idx.msk [tilespmem:v3+s13+$0x0], $0xffff  }
0x113: {  	v3 =	vor.u32 $0xD, v1;
	_ =	sdelay $0x3  }
0x114: {  	[tilespmem:s30+$0x16220] =	vst v2  }
0x115: {  	v2 =	vld.idx.msk [tilespmem:v3+s13+$0x0], $0xffff  }
0x116: {  	v3 =	vor.u32 $0xE, v1;
	_ =	sdelay $0x3  }
0x117: {  	[tilespmem:s30+$0x162A0] =	vst v2  }
0x118: {  	v2 =	vld.idx.msk [tilespmem:v3+s13+$0x0], $0xffff  }
0x119: {  	v3 =	vor.u32 $0xF, v1;
	_ =	sdelay $0x3  }
0x11a: {  	[tilespmem:s30+$0x16320] =	vst v2  }
0x11b: {  	v2 =	vld.idx.msk [tilespmem:v3+s13+$0x0], $0xffff  }
0x11c: {  	v3 =	vor.u32 $0x10, v1;
	_ =	sdelay $0x3  }
0x11d: {  	[tilespmem:s30+$0x163A0] =	vst v2  }
0x11e: {  	v2 =	vld.idx.msk [tilespmem:v3+s13+$0x0], $0xffff  }
0x11f: {  	v3 =	vor.u32 $0x11, v1;
	_ =	sdelay $0x3  }
0x120: {  	[tilespmem:s30+$0x16420] =	vst v2  }
0x121: {  	v2 =	vld.idx.msk [tilespmem:v3+s13+$0x0], $0xffff  }
0x122: {  	v3 =	vor.u32 $0x12, v1;
	_ =	sdelay $0x3  }
0x123: {  	[tilespmem:s30+$0x164A0] =	vst v2  }
0x124: {  	v2 =	vld.idx.msk [tilespmem:v3+s13+$0x0], $0xffff  }
0x125: {  	v3 =	vor.u32 $0x13, v1;
	_ =	sdelay $0x3  }
0x126: {  	[tilespmem:s30+$0x16520] =	vst v2  }
0x127: {  	v2 =	vld.idx.msk [tilespmem:v3+s13+$0x0], $0xffff  }
0x128: {  	v3 =	vor.u32 $0x14, v1;
	_ =	sdelay $0x3  }
0x129: {  	[tilespmem:s30+$0x165A0] =	vst v2  }
0x12a: {  	v2 =	vld.idx.msk [tilespmem:v3+s13+$0x0], $0xffff  }
0x12b: {  	v3 =	vor.u32 $0x15, v1;
	_ =	sdelay $0x3  }
0x12c: {  	[tilespmem:s30+$0x16620] =	vst v2  }
0x12d: {  	v2 =	vld.idx.msk [tilespmem:v3+s13+$0x0], $0xffff  }
0x12e: {  	v3 =	vor.u32 $0x16, v1;
	_ =	sdelay $0x3  }
0x12f: {  	[tilespmem:s30+$0x166A0] =	vst v2  }
0x130: {  	v2 =	vld.idx.msk [tilespmem:v3+s13+$0x0], $0xffff  }
0x131: {  	v3 =	vor.u32 $0x17, v1;
	_ =	sdelay $0x3  }
0x132: {  	[tilespmem:s30+$0x16720] =	vst v2  }
0x133: {  	v2 =	vld.idx.msk [tilespmem:v3+s13+$0x0], $0xffff  }
0x134: {  	v3 =	vor.u32 $0x18, v1;
	_ =	sdelay $0x3  }
0x135: {  	[tilespmem:s30+$0x167A0] =	vst v2  }
0x136: {  	v2 =	vld.idx.msk [tilespmem:v3+s13+$0x0], $0xffff  }
0x137: {  	v3 =	vor.u32 $0x19, v1;
	_ =	sdelay $0x3  }
0x138: {  	[tilespmem:s30+$0x16820] =	vst v2  }
0x139: {  	v2 =	vld.idx.msk [tilespmem:v3+s13+$0x0], $0xffff  }
0x13a: {  	v3 =	vor.u32 $0x1A, v1;
	_ =	sdelay $0x3  }
0x13b: {  	[tilespmem:s30+$0x168A0] =	vst v2  }
0x13c: {  	v2 =	vld.idx.msk [tilespmem:v3+s13+$0x0], $0xffff  }
0x13d: {  	v3 =	vor.u32 $0x1B, v1;
	_ =	sdelay $0x3  }
0x13e: {  	[tilespmem:s30+$0x16920] =	vst v2  }
0x13f: {  	v2 =	vld.idx.msk [tilespmem:v3+s13+$0x0], $0xffff  }
0x140: {  	v3 =	vor.u32 $0x1C, v1;
	_ =	sdelay $0x3  }
0x141: {  	[tilespmem:s30+$0x169A0] =	vst v2  }
0x142: {  	v2 =	vld.idx.msk [tilespmem:v3+s13+$0x0], $0xffff  }
0x143: {  	v3 =	vor.u32 $0x1D, v1;
	_ =	sdelay $0x3  }
0x144: {  	[tilespmem:s30+$0x16A20] =	vst v2  }
0x145: {  	v2 =	vld.idx.msk [tilespmem:v3+s13+$0x0], $0xffff  }
0x146: {  	v3 =	vor.u32 $0x1E, v1;
	_ =	sdelay $0x3  }
0x147: {  	[tilespmem:s30+$0x16AA0] =	vst v2  }
0x148: {  	v2 =	vld.idx.msk [tilespmem:v3+s13+$0x0], $0xffff  }
0x149: {  	v1 =	vor.u32 $0x1F, v1;
	_ =	sdelay $0x2  }
0x14a: {  	s1 =	sor.u32 $0x30, s31  }
0x14b: {  	[tilespmem:s30+$0x16B20] =	vst v2;
	v2 =	vmov s1  }
0x14c: {  	v1 =	vld.idx.msk [tilespmem:v1+s13+$0x0], $0xffff;
	v2 =	vshll.u32 v2, $0x7  }
0x14d: {  	v2 =	vor.u32 v0, v2;
	_ =	sdelay $0x3  }
0x14e: {  	[tilespmem:s30+$0x16BA0] =	vst v1  }
0x14f: {  	v1 =	vld.idx.msk [tilespmem:v2+s13+$0x0], $0xffff  }
0x150: {  	v3 =	vor.u32 $0x1, v2;
	_ =	sdelay $0x3  }
0x151: {  	[tilespmem:s30+$0x15C30] =	vst v1  }
0x152: {  	v1 =	vld.idx.msk [tilespmem:v3+s13+$0x0], $0xffff  }
0x153: {  	v3 =	vor.u32 $0x2, v2;
	_ =	sdelay $0x3  }
0x154: {  	[tilespmem:s30+$0x15CB0] =	vst v1  }
0x155: {  	v1 =	vld.idx.msk [tilespmem:v3+s13+$0x0], $0xffff  }
0x156: {  	v3 =	vor.u32 $0x3, v2;
	_ =	sdelay $0x3  }
0x157: {  	[tilespmem:s30+$0x15D30] =	vst v1  }
0x158: {  	v1 =	vld.idx.msk [tilespmem:v3+s13+$0x0], $0xffff  }
0x159: {  	v3 =	vor.u32 $0x4, v2;
	_ =	sdelay $0x3  }
0x15a: {  	[tilespmem:s30+$0x15DB0] =	vst v1  }
0x15b: {  	v1 =	vld.idx.msk [tilespmem:v3+s13+$0x0], $0xffff  }
0x15c: {  	v3 =	vor.u32 $0x5, v2;
	_ =	sdelay $0x3  }
0x15d: {  	[tilespmem:s30+$0x15E30] =	vst v1  }
0x15e: {  	v1 =	vld.idx.msk [tilespmem:v3+s13+$0x0], $0xffff  }
0x15f: {  	v3 =	vor.u32 $0x6, v2;
	_ =	sdelay $0x3  }
0x160: {  	[tilespmem:s30+$0x15EB0] =	vst v1  }
0x161: {  	v1 =	vld.idx.msk [tilespmem:v3+s13+$0x0], $0xffff  }
0x162: {  	v3 =	vor.u32 $0x7, v2;
	_ =	sdelay $0x3  }
0x163: {  	[tilespmem:s30+$0x15F30] =	vst v1  }
0x164: {  	v1 =	vld.idx.msk [tilespmem:v3+s13+$0x0], $0xffff  }
0x165: {  	v3 =	vor.u32 $0x8, v2;
	_ =	sdelay $0x3  }
0x166: {  	[tilespmem:s30+$0x15FB0] =	vst v1  }
0x167: {  	v1 =	vld.idx.msk [tilespmem:v3+s13+$0x0], $0xffff  }
0x168: {  	v3 =	vor.u32 $0x9, v2;
	_ =	sdelay $0x3  }
0x169: {  	[tilespmem:s30+$0x16030] =	vst v1  }
0x16a: {  	v1 =	vld.idx.msk [tilespmem:v3+s13+$0x0], $0xffff  }
0x16b: {  	v3 =	vor.u32 $0xA, v2;
	_ =	sdelay $0x3  }
0x16c: {  	[tilespmem:s30+$0x160B0] =	vst v1  }
0x16d: {  	v1 =	vld.idx.msk [tilespmem:v3+s13+$0x0], $0xffff  }
0x16e: {  	v3 =	vor.u32 $0xB, v2;
	_ =	sdelay $0x3  }
0x16f: {  	[tilespmem:s30+$0x16130] =	vst v1  }
0x170: {  	v1 =	vld.idx.msk [tilespmem:v3+s13+$0x0], $0xffff  }
0x171: {  	v3 =	vor.u32 $0xC, v2;
	_ =	sdelay $0x3  }
0x172: {  	[tilespmem:s30+$0x161B0] =	vst v1  }
0x173: {  	v1 =	vld.idx.msk [tilespmem:v3+s13+$0x0], $0xffff  }
0x174: {  	v3 =	vor.u32 $0xD, v2;
	_ =	sdelay $0x3  }
0x175: {  	[tilespmem:s30+$0x16230] =	vst v1  }
0x176: {  	v1 =	vld.idx.msk [tilespmem:v3+s13+$0x0], $0xffff  }
0x177: {  	v3 =	vor.u32 $0xE, v2;
	_ =	sdelay $0x3  }
0x178: {  	[tilespmem:s30+$0x162B0] =	vst v1  }
0x179: {  	v1 =	vld.idx.msk [tilespmem:v3+s13+$0x0], $0xffff  }
0x17a: {  	v3 =	vor.u32 $0xF, v2;
	_ =	sdelay $0x3  }
0x17b: {  	[tilespmem:s30+$0x16330] =	vst v1  }
0x17c: {  	v1 =	vld.idx.msk [tilespmem:v3+s13+$0x0], $0xffff  }
0x17d: {  	v3 =	vor.u32 $0x10, v2;
	_ =	sdelay $0x3  }
0x17e: {  	[tilespmem:s30+$0x163B0] =	vst v1  }
0x17f: {  	v1 =	vld.idx.msk [tilespmem:v3+s13+$0x0], $0xffff  }
0x180: {  	v3 =	vor.u32 $0x11, v2;
	_ =	sdelay $0x3  }
0x181: {  	[tilespmem:s30+$0x16430] =	vst v1  }
0x182: {  	v1 =	vld.idx.msk [tilespmem:v3+s13+$0x0], $0xffff  }
0x183: {  	v3 =	vor.u32 $0x12, v2;
	_ =	sdelay $0x3  }
0x184: {  	[tilespmem:s30+$0x164B0] =	vst v1  }
0x185: {  	v1 =	vld.idx.msk [tilespmem:v3+s13+$0x0], $0xffff  }
0x186: {  	v3 =	vor.u32 $0x13, v2;
	_ =	sdelay $0x3  }
0x187: {  	[tilespmem:s30+$0x16530] =	vst v1  }
0x188: {  	v1 =	vld.idx.msk [tilespmem:v3+s13+$0x0], $0xffff  }
0x189: {  	v3 =	vor.u32 $0x14, v2;
	_ =	sdelay $0x3  }
0x18a: {  	[tilespmem:s30+$0x165B0] =	vst v1  }
0x18b: {  	v1 =	vld.idx.msk [tilespmem:v3+s13+$0x0], $0xffff  }
0x18c: {  	v3 =	vor.u32 $0x15, v2;
	_ =	sdelay $0x3  }
0x18d: {  	[tilespmem:s30+$0x16630] =	vst v1  }
0x18e: {  	v1 =	vld.idx.msk [tilespmem:v3+s13+$0x0], $0xffff  }
0x18f: {  	v3 =	vor.u32 $0x16, v2;
	_ =	sdelay $0x3  }
0x190: {  	[tilespmem:s30+$0x166B0] =	vst v1  }
0x191: {  	v1 =	vld.idx.msk [tilespmem:v3+s13+$0x0], $0xffff  }
0x192: {  	v3 =	vor.u32 $0x17, v2;
	_ =	sdelay $0x3  }
0x193: {  	[tilespmem:s30+$0x16730] =	vst v1  }
0x194: {  	v1 =	vld.idx.msk [tilespmem:v3+s13+$0x0], $0xffff  }
0x195: {  	v3 =	vor.u32 $0x18, v2;
	_ =	sdelay $0x3  }
0x196: {  	[tilespmem:s30+$0x167B0] =	vst v1  }
0x197: {  	v1 =	vld.idx.msk [tilespmem:v3+s13+$0x0], $0xffff  }
0x198: {  	v3 =	vor.u32 $0x19, v2;
	_ =	sdelay $0x3  }
0x199: {  	[tilespmem:s30+$0x16830] =	vst v1  }
0x19a: {  	v1 =	vld.idx.msk [tilespmem:v3+s13+$0x0], $0xffff  }
0x19b: {  	v3 =	vor.u32 $0x1A, v2;
	_ =	sdelay $0x3  }
0x19c: {  	[tilespmem:s30+$0x168B0] =	vst v1  }
0x19d: {  	v1 =	vld.idx.msk [tilespmem:v3+s13+$0x0], $0xffff  }
0x19e: {  	v3 =	vor.u32 $0x1B, v2;
	_ =	sdelay $0x3  }
0x19f: {  	[tilespmem:s30+$0x16930] =	vst v1  }
0x1a0: {  	v1 =	vld.idx.msk [tilespmem:v3+s13+$0x0], $0xffff  }
0x1a1: {  	v3 =	vor.u32 $0x1C, v2;
	_ =	sdelay $0x3  }
0x1a2: {  	[tilespmem:s30+$0x169B0] =	vst v1  }
0x1a3: {  	v1 =	vld.idx.msk [tilespmem:v3+s13+$0x0], $0xffff  }
0x1a4: {  	v3 =	vor.u32 $0x1D, v2;
	_ =	sdelay $0x3  }
0x1a5: {  	[tilespmem:s30+$0x16A30] =	vst v1  }
0x1a6: {  	v1 =	vld.idx.msk [tilespmem:v3+s13+$0x0], $0xffff  }
0x1a7: {  	v3 =	vor.u32 $0x1E, v2;
	_ =	sdelay $0x3  }
0x1a8: {  	[tilespmem:s30+$0x16AB0] =	vst v1  }
0x1a9: {  	v1 =	vld.idx.msk [tilespmem:v3+s13+$0x0], $0xffff  }
0x1aa: {  	v2 =	vor.u32 $0x1F, v2;
	_ =	sdelay $0x2  }
0x1ab: {  	s1 =	sor.u32 $0x40, s31  }
0x1ac: {  	[tilespmem:s30+$0x16B30] =	vst v1;
	v1 =	vmov s1  }
0x1ad: {  	v2 =	vld.idx.msk [tilespmem:v2+s13+$0x0], $0xffff;
	v1 =	vshll.u32 v1, $0x7  }
0x1ae: {  	v1 =	vor.u32 v0, v1;
	_ =	sdelay $0x3  }
0x1af: {  	[tilespmem:s30+$0x16BB0] =	vst v2  }
0x1b0: {  	v2 =	vld.idx.msk [tilespmem:v1+s13+$0x0], $0xffff  }
0x1b1: {  	v3 =	vor.u32 $0x1, v1;
	_ =	sdelay $0x3  }
0x1b2: {  	[tilespmem:s30+$0x15C40] =	vst v2  }
0x1b3: {  	v2 =	vld.idx.msk [tilespmem:v3+s13+$0x0], $0xffff  }
0x1b4: {  	v3 =	vor.u32 $0x2, v1;
	_ =	sdelay $0x3  }
0x1b5: {  	[tilespmem:s30+$0x15CC0] =	vst v2  }
0x1b6: {  	v2 =	vld.idx.msk [tilespmem:v3+s13+$0x0], $0xffff  }
0x1b7: {  	v3 =	vor.u32 $0x3, v1;
	_ =	sdelay $0x3  }
0x1b8: {  	[tilespmem:s30+$0x15D40] =	vst v2  }
0x1b9: {  	v2 =	vld.idx.msk [tilespmem:v3+s13+$0x0], $0xffff  }
0x1ba: {  	v3 =	vor.u32 $0x4, v1;
	_ =	sdelay $0x3  }
0x1bb: {  	[tilespmem:s30+$0x15DC0] =	vst v2  }
0x1bc: {  	v2 =	vld.idx.msk [tilespmem:v3+s13+$0x0], $0xffff  }
0x1bd: {  	v3 =	vor.u32 $0x5, v1;
	_ =	sdelay $0x3  }
0x1be: {  	[tilespmem:s30+$0x15E40] =	vst v2  }
0x1bf: {  	v2 =	vld.idx.msk [tilespmem:v3+s13+$0x0], $0xffff  }
0x1c0: {  	v3 =	vor.u32 $0x6, v1;
	_ =	sdelay $0x3  }
0x1c1: {  	[tilespmem:s30+$0x15EC0] =	vst v2  }
0x1c2: {  	v2 =	vld.idx.msk [tilespmem:v3+s13+$0x0], $0xffff  }
0x1c3: {  	v3 =	vor.u32 $0x7, v1;
	_ =	sdelay $0x3  }
0x1c4: {  	[tilespmem:s30+$0x15F40] =	vst v2  }
0x1c5: {  	v2 =	vld.idx.msk [tilespmem:v3+s13+$0x0], $0xffff  }
0x1c6: {  	v3 =	vor.u32 $0x8, v1;
	_ =	sdelay $0x3  }
0x1c7: {  	[tilespmem:s30+$0x15FC0] =	vst v2  }
0x1c8: {  	v2 =	vld.idx.msk [tilespmem:v3+s13+$0x0], $0xffff  }
0x1c9: {  	v3 =	vor.u32 $0x9, v1;
	_ =	sdelay $0x3  }
0x1ca: {  	[tilespmem:s30+$0x16040] =	vst v2  }
0x1cb: {  	v2 =	vld.idx.msk [tilespmem:v3+s13+$0x0], $0xffff  }
0x1cc: {  	v3 =	vor.u32 $0xA, v1;
	_ =	sdelay $0x3  }
0x1cd: {  	[tilespmem:s30+$0x160C0] =	vst v2  }
0x1ce: {  	v2 =	vld.idx.msk [tilespmem:v3+s13+$0x0], $0xffff  }
0x1cf: {  	v3 =	vor.u32 $0xB, v1;
	_ =	sdelay $0x3  }
0x1d0: {  	[tilespmem:s30+$0x16140] =	vst v2  }
0x1d1: {  	v2 =	vld.idx.msk [tilespmem:v3+s13+$0x0], $0xffff  }
0x1d2: {  	v3 =	vor.u32 $0xC, v1;
	_ =	sdelay $0x3  }
0x1d3: {  	[tilespmem:s30+$0x161C0] =	vst v2  }
0x1d4: {  	v2 =	vld.idx.msk [tilespmem:v3+s13+$0x0], $0xffff  }
0x1d5: {  	v3 =	vor.u32 $0xD, v1;
	_ =	sdelay $0x3  }
0x1d6: {  	[tilespmem:s30+$0x16240] =	vst v2  }
0x1d7: {  	v2 =	vld.idx.msk [tilespmem:v3+s13+$0x0], $0xffff  }
0x1d8: {  	v3 =	vor.u32 $0xE, v1;
	_ =	sdelay $0x3  }
0x1d9: {  	[tilespmem:s30+$0x162C0] =	vst v2  }
0x1da: {  	v2 =	vld.idx.msk [tilespmem:v3+s13+$0x0], $0xffff  }
0x1db: {  	v3 =	vor.u32 $0xF, v1;
	_ =	sdelay $0x3  }
0x1dc: {  	[tilespmem:s30+$0x16340] =	vst v2  }
0x1dd: {  	v2 =	vld.idx.msk [tilespmem:v3+s13+$0x0], $0xffff  }
0x1de: {  	v3 =	vor.u32 $0x10, v1;
	_ =	sdelay $0x3  }
0x1df: {  	[tilespmem:s30+$0x163C0] =	vst v2  }
0x1e0: {  	v2 =	vld.idx.msk [tilespmem:v3+s13+$0x0], $0xffff  }
0x1e1: {  	v3 =	vor.u32 $0x11, v1;
	_ =	sdelay $0x3  }
0x1e2: {  	[tilespmem:s30+$0x16440] =	vst v2  }
0x1e3: {  	v2 =	vld.idx.msk [tilespmem:v3+s13+$0x0], $0xffff  }
0x1e4: {  	v3 =	vor.u32 $0x12, v1;
	_ =	sdelay $0x3  }
0x1e5: {  	[tilespmem:s30+$0x164C0] =	vst v2  }
0x1e6: {  	v2 =	vld.idx.msk [tilespmem:v3+s13+$0x0], $0xffff  }
0x1e7: {  	v3 =	vor.u32 $0x13, v1;
	_ =	sdelay $0x3  }
0x1e8: {  	[tilespmem:s30+$0x16540] =	vst v2  }
0x1e9: {  	v2 =	vld.idx.msk [tilespmem:v3+s13+$0x0], $0xffff  }
0x1ea: {  	v3 =	vor.u32 $0x14, v1;
	_ =	sdelay $0x3  }
0x1eb: {  	[tilespmem:s30+$0x165C0] =	vst v2  }
0x1ec: {  	v2 =	vld.idx.msk [tilespmem:v3+s13+$0x0], $0xffff  }
0x1ed: {  	v3 =	vor.u32 $0x15, v1;
	_ =	sdelay $0x3  }
0x1ee: {  	[tilespmem:s30+$0x16640] =	vst v2  }
0x1ef: {  	v2 =	vld.idx.msk [tilespmem:v3+s13+$0x0], $0xffff  }
0x1f0: {  	v3 =	vor.u32 $0x16, v1;
	_ =	sdelay $0x3  }
0x1f1: {  	[tilespmem:s30+$0x166C0] =	vst v2  }
0x1f2: {  	v2 =	vld.idx.msk [tilespmem:v3+s13+$0x0], $0xffff  }
0x1f3: {  	v3 =	vor.u32 $0x17, v1;
	_ =	sdelay $0x3  }
0x1f4: {  	[tilespmem:s30+$0x16740] =	vst v2  }
0x1f5: {  	v2 =	vld.idx.msk [tilespmem:v3+s13+$0x0], $0xffff  }
0x1f6: {  	v3 =	vor.u32 $0x18, v1;
	_ =	sdelay $0x3  }
0x1f7: {  	[tilespmem:s30+$0x167C0] =	vst v2  }
0x1f8: {  	v2 =	vld.idx.msk [tilespmem:v3+s13+$0x0], $0xffff  }
0x1f9: {  	v3 =	vor.u32 $0x19, v1;
	_ =	sdelay $0x3  }
0x1fa: {  	[tilespmem:s30+$0x16840] =	vst v2  }
0x1fb: {  	v2 =	vld.idx.msk [tilespmem:v3+s13+$0x0], $0xffff  }
0x1fc: {  	v3 =	vor.u32 $0x1A, v1;
	_ =	sdelay $0x3  }
0x1fd: {  	[tilespmem:s30+$0x168C0] =	vst v2  }
0x1fe: {  	v2 =	vld.idx.msk [tilespmem:v3+s13+$0x0], $0xffff  }
0x1ff: {  	v3 =	vor.u32 $0x1B, v1;
	_ =	sdelay $0x3  }
0x200: {  	[tilespmem:s30+$0x16940] =	vst v2  }
0x201: {  	v2 =	vld.idx.msk [tilespmem:v3+s13+$0x0], $0xffff  }
0x202: {  	v3 =	vor.u32 $0x1C, v1;
	_ =	sdelay $0x3  }
0x203: {  	[tilespmem:s30+$0x169C0] =	vst v2  }
0x204: {  	v2 =	vld.idx.msk [tilespmem:v3+s13+$0x0], $0xffff  }
0x205: {  	v3 =	vor.u32 $0x1D, v1;
	_ =	sdelay $0x3  }
0x206: {  	[tilespmem:s30+$0x16A40] =	vst v2  }
0x207: {  	v2 =	vld.idx.msk [tilespmem:v3+s13+$0x0], $0xffff  }
0x208: {  	v3 =	vor.u32 $0x1E, v1;
	_ =	sdelay $0x3  }
0x209: {  	[tilespmem:s30+$0x16AC0] =	vst v2  }
0x20a: {  	v2 =	vld.idx.msk [tilespmem:v3+s13+$0x0], $0xffff  }
0x20b: {  	v1 =	vor.u32 $0x1F, v1;
	_ =	sdelay $0x2  }
0x20c: {  	s1 =	sor.u32 $0x50, s31  }
0x20d: {  	[tilespmem:s30+$0x16B40] =	vst v2;
	v2 =	vmov s1  }
0x20e: {  	v1 =	vld.idx.msk [tilespmem:v1+s13+$0x0], $0xffff;
	v2 =	vshll.u32 v2, $0x7  }
0x20f: {  	v2 =	vor.u32 v0, v2;
	_ =	sdelay $0x3  }
0x210: {  	[tilespmem:s30+$0x16BC0] =	vst v1  }
0x211: {  	v1 =	vld.idx.msk [tilespmem:v2+s13+$0x0], $0xffff  }
0x212: {  	v3 =	vor.u32 $0x1, v2;
	_ =	sdelay $0x3  }
0x213: {  	[tilespmem:s30+$0x15C50] =	vst v1  }
0x214: {  	v1 =	vld.idx.msk [tilespmem:v3+s13+$0x0], $0xffff  }
0x215: {  	v3 =	vor.u32 $0x2, v2;
	_ =	sdelay $0x3  }
0x216: {  	[tilespmem:s30+$0x15CD0] =	vst v1  }
0x217: {  	v1 =	vld.idx.msk [tilespmem:v3+s13+$0x0], $0xffff  }
0x218: {  	v3 =	vor.u32 $0x3, v2;
	_ =	sdelay $0x3  }
0x219: {  	[tilespmem:s30+$0x15D50] =	vst v1  }
0x21a: {  	v1 =	vld.idx.msk [tilespmem:v3+s13+$0x0], $0xffff  }
0x21b: {  	v3 =	vor.u32 $0x4, v2;
	_ =	sdelay $0x3  }
0x21c: {  	[tilespmem:s30+$0x15DD0] =	vst v1  }
0x21d: {  	v1 =	vld.idx.msk [tilespmem:v3+s13+$0x0], $0xffff  }
0x21e: {  	v3 =	vor.u32 $0x5, v2;
	_ =	sdelay $0x3  }
0x21f: {  	[tilespmem:s30+$0x15E50] =	vst v1  }
0x220: {  	v1 =	vld.idx.msk [tilespmem:v3+s13+$0x0], $0xffff  }
0x221: {  	v3 =	vor.u32 $0x6, v2;
	_ =	sdelay $0x3  }
0x222: {  	[tilespmem:s30+$0x15ED0] =	vst v1  }
0x223: {  	v1 =	vld.idx.msk [tilespmem:v3+s13+$0x0], $0xffff  }
0x224: {  	v3 =	vor.u32 $0x7, v2;
	_ =	sdelay $0x3  }
0x225: {  	[tilespmem:s30+$0x15F50] =	vst v1  }
0x226: {  	v1 =	vld.idx.msk [tilespmem:v3+s13+$0x0], $0xffff  }
0x227: {  	v3 =	vor.u32 $0x8, v2;
	_ =	sdelay $0x3  }
0x228: {  	[tilespmem:s30+$0x15FD0] =	vst v1  }
0x229: {  	v1 =	vld.idx.msk [tilespmem:v3+s13+$0x0], $0xffff  }
0x22a: {  	v3 =	vor.u32 $0x9, v2;
	_ =	sdelay $0x3  }
0x22b: {  	[tilespmem:s30+$0x16050] =	vst v1  }
0x22c: {  	v1 =	vld.idx.msk [tilespmem:v3+s13+$0x0], $0xffff  }
0x22d: {  	v3 =	vor.u32 $0xA, v2;
	_ =	sdelay $0x3  }
0x22e: {  	[tilespmem:s30+$0x160D0] =	vst v1  }
0x22f: {  	v1 =	vld.idx.msk [tilespmem:v3+s13+$0x0], $0xffff  }
0x230: {  	v3 =	vor.u32 $0xB, v2;
	_ =	sdelay $0x3  }
0x231: {  	[tilespmem:s30+$0x16150] =	vst v1  }
0x232: {  	v1 =	vld.idx.msk [tilespmem:v3+s13+$0x0], $0xffff  }
0x233: {  	v3 =	vor.u32 $0xC, v2;
	_ =	sdelay $0x3  }
0x234: {  	[tilespmem:s30+$0x161D0] =	vst v1  }
0x235: {  	v1 =	vld.idx.msk [tilespmem:v3+s13+$0x0], $0xffff  }
0x236: {  	v3 =	vor.u32 $0xD, v2;
	_ =	sdelay $0x3  }
0x237: {  	[tilespmem:s30+$0x16250] =	vst v1  }
0x238: {  	v1 =	vld.idx.msk [tilespmem:v3+s13+$0x0], $0xffff  }
0x239: {  	v3 =	vor.u32 $0xE, v2;
	_ =	sdelay $0x3  }
0x23a: {  	[tilespmem:s30+$0x162D0] =	vst v1  }
0x23b: {  	v1 =	vld.idx.msk [tilespmem:v3+s13+$0x0], $0xffff  }
0x23c: {  	v3 =	vor.u32 $0xF, v2;
	_ =	sdelay $0x3  }
0x23d: {  	[tilespmem:s30+$0x16350] =	vst v1  }
0x23e: {  	v1 =	vld.idx.msk [tilespmem:v3+s13+$0x0], $0xffff  }
0x23f: {  	v3 =	vor.u32 $0x10, v2;
	_ =	sdelay $0x3  }
0x240: {  	[tilespmem:s30+$0x163D0] =	vst v1  }
0x241: {  	v1 =	vld.idx.msk [tilespmem:v3+s13+$0x0], $0xffff  }
0x242: {  	v3 =	vor.u32 $0x11, v2;
	_ =	sdelay $0x3  }
0x243: {  	[tilespmem:s30+$0x16450] =	vst v1  }
0x244: {  	v1 =	vld.idx.msk [tilespmem:v3+s13+$0x0], $0xffff  }
0x245: {  	v3 =	vor.u32 $0x12, v2;
	_ =	sdelay $0x3  }
0x246: {  	[tilespmem:s30+$0x164D0] =	vst v1  }
0x247: {  	v1 =	vld.idx.msk [tilespmem:v3+s13+$0x0], $0xffff  }
0x248: {  	v3 =	vor.u32 $0x13, v2;
	_ =	sdelay $0x3  }
0x249: {  	[tilespmem:s30+$0x16550] =	vst v1  }
0x24a: {  	v1 =	vld.idx.msk [tilespmem:v3+s13+$0x0], $0xffff  }
0x24b: {  	v3 =	vor.u32 $0x14, v2;
	_ =	sdelay $0x3  }
0x24c: {  	[tilespmem:s30+$0x165D0] =	vst v1  }
0x24d: {  	v1 =	vld.idx.msk [tilespmem:v3+s13+$0x0], $0xffff  }
0x24e: {  	v3 =	vor.u32 $0x15, v2;
	_ =	sdelay $0x3  }
0x24f: {  	[tilespmem:s30+$0x16650] =	vst v1  }
0x250: {  	v1 =	vld.idx.msk [tilespmem:v3+s13+$0x0], $0xffff  }
0x251: {  	v3 =	vor.u32 $0x16, v2;
	_ =	sdelay $0x3  }
0x252: {  	[tilespmem:s30+$0x166D0] =	vst v1  }
0x253: {  	v1 =	vld.idx.msk [tilespmem:v3+s13+$0x0], $0xffff  }
0x254: {  	v3 =	vor.u32 $0x17, v2;
	_ =	sdelay $0x3  }
0x255: {  	[tilespmem:s30+$0x16750] =	vst v1  }
0x256: {  	v1 =	vld.idx.msk [tilespmem:v3+s13+$0x0], $0xffff  }
0x257: {  	v3 =	vor.u32 $0x18, v2;
	_ =	sdelay $0x3  }
0x258: {  	[tilespmem:s30+$0x167D0] =	vst v1  }
0x259: {  	v1 =	vld.idx.msk [tilespmem:v3+s13+$0x0], $0xffff  }
0x25a: {  	v3 =	vor.u32 $0x19, v2;
	_ =	sdelay $0x3  }
0x25b: {  	[tilespmem:s30+$0x16850] =	vst v1  }
0x25c: {  	v1 =	vld.idx.msk [tilespmem:v3+s13+$0x0], $0xffff  }
0x25d: {  	v3 =	vor.u32 $0x1A, v2;
	_ =	sdelay $0x3  }
0x25e: {  	[tilespmem:s30+$0x168D0] =	vst v1  }
0x25f: {  	v1 =	vld.idx.msk [tilespmem:v3+s13+$0x0], $0xffff  }
0x260: {  	v3 =	vor.u32 $0x1B, v2;
	_ =	sdelay $0x3  }
0x261: {  	[tilespmem:s30+$0x16950] =	vst v1  }
0x262: {  	v1 =	vld.idx.msk [tilespmem:v3+s13+$0x0], $0xffff  }
0x263: {  	v3 =	vor.u32 $0x1C, v2;
	_ =	sdelay $0x3  }
0x264: {  	[tilespmem:s30+$0x169D0] =	vst v1  }
0x265: {  	v1 =	vld.idx.msk [tilespmem:v3+s13+$0x0], $0xffff  }
0x266: {  	v3 =	vor.u32 $0x1D, v2;
	_ =	sdelay $0x3  }
0x267: {  	[tilespmem:s30+$0x16A50] =	vst v1  }
0x268: {  	v1 =	vld.idx.msk [tilespmem:v3+s13+$0x0], $0xffff  }
0x269: {  	v3 =	vor.u32 $0x1E, v2;
	_ =	sdelay $0x3  }
0x26a: {  	[tilespmem:s30+$0x16AD0] =	vst v1  }
0x26b: {  	v1 =	vld.idx.msk [tilespmem:v3+s13+$0x0], $0xffff  }
0x26c: {  	v2 =	vor.u32 $0x1F, v2;
	_ =	sdelay $0x2  }
0x26d: {  	s1 =	sor.u32 $0x60, s31  }
0x26e: {  	[tilespmem:s30+$0x16B50] =	vst v1;
	v1 =	vmov s1  }
0x26f: {  	v2 =	vld.idx.msk [tilespmem:v2+s13+$0x0], $0xffff;
	v1 =	vshll.u32 v1, $0x7  }
0x270: {  	v1 =	vor.u32 v0, v1;
	_ =	sdelay $0x3  }
0x271: {  	[tilespmem:s30+$0x16BD0] =	vst v2  }
0x272: {  	v2 =	vld.idx.msk [tilespmem:v1+s13+$0x0], $0xffff  }
0x273: {  	v3 =	vor.u32 $0x1, v1;
	_ =	sdelay $0x3  }
0x274: {  	[tilespmem:s30+$0x15C60] =	vst v2  }
0x275: {  	v2 =	vld.idx.msk [tilespmem:v3+s13+$0x0], $0xffff  }
0x276: {  	v3 =	vor.u32 $0x2, v1;
	_ =	sdelay $0x3  }
0x277: {  	[tilespmem:s30+$0x15CE0] =	vst v2  }
0x278: {  	v2 =	vld.idx.msk [tilespmem:v3+s13+$0x0], $0xffff  }
0x279: {  	v3 =	vor.u32 $0x3, v1;
	_ =	sdelay $0x3  }
0x27a: {  	[tilespmem:s30+$0x15D60] =	vst v2  }
0x27b: {  	v2 =	vld.idx.msk [tilespmem:v3+s13+$0x0], $0xffff  }
0x27c: {  	v3 =	vor.u32 $0x4, v1;
	_ =	sdelay $0x3  }
0x27d: {  	[tilespmem:s30+$0x15DE0] =	vst v2  }
0x27e: {  	v2 =	vld.idx.msk [tilespmem:v3+s13+$0x0], $0xffff  }
0x27f: {  	v3 =	vor.u32 $0x5, v1;
	_ =	sdelay $0x3  }
0x280: {  	[tilespmem:s30+$0x15E60] =	vst v2  }
0x281: {  	v2 =	vld.idx.msk [tilespmem:v3+s13+$0x0], $0xffff  }
0x282: {  	v3 =	vor.u32 $0x6, v1;
	_ =	sdelay $0x3  }
0x283: {  	[tilespmem:s30+$0x15EE0] =	vst v2  }
0x284: {  	v2 =	vld.idx.msk [tilespmem:v3+s13+$0x0], $0xffff  }
0x285: {  	v3 =	vor.u32 $0x7, v1;
	_ =	sdelay $0x3  }
0x286: {  	[tilespmem:s30+$0x15F60] =	vst v2  }
0x287: {  	v2 =	vld.idx.msk [tilespmem:v3+s13+$0x0], $0xffff  }
0x288: {  	v3 =	vor.u32 $0x8, v1;
	_ =	sdelay $0x3  }
0x289: {  	[tilespmem:s30+$0x15FE0] =	vst v2  }
0x28a: {  	v2 =	vld.idx.msk [tilespmem:v3+s13+$0x0], $0xffff  }
0x28b: {  	v3 =	vor.u32 $0x9, v1;
	_ =	sdelay $0x3  }
0x28c: {  	[tilespmem:s30+$0x16060] =	vst v2  }
0x28d: {  	v2 =	vld.idx.msk [tilespmem:v3+s13+$0x0], $0xffff  }
0x28e: {  	v3 =	vor.u32 $0xA, v1;
	_ =	sdelay $0x3  }
0x28f: {  	[tilespmem:s30+$0x160E0] =	vst v2  }
0x290: {  	v2 =	vld.idx.msk [tilespmem:v3+s13+$0x0], $0xffff  }
0x291: {  	v3 =	vor.u32 $0xB, v1;
	_ =	sdelay $0x3  }
0x292: {  	[tilespmem:s30+$0x16160] =	vst v2  }
0x293: {  	v2 =	vld.idx.msk [tilespmem:v3+s13+$0x0], $0xffff  }
0x294: {  	v3 =	vor.u32 $0xC, v1;
	_ =	sdelay $0x3  }
0x295: {  	[tilespmem:s30+$0x161E0] =	vst v2  }
0x296: {  	v2 =	vld.idx.msk [tilespmem:v3+s13+$0x0], $0xffff  }
0x297: {  	v3 =	vor.u32 $0xD, v1;
	_ =	sdelay $0x3  }
0x298: {  	[tilespmem:s30+$0x16260] =	vst v2  }
0x299: {  	v2 =	vld.idx.msk [tilespmem:v3+s13+$0x0], $0xffff  }
0x29a: {  	v3 =	vor.u32 $0xE, v1;
	_ =	sdelay $0x3  }
0x29b: {  	[tilespmem:s30+$0x162E0] =	vst v2  }
0x29c: {  	v2 =	vld.idx.msk [tilespmem:v3+s13+$0x0], $0xffff  }
0x29d: {  	v3 =	vor.u32 $0xF, v1;
	_ =	sdelay $0x3  }
0x29e: {  	[tilespmem:s30+$0x16360] =	vst v2  }
0x29f: {  	v2 =	vld.idx.msk [tilespmem:v3+s13+$0x0], $0xffff  }
0x2a0: {  	v3 =	vor.u32 $0x10, v1;
	_ =	sdelay $0x3  }
0x2a1: {  	[tilespmem:s30+$0x163E0] =	vst v2  }
0x2a2: {  	v2 =	vld.idx.msk [tilespmem:v3+s13+$0x0], $0xffff  }
0x2a3: {  	v3 =	vor.u32 $0x11, v1;
	_ =	sdelay $0x3  }
0x2a4: {  	[tilespmem:s30+$0x16460] =	vst v2  }
0x2a5: {  	v2 =	vld.idx.msk [tilespmem:v3+s13+$0x0], $0xffff  }
0x2a6: {  	v3 =	vor.u32 $0x12, v1;
	_ =	sdelay $0x3  }
0x2a7: {  	[tilespmem:s30+$0x164E0] =	vst v2  }
0x2a8: {  	v2 =	vld.idx.msk [tilespmem:v3+s13+$0x0], $0xffff  }
0x2a9: {  	v3 =	vor.u32 $0x13, v1;
	_ =	sdelay $0x3  }
0x2aa: {  	[tilespmem:s30+$0x16560] =	vst v2  }
0x2ab: {  	v2 =	vld.idx.msk [tilespmem:v3+s13+$0x0], $0xffff  }
0x2ac: {  	v3 =	vor.u32 $0x14, v1;
	_ =	sdelay $0x3  }
0x2ad: {  	[tilespmem:s30+$0x165E0] =	vst v2  }
0x2ae: {  	v2 =	vld.idx.msk [tilespmem:v3+s13+$0x0], $0xffff  }
0x2af: {  	v3 =	vor.u32 $0x15, v1;
	_ =	sdelay $0x3  }
0x2b0: {  	[tilespmem:s30+$0x16660] =	vst v2  }
0x2b1: {  	v2 =	vld.idx.msk [tilespmem:v3+s13+$0x0], $0xffff  }
0x2b2: {  	v3 =	vor.u32 $0x16, v1;
	_ =	sdelay $0x3  }
0x2b3: {  	[tilespmem:s30+$0x166E0] =	vst v2  }
0x2b4: {  	v2 =	vld.idx.msk [tilespmem:v3+s13+$0x0], $0xffff  }
0x2b5: {  	v3 =	vor.u32 $0x17, v1;
	_ =	sdelay $0x3  }
0x2b6: {  	[tilespmem:s30+$0x16760] =	vst v2  }
0x2b7: {  	v2 =	vld.idx.msk [tilespmem:v3+s13+$0x0], $0xffff  }
0x2b8: {  	v3 =	vor.u32 $0x18, v1;
	_ =	sdelay $0x3  }
0x2b9: {  	[tilespmem:s30+$0x167E0] =	vst v2  }
0x2ba: {  	v2 =	vld.idx.msk [tilespmem:v3+s13+$0x0], $0xffff  }
0x2bb: {  	v3 =	vor.u32 $0x19, v1;
	_ =	sdelay $0x3  }
0x2bc: {  	[tilespmem:s30+$0x16860] =	vst v2  }
0x2bd: {  	v2 =	vld.idx.msk [tilespmem:v3+s13+$0x0], $0xffff  }
0x2be: {  	v3 =	vor.u32 $0x1A, v1;
	_ =	sdelay $0x3  }
0x2bf: {  	[tilespmem:s30+$0x168E0] =	vst v2  }
0x2c0: {  	v2 =	vld.idx.msk [tilespmem:v3+s13+$0x0], $0xffff  }
0x2c1: {  	v3 =	vor.u32 $0x1B, v1;
	_ =	sdelay $0x3  }
0x2c2: {  	[tilespmem:s30+$0x16960] =	vst v2  }
0x2c3: {  	v2 =	vld.idx.msk [tilespmem:v3+s13+$0x0], $0xffff  }
0x2c4: {  	v3 =	vor.u32 $0x1C, v1;
	_ =	sdelay $0x3  }
0x2c5: {  	[tilespmem:s30+$0x169E0] =	vst v2  }
0x2c6: {  	v2 =	vld.idx.msk [tilespmem:v3+s13+$0x0], $0xffff  }
0x2c7: {  	v3 =	vor.u32 $0x1D, v1;
	_ =	sdelay $0x3  }
0x2c8: {  	[tilespmem:s30+$0x16A60] =	vst v2  }
0x2c9: {  	v2 =	vld.idx.msk [tilespmem:v3+s13+$0x0], $0xffff  }
0x2ca: {  	v3 =	vor.u32 $0x1E, v1;
	_ =	sdelay $0x3  }
0x2cb: {  	[tilespmem:s30+$0x16AE0] =	vst v2  }
0x2cc: {  	v2 =	vld.idx.msk [tilespmem:v3+s13+$0x0], $0xffff  }
0x2cd: {  	v1 =	vor.u32 $0x1F, v1;
	_ =	sdelay $0x2  }
0x2ce: {  	s31 =	sor.u32 $0x70, s31  }
0x2cf: {  	[tilespmem:s30+$0x16B60] =	vst v2;
	v2 =	vmov s31  }
0x2d0: {  	v1 =	vld.idx.msk [tilespmem:v1+s13+$0x0], $0xffff;
	v2 =	vshll.u32 v2, $0x7  }
0x2d1: {  	v2 =	vor.u32 v0, v2;
	_ =	sdelay $0x3  }
0x2d2: {  	[tilespmem:s30+$0x16BE0] =	vst v1  }
0x2d3: {  	v1 =	vld.idx.msk [tilespmem:v2+s13+$0x0], $0xffff  }
0x2d4: {  	v3 =	vor.u32 $0x1, v2;
	_ =	sdelay $0x3  }
0x2d5: {  	[tilespmem:s30+$0x15C70] =	vst v1  }
0x2d6: {  	v1 =	vld.idx.msk [tilespmem:v3+s13+$0x0], $0xffff  }
0x2d7: {  	v3 =	vor.u32 $0x2, v2;
	_ =	sdelay $0x3  }
0x2d8: {  	[tilespmem:s30+$0x15CF0] =	vst v1  }
0x2d9: {  	v1 =	vld.idx.msk [tilespmem:v3+s13+$0x0], $0xffff  }
0x2da: {  	v3 =	vor.u32 $0x3, v2;
	_ =	sdelay $0x3  }
0x2db: {  	[tilespmem:s30+$0x15D70] =	vst v1  }
0x2dc: {  	v1 =	vld.idx.msk [tilespmem:v3+s13+$0x0], $0xffff  }
0x2dd: {  	v3 =	vor.u32 $0x4, v2;
	_ =	sdelay $0x3  }
0x2de: {  	[tilespmem:s30+$0x15DF0] =	vst v1  }
0x2df: {  	v1 =	vld.idx.msk [tilespmem:v3+s13+$0x0], $0xffff  }
0x2e0: {  	v3 =	vor.u32 $0x5, v2;
	_ =	sdelay $0x3  }
0x2e1: {  	[tilespmem:s30+$0x15E70] =	vst v1  }
0x2e2: {  	v1 =	vld.idx.msk [tilespmem:v3+s13+$0x0], $0xffff  }
0x2e3: {  	v3 =	vor.u32 $0x6, v2;
	_ =	sdelay $0x3  }
0x2e4: {  	[tilespmem:s30+$0x15EF0] =	vst v1  }
0x2e5: {  	v1 =	vld.idx.msk [tilespmem:v3+s13+$0x0], $0xffff  }
0x2e6: {  	v3 =	vor.u32 $0x7, v2;
	_ =	sdelay $0x3  }
0x2e7: {  	[tilespmem:s30+$0x15F70] =	vst v1  }
0x2e8: {  	v1 =	vld.idx.msk [tilespmem:v3+s13+$0x0], $0xffff  }
0x2e9: {  	v3 =	vor.u32 $0x8, v2;
	_ =	sdelay $0x3  }
0x2ea: {  	[tilespmem:s30+$0x15FF0] =	vst v1  }
0x2eb: {  	v1 =	vld.idx.msk [tilespmem:v3+s13+$0x0], $0xffff  }
0x2ec: {  	v3 =	vor.u32 $0x9, v2;
	_ =	sdelay $0x3  }
0x2ed: {  	[tilespmem:s30+$0x16070] =	vst v1  }
0x2ee: {  	v1 =	vld.idx.msk [tilespmem:v3+s13+$0x0], $0xffff  }
0x2ef: {  	v3 =	vor.u32 $0xA, v2;
	_ =	sdelay $0x3  }
0x2f0: {  	[tilespmem:s30+$0x160F0] =	vst v1  }
0x2f1: {  	v1 =	vld.idx.msk [tilespmem:v3+s13+$0x0], $0xffff  }
0x2f2: {  	v3 =	vor.u32 $0xB, v2;
	_ =	sdelay $0x3  }
0x2f3: {  	[tilespmem:s30+$0x16170] =	vst v1  }
0x2f4: {  	v1 =	vld.idx.msk [tilespmem:v3+s13+$0x0], $0xffff  }
0x2f5: {  	v3 =	vor.u32 $0xC, v2;
	_ =	sdelay $0x3  }
0x2f6: {  	[tilespmem:s30+$0x161F0] =	vst v1  }
0x2f7: {  	v1 =	vld.idx.msk [tilespmem:v3+s13+$0x0], $0xffff  }
0x2f8: {  	v3 =	vor.u32 $0xD, v2;
	_ =	sdelay $0x3  }
0x2f9: {  	[tilespmem:s30+$0x16270] =	vst v1  }
0x2fa: {  	v1 =	vld.idx.msk [tilespmem:v3+s13+$0x0], $0xffff  }
0x2fb: {  	v3 =	vor.u32 $0xE, v2;
	_ =	sdelay $0x3  }
0x2fc: {  	[tilespmem:s30+$0x162F0] =	vst v1  }
0x2fd: {  	v1 =	vld.idx.msk [tilespmem:v3+s13+$0x0], $0xffff  }
0x2fe: {  	v3 =	vor.u32 $0xF, v2;
	_ =	sdelay $0x3  }
0x2ff: {  	[tilespmem:s30+$0x16370] =	vst v1  }
0x300: {  	v1 =	vld.idx.msk [tilespmem:v3+s13+$0x0], $0xffff  }
0x301: {  	v3 =	vor.u32 $0x10, v2;
	_ =	sdelay $0x3  }
0x302: {  	[tilespmem:s30+$0x163F0] =	vst v1  }
0x303: {  	v1 =	vld.idx.msk [tilespmem:v3+s13+$0x0], $0xffff  }
0x304: {  	v3 =	vor.u32 $0x11, v2;
	_ =	sdelay $0x3  }
0x305: {  	[tilespmem:s30+$0x16470] =	vst v1  }
0x306: {  	v1 =	vld.idx.msk [tilespmem:v3+s13+$0x0], $0xffff  }
0x307: {  	v3 =	vor.u32 $0x12, v2;
	_ =	sdelay $0x3  }
0x308: {  	[tilespmem:s30+$0x164F0] =	vst v1  }
0x309: {  	v1 =	vld.idx.msk [tilespmem:v3+s13+$0x0], $0xffff  }
0x30a: {  	v3 =	vor.u32 $0x13, v2;
	_ =	sdelay $0x3  }
0x30b: {  	[tilespmem:s30+$0x16570] =	vst v1  }
0x30c: {  	v1 =	vld.idx.msk [tilespmem:v3+s13+$0x0], $0xffff  }
0x30d: {  	v3 =	vor.u32 $0x14, v2;
	_ =	sdelay $0x3  }
0x30e: {  	[tilespmem:s30+$0x165F0] =	vst v1  }
0x30f: {  	v1 =	vld.idx.msk [tilespmem:v3+s13+$0x0], $0xffff  }
0x310: {  	v3 =	vor.u32 $0x15, v2;
	_ =	sdelay $0x3  }
0x311: {  	[tilespmem:s30+$0x16670] =	vst v1  }
0x312: {  	v1 =	vld.idx.msk [tilespmem:v3+s13+$0x0], $0xffff  }
0x313: {  	v3 =	vor.u32 $0x16, v2;
	_ =	sdelay $0x3  }
0x314: {  	[tilespmem:s30+$0x166F0] =	vst v1  }
0x315: {  	v1 =	vld.idx.msk [tilespmem:v3+s13+$0x0], $0xffff  }
0x316: {  	v3 =	vor.u32 $0x17, v2;
	_ =	sdelay $0x3  }
0x317: {  	[tilespmem:s30+$0x16770] =	vst v1  }
0x318: {  	v1 =	vld.idx.msk [tilespmem:v3+s13+$0x0], $0xffff  }
0x319: {  	v3 =	vor.u32 $0x18, v2;
	_ =	sdelay $0x3  }
0x31a: {  	[tilespmem:s30+$0x167F0] =	vst v1  }
0x31b: {  	v1 =	vld.idx.msk [tilespmem:v3+s13+$0x0], $0xffff  }
0x31c: {  	v3 =	vor.u32 $0x19, v2;
	_ =	sdelay $0x3  }
0x31d: {  	[tilespmem:s30+$0x16870] =	vst v1  }
0x31e: {  	v1 =	vld.idx.msk [tilespmem:v3+s13+$0x0], $0xffff  }
0x31f: {  	v3 =	vor.u32 $0x1A, v2;
	_ =	sdelay $0x3  }
0x320: {  	[tilespmem:s30+$0x168F0] =	vst v1  }
0x321: {  	v1 =	vld.idx.msk [tilespmem:v3+s13+$0x0], $0xffff  }
0x322: {  	v3 =	vor.u32 $0x1B, v2;
	_ =	sdelay $0x3  }
0x323: {  	[tilespmem:s30+$0x16970] =	vst v1  }
0x324: {  	v1 =	vld.idx.msk [tilespmem:v3+s13+$0x0], $0xffff  }
0x325: {  	v3 =	vor.u32 $0x1C, v2;
	_ =	sdelay $0x3  }
0x326: {  	[tilespmem:s30+$0x169F0] =	vst v1  }
0x327: {  	v1 =	vld.idx.msk [tilespmem:v3+s13+$0x0], $0xffff  }
0x328: {  	v3 =	vor.u32 $0x1D, v2;
	_ =	sdelay $0x3  }
0x329: {  	[tilespmem:s30+$0x16A70] =	vst v1  }
0x32a: {  	v1 =	vld.idx.msk [tilespmem:v3+s13+$0x0], $0xffff  }
0x32b: {  	v3 =	vor.u32 $0x1E, v2;
	_ =	sdelay $0x3  }
0x32c: {  	[tilespmem:s30+$0x16AF0] =	vst v1  }
0x32d: {  	v1 =	vld.idx.msk [tilespmem:v3+s13+$0x0], $0xffff  }
0x32e: {  	v2 =	vor.u32 $0x1F, v2;
	_ =	sdelay $0x3  }
0x32f: {  	[tilespmem:s30+$0x16B70] =	vst v1  }
0x330: {  	v1 =	vld.idx.msk [tilespmem:v2+s13+$0x0], $0xffff;
	_ =	sdelay $0x3  }
0x331: {  	p0 =	sgt.u32 s28, $0x2C  }
0x332: {  	s1 =	sshll.u32 @!p0 s29, $0xE;
	s31 =	sadd.s32 $0x15C00, s30;
	[tilespmem:s30+$0x16BF0] =	vst v1  }
0x333: {  	[hbm4b:s26+s8] =	stream.strided.scatter [tilespmem:s31], [sflag:$0x2], $0x1000, s9, s8, $0x38;
	[tilespmem:$0x17C00] =	vst v63  }
0x334: {  	s28 =	sadd.s32 $0x1, s28;
	s29 =	simm.s32 @!p0 $0x80;
	s1 =	sor.u32 @!p0 $0x1C00, s1  }
0x335: {  	[tilespmem:s1], [sflag:$0x1] =	stream.indirect.gather @!p0 [hbm4b:s4+s29], $0x80, s24, s29, $0xb8;
	[tilespmem:$0x17C00] =	vst v63  }
0x336: {  	p0 =	sne.s32 s28, $0x32  }
.Ltmp0:
0x337: {  	_ = 	snop;
	(pc) =	sbr.rel @p0 .LBB2_2-.Ltmp0, $2  }
0x338: {  	_ =	sdelay $0x2  }
0x339: {  	s25 =	sadd.s32 $0x1000, s25;
	s26 =	sadd.s32 $0x4000, s26;
	s24 =	sadd.s32 $0x80, s24  }
0x33a: {  	s23 =	sadd.s32 $0x1, s23  }
0x33b: {  	_ =	swait.ge [sflag:s22], $0x1000;
	p0 =	sne.s32 s23, s6  }
.Ltmp1:
0x33c: {  	[sflag:s22] =	ssyncset.done $0x0;
	(pc) =	sbr.rel @p0 .LBB2_1-.Ltmp1, $4  }
0x33d: {  	[sflag:s22] =	ssyncadd.s32 $0xFFFFF000  }
0x33e: {  	_ =	swait.ge [sflag:s22], $0x1000  }
0x33f: {  	[sflag:s22] =	ssyncset.done $0x0  }
0x340: {  	[sflag:s22] =	ssyncadd.s32 $0xFFFFF000  }
0x341: {  	_ =	sfence.sel $0x180000  }
0x342: {  	[bflag:$0x0] =	sbarrier.arrive $0xFFFF  }
0x343: {  	_ =	strace $0x90000047  }
0x344: {  	[bflag:$0x2] =	sbarrier.arrive $0xFFFF  }
0x345: {  	p0 =	sne.s32 s0, $0x0;
	s0 =	rddreg [dreg:$0x3]  }
0x346: {  	s0 =	sadd.s32 @!p0 $0x100000, s0  }
0x347: {  	[sflag:s0] =	ssyncadd.tile.s32 @!p0 $0x1;
	_ =	shalt  }
.Lfunc_end2:
_tile_overlayer_lowered:
.L_overlay_start_2:
0x348: {  	(tag) =	ssettag $0x2  }
0x349: {  	s0 =	rddreg [dreg:$0x0];
	s2 =	stileid.u32  }
0x34a: {  	s1 =	rddreg [dreg:$0x1];
	p0 =	sne.s32 s2, $0x0  }
0x34b: {  	s3 =	rddreg [dreg:$0x2];
	[bflag:$0x3] =	sbarrier.arrive $0xFFFF;
	s2 =	simm.s32 @!p0 $0x1C03  }
0x34c: {  	[timem:s3], [sflag:s2] =	dma.local @!p0 [hbm:s0], s1  }
0x34d: {  	s0 =	simm.s32 @!p0 $0x3  }
0x34e: {  	_ =	swait.ge @!p0 [sflag:s0], s1  }
0x34f: {  	s1 =	ssub.s32 @!p0 $0x0, s1;
	[sflag:s0] =	ssyncset.done @!p0 $0x0  }
0x350: {  	[sflag:s0] =	ssyncadd.s32 @!p0 s1  }
0x351: {  	[bflag:$0x3] =	sbarrier.arrive $0xFFFF  }
0x352: {  	_ =	shalt  }

</sc_bundles>
